<compile_context>
chip_gen: v7x
topology: tpu7x:2x2x1
jax: 0.10.2.dev20260603
libtpu: 0.0.44.dev20260713+nightly
codegen_flags: <defaults>
</compile_context>

<pallas_src>
import functools

import jax
import jax.numpy as jnp
from jax import lax
from jax.experimental import pallas as pl
from jax.experimental.pallas import tpu as pltpu
from jax.experimental.pallas import tpu_sc as plsc

N = 10000
E = 320000
R = 8
D_IN = 128
D_H = 128
C = 40
C_PAD = 128

NC = 2
NS = 16
NW = NC * NS

NRP = 81920
K = 80
EPT = E // NW
NB_T = EPT // K
EPS = E // NS
NB_C = EPS // K

N_ACC = 10240
ROWS_PER_TILE = N_ACC // NS


def _mesh():
    return plsc.VectorSubcoreMesh(core_axis_name="c", subcore_axis_name="s")


def _make_count_kernel():
    S = NRP // NS

    @functools.partial(
        pl.kernel,
        out_type=jax.ShapeDtypeStruct((E,), jnp.float32),
        mesh=_mesh(),
        scratch_types=[
            pltpu.VMEM((K,), jnp.int32),
            pltpu.VMEM((K,), jnp.int32),
            pltpu.VMEM((K,), jnp.int32),
            pltpu.VMEM((K,), jnp.float32),
            pltpu.VMEM((K,), jnp.float32),
            pltpu.VMEM((S,), jnp.float32),
            pltpu.VMEM_SHARED((NRP,), jnp.float32),
        ],
    )
    def count_kernel(dst_hbm, rel_hbm, w_hbm,
                     dst_v, rel_v, idx_v, ones_v, w_v, cbuf, counts_sh):
        cid = lax.axis_index("c")
        sid = lax.axis_index("s")
        wid = sid * NC + cid

        zero16 = jnp.zeros((16,), jnp.float32)
        one16 = jnp.ones((16,), jnp.float32)

        def zb(i, carry):
            cbuf[pl.ds(i * 16, 16)] = zero16
            return carry

        lax.fori_loop(0, S // 16, zb, 0)
        for i in range(K // 16):
            ones_v[pl.ds(i * 16, 16)] = one16
        pltpu.sync_copy(cbuf, counts_sh.at[pl.ds(sid * S, S)])
        plsc.subcore_barrier()

        def cb(b, carry):
            base = sid * EPS + b * K
            pltpu.sync_copy(dst_hbm.at[pl.ds(base, K)], dst_v)
            pltpu.sync_copy(rel_hbm.at[pl.ds(base, K)], rel_v)
            for i in range(K // 16):
                sl = pl.ds(i * 16, 16)
                idx_v[sl] = dst_v[sl] * R + rel_v[sl]
            pltpu.sync_copy(ones_v, counts_sh.at[idx_v], add=True)
            return carry

        lax.fori_loop(0, NB_C, cb, 0)
        plsc.subcore_barrier()

        pltpu.sync_copy(counts_sh.at[pl.ds(sid * S, S)], cbuf)

        def rb(i, carry):
            sl = pl.ds(i * 16, 16)
            cbuf[sl] = one16 / jnp.maximum(cbuf[sl], one16)
            return carry

        lax.fori_loop(0, S // 16, rb, 0)
        pltpu.sync_copy(cbuf, counts_sh.at[pl.ds(sid * S, S)])
        plsc.subcore_barrier()

        def wb(b, carry):
            base = wid * EPT + b * K
            pltpu.sync_copy(dst_hbm.at[pl.ds(base, K)], dst_v)
            pltpu.sync_copy(rel_hbm.at[pl.ds(base, K)], rel_v)
            for i in range(K // 16):
                sl = pl.ds(i * 16, 16)
                idx_v[sl] = dst_v[sl] * R + rel_v[sl]
            pltpu.sync_copy(counts_sh.at[idx_v], w_v)
            pltpu.sync_copy(w_v, w_hbm.at[pl.ds(base, K)])
            return carry

        lax.fori_loop(0, NB_T, wb, 0)

    return count_kernel


def _make_agg_kernel(D):
    @functools.partial(
        pl.kernel,
        out_type=jax.ShapeDtypeStruct((2 * N_ACC, D), jnp.float32),
        mesh=_mesh(),
        scratch_types=[
            pltpu.VMEM((K,), jnp.int32),
            pltpu.VMEM((K,), jnp.int32),
            pltpu.VMEM((K,), jnp.int32),
            pltpu.VMEM((K,), jnp.float32),
            pltpu.VMEM((K,), jnp.int32),
            pltpu.VMEM((K, D), jnp.float32),
            pltpu.VMEM((128, D), jnp.float32),
            pltpu.VMEM_SHARED((N_ACC, D), jnp.float32),
            pltpu.SemaphoreType.DMA,
        ],
    )
    def agg_kernel(z_hbm, src_hbm, rel_hbm, dst_hbm, w_hbm, out_hbm,
                   src_v, rel_v, dst_v, w_v, gidx_v, rows_v, zbuf, acc_sh,
                   sem):
        cid = lax.axis_index("c")
        sid = lax.axis_index("s")
        wid = sid * NC + cid

        zero16 = jnp.zeros((16,), jnp.float32)

        def zr(i, carry):
            for j in range(D // 16):
                zbuf[i, pl.ds(j * 16, 16)] = zero16
            return carry

        lax.fori_loop(0, 128, zr, 0)
        for q in range(ROWS_PER_TILE // 128):
            pltpu.sync_copy(
                zbuf, acc_sh.at[pl.ds(sid * ROWS_PER_TILE + q * 128, 128)])
        plsc.subcore_barrier()

        def bb(b, carry):
            base = wid * EPT + b * K
            pltpu.sync_copy(src_hbm.at[pl.ds(base, K)], src_v)
            pltpu.sync_copy(rel_hbm.at[pl.ds(base, K)], rel_v)
            pltpu.sync_copy(dst_hbm.at[pl.ds(base, K)], dst_v)
            pltpu.sync_copy(w_hbm.at[pl.ds(base, K)], w_v)
            for i in range(K // 16):
                sl = pl.ds(i * 16, 16)
                gidx_v[sl] = rel_v[sl] * N + src_v[sl]
            pltpu.async_copy(z_hbm.at[gidx_v], rows_v, sem).wait()

            def sb(g, carry2):
                w16 = w_v[pl.ds(g * 16, 16)]
                for l in range(16):
                    wv = w16.at[jnp.full((16,), l, jnp.int32)].get(
                        mode="promise_in_bounds")
                    i = g * 16 + l
                    for j in range(D // 16):
                        sl2 = pl.ds(j * 16, 16)
                        rows_v[i, sl2] = rows_v[i, sl2] * wv
                return carry2

            lax.fori_loop(0, K // 16, sb, 0)
            pltpu.sync_copy(rows_v, acc_sh.at[dst_v], add=True)
            return carry

        lax.fori_loop(0, NB_T, bb, 0)
        plsc.subcore_barrier()

        rb = sid * ROWS_PER_TILE
        pltpu.sync_copy(acc_sh.at[pl.ds(rb, ROWS_PER_TILE)],
                        out_hbm.at[pl.ds(cid * N_ACC + rb, ROWS_PER_TILE)])

    return agg_kernel


_count_kernel = _make_count_kernel()
_agg_kernel_h = _make_agg_kernel(D_H)
_agg_kernel_c = _agg_kernel_h


_NBLK = 10
_BN = N // _NBLK


def _m1_body(x_ref, w_ref, o_ref):
    o_ref[0] = jnp.dot(x_ref[...], w_ref[0],
                       preferred_element_type=jnp.float32)


def _relmm1(x, W1):
    return pl.pallas_call(
        _m1_body,
        grid=(R, _NBLK),
        in_specs=[
            pl.BlockSpec((_BN, D_IN), lambda r, i: (i, 0)),
            pl.BlockSpec((1, D_IN, D_H), lambda r, i: (r, 0, 0)),
        ],
        out_specs=pl.BlockSpec((1, _BN, D_H), lambda r, i: (r, i, 0)),
        out_shape=jax.ShapeDtypeStruct((R, N, D_H), jnp.float32),
    )(x, W1)


def _m2_body(p_ref, w_ref, o_ref):
    h = jnp.tanh(p_ref[0] + p_ref[1])
    o_ref[0] = jnp.dot(h, w_ref[0], preferred_element_type=jnp.float32)


def _relmm2(p1, W2p):
    return pl.pallas_call(
        _m2_body,
        grid=(R, _NBLK),
        in_specs=[
            pl.BlockSpec((2, _BN, D_H), lambda r, i: (0, i, 0)),
            pl.BlockSpec((1, D_H, C_PAD), lambda r, i: (r, 0, 0)),
        ],
        out_specs=pl.BlockSpec((1, _BN, C_PAD), lambda r, i: (r, i, 0)),
        out_shape=jax.ShapeDtypeStruct((R, N, C_PAD), jnp.float32),
    )(p1, W2p)


def _fin_body(p_ref, sm_ref, h_ref):
    h2 = p_ref[0] + p_ref[1]
    col = lax.broadcasted_iota(jnp.int32, h2.shape, 1)
    hm = jnp.where(col < C, h2, jnp.float32(-1e30))
    m = jnp.max(hm, axis=1, keepdims=True)
    ex = jnp.exp(hm - m)
    s = jnp.sum(ex, axis=1, keepdims=True)
    sm_ref[...] = ex / s
    h_ref[...] = h2


def _finalize(p2):
    return pl.pallas_call(
        _fin_body,
        grid=(_NBLK,),
        in_specs=[pl.BlockSpec((2, _BN, C_PAD), lambda i: (0, i, 0))],
        out_specs=[
            pl.BlockSpec((_BN, C_PAD), lambda i: (i, 0)),
            pl.BlockSpec((_BN, C_PAD), lambda i: (i, 0)),
        ],
        out_shape=[
            jax.ShapeDtypeStruct((N, C_PAD), jnp.float32),
            jax.ShapeDtypeStruct((N, C_PAD), jnp.float32),
        ],
    )(p2)


def kernel(x, edge_index, edge_type, W1, W2):
    src = edge_index[0]
    dst = edge_index[1]
    rel = edge_type

    w_edge = _count_kernel(dst, rel)

    z1 = _relmm1(x, W1).reshape(R * N, D_H)
    p1 = _agg_kernel_h(z1, src, rel, dst, w_edge)
    p1 = p1.reshape(2, N_ACC, D_H)[:, :N]

    W2p = jnp.pad(W2, ((0, 0), (0, 0), (0, C_PAD - C)))
    z2 = _relmm2(p1, W2p).reshape(R * N, C_PAD)
    p2 = _agg_kernel_c(z2, src, rel, dst, w_edge)
    p2 = p2.reshape(2, N_ACC, C_PAD)[:, :N]

    smp, h2p = _finalize(p2)
    return (smp[:, :C], h2p[:, :C])

# --- scband reference (transcript-rebuilt; emitter-appended) ---
"""Pipeline reference for scband-rgcn-89781996355919 (READ-ONLY COPY).

The authoritative reference and input builder live on the scoring server;
editing this copy changes nothing except your own understanding.
"""

import jax, jax.numpy as jnp
import numpy as np

N = 10000
E = 320000
R = 8
D_IN = 128
D_H = 128
C = 40


def setup_inputs(seed: int = 0) -> dict:
    key = jax.random.key(seed)
    k1, k2, k3, k4, k5 = jax.random.split(key, 5)
    x = jax.random.normal(k1, (N, D_IN), dtype=jnp.float32)
    edge_index = jax.random.randint(k2, (2, E), 0, N, dtype=jnp.int32)
    edge_type = jax.random.randint(k3, (E,), 0, R, dtype=jnp.int32)
    # RGCNConv relation weights (root_weight=False, bias=False)
    W1 = jax.random.normal(k4, (R, D_IN, D_H), dtype=jnp.float32) / np.sqrt(D_IN)
    W2 = jax.random.normal(k5, (R, D_H, C), dtype=jnp.float32) / np.sqrt(D_H)
    return {"x": x, "edge_index": edge_index, "edge_type": edge_type, "W1": W1, "W2": W2}


def _rgcn_conv(x, edge_index, edge_type, weight):
    # PyG RGCNConv with aggr='mean', root_weight=False, bias=False:
    # out = sum_r mean_{j in N_r(i)} x_j @ W_r  (aggregate first, then transform)
    src = edge_index[0]
    dst = edge_index[1]
    n = x.shape[0]
    num_rel = weight.shape[0]
    out_dim = weight.shape[2]
    x_src = jnp.take(x, src, axis=0)
    out = jnp.zeros((n, out_dim), dtype=x.dtype)
    for r in range(num_rel):
        mask = (edge_type == r).astype(x.dtype)
        msg = x_src * mask[:, None]
        summed = jax.ops.segment_sum(msg, dst, num_segments=n)
        cnt = jax.ops.segment_sum(mask, dst, num_segments=n)
        mean = summed / jnp.clip(cnt, 1.0)[:, None]
        out = out + mean @ weight[r]
    return out


def reference(x, edge_index, edge_type, W1, W2):
    # dropout is identity in eval mode
    h = _rgcn_conv(x, edge_index, edge_type, W1)
    h = jnp.tanh(h)
    h = _rgcn_conv(h, edge_index, edge_type, W2)
    return (jax.nn.softmax(h, axis=1), h)

if __name__ == "__main__":
    import jax
    _d = setup_inputs()
    print(jax.jit(kernel)(*tuple(_d.values())))

</pallas_src>

<mosaic_0001>
#map = affine_map<(d0, d1) -> (0)>
module attributes {stable_mosaic.version = 14 : i64} {
  func.func @count_kernel(%arg0: i32, %arg1: i32, %arg2: memref<320000xi32, #tpu.memory_space<hbm>>, %arg3: memref<320000xi32, #tpu.memory_space<hbm>>, %arg4: memref<320000xf32, #tpu.memory_space<hbm>>, %arg5: memref<80xi32, #tpu.memory_space<vmem>>, %arg6: memref<80xi32, #tpu.memory_space<vmem>>, %arg7: memref<80xi32, #tpu.memory_space<vmem>>, %arg8: memref<80xf32, #tpu.memory_space<vmem>>, %arg9: memref<80xf32, #tpu.memory_space<vmem>>, %arg10: memref<5120xf32, #tpu.memory_space<vmem>>, %arg11: memref<81920xf32, #tpu.memory_space<vmem_shared>>) attributes {dimension_semantics = [#tpu.dimension_semantics<core_parallel>, #tpu.dimension_semantics<subcore_parallel>], iteration_bounds = array<i64: 2, 16>, scalar_prefetch = 0 : i64, scratch_operands = 7 : i64, tpu.core_type = #tpu.core_type<sc_vector_subcore>, window_params = [{transform_indices = #map}, {transform_indices = #map}, {transform_indices = #map}]} {
    %mul3A = arith.constant 2 : i32
    %mul3A_0 = arith.muli %arg1, %mul3A : i32
    %add3A = arith.addi %mul3A_0, %arg0 : i32
    %broadcast_in_dim3A = arith.constant 0.000000e+00 : f32
    %broadcast_in_dim3A_1 = vector.broadcast %broadcast_in_dim3A : f32 to vector<16xf32>
    %broadcast_in_dim3A_2 = arith.constant 1.000000e+00 : f32
    %broadcast_in_dim3A_3 = vector.broadcast %broadcast_in_dim3A_2 : f32 to vector<16xf32>
    %scan3A = arith.constant 0 : i32
    %scan3A_4 = arith.constant 0 : i32
    %scan3A_5 = arith.constant 320 : i32
    %scan3A_6 = arith.addi %scan3A_4, %scan3A_5 : i32
    %scan3A_7 = arith.constant 1 : i32
    scf.for %scan3A_54 = %scan3A_4 to %scan3A_6 step %scan3A_7  : i32 {
      %mul3A_55 = arith.constant 16 : i32
      %mul3A_56 = arith.muli %scan3A_54, %mul3A_55 : i32
      %swap3A_57 = arith.index_cast %mul3A_56 : i32 to index
      %swap3A_58 = tpu.vector_load %arg10[%swap3A_57] {strides = array<i32>} : memref<5120xf32, #tpu.memory_space<vmem>>, vector<16xf32>,
      %swap3A_59 = vector.shape_cast %swap3A_58 : vector<16xf32> to vector<16xf32>
      %swap3A_60 = vector.shape_cast %broadcast_in_dim3A_1 : vector<16xf32> to vector<16xf32>
      tpu.vector_store %arg10[%swap3A_57], %swap3A_60 {strides = array<i32>} : memref<5120xf32, #tpu.memory_space<vmem>>, vector<16xf32>,
    }
    %scan3A_8 = arith.constant 320 : i32
    %swap3A = arith.constant 0 : index
    %swap3A_9 = tpu.vector_load %arg8[%swap3A] {strides = array<i32>} : memref<80xf32, #tpu.memory_space<vmem>>, vector<16xf32>,
    %swap3A_10 = vector.shape_cast %swap3A_9 : vector<16xf32> to vector<16xf32>
    %swap3A_11 = vector.shape_cast %broadcast_in_dim3A_3 : vector<16xf32> to vector<16xf32>
    tpu.vector_store %arg8[%swap3A], %swap3A_11 {strides = array<i32>} : memref<80xf32, #tpu.memory_space<vmem>>, vector<16xf32>,
    %swap3A_12 = arith.constant 16 : index
    %swap3A_13 = tpu.vector_load %arg8[%swap3A_12] {strides = array<i32>} : memref<80xf32, #tpu.memory_space<vmem>>, vector<16xf32>,
    %swap3A_14 = vector.shape_cast %swap3A_13 : vector<16xf32> to vector<16xf32>
    %swap3A_15 = vector.shape_cast %broadcast_in_dim3A_3 : vector<16xf32> to vector<16xf32>
    tpu.vector_store %arg8[%swap3A_12], %swap3A_15 {strides = array<i32>} : memref<80xf32, #tpu.memory_space<vmem>>, vector<16xf32>,
    %swap3A_16 = arith.constant 32 : index
    %swap3A_17 = tpu.vector_load %arg8[%swap3A_16] {strides = array<i32>} : memref<80xf32, #tpu.memory_space<vmem>>, vector<16xf32>,
    %swap3A_18 = vector.shape_cast %swap3A_17 : vector<16xf32> to vector<16xf32>
    %swap3A_19 = vector.shape_cast %broadcast_in_dim3A_3 : vector<16xf32> to vector<16xf32>
    tpu.vector_store %arg8[%swap3A_16], %swap3A_19 {strides = array<i32>} : memref<80xf32, #tpu.memory_space<vmem>>, vector<16xf32>,
    %swap3A_20 = arith.constant 48 : index
    %swap3A_21 = tpu.vector_load %arg8[%swap3A_20] {strides = array<i32>} : memref<80xf32, #tpu.memory_space<vmem>>, vector<16xf32>,
    %swap3A_22 = vector.shape_cast %swap3A_21 : vector<16xf32> to vector<16xf32>
    %swap3A_23 = vector.shape_cast %broadcast_in_dim3A_3 : vector<16xf32> to vector<16xf32>
    tpu.vector_store %arg8[%swap3A_20], %swap3A_23 {strides = array<i32>} : memref<80xf32, #tpu.memory_space<vmem>>, vector<16xf32>,
    %swap3A_24 = arith.constant 64 : index
    %swap3A_25 = tpu.vector_load %arg8[%swap3A_24] {strides = array<i32>} : memref<80xf32, #tpu.memory_space<vmem>>, vector<16xf32>,
    %swap3A_26 = vector.shape_cast %swap3A_25 : vector<16xf32> to vector<16xf32>
    %swap3A_27 = vector.shape_cast %broadcast_in_dim3A_3 : vector<16xf32> to vector<16xf32>
    tpu.vector_store %arg8[%swap3A_24], %swap3A_27 {strides = array<i32>} : memref<80xf32, #tpu.memory_space<vmem>>, vector<16xf32>,
    %mul3A_28 = arith.constant 5120 : i32
    %mul3A_29 = arith.muli %arg1, %mul3A_28 : i32
    "tpu.region"() ({
      %run_scoped3A = tpu.sem_alloc : memref<!tpu.dma_semaphore, #tpu.memory_space<semaphore_mem>>
      %dma_start3A = tpu.memref_slice %arg11[%mul3A_29] : memref<81920xf32, #tpu.memory_space<vmem_shared>> -> memref<5120xf32, #tpu.memory_space<vmem_shared>>
      %dma_start3A_54 = tpu.memref_slice %arg11[%mul3A_29] : memref<81920xf32, #tpu.memory_space<vmem_shared>> -> memref<5120xf32, #tpu.memory_space<vmem_shared>>
      tpu.enqueue_dma source(%arg10 : memref<5120xf32, #tpu.memory_space<vmem>>) target(%dma_start3A_54 : memref<5120xf32, #tpu.memory_space<vmem_shared>>) target_semaphore(%run_scoped3A : memref<!tpu.dma_semaphore, #tpu.memory_space<semaphore_mem>>)
      %dma_wait3A = tpu.memref_slice %arg11[%mul3A_29] : memref<81920xf32, #tpu.memory_space<vmem_shared>> -> memref<5120xf32, #tpu.memory_space<vmem_shared>>
      %dma_wait3A_55 = tpu.memref_slice %arg11[%mul3A_29] : memref<81920xf32, #tpu.memory_space<vmem_shared>> -> memref<5120xf32, #tpu.memory_space<vmem_shared>>
      tpu.wait_dma2 semaphore(%run_scoped3A : memref<!tpu.dma_semaphore, #tpu.memory_space<semaphore_mem>>) src(%arg10 : memref<5120xf32, #tpu.memory_space<vmem>>) dst(%dma_wait3A_55 : memref<5120xf32, #tpu.memory_space<vmem_shared>>)
      tpu.yield
    }) : () -> ()
    %barrier3A = arith.constant 0 : index
    tpu.barrier barrier_id(%barrier3A)
    %scan3A_30 = arith.constant 0 : i32
    %scan3A_31 = arith.constant 0 : i32
    %scan3A_32 = arith.constant 250 : i32
    %scan3A_33 = arith.addi %scan3A_31, %scan3A_32 : i32
    %scan3A_34 = arith.constant 1 : i32
    scf.for %scan3A_54 = %scan3A_31 to %scan3A_33 step %scan3A_34  : i32 {
      %mul3A_55 = arith.constant 20000 : i32
      %mul3A_56 = arith.muli %arg1, %mul3A_55 : i32
      %mul3A_57 = arith.constant 80 : i32
      %mul3A_58 = arith.muli %scan3A_54, %mul3A_57 : i32
      %add3A_59 = arith.addi %mul3A_56, %mul3A_58 : i32
      "tpu.region"() ({
        %run_scoped3A = tpu.sem_alloc : memref<!tpu.dma_semaphore, #tpu.memory_space<semaphore_mem>>
        %dma_start3A = tpu.memref_slice %arg2[%add3A_59] : memref<320000xi32, #tpu.memory_space<hbm>> -> memref<80xi32, #tpu.memory_space<hbm>>
        %dma_start3A_129 = tpu.memref_slice %arg2[%add3A_59] : memref<320000xi32, #tpu.memory_space<hbm>> -> memref<80xi32, #tpu.memory_space<hbm>>
        tpu.enqueue_dma source(%dma_start3A_129 : memref<80xi32, #tpu.memory_space<hbm>>) target(%arg5 : memref<80xi32, #tpu.memory_space<vmem>>) target_semaphore(%run_scoped3A : memref<!tpu.dma_semaphore, #tpu.memory_space<semaphore_mem>>)
        %dma_wait3A = tpu.memref_slice %arg2[%add3A_59] : memref<320000xi32, #tpu.memory_space<hbm>> -> memref<80xi32, #tpu.memory_space<hbm>>
        %dma_wait3A_130 = tpu.memref_slice %arg2[%add3A_59] : memref<320000xi32, #tpu.memory_space<hbm>> -> memref<80xi32, #tpu.memory_space<hbm>>
        tpu.wait_dma2 semaphore(%run_scoped3A : memref<!tpu.dma_semaphore, #tpu.memory_space<semaphore_mem>>) src(%dma_wait3A_130 : memref<80xi32, #tpu.memory_space<hbm>>) dst(%arg5 : memref<80xi32, #tpu.memory_space<vmem>>)
        tpu.yield
      }) : () -> ()
      "tpu.region"() ({
        %run_scoped3A = tpu.sem_alloc : memref<!tpu.dma_semaphore, #tpu.memory_space<semaphore_mem>>
        %dma_start3A = tpu.memref_slice %arg3[%add3A_59] : memref<320000xi32, #tpu.memory_space<hbm>> -> memref<80xi32, #tpu.memory_space<hbm>>
        %dma_start3A_129 = tpu.memref_slice %arg3[%add3A_59] : memref<320000xi32, #tpu.memory_space<hbm>> -> memref<80xi32, #tpu.memory_space<hbm>>
        tpu.enqueue_dma source(%dma_start3A_129 : memref<80xi32, #tpu.memory_space<hbm>>) target(%arg6 : memref<80xi32, #tpu.memory_space<vmem>>) target_semaphore(%run_scoped3A : memref<!tpu.dma_semaphore, #tpu.memory_space<semaphore_mem>>)
        %dma_wait3A = tpu.memref_slice %arg3[%add3A_59] : memref<320000xi32, #tpu.memory_space<hbm>> -> memref<80xi32, #tpu.memory_space<hbm>>
        %dma_wait3A_130 = tpu.memref_slice %arg3[%add3A_59] : memref<320000xi32, #tpu.memory_space<hbm>> -> memref<80xi32, #tpu.memory_space<hbm>>
        tpu.wait_dma2 semaphore(%run_scoped3A : memref<!tpu.dma_semaphore, #tpu.memory_space<semaphore_mem>>) src(%dma_wait3A_130 : memref<80xi32, #tpu.memory_space<hbm>>) dst(%arg6 : memref<80xi32, #tpu.memory_space<vmem>>)
        tpu.yield
      }) : () -> ()
      %get3A = arith.constant 0 : index
      %get3A_60 = tpu.vector_load %arg5[%get3A] {strides = array<i32>} : memref<80xi32, #tpu.memory_space<vmem>>, vector<16xi32>,
      %get3A_61 = vector.shape_cast %get3A_60 : vector<16xi32> to vector<16xi32>
      %mul3A_62 = arith.constant 8 : i32
      %mul3A_63 = vector.broadcast %mul3A_62 : i32 to vector<16xi32>
      %mul3A_64 = arith.muli %get3A_61, %mul3A_63 : vector<16xi32>
      %get3A_65 = arith.constant 0 : index
      %get3A_66 = tpu.vector_load %arg6[%get3A_65] {strides = array<i32>} : memref<80xi32, #tpu.memory_space<vmem>>, vector<16xi32>,
      %get3A_67 = vector.shape_cast %get3A_66 : vector<16xi32> to vector<16xi32>
      %add3A_68 = arith.addi %mul3A_64, %get3A_67 : vector<16xi32>
      %swap3A_69 = arith.constant 0 : index
      %swap3A_70 = tpu.vector_load %arg7[%swap3A_69] {strides = array<i32>} : memref<80xi32, #tpu.memory_space<vmem>>, vector<16xi32>,
      %swap3A_71 = vector.shape_cast %swap3A_70 : vector<16xi32> to vector<16xi32>
      %swap3A_72 = vector.shape_cast %add3A_68 : vector<16xi32> to vector<16xi32>
      tpu.vector_store %arg7[%swap3A_69], %swap3A_72 {strides = array<i32>} : memref<80xi32, #tpu.memory_space<vmem>>, vector<16xi32>,
      %get3A_73 = arith.constant 16 : index
      %get3A_74 = tpu.vector_load %arg5[%get3A_73] {strides = array<i32>} : memref<80xi32, #tpu.memory_space<vmem>>, vector<16xi32>,
      %get3A_75 = vector.shape_cast %get3A_74 : vector<16xi32> to vector<16xi32>
      %mul3A_76 = arith.constant 8 : i32
      %mul3A_77 = vector.broadcast %mul3A_76 : i32 to vector<16xi32>
      %mul3A_78 = arith.muli %get3A_75, %mul3A_77 : vector<16xi32>
      %get3A_79 = arith.constant 16 : index
      %get3A_80 = tpu.vector_load %arg6[%get3A_79] {strides = array<i32>} : memref<80xi32, #tpu.memory_space<vmem>>, vector<16xi32>,
      %get3A_81 = vector.shape_cast %get3A_80 : vector<16xi32> to vector<16xi32>
      %add3A_82 = arith.addi %mul3A_78, %get3A_81 : vector<16xi32>
      %swap3A_83 = arith.constant 16 : index
      %swap3A_84 = tpu.vector_load %arg7[%swap3A_83] {strides = array<i32>} : memref<80xi32, #tpu.memory_space<vmem>>, vector<16xi32>,
      %swap3A_85 = vector.shape_cast %swap3A_84 : vector<16xi32> to vector<16xi32>
      %swap3A_86 = vector.shape_cast %add3A_82 : vector<16xi32> to vector<16xi32>
      tpu.vector_store %arg7[%swap3A_83], %swap3A_86 {strides = array<i32>} : memref<80xi32, #tpu.memory_space<vmem>>, vector<16xi32>,
      %get3A_87 = arith.constant 32 : index
      %get3A_88 = tpu.vector_load %arg5[%get3A_87] {strides = array<i32>} : memref<80xi32, #tpu.memory_space<vmem>>, vector<16xi32>,
      %get3A_89 = vector.shape_cast %get3A_88 : vector<16xi32> to vector<16xi32>
      %mul3A_90 = arith.constant 8 : i32
      %mul3A_91 = vector.broadcast %mul3A_90 : i32 to vector<16xi32>
      %mul3A_92 = arith.muli %get3A_89, %mul3A_91 : vector<16xi32>
      %get3A_93 = arith.constant 32 : index
      %get3A_94 = tpu.vector_load %arg6[%get3A_93] {strides = array<i32>} : memref<80xi32, #tpu.memory_space<vmem>>, vector<16xi32>,
      %get3A_95 = vector.shape_cast %get3A_94 : vector<16xi32> to vector<16xi32>
      %add3A_96 = arith.addi %mul3A_92, %get3A_95 : vector<16xi32>
      %swap3A_97 = arith.constant 32 : index
      %swap3A_98 = tpu.vector_load %arg7[%swap3A_97] {strides = array<i32>} : memref<80xi32, #tpu.memory_space<vmem>>, vector<16xi32>,
      %swap3A_99 = vector.shape_cast %swap3A_98 : vector<16xi32> to vector<16xi32>
      %swap3A_100 = vector.shape_cast %add3A_96 : vector<16xi32> to vector<16xi32>
      tpu.vector_store %arg7[%swap3A_97], %swap3A_100 {strides = array<i32>} : memref<80xi32, #tpu.memory_space<vmem>>, vector<16xi32>,
      %get3A_101 = arith.constant 48 : index
      %get3A_102 = tpu.vector_load %arg5[%get3A_101] {strides = array<i32>} : memref<80xi32, #tpu.memory_space<vmem>>, vector<16xi32>,
      %get3A_103 = vector.shape_cast %get3A_102 : vector<16xi32> to vector<16xi32>
      %mul3A_104 = arith.constant 8 : i32
      %mul3A_105 = vector.broadcast %mul3A_104 : i32 to vector<16xi32>
      %mul3A_106 = arith.muli %get3A_103, %mul3A_105 : vector<16xi32>
      %get3A_107 = arith.constant 48 : index
      %get3A_108 = tpu.vector_load %arg6[%get3A_107] {strides = array<i32>} : memref<80xi32, #tpu.memory_space<vmem>>, vector<16xi32>,
      %get3A_109 = vector.shape_cast %get3A_108 : vector<16xi32> to vector<16xi32>
      %add3A_110 = arith.addi %mul3A_106, %get3A_109 : vector<16xi32>
      %swap3A_111 = arith.constant 48 : index
      %swap3A_112 = tpu.vector_load %arg7[%swap3A_111] {strides = array<i32>} : memref<80xi32, #tpu.memory_space<vmem>>, vector<16xi32>,
      %swap3A_113 = vector.shape_cast %swap3A_112 : vector<16xi32> to vector<16xi32>
      %swap3A_114 = vector.shape_cast %add3A_110 : vector<16xi32> to vector<16xi32>
      tpu.vector_store %arg7[%swap3A_111], %swap3A_114 {strides = array<i32>} : memref<80xi32, #tpu.memory_space<vmem>>, vector<16xi32>,
      %get3A_115 = arith.constant 64 : index
      %get3A_116 = tpu.vector_load %arg5[%get3A_115] {strides = array<i32>} : memref<80xi32, #tpu.memory_space<vmem>>, vector<16xi32>,
      %get3A_117 = vector.shape_cast %get3A_116 : vector<16xi32> to vector<16xi32>
      %mul3A_118 = arith.constant 8 : i32
      %mul3A_119 = vector.broadcast %mul3A_118 : i32 to vector<16xi32>
      %mul3A_120 = arith.muli %get3A_117, %mul3A_119 : vector<16xi32>
      %get3A_121 = arith.constant 64 : index
      %get3A_122 = tpu.vector_load %arg6[%get3A_121] {strides = array<i32>} : memref<80xi32, #tpu.memory_space<vmem>>, vector<16xi32>,
      %get3A_123 = vector.shape_cast %get3A_122 : vector<16xi32> to vector<16xi32>
      %add3A_124 = arith.addi %mul3A_120, %get3A_123 : vector<16xi32>
      %swap3A_125 = arith.constant 64 : index
      %swap3A_126 = tpu.vector_load %arg7[%swap3A_125] {strides = array<i32>} : memref<80xi32, #tpu.memory_space<vmem>>, vector<16xi32>,
      %swap3A_127 = vector.shape_cast %swap3A_126 : vector<16xi32> to vector<16xi32>
      %swap3A_128 = vector.shape_cast %add3A_124 : vector<16xi32> to vector<16xi32>
      tpu.vector_store %arg7[%swap3A_125], %swap3A_128 {strides = array<i32>} : memref<80xi32, #tpu.memory_space<vmem>>, vector<16xi32>,
      "tpu.region"() ({
        %run_scoped3A = tpu.sem_alloc : memref<!tpu.dma_semaphore, #tpu.memory_space<semaphore_mem>>
        %dma_start3A = arith.constant 0 : i32
        %dma_start3A_129 = tpu.memref_slice %arg11[%dma_start3A] : memref<81920xf32, #tpu.memory_space<vmem_shared>> -> memref<81920xf32, #tpu.memory_space<vmem_shared>>
        tpu.enqueue_indirect_dma source(%arg8 : memref<80xf32, #tpu.memory_space<vmem>>) target(%dma_start3A_129 : memref<81920xf32, #tpu.memory_space<vmem_shared>>) offsets(%arg7 : memref<80xi32, #tpu.memory_space<vmem>>) semaphore(%run_scoped3A : memref<!tpu.dma_semaphore, #tpu.memory_space<semaphore_mem>>) {add = true}
        %dma_wait3A = arith.constant 0 : i32
        %dma_wait3A_130 = tpu.memref_slice %arg11[%dma_wait3A] : memref<81920xf32, #tpu.memory_space<vmem_shared>> -> memref<81920xf32, #tpu.memory_space<vmem_shared>>
        tpu.wait_indirect_dma semaphore(%run_scoped3A : memref<!tpu.dma_semaphore, #tpu.memory_space<semaphore_mem>>) src(%arg8 : memref<80xf32, #tpu.memory_space<vmem>>) dst(%dma_wait3A_130 : memref<81920xf32, #tpu.memory_space<vmem_shared>>)
        tpu.yield
      }) : () -> ()
    }
    %scan3A_35 = arith.constant 250 : i32
    %barrier3A_36 = arith.constant 0 : index
    tpu.barrier barrier_id(%barrier3A_36)
    %mul3A_37 = arith.constant 5120 : i32
    %mul3A_38 = arith.muli %arg1, %mul3A_37 : i32
    "tpu.region"() ({
      %run_scoped3A = tpu.sem_alloc : memref<!tpu.dma_semaphore, #tpu.memory_space<semaphore_mem>>
      %dma_start3A = tpu.memref_slice %arg11[%mul3A_38] : memref<81920xf32, #tpu.memory_space<vmem_shared>> -> memref<5120xf32, #tpu.memory_space<vmem_shared>>
      %dma_start3A_54 = tpu.memref_slice %arg11[%mul3A_38] : memref<81920xf32, #tpu.memory_space<vmem_shared>> -> memref<5120xf32, #tpu.memory_space<vmem_shared>>
      tpu.enqueue_dma source(%dma_start3A_54 : memref<5120xf32, #tpu.memory_space<vmem_shared>>) target(%arg10 : memref<5120xf32, #tpu.memory_space<vmem>>) target_semaphore(%run_scoped3A : memref<!tpu.dma_semaphore, #tpu.memory_space<semaphore_mem>>)
      %dma_wait3A = tpu.memref_slice %arg11[%mul3A_38] : memref<81920xf32, #tpu.memory_space<vmem_shared>> -> memref<5120xf32, #tpu.memory_space<vmem_shared>>
      %dma_wait3A_55 = tpu.memref_slice %arg11[%mul3A_38] : memref<81920xf32, #tpu.memory_space<vmem_shared>> -> memref<5120xf32, #tpu.memory_space<vmem_shared>>
      tpu.wait_dma2 semaphore(%run_scoped3A : memref<!tpu.dma_semaphore, #tpu.memory_space<semaphore_mem>>) src(%dma_wait3A_55 : memref<5120xf32, #tpu.memory_space<vmem_shared>>) dst(%arg10 : memref<5120xf32, #tpu.memory_space<vmem>>)
      tpu.yield
    }) : () -> ()
    %scan3A_39 = arith.constant 0 : i32
    %scan3A_40 = arith.constant 0 : i32
    %scan3A_41 = arith.constant 320 : i32
    %scan3A_42 = arith.addi %scan3A_40, %scan3A_41 : i32
    %scan3A_43 = arith.constant 1 : i32
    scf.for %scan3A_54 = %scan3A_40 to %scan3A_42 step %scan3A_43  : i32 {
      %mul3A_55 = arith.constant 16 : i32
      %mul3A_56 = arith.muli %scan3A_54, %mul3A_55 : i32
      %get3A = arith.index_cast %mul3A_56 : i32 to index
      %get3A_57 = tpu.vector_load %arg10[%get3A] {strides = array<i32>} : memref<5120xf32, #tpu.memory_space<vmem>>, vector<16xf32>,
      %get3A_58 = vector.shape_cast %get3A_57 : vector<16xf32> to vector<16xf32>
      %max3A = arith.maximumf %get3A_58, %broadcast_in_dim3A_3 : vector<16xf32>
      %div3A = arith.divf %broadcast_in_dim3A_3, %max3A : vector<16xf32>
      %swap3A_59 = arith.index_cast %mul3A_56 : i32 to index
      %swap3A_60 = tpu.vector_load %arg10[%swap3A_59] {strides = array<i32>} : memref<5120xf32, #tpu.memory_space<vmem>>, vector<16xf32>,
      %swap3A_61 = vector.shape_cast %swap3A_60 : vector<16xf32> to vector<16xf32>
      %swap3A_62 = vector.shape_cast %div3A : vector<16xf32> to vector<16xf32>
      tpu.vector_store %arg10[%swap3A_59], %swap3A_62 {strides = array<i32>} : memref<5120xf32, #tpu.memory_space<vmem>>, vector<16xf32>,
    }
    %scan3A_44 = arith.constant 320 : i32
    %mul3A_45 = arith.constant 5120 : i32
    %mul3A_46 = arith.muli %arg1, %mul3A_45 : i32
    "tpu.region"() ({
      %run_scoped3A = tpu.sem_alloc : memref<!tpu.dma_semaphore, #tpu.memory_space<semaphore_mem>>
      %dma_start3A = tpu.memref_slice %arg11[%mul3A_46] : memref<81920xf32, #tpu.memory_space<vmem_shared>> -> memref<5120xf32, #tpu.memory_space<vmem_shared>>
      %dma_start3A_54 = tpu.memref_slice %arg11[%mul3A_46] : memref<81920xf32, #tpu.memory_space<vmem_shared>> -> memref<5120xf32, #tpu.memory_space<vmem_shared>>
      tpu.enqueue_dma source(%arg10 : memref<5120xf32, #tpu.memory_space<vmem>>) target(%dma_start3A_54 : memref<5120xf32, #tpu.memory_space<vmem_shared>>) target_semaphore(%run_scoped3A : memref<!tpu.dma_semaphore, #tpu.memory_space<semaphore_mem>>)
      %dma_wait3A = tpu.memref_slice %arg11[%mul3A_46] : memref<81920xf32, #tpu.memory_space<vmem_shared>> -> memref<5120xf32, #tpu.memory_space<vmem_shared>>
      %dma_wait3A_55 = tpu.memref_slice %arg11[%mul3A_46] : memref<81920xf32, #tpu.memory_space<vmem_shared>> -> memref<5120xf32, #tpu.memory_space<vmem_shared>>
      tpu.wait_dma2 semaphore(%run_scoped3A : memref<!tpu.dma_semaphore, #tpu.memory_space<semaphore_mem>>) src(%arg10 : memref<5120xf32, #tpu.memory_space<vmem>>) dst(%dma_wait3A_55 : memref<5120xf32, #tpu.memory_space<vmem_shared>>)
      tpu.yield
    }) : () -> ()
    %barrier3A_47 = arith.constant 0 : index
    tpu.barrier barrier_id(%barrier3A_47)
    %scan3A_48 = arith.constant 0 : i32
    %scan3A_49 = arith.constant 0 : i32
    %scan3A_50 = arith.constant 125 : i32
    %scan3A_51 = arith.addi %scan3A_49, %scan3A_50 : i32
    %scan3A_52 = arith.constant 1 : i32
    scf.for %scan3A_54 = %scan3A_49 to %scan3A_51 step %scan3A_52  : i32 {
      %mul3A_55 = arith.constant 10000 : i32
      %mul3A_56 = arith.muli %add3A, %mul3A_55 : i32
      %mul3A_57 = arith.constant 80 : i32
      %mul3A_58 = arith.muli %scan3A_54, %mul3A_57 : i32
      %add3A_59 = arith.addi %mul3A_56, %mul3A_58 : i32
      "tpu.region"() ({
        %run_scoped3A = tpu.sem_alloc : memref<!tpu.dma_semaphore, #tpu.memory_space<semaphore_mem>>
        %dma_start3A = tpu.memref_slice %arg2[%add3A_59] : memref<320000xi32, #tpu.memory_space<hbm>> -> memref<80xi32, #tpu.memory_space<hbm>>
        %dma_start3A_129 = tpu.memref_slice %arg2[%add3A_59] : memref<320000xi32, #tpu.memory_space<hbm>> -> memref<80xi32, #tpu.memory_space<hbm>>
        tpu.enqueue_dma source(%dma_start3A_129 : memref<80xi32, #tpu.memory_space<hbm>>) target(%arg5 : memref<80xi32, #tpu.memory_space<vmem>>) target_semaphore(%run_scoped3A : memref<!tpu.dma_semaphore, #tpu.memory_space<semaphore_mem>>)
        %dma_wait3A = tpu.memref_slice %arg2[%add3A_59] : memref<320000xi32, #tpu.memory_space<hbm>> -> memref<80xi32, #tpu.memory_space<hbm>>
        %dma_wait3A_130 = tpu.memref_slice %arg2[%add3A_59] : memref<320000xi32, #tpu.memory_space<hbm>> -> memref<80xi32, #tpu.memory_space<hbm>>
        tpu.wait_dma2 semaphore(%run_scoped3A : memref<!tpu.dma_semaphore, #tpu.memory_space<semaphore_mem>>) src(%dma_wait3A_130 : memref<80xi32, #tpu.memory_space<hbm>>) dst(%arg5 : memref<80xi32, #tpu.memory_space<vmem>>)
        tpu.yield
      }) : () -> ()
      "tpu.region"() ({
        %run_scoped3A = tpu.sem_alloc : memref<!tpu.dma_semaphore, #tpu.memory_space<semaphore_mem>>
        %dma_start3A = tpu.memref_slice %arg3[%add3A_59] : memref<320000xi32, #tpu.memory_space<hbm>> -> memref<80xi32, #tpu.memory_space<hbm>>
        %dma_start3A_129 = tpu.memref_slice %arg3[%add3A_59] : memref<320000xi32, #tpu.memory_space<hbm>> -> memref<80xi32, #tpu.memory_space<hbm>>
        tpu.enqueue_dma source(%dma_start3A_129 : memref<80xi32, #tpu.memory_space<hbm>>) target(%arg6 : memref<80xi32, #tpu.memory_space<vmem>>) target_semaphore(%run_scoped3A : memref<!tpu.dma_semaphore, #tpu.memory_space<semaphore_mem>>)
        %dma_wait3A = tpu.memref_slice %arg3[%add3A_59] : memref<320000xi32, #tpu.memory_space<hbm>> -> memref<80xi32, #tpu.memory_space<hbm>>
        %dma_wait3A_130 = tpu.memref_slice %arg3[%add3A_59] : memref<320000xi32, #tpu.memory_space<hbm>> -> memref<80xi32, #tpu.memory_space<hbm>>
        tpu.wait_dma2 semaphore(%run_scoped3A : memref<!tpu.dma_semaphore, #tpu.memory_space<semaphore_mem>>) src(%dma_wait3A_130 : memref<80xi32, #tpu.memory_space<hbm>>) dst(%arg6 : memref<80xi32, #tpu.memory_space<vmem>>)
        tpu.yield
      }) : () -> ()
      %get3A = arith.constant 0 : index
      %get3A_60 = tpu.vector_load %arg5[%get3A] {strides = array<i32>} : memref<80xi32, #tpu.memory_space<vmem>>, vector<16xi32>,
      %get3A_61 = vector.shape_cast %get3A_60 : vector<16xi32> to vector<16xi32>
      %mul3A_62 = arith.constant 8 : i32
      %mul3A_63 = vector.broadcast %mul3A_62 : i32 to vector<16xi32>
      %mul3A_64 = arith.muli %get3A_61, %mul3A_63 : vector<16xi32>
      %get3A_65 = arith.constant 0 : index
      %get3A_66 = tpu.vector_load %arg6[%get3A_65] {strides = array<i32>} : memref<80xi32, #tpu.memory_space<vmem>>, vector<16xi32>,
      %get3A_67 = vector.shape_cast %get3A_66 : vector<16xi32> to vector<16xi32>
      %add3A_68 = arith.addi %mul3A_64, %get3A_67 : vector<16xi32>
      %swap3A_69 = arith.constant 0 : index
      %swap3A_70 = tpu.vector_load %arg7[%swap3A_69] {strides = array<i32>} : memref<80xi32, #tpu.memory_space<vmem>>, vector<16xi32>,
      %swap3A_71 = vector.shape_cast %swap3A_70 : vector<16xi32> to vector<16xi32>
      %swap3A_72 = vector.shape_cast %add3A_68 : vector<16xi32> to vector<16xi32>
      tpu.vector_store %arg7[%swap3A_69], %swap3A_72 {strides = array<i32>} : memref<80xi32, #tpu.memory_space<vmem>>, vector<16xi32>,
      %get3A_73 = arith.constant 16 : index
      %get3A_74 = tpu.vector_load %arg5[%get3A_73] {strides = array<i32>} : memref<80xi32, #tpu.memory_space<vmem>>, vector<16xi32>,
      %get3A_75 = vector.shape_cast %get3A_74 : vector<16xi32> to vector<16xi32>
      %mul3A_76 = arith.constant 8 : i32
      %mul3A_77 = vector.broadcast %mul3A_76 : i32 to vector<16xi32>
      %mul3A_78 = arith.muli %get3A_75, %mul3A_77 : vector<16xi32>
      %get3A_79 = arith.constant 16 : index
      %get3A_80 = tpu.vector_load %arg6[%get3A_79] {strides = array<i32>} : memref<80xi32, #tpu.memory_space<vmem>>, vector<16xi32>,
      %get3A_81 = vector.shape_cast %get3A_80 : vector<16xi32> to vector<16xi32>
      %add3A_82 = arith.addi %mul3A_78, %get3A_81 : vector<16xi32>
      %swap3A_83 = arith.constant 16 : index
      %swap3A_84 = tpu.vector_load %arg7[%swap3A_83] {strides = array<i32>} : memref<80xi32, #tpu.memory_space<vmem>>, vector<16xi32>,
      %swap3A_85 = vector.shape_cast %swap3A_84 : vector<16xi32> to vector<16xi32>
      %swap3A_86 = vector.shape_cast %add3A_82 : vector<16xi32> to vector<16xi32>
      tpu.vector_store %arg7[%swap3A_83], %swap3A_86 {strides = array<i32>} : memref<80xi32, #tpu.memory_space<vmem>>, vector<16xi32>,
      %get3A_87 = arith.constant 32 : index
      %get3A_88 = tpu.vector_load %arg5[%get3A_87] {strides = array<i32>} : memref<80xi32, #tpu.memory_space<vmem>>, vector<16xi32>,
      %get3A_89 = vector.shape_cast %get3A_88 : vector<16xi32> to vector<16xi32>
      %mul3A_90 = arith.constant 8 : i32
      %mul3A_91 = vector.broadcast %mul3A_90 : i32 to vector<16xi32>
      %mul3A_92 = arith.muli %get3A_89, %mul3A_91 : vector<16xi32>
      %get3A_93 = arith.constant 32 : index
      %get3A_94 = tpu.vector_load %arg6[%get3A_93] {strides = array<i32>} : memref<80xi32, #tpu.memory_space<vmem>>, vector<16xi32>,
      %get3A_95 = vector.shape_cast %get3A_94 : vector<16xi32> to vector<16xi32>
      %add3A_96 = arith.addi %mul3A_92, %get3A_95 : vector<16xi32>
      %swap3A_97 = arith.constant 32 : index
      %swap3A_98 = tpu.vector_load %arg7[%swap3A_97] {strides = array<i32>} : memref<80xi32, #tpu.memory_space<vmem>>, vector<16xi32>,
      %swap3A_99 = vector.shape_cast %swap3A_98 : vector<16xi32> to vector<16xi32>
      %swap3A_100 = vector.shape_cast %add3A_96 : vector<16xi32> to vector<16xi32>
      tpu.vector_store %arg7[%swap3A_97], %swap3A_100 {strides = array<i32>} : memref<80xi32, #tpu.memory_space<vmem>>, vector<16xi32>,
      %get3A_101 = arith.constant 48 : index
      %get3A_102 = tpu.vector_load %arg5[%get3A_101] {strides = array<i32>} : memref<80xi32, #tpu.memory_space<vmem>>, vector<16xi32>,
      %get3A_103 = vector.shape_cast %get3A_102 : vector<16xi32> to vector<16xi32>
      %mul3A_104 = arith.constant 8 : i32
      %mul3A_105 = vector.broadcast %mul3A_104 : i32 to vector<16xi32>
      %mul3A_106 = arith.muli %get3A_103, %mul3A_105 : vector<16xi32>
      %get3A_107 = arith.constant 48 : index
      %get3A_108 = tpu.vector_load %arg6[%get3A_107] {strides = array<i32>} : memref<80xi32, #tpu.memory_space<vmem>>, vector<16xi32>,
      %get3A_109 = vector.shape_cast %get3A_108 : vector<16xi32> to vector<16xi32>
      %add3A_110 = arith.addi %mul3A_106, %get3A_109 : vector<16xi32>
      %swap3A_111 = arith.constant 48 : index
      %swap3A_112 = tpu.vector_load %arg7[%swap3A_111] {strides = array<i32>} : memref<80xi32, #tpu.memory_space<vmem>>, vector<16xi32>,
      %swap3A_113 = vector.shape_cast %swap3A_112 : vector<16xi32> to vector<16xi32>
      %swap3A_114 = vector.shape_cast %add3A_110 : vector<16xi32> to vector<16xi32>
      tpu.vector_store %arg7[%swap3A_111], %swap3A_114 {strides = array<i32>} : memref<80xi32, #tpu.memory_space<vmem>>, vector<16xi32>,
      %get3A_115 = arith.constant 64 : index
      %get3A_116 = tpu.vector_load %arg5[%get3A_115] {strides = array<i32>} : memref<80xi32, #tpu.memory_space<vmem>>, vector<16xi32>,
      %get3A_117 = vector.shape_cast %get3A_116 : vector<16xi32> to vector<16xi32>
      %mul3A_118 = arith.constant 8 : i32
      %mul3A_119 = vector.broadcast %mul3A_118 : i32 to vector<16xi32>
      %mul3A_120 = arith.muli %get3A_117, %mul3A_119 : vector<16xi32>
      %get3A_121 = arith.constant 64 : index
      %get3A_122 = tpu.vector_load %arg6[%get3A_121] {strides = array<i32>} : memref<80xi32, #tpu.memory_space<vmem>>, vector<16xi32>,
      %get3A_123 = vector.shape_cast %get3A_122 : vector<16xi32> to vector<16xi32>
      %add3A_124 = arith.addi %mul3A_120, %get3A_123 : vector<16xi32>
      %swap3A_125 = arith.constant 64 : index
      %swap3A_126 = tpu.vector_load %arg7[%swap3A_125] {strides = array<i32>} : memref<80xi32, #tpu.memory_space<vmem>>, vector<16xi32>,
      %swap3A_127 = vector.shape_cast %swap3A_126 : vector<16xi32> to vector<16xi32>
      %swap3A_128 = vector.shape_cast %add3A_124 : vector<16xi32> to vector<16xi32>
      tpu.vector_store %arg7[%swap3A_125], %swap3A_128 {strides = array<i32>} : memref<80xi32, #tpu.memory_space<vmem>>, vector<16xi32>,
      "tpu.region"() ({
        %run_scoped3A = tpu.sem_alloc : memref<!tpu.dma_semaphore, #tpu.memory_space<semaphore_mem>>
        %dma_start3A = arith.constant 0 : i32
        %dma_start3A_129 = tpu.memref_slice %arg11[%dma_start3A] : memref<81920xf32, #tpu.memory_space<vmem_shared>> -> memref<81920xf32, #tpu.memory_space<vmem_shared>>
        tpu.enqueue_indirect_dma source(%dma_start3A_129 : memref<81920xf32, #tpu.memory_space<vmem_shared>>) target(%arg9 : memref<80xf32, #tpu.memory_space<vmem>>) offsets(%arg7 : memref<80xi32, #tpu.memory_space<vmem>>) semaphore(%run_scoped3A : memref<!tpu.dma_semaphore, #tpu.memory_space<semaphore_mem>>)
        %dma_wait3A = arith.constant 0 : i32
        %dma_wait3A_130 = tpu.memref_slice %arg11[%dma_wait3A] : memref<81920xf32, #tpu.memory_space<vmem_shared>> -> memref<81920xf32, #tpu.memory_space<vmem_shared>>
        tpu.wait_indirect_dma semaphore(%run_scoped3A : memref<!tpu.dma_semaphore, #tpu.memory_space<semaphore_mem>>) src(%dma_wait3A_130 : memref<81920xf32, #tpu.memory_space<vmem_shared>>) dst(%arg9 : memref<80xf32, #tpu.memory_space<vmem>>)
        tpu.yield
      }) : () -> ()
      "tpu.region"() ({
        %run_scoped3A = tpu.sem_alloc : memref<!tpu.dma_semaphore, #tpu.memory_space<semaphore_mem>>
        %dma_start3A = tpu.memref_slice %arg4[%add3A_59] : memref<320000xf32, #tpu.memory_space<hbm>> -> memref<80xf32, #tpu.memory_space<hbm>>
        %dma_start3A_129 = tpu.memref_slice %arg4[%add3A_59] : memref<320000xf32, #tpu.memory_space<hbm>> -> memref<80xf32, #tpu.memory_space<hbm>>
        tpu.enqueue_dma source(%arg9 : memref<80xf32, #tpu.memory_space<vmem>>) target(%dma_start3A_129 : memref<80xf32, #tpu.memory_space<hbm>>) target_semaphore(%run_scoped3A : memref<!tpu.dma_semaphore, #tpu.memory_space<semaphore_mem>>)
        %dma_wait3A = tpu.memref_slice %arg4[%add3A_59] : memref<320000xf32, #tpu.memory_space<hbm>> -> memref<80xf32, #tpu.memory_space<hbm>>
        %dma_wait3A_130 = tpu.memref_slice %arg4[%add3A_59] : memref<320000xf32, #tpu.memory_space<hbm>> -> memref<80xf32, #tpu.memory_space<hbm>>
        tpu.wait_dma2 semaphore(%run_scoped3A : memref<!tpu.dma_semaphore, #tpu.memory_space<semaphore_mem>>) src(%arg9 : memref<80xf32, #tpu.memory_space<vmem>>) dst(%dma_wait3A_130 : memref<80xf32, #tpu.memory_space<hbm>>)
        tpu.yield
      }) : () -> ()
    }
    %scan3A_53 = arith.constant 125 : i32
    return
  }
}

#map = affine_map<(d0, d1) -> (0, 0)>
#map1 = affine_map<(d0, d1) -> (0)>
module attributes {stable_mosaic.version = 14 : i64} {
  func.func @agg_kernel(%arg0: i32, %arg1: i32, %arg2: memref<80000x128xf32, #tpu.memory_space<hbm>>, %arg3: memref<320000xi32, #tpu.memory_space<hbm>>, %arg4: memref<320000xi32, #tpu.memory_space<hbm>>, %arg5: memref<320000xi32, #tpu.memory_space<hbm>>, %arg6: memref<320000xf32, #tpu.memory_space<hbm>>, %arg7: memref<20480x128xf32, #tpu.memory_space<hbm>>, %arg8: memref<80xi32, #tpu.memory_space<vmem>>, %arg9: memref<80xi32, #tpu.memory_space<vmem>>, %arg10: memref<80xi32, #tpu.memory_space<vmem>>, %arg11: memref<80xf32, #tpu.memory_space<vmem>>, %arg12: memref<80xi32, #tpu.memory_space<vmem>>, %arg13: memref<80x128xf32, #tpu.memory_space<vmem>>, %arg14: memref<128x128xf32, #tpu.memory_space<vmem>>, %arg15: memref<10240x128xf32, #tpu.memory_space<vmem_shared>>, %arg16: memref<!tpu.dma_semaphore, #tpu.memory_space<semaphore_mem>>) attributes {dimension_semantics = [#tpu.dimension_semantics<core_parallel>, #tpu.dimension_semantics<subcore_parallel>], iteration_bounds = array<i64: 2, 16>, scalar_prefetch = 0 : i64, scratch_operands = 9 : i64, tpu.core_type = #tpu.core_type<sc_vector_subcore>, window_params = [{transform_indices = #map}, {transform_indices = #map1}, {transform_indices = #map1}, {transform_indices = #map1}, {transform_indices = #map1}, {transform_indices = #map}]} {
    %mul3A = arith.constant 2 : i32
    %mul3A_0 = arith.muli %arg1, %mul3A : i32
    %add3A = arith.addi %mul3A_0, %arg0 : i32
    %broadcast_in_dim3A = arith.constant 0.000000e+00 : f32
    %broadcast_in_dim3A_1 = vector.broadcast %broadcast_in_dim3A : f32 to vector<16xf32>
    %scan3A = arith.constant 0 : i32
    %scan3A_2 = arith.constant 0 : i32
    %scan3A_3 = arith.constant 128 : i32
    %scan3A_4 = arith.addi %scan3A_2, %scan3A_3 : i32
    %scan3A_5 = arith.constant 1 : i32
    scf.for %scan3A_39 = %scan3A_2 to %scan3A_4 step %scan3A_5  : i32 {
      %swap3A = arith.index_cast %scan3A_39 : i32 to index
      %swap3A_40 = arith.constant 0 : index
      %swap3A_41 = tpu.vector_load %arg14[%swap3A, %swap3A_40] {strides = array<i32>} : memref<128x128xf32, #tpu.memory_space<vmem>>, vector<1x16xf32>,
      %swap3A_42 = vector.shape_cast %swap3A_41 : vector<1x16xf32> to vector<16xf32>
      %swap3A_43 = vector.shape_cast %broadcast_in_dim3A_1 : vector<16xf32> to vector<1x16xf32>
      tpu.vector_store %arg14[%swap3A, %swap3A_40], %swap3A_43 {strides = array<i32>} : memref<128x128xf32, #tpu.memory_space<vmem>>, vector<1x16xf32>,
      %swap3A_44 = arith.index_cast %scan3A_39 : i32 to index
      %swap3A_45 = arith.constant 16 : index
      %swap3A_46 = tpu.vector_load %arg14[%swap3A_44, %swap3A_45] {strides = array<i32>} : memref<128x128xf32, #tpu.memory_space<vmem>>, vector<1x16xf32>,
      %swap3A_47 = vector.shape_cast %swap3A_46 : vector<1x16xf32> to vector<16xf32>
      %swap3A_48 = vector.shape_cast %broadcast_in_dim3A_1 : vector<16xf32> to vector<1x16xf32>
      tpu.vector_store %arg14[%swap3A_44, %swap3A_45], %swap3A_48 {strides = array<i32>} : memref<128x128xf32, #tpu.memory_space<vmem>>, vector<1x16xf32>,
      %swap3A_49 = arith.index_cast %scan3A_39 : i32 to index
      %swap3A_50 = arith.constant 32 : index
      %swap3A_51 = tpu.vector_load %arg14[%swap3A_49, %swap3A_50] {strides = array<i32>} : memref<128x128xf32, #tpu.memory_space<vmem>>, vector<1x16xf32>,
      %swap3A_52 = vector.shape_cast %swap3A_51 : vector<1x16xf32> to vector<16xf32>
      %swap3A_53 = vector.shape_cast %broadcast_in_dim3A_1 : vector<16xf32> to vector<1x16xf32>
      tpu.vector_store %arg14[%swap3A_49, %swap3A_50], %swap3A_53 {strides = array<i32>} : memref<128x128xf32, #tpu.memory_space<vmem>>, vector<1x16xf32>,
      %swap3A_54 = arith.index_cast %scan3A_39 : i32 to index
      %swap3A_55 = arith.constant 48 : index
      %swap3A_56 = tpu.vector_load %arg14[%swap3A_54, %swap3A_55] {strides = array<i32>} : memref<128x128xf32, #tpu.memory_space<vmem>>, vector<1x16xf32>,
      %swap3A_57 = vector.shape_cast %swap3A_56 : vector<1x16xf32> to vector<16xf32>
      %swap3A_58 = vector.shape_cast %broadcast_in_dim3A_1 : vector<16xf32> to vector<1x16xf32>
      tpu.vector_store %arg14[%swap3A_54, %swap3A_55], %swap3A_58 {strides = array<i32>} : memref<128x128xf32, #tpu.memory_space<vmem>>, vector<1x16xf32>,
      %swap3A_59 = arith.index_cast %scan3A_39 : i32 to index
      %swap3A_60 = arith.constant 64 : index
      %swap3A_61 = tpu.vector_load %arg14[%swap3A_59, %swap3A_60] {strides = array<i32>} : memref<128x128xf32, #tpu.memory_space<vmem>>, vector<1x16xf32>,
      %swap3A_62 = vector.shape_cast %swap3A_61 : vector<1x16xf32> to vector<16xf32>
      %swap3A_63 = vector.shape_cast %broadcast_in_dim3A_1 : vector<16xf32> to vector<1x16xf32>
      tpu.vector_store %arg14[%swap3A_59, %swap3A_60], %swap3A_63 {strides = array<i32>} : memref<128x128xf32, #tpu.memory_space<vmem>>, vector<1x16xf32>,
      %swap3A_64 = arith.index_cast %scan3A_39 : i32 to index
      %swap3A_65 = arith.constant 80 : index
      %swap3A_66 = tpu.vector_load %arg14[%swap3A_64, %swap3A_65] {strides = array<i32>} : memref<128x128xf32, #tpu.memory_space<vmem>>, vector<1x16xf32>,
      %swap3A_67 = vector.shape_cast %swap3A_66 : vector<1x16xf32> to vector<16xf32>
      %swap3A_68 = vector.shape_cast %broadcast_in_dim3A_1 : vector<16xf32> to vector<1x16xf32>
      tpu.vector_store %arg14[%swap3A_64, %swap3A_65], %swap3A_68 {strides = array<i32>} : memref<128x128xf32, #tpu.memory_space<vmem>>, vector<1x16xf32>,
      %swap3A_69 = arith.index_cast %scan3A_39 : i32 to index
      %swap3A_70 = arith.constant 96 : index
      %swap3A_71 = tpu.vector_load %arg14[%swap3A_69, %swap3A_70] {strides = array<i32>} : memref<128x128xf32, #tpu.memory_space<vmem>>, vector<1x16xf32>,
      %swap3A_72 = vector.shape_cast %swap3A_71 : vector<1x16xf32> to vector<16xf32>
      %swap3A_73 = vector.shape_cast %broadcast_in_dim3A_1 : vector<16xf32> to vector<1x16xf32>
      tpu.vector_store %arg14[%swap3A_69, %swap3A_70], %swap3A_73 {strides = array<i32>} : memref<128x128xf32, #tpu.memory_space<vmem>>, vector<1x16xf32>,
      %swap3A_74 = arith.index_cast %scan3A_39 : i32 to index
      %swap3A_75 = arith.constant 112 : index
      %swap3A_76 = tpu.vector_load %arg14[%swap3A_74, %swap3A_75] {strides = array<i32>} : memref<128x128xf32, #tpu.memory_space<vmem>>, vector<1x16xf32>,
      %swap3A_77 = vector.shape_cast %swap3A_76 : vector<1x16xf32> to vector<16xf32>
      %swap3A_78 = vector.shape_cast %broadcast_in_dim3A_1 : vector<16xf32> to vector<1x16xf32>
      tpu.vector_store %arg14[%swap3A_74, %swap3A_75], %swap3A_78 {strides = array<i32>} : memref<128x128xf32, #tpu.memory_space<vmem>>, vector<1x16xf32>,
    }
    %scan3A_6 = arith.constant 128 : i32
    %mul3A_7 = arith.constant 640 : i32
    %mul3A_8 = arith.muli %arg1, %mul3A_7 : i32
    %add3A_9 = arith.constant 0 : i32
    %add3A_10 = arith.addi %mul3A_8, %add3A_9 : i32
    "tpu.region"() ({
      %run_scoped3A = tpu.sem_alloc : memref<!tpu.dma_semaphore, #tpu.memory_space<semaphore_mem>>
      %dma_start3A = arith.constant 0 : i32
      %dma_start3A_39 = tpu.memref_slice %arg15[%add3A_10, %dma_start3A] : memref<10240x128xf32, #tpu.memory_space<vmem_shared>> -> memref<128x128xf32, #tpu.memory_space<vmem_shared>>
      %dma_start3A_40 = arith.constant 0 : i32
      %dma_start3A_41 = tpu.memref_slice %arg15[%add3A_10, %dma_start3A_40] : memref<10240x128xf32, #tpu.memory_space<vmem_shared>> -> memref<128x128xf32, #tpu.memory_space<vmem_shared>>
      tpu.enqueue_dma source(%arg14 : memref<128x128xf32, #tpu.memory_space<vmem>>) target(%dma_start3A_41 : memref<128x128xf32, #tpu.memory_space<vmem_shared>>) target_semaphore(%run_scoped3A : memref<!tpu.dma_semaphore, #tpu.memory_space<semaphore_mem>>)
      %dma_wait3A = arith.constant 0 : i32
      %dma_wait3A_42 = tpu.memref_slice %arg15[%add3A_10, %dma_wait3A] : memref<10240x128xf32, #tpu.memory_space<vmem_shared>> -> memref<128x128xf32, #tpu.memory_space<vmem_shared>>
      %dma_wait3A_43 = arith.constant 0 : i32
      %dma_wait3A_44 = tpu.memref_slice %arg15[%add3A_10, %dma_wait3A_43] : memref<10240x128xf32, #tpu.memory_space<vmem_shared>> -> memref<128x128xf32, #tpu.memory_space<vmem_shared>>
      tpu.wait_dma2 semaphore(%run_scoped3A : memref<!tpu.dma_semaphore, #tpu.memory_space<semaphore_mem>>) src(%arg14 : memref<128x128xf32, #tpu.memory_space<vmem>>) dst(%dma_wait3A_44 : memref<128x128xf32, #tpu.memory_space<vmem_shared>>)
      tpu.yield
    }) : () -> ()
    %mul3A_11 = arith.constant 640 : i32
    %mul3A_12 = arith.muli %arg1, %mul3A_11 : i32
    %add3A_13 = arith.constant 128 : i32
    %add3A_14 = arith.addi %mul3A_12, %add3A_13 : i32
    "tpu.region"() ({
      %run_scoped3A = tpu.sem_alloc : memref<!tpu.dma_semaphore, #tpu.memory_space<semaphore_mem>>
      %dma_start3A = arith.constant 0 : i32
      %dma_start3A_39 = tpu.memref_slice %arg15[%add3A_14, %dma_start3A] : memref<10240x128xf32, #tpu.memory_space<vmem_shared>> -> memref<128x128xf32, #tpu.memory_space<vmem_shared>>
      %dma_start3A_40 = arith.constant 0 : i32
      %dma_start3A_41 = tpu.memref_slice %arg15[%add3A_14, %dma_start3A_40] : memref<10240x128xf32, #tpu.memory_space<vmem_shared>> -> memref<128x128xf32, #tpu.memory_space<vmem_shared>>
      tpu.enqueue_dma source(%arg14 : memref<128x128xf32, #tpu.memory_space<vmem>>) target(%dma_start3A_41 : memref<128x128xf32, #tpu.memory_space<vmem_shared>>) target_semaphore(%run_scoped3A : memref<!tpu.dma_semaphore, #tpu.memory_space<semaphore_mem>>)
      %dma_wait3A = arith.constant 0 : i32
      %dma_wait3A_42 = tpu.memref_slice %arg15[%add3A_14, %dma_wait3A] : memref<10240x128xf32, #tpu.memory_space<vmem_shared>> -> memref<128x128xf32, #tpu.memory_space<vmem_shared>>
      %dma_wait3A_43 = arith.constant 0 : i32
      %dma_wait3A_44 = tpu.memref_slice %arg15[%add3A_14, %dma_wait3A_43] : memref<10240x128xf32, #tpu.memory_space<vmem_shared>> -> memref<128x128xf32, #tpu.memory_space<vmem_shared>>
      tpu.wait_dma2 semaphore(%run_scoped3A : memref<!tpu.dma_semaphore, #tpu.memory_space<semaphore_mem>>) src(%arg14 : memref<128x128xf32, #tpu.memory_space<vmem>>) dst(%dma_wait3A_44 : memref<128x128xf32, #tpu.memory_space<vmem_shared>>)
      tpu.yield
    }) : () -> ()
    %mul3A_15 = arith.constant 640 : i32
    %mul3A_16 = arith.muli %arg1, %mul3A_15 : i32
    %add3A_17 = arith.constant 256 : i32
    %add3A_18 = arith.addi %mul3A_16, %add3A_17 : i32
    "tpu.region"() ({
      %run_scoped3A = tpu.sem_alloc : memref<!tpu.dma_semaphore, #tpu.memory_space<semaphore_mem>>
      %dma_start3A = arith.constant 0 : i32
      %dma_start3A_39 = tpu.memref_slice %arg15[%add3A_18, %dma_start3A] : memref<10240x128xf32, #tpu.memory_space<vmem_shared>> -> memref<128x128xf32, #tpu.memory_space<vmem_shared>>
      %dma_start3A_40 = arith.constant 0 : i32
      %dma_start3A_41 = tpu.memref_slice %arg15[%add3A_18, %dma_start3A_40] : memref<10240x128xf32, #tpu.memory_space<vmem_shared>> -> memref<128x128xf32, #tpu.memory_space<vmem_shared>>
      tpu.enqueue_dma source(%arg14 : memref<128x128xf32, #tpu.memory_space<vmem>>) target(%dma_start3A_41 : memref<128x128xf32, #tpu.memory_space<vmem_shared>>) target_semaphore(%run_scoped3A : memref<!tpu.dma_semaphore, #tpu.memory_space<semaphore_mem>>)
      %dma_wait3A = arith.constant 0 : i32
      %dma_wait3A_42 = tpu.memref_slice %arg15[%add3A_18, %dma_wait3A] : memref<10240x128xf32, #tpu.memory_space<vmem_shared>> -> memref<128x128xf32, #tpu.memory_space<vmem_shared>>
      %dma_wait3A_43 = arith.constant 0 : i32
      %dma_wait3A_44 = tpu.memref_slice %arg15[%add3A_18, %dma_wait3A_43] : memref<10240x128xf32, #tpu.memory_space<vmem_shared>> -> memref<128x128xf32, #tpu.memory_space<vmem_shared>>
      tpu.wait_dma2 semaphore(%run_scoped3A : memref<!tpu.dma_semaphore, #tpu.memory_space<semaphore_mem>>) src(%arg14 : memref<128x128xf32, #tpu.memory_space<vmem>>) dst(%dma_wait3A_44 : memref<128x128xf32, #tpu.memory_space<vmem_shared>>)
      tpu.yield
    }) : () -> ()
    %mul3A_19 = arith.constant 640 : i32
    %mul3A_20 = arith.muli %arg1, %mul3A_19 : i32
    %add3A_21 = arith.constant 384 : i32
    %add3A_22 = arith.addi %mul3A_20, %add3A_21 : i32
    "tpu.region"() ({
      %run_scoped3A = tpu.sem_alloc : memref<!tpu.dma_semaphore, #tpu.memory_space<semaphore_mem>>
      %dma_start3A = arith.constant 0 : i32
      %dma_start3A_39 = tpu.memref_slice %arg15[%add3A_22, %dma_start3A] : memref<10240x128xf32, #tpu.memory_space<vmem_shared>> -> memref<128x128xf32, #tpu.memory_space<vmem_shared>>
      %dma_start3A_40 = arith.constant 0 : i32
      %dma_start3A_41 = tpu.memref_slice %arg15[%add3A_22, %dma_start3A_40] : memref<10240x128xf32, #tpu.memory_space<vmem_shared>> -> memref<128x128xf32, #tpu.memory_space<vmem_shared>>
      tpu.enqueue_dma source(%arg14 : memref<128x128xf32, #tpu.memory_space<vmem>>) target(%dma_start3A_41 : memref<128x128xf32, #tpu.memory_space<vmem_shared>>) target_semaphore(%run_scoped3A : memref<!tpu.dma_semaphore, #tpu.memory_space<semaphore_mem>>)
      %dma_wait3A = arith.constant 0 : i32
      %dma_wait3A_42 = tpu.memref_slice %arg15[%add3A_22, %dma_wait3A] : memref<10240x128xf32, #tpu.memory_space<vmem_shared>> -> memref<128x128xf32, #tpu.memory_space<vmem_shared>>
      %dma_wait3A_43 = arith.constant 0 : i32
      %dma_wait3A_44 = tpu.memref_slice %arg15[%add3A_22, %dma_wait3A_43] : memref<10240x128xf32, #tpu.memory_space<vmem_shared>> -> memref<128x128xf32, #tpu.memory_space<vmem_shared>>
      tpu.wait_dma2 semaphore(%run_scoped3A : memref<!tpu.dma_semaphore, #tpu.memory_space<semaphore_mem>>) src(%arg14 : memref<128x128xf32, #tpu.memory_space<vmem>>) dst(%dma_wait3A_44 : memref<128x128xf32, #tpu.memory_space<vmem_shared>>)
      tpu.yield
    }) : () -> ()
    %mul3A_23 = arith.constant 640 : i32
    %mul3A_24 = arith.muli %arg1, %mul3A_23 : i32
    %add3A_25 = arith.constant 512 : i32
    %add3A_26 = arith.addi %mul3A_24, %add3A_25 : i32
    "tpu.region"() ({
      %run_scoped3A = tpu.sem_alloc : memref<!tpu.dma_semaphore, #tpu.memory_space<semaphore_mem>>
      %dma_start3A = arith.constant 0 : i32
      %dma_start3A_39 = tpu.memref_slice %arg15[%add3A_26, %dma_start3A] : memref<10240x128xf32, #tpu.memory_space<vmem_shared>> -> memref<128x128xf32, #tpu.memory_space<vmem_shared>>
      %dma_start3A_40 = arith.constant 0 : i32
      %dma_start3A_41 = tpu.memref_slice %arg15[%add3A_26, %dma_start3A_40] : memref<10240x128xf32, #tpu.memory_space<vmem_shared>> -> memref<128x128xf32, #tpu.memory_space<vmem_shared>>
      tpu.enqueue_dma source(%arg14 : memref<128x128xf32, #tpu.memory_space<vmem>>) target(%dma_start3A_41 : memref<128x128xf32, #tpu.memory_space<vmem_shared>>) target_semaphore(%run_scoped3A : memref<!tpu.dma_semaphore, #tpu.memory_space<semaphore_mem>>)
      %dma_wait3A = arith.constant 0 : i32
      %dma_wait3A_42 = tpu.memref_slice %arg15[%add3A_26, %dma_wait3A] : memref<10240x128xf32, #tpu.memory_space<vmem_shared>> -> memref<128x128xf32, #tpu.memory_space<vmem_shared>>
      %dma_wait3A_43 = arith.constant 0 : i32
      %dma_wait3A_44 = tpu.memref_slice %arg15[%add3A_26, %dma_wait3A_43] : memref<10240x128xf32, #tpu.memory_space<vmem_shared>> -> memref<128x128xf32, #tpu.memory_space<vmem_shared>>
      tpu.wait_dma2 semaphore(%run_scoped3A : memref<!tpu.dma_semaphore, #tpu.memory_space<semaphore_mem>>) src(%arg14 : memref<128x128xf32, #tpu.memory_space<vmem>>) dst(%dma_wait3A_44 : memref<128x128xf32, #tpu.memory_space<vmem_shared>>)
      tpu.yield
    }) : () -> ()
    %barrier3A = arith.constant 0 : index
    tpu.barrier barrier_id(%barrier3A)
    %scan3A_27 = arith.constant 0 : i32
    %scan3A_28 = arith.constant 0 : i32
    %scan3A_29 = arith.constant 125 : i32
    %scan3A_30 = arith.addi %scan3A_28, %scan3A_29 : i32
    %scan3A_31 = arith.constant 1 : i32
    scf.for %scan3A_39 = %scan3A_28 to %scan3A_30 step %scan3A_31  : i32 {
      %mul3A_40 = arith.constant 10000 : i32
      %mul3A_41 = arith.muli %add3A, %mul3A_40 : i32
      %mul3A_42 = arith.constant 80 : i32
      %mul3A_43 = arith.muli %scan3A_39, %mul3A_42 : i32
      %add3A_44 = arith.addi %mul3A_41, %mul3A_43 : i32
      "tpu.region"() ({
        %run_scoped3A = tpu.sem_alloc : memref<!tpu.dma_semaphore, #tpu.memory_space<semaphore_mem>>
        %dma_start3A_123 = tpu.memref_slice %arg3[%add3A_44] : memref<320000xi32, #tpu.memory_space<hbm>> -> memref<80xi32, #tpu.memory_space<hbm>>
        %dma_start3A_124 = tpu.memref_slice %arg3[%add3A_44] : memref<320000xi32, #tpu.memory_space<hbm>> -> memref<80xi32, #tpu.memory_space<hbm>>
        tpu.enqueue_dma source(%dma_start3A_124 : memref<80xi32, #tpu.memory_space<hbm>>) target(%arg8 : memref<80xi32, #tpu.memory_space<vmem>>) target_semaphore(%run_scoped3A : memref<!tpu.dma_semaphore, #tpu.memory_space<semaphore_mem>>)
        %dma_wait3A_125 = tpu.memref_slice %arg3[%add3A_44] : memref<320000xi32, #tpu.memory_space<hbm>> -> memref<80xi32, #tpu.memory_space<hbm>>
        %dma_wait3A_126 = tpu.memref_slice %arg3[%add3A_44] : memref<320000xi32, #tpu.memory_space<hbm>> -> memref<80xi32, #tpu.memory_space<hbm>>
        tpu.wait_dma2 semaphore(%run_scoped3A : memref<!tpu.dma_semaphore, #tpu.memory_space<semaphore_mem>>) src(%dma_wait3A_126 : memref<80xi32, #tpu.memory_space<hbm>>) dst(%arg8 : memref<80xi32, #tpu.memory_space<vmem>>)
        tpu.yield
      }) : () -> ()
      "tpu.region"() ({
        %run_scoped3A = tpu.sem_alloc : memref<!tpu.dma_semaphore, #tpu.memory_space<semaphore_mem>>
        %dma_start3A_123 = tpu.memref_slice %arg4[%add3A_44] : memref<320000xi32, #tpu.memory_space<hbm>> -> memref<80xi32, #tpu.memory_space<hbm>>
        %dma_start3A_124 = tpu.memref_slice %arg4[%add3A_44] : memref<320000xi32, #tpu.memory_space<hbm>> -> memref<80xi32, #tpu.memory_space<hbm>>
        tpu.enqueue_dma source(%dma_start3A_124 : memref<80xi32, #tpu.memory_space<hbm>>) target(%arg9 : memref<80xi32, #tpu.memory_space<vmem>>) target_semaphore(%run_scoped3A : memref<!tpu.dma_semaphore, #tpu.memory_space<semaphore_mem>>)
        %dma_wait3A_125 = tpu.memref_slice %arg4[%add3A_44] : memref<320000xi32, #tpu.memory_space<hbm>> -> memref<80xi32, #tpu.memory_space<hbm>>
        %dma_wait3A_126 = tpu.memref_slice %arg4[%add3A_44] : memref<320000xi32, #tpu.memory_space<hbm>> -> memref<80xi32, #tpu.memory_space<hbm>>
        tpu.wait_dma2 semaphore(%run_scoped3A : memref<!tpu.dma_semaphore, #tpu.memory_space<semaphore_mem>>) src(%dma_wait3A_126 : memref<80xi32, #tpu.memory_space<hbm>>) dst(%arg9 : memref<80xi32, #tpu.memory_space<vmem>>)
        tpu.yield
      }) : () -> ()
      "tpu.region"() ({
        %run_scoped3A = tpu.sem_alloc : memref<!tpu.dma_semaphore, #tpu.memory_space<semaphore_mem>>
        %dma_start3A_123 = tpu.memref_slice %arg5[%add3A_44] : memref<320000xi32, #tpu.memory_space<hbm>> -> memref<80xi32, #tpu.memory_space<hbm>>
        %dma_start3A_124 = tpu.memref_slice %arg5[%add3A_44] : memref<320000xi32, #tpu.memory_space<hbm>> -> memref<80xi32, #tpu.memory_space<hbm>>
        tpu.enqueue_dma source(%dma_start3A_124 : memref<80xi32, #tpu.memory_space<hbm>>) target(%arg10 : memref<80xi32, #tpu.memory_space<vmem>>) target_semaphore(%run_scoped3A : memref<!tpu.dma_semaphore, #tpu.memory_space<semaphore_mem>>)
        %dma_wait3A_125 = tpu.memref_slice %arg5[%add3A_44] : memref<320000xi32, #tpu.memory_space<hbm>> -> memref<80xi32, #tpu.memory_space<hbm>>
        %dma_wait3A_126 = tpu.memref_slice %arg5[%add3A_44] : memref<320000xi32, #tpu.memory_space<hbm>> -> memref<80xi32, #tpu.memory_space<hbm>>
        tpu.wait_dma2 semaphore(%run_scoped3A : memref<!tpu.dma_semaphore, #tpu.memory_space<semaphore_mem>>) src(%dma_wait3A_126 : memref<80xi32, #tpu.memory_space<hbm>>) dst(%arg10 : memref<80xi32, #tpu.memory_space<vmem>>)
        tpu.yield
      }) : () -> ()
      "tpu.region"() ({
        %run_scoped3A = tpu.sem_alloc : memref<!tpu.dma_semaphore, #tpu.memory_space<semaphore_mem>>
        %dma_start3A_123 = tpu.memref_slice %arg6[%add3A_44] : memref<320000xf32, #tpu.memory_space<hbm>> -> memref<80xf32, #tpu.memory_space<hbm>>
        %dma_start3A_124 = tpu.memref_slice %arg6[%add3A_44] : memref<320000xf32, #tpu.memory_space<hbm>> -> memref<80xf32, #tpu.memory_space<hbm>>
        tpu.enqueue_dma source(%dma_start3A_124 : memref<80xf32, #tpu.memory_space<hbm>>) target(%arg11 : memref<80xf32, #tpu.memory_space<vmem>>) target_semaphore(%run_scoped3A : memref<!tpu.dma_semaphore, #tpu.memory_space<semaphore_mem>>)
        %dma_wait3A_125 = tpu.memref_slice %arg6[%add3A_44] : memref<320000xf32, #tpu.memory_space<hbm>> -> memref<80xf32, #tpu.memory_space<hbm>>
        %dma_wait3A_126 = tpu.memref_slice %arg6[%add3A_44] : memref<320000xf32, #tpu.memory_space<hbm>> -> memref<80xf32, #tpu.memory_space<hbm>>
        tpu.wait_dma2 semaphore(%run_scoped3A : memref<!tpu.dma_semaphore, #tpu.memory_space<semaphore_mem>>) src(%dma_wait3A_126 : memref<80xf32, #tpu.memory_space<hbm>>) dst(%arg11 : memref<80xf32, #tpu.memory_space<vmem>>)
        tpu.yield
      }) : () -> ()
      %get3A = arith.constant 0 : index
      %get3A_45 = tpu.vector_load %arg9[%get3A] {strides = array<i32>} : memref<80xi32, #tpu.memory_space<vmem>>, vector<16xi32>,
      %get3A_46 = vector.shape_cast %get3A_45 : vector<16xi32> to vector<16xi32>
      %mul3A_47 = arith.constant 10000 : i32
      %mul3A_48 = vector.broadcast %mul3A_47 : i32 to vector<16xi32>
      %mul3A_49 = arith.muli %get3A_46, %mul3A_48 : vector<16xi32>
      %get3A_50 = arith.constant 0 : index
      %get3A_51 = tpu.vector_load %arg8[%get3A_50] {strides = array<i32>} : memref<80xi32, #tpu.memory_space<vmem>>, vector<16xi32>,
      %get3A_52 = vector.shape_cast %get3A_51 : vector<16xi32> to vector<16xi32>
      %add3A_53 = arith.addi %mul3A_49, %get3A_52 : vector<16xi32>
      %swap3A = arith.constant 0 : index
      %swap3A_54 = tpu.vector_load %arg12[%swap3A] {strides = array<i32>} : memref<80xi32, #tpu.memory_space<vmem>>, vector<16xi32>,
      %swap3A_55 = vector.shape_cast %swap3A_54 : vector<16xi32> to vector<16xi32>
      %swap3A_56 = vector.shape_cast %add3A_53 : vector<16xi32> to vector<16xi32>
      tpu.vector_store %arg12[%swap3A], %swap3A_56 {strides = array<i32>} : memref<80xi32, #tpu.memory_space<vmem>>, vector<16xi32>,
      %get3A_57 = arith.constant 16 : index
      %get3A_58 = tpu.vector_load %arg9[%get3A_57] {strides = array<i32>} : memref<80xi32, #tpu.memory_space<vmem>>, vector<16xi32>,
      %get3A_59 = vector.shape_cast %get3A_58 : vector<16xi32> to vector<16xi32>
      %mul3A_60 = arith.constant 10000 : i32
      %mul3A_61 = vector.broadcast %mul3A_60 : i32 to vector<16xi32>
      %mul3A_62 = arith.muli %get3A_59, %mul3A_61 : vector<16xi32>
      %get3A_63 = arith.constant 16 : index
      %get3A_64 = tpu.vector_load %arg8[%get3A_63] {strides = array<i32>} : memref<80xi32, #tpu.memory_space<vmem>>, vector<16xi32>,
      %get3A_65 = vector.shape_cast %get3A_64 : vector<16xi32> to vector<16xi32>
      %add3A_66 = arith.addi %mul3A_62, %get3A_65 : vector<16xi32>
      %swap3A_67 = arith.constant 16 : index
      %swap3A_68 = tpu.vector_load %arg12[%swap3A_67] {strides = array<i32>} : memref<80xi32, #tpu.memory_space<vmem>>, vector<16xi32>,
      %swap3A_69 = vector.shape_cast %swap3A_68 : vector<16xi32> to vector<16xi32>
      %swap3A_70 = vector.shape_cast %add3A_66 : vector<16xi32> to vector<16xi32>
      tpu.vector_store %arg12[%swap3A_67], %swap3A_70 {strides = array<i32>} : memref<80xi32, #tpu.memory_space<vmem>>, vector<16xi32>,
      %get3A_71 = arith.constant 32 : index
      %get3A_72 = tpu.vector_load %arg9[%get3A_71] {strides = array<i32>} : memref<80xi32, #tpu.memory_space<vmem>>, vector<16xi32>,
      %get3A_73 = vector.shape_cast %get3A_72 : vector<16xi32> to vector<16xi32>
      %mul3A_74 = arith.constant 10000 : i32
      %mul3A_75 = vector.broadcast %mul3A_74 : i32 to vector<16xi32>
      %mul3A_76 = arith.muli %get3A_73, %mul3A_75 : vector<16xi32>
      %get3A_77 = arith.constant 32 : index
      %get3A_78 = tpu.vector_load %arg8[%get3A_77] {strides = array<i32>} : memref<80xi32, #tpu.memory_space<vmem>>, vector<16xi32>,
      %get3A_79 = vector.shape_cast %get3A_78 : vector<16xi32> to vector<16xi32>
      %add3A_80 = arith.addi %mul3A_76, %get3A_79 : vector<16xi32>
      %swap3A_81 = arith.constant 32 : index
      %swap3A_82 = tpu.vector_load %arg12[%swap3A_81] {strides = array<i32>} : memref<80xi32, #tpu.memory_space<vmem>>, vector<16xi32>,
      %swap3A_83 = vector.shape_cast %swap3A_82 : vector<16xi32> to vector<16xi32>
      %swap3A_84 = vector.shape_cast %add3A_80 : vector<16xi32> to vector<16xi32>
      tpu.vector_store %arg12[%swap3A_81], %swap3A_84 {strides = array<i32>} : memref<80xi32, #tpu.memory_space<vmem>>, vector<16xi32>,
      %get3A_85 = arith.constant 48 : index
      %get3A_86 = tpu.vector_load %arg9[%get3A_85] {strides = array<i32>} : memref<80xi32, #tpu.memory_space<vmem>>, vector<16xi32>,
      %get3A_87 = vector.shape_cast %get3A_86 : vector<16xi32> to vector<16xi32>
      %mul3A_88 = arith.constant 10000 : i32
      %mul3A_89 = vector.broadcast %mul3A_88 : i32 to vector<16xi32>
      %mul3A_90 = arith.muli %get3A_87, %mul3A_89 : vector<16xi32>
      %get3A_91 = arith.constant 48 : index
      %get3A_92 = tpu.vector_load %arg8[%get3A_91] {strides = array<i32>} : memref<80xi32, #tpu.memory_space<vmem>>, vector<16xi32>,
      %get3A_93 = vector.shape_cast %get3A_92 : vector<16xi32> to vector<16xi32>
      %add3A_94 = arith.addi %mul3A_90, %get3A_93 : vector<16xi32>
      %swap3A_95 = arith.constant 48 : index
      %swap3A_96 = tpu.vector_load %arg12[%swap3A_95] {strides = array<i32>} : memref<80xi32, #tpu.memory_space<vmem>>, vector<16xi32>,
      %swap3A_97 = vector.shape_cast %swap3A_96 : vector<16xi32> to vector<16xi32>
      %swap3A_98 = vector.shape_cast %add3A_94 : vector<16xi32> to vector<16xi32>
      tpu.vector_store %arg12[%swap3A_95], %swap3A_98 {strides = array<i32>} : memref<80xi32, #tpu.memory_space<vmem>>, vector<16xi32>,
      %get3A_99 = arith.constant 64 : index
      %get3A_100 = tpu.vector_load %arg9[%get3A_99] {strides = array<i32>} : memref<80xi32, #tpu.memory_space<vmem>>, vector<16xi32>,
      %get3A_101 = vector.shape_cast %get3A_100 : vector<16xi32> to vector<16xi32>
      %mul3A_102 = arith.constant 10000 : i32
      %mul3A_103 = vector.broadcast %mul3A_102 : i32 to vector<16xi32>
      %mul3A_104 = arith.muli %get3A_101, %mul3A_103 : vector<16xi32>
      %get3A_105 = arith.constant 64 : index
      %get3A_106 = tpu.vector_load %arg8[%get3A_105] {strides = array<i32>} : memref<80xi32, #tpu.memory_space<vmem>>, vector<16xi32>,
      %get3A_107 = vector.shape_cast %get3A_106 : vector<16xi32> to vector<16xi32>
      %add3A_108 = arith.addi %mul3A_104, %get3A_107 : vector<16xi32>
      %swap3A_109 = arith.constant 64 : index
      %swap3A_110 = tpu.vector_load %arg12[%swap3A_109] {strides = array<i32>} : memref<80xi32, #tpu.memory_space<vmem>>, vector<16xi32>,
      %swap3A_111 = vector.shape_cast %swap3A_110 : vector<16xi32> to vector<16xi32>
      %swap3A_112 = vector.shape_cast %add3A_108 : vector<16xi32> to vector<16xi32>
      tpu.vector_store %arg12[%swap3A_109], %swap3A_112 {strides = array<i32>} : memref<80xi32, #tpu.memory_space<vmem>>, vector<16xi32>,
      %dma_start3A = arith.constant 0 : i32
      %dma_start3A_113 = arith.constant 0 : i32
      %dma_start3A_114 = tpu.memref_slice %arg2[%dma_start3A, %dma_start3A_113] : memref<80000x128xf32, #tpu.memory_space<hbm>> -> memref<80000x128xf32, #tpu.memory_space<hbm>>
      tpu.enqueue_indirect_dma source(%dma_start3A_114 : memref<80000x128xf32, #tpu.memory_space<hbm>>) target(%arg13 : memref<80x128xf32, #tpu.memory_space<vmem>>) offsets(%arg12 : memref<80xi32, #tpu.memory_space<vmem>>) semaphore(%arg16 : memref<!tpu.dma_semaphore, #tpu.memory_space<semaphore_mem>>)
      %dma_wait3A = arith.constant 0 : i32
      %dma_wait3A_115 = arith.constant 0 : i32
      %dma_wait3A_116 = tpu.memref_slice %arg2[%dma_wait3A, %dma_wait3A_115] : memref<80000x128xf32, #tpu.memory_space<hbm>> -> memref<80000x128xf32, #tpu.memory_space<hbm>>
      tpu.wait_indirect_dma semaphore(%arg16 : memref<!tpu.dma_semaphore, #tpu.memory_space<semaphore_mem>>) src(%dma_wait3A_116 : memref<80000x128xf32, #tpu.memory_space<hbm>>) dst(%arg13 : memref<80x128xf32, #tpu.memory_space<vmem>>)
      %scan3A_117 = arith.constant 0 : i32
      %scan3A_118 = arith.constant 0 : i32
      %scan3A_119 = arith.constant 5 : i32
      %scan3A_120 = arith.addi %scan3A_118, %scan3A_119 : i32
      %scan3A_121 = arith.constant 1 : i32
      scf.for %scan3A_123 = %scan3A_118 to %scan3A_120 step %scan3A_121  : i32 {
        %mul3A_124 = arith.constant 16 : i32
        %mul3A_125 = arith.muli %scan3A_123, %mul3A_124 : i32
        %get3A_126 = arith.index_cast %mul3A_125 : i32 to index
        %get3A_127 = tpu.vector_load %arg11[%get3A_126] {strides = array<i32>} : memref<80xf32, #tpu.memory_space<vmem>>, vector<16xf32>,
        %get3A_128 = vector.shape_cast %get3A_127 : vector<16xf32> to vector<16xf32>
        %broadcast_in_dim3A_129 = arith.constant 0 : i32
        %broadcast_in_dim3A_130 = vector.broadcast %broadcast_in_dim3A_129 : i32 to vector<16xi32>
        %lt3A = arith.constant 0 : i32
        %lt3A_131 = vector.broadcast %lt3A : i32 to vector<16xi32>
        %lt3A_132 = arith.cmpi slt, %broadcast_in_dim3A_130, %lt3A_131 : vector<16xi32>
        %add3A_133 = arith.constant 16 : i32
        %add3A_134 = vector.broadcast %add3A_133 : i32 to vector<16xi32>
        %add3A_135 = arith.addi %broadcast_in_dim3A_130, %add3A_134 : vector<16xi32>
        %select_n3A = arith.select %lt3A_132, %add3A_135, %broadcast_in_dim3A_130 : vector<16xi1>, vector<16xi32>
        %broadcast_in_dim3A_136 = vector.shape_cast %select_n3A : vector<16xi32> to vector<16x1xi32>
        %gather3A = vector.shape_cast %broadcast_in_dim3A_136 : vector<16x1xi32> to vector<16xi32>
        %gather3A_137 = tpu.dynamic_gather %get3A_128[%gather3A] in [0] : vector<16xf32>, vector<16xi32> -> vector<16xf32>
        %mul3A_138 = arith.constant 16 : i32
        %mul3A_139 = arith.muli %scan3A_123, %mul3A_138 : i32
        %add3A_140 = arith.constant 0 : i32
        %add3A_141 = arith.addi %mul3A_139, %add3A_140 : i32
        %get3A_142 = arith.index_cast %add3A_141 : i32 to index
        %get3A_143 = arith.constant 0 : index
        %get3A_144 = tpu.vector_load %arg13[%get3A_142, %get3A_143] {strides = array<i32>} : memref<80x128xf32, #tpu.memory_space<vmem>>, vector<1x16xf32>,
        %get3A_145 = vector.shape_cast %get3A_144 : vector<1x16xf32> to vector<16xf32>
        %mul3A_146 = arith.mulf %get3A_145, %gather3A_137 : vector<16xf32>
        %swap3A_147 = arith.index_cast %add3A_141 : i32 to index
        %swap3A_148 = arith.constant 0 : index
        %swap3A_149 = tpu.vector_load %arg13[%swap3A_147, %swap3A_148] {strides = array<i32>} : memref<80x128xf32, #tpu.memory_space<vmem>>, vector<1x16xf32>,
        %swap3A_150 = vector.shape_cast %swap3A_149 : vector<1x16xf32> to vector<16xf32>
        %swap3A_151 = vector.shape_cast %mul3A_146 : vector<16xf32> to vector<1x16xf32>
        tpu.vector_store %arg13[%swap3A_147, %swap3A_148], %swap3A_151 {strides = array<i32>} : memref<80x128xf32, #tpu.memory_space<vmem>>, vector<1x16xf32>,
        %get3A_152 = arith.index_cast %add3A_141 : i32 to index
        %get3A_153 = arith.constant 16 : index
        %get3A_154 = tpu.vector_load %arg13[%get3A_152, %get3A_153] {strides = array<i32>} : memref<80x128xf32, #tpu.memory_space<vmem>>, vector<1x16xf32>,
        %get3A_155 = vector.shape_cast %get3A_154 : vector<1x16xf32> to vector<16xf32>
        %mul3A_156 = arith.mulf %get3A_155, %gather3A_137 : vector<16xf32>
        %swap3A_157 = arith.index_cast %add3A_141 : i32 to index
        %swap3A_158 = arith.constant 16 : index
        %swap3A_159 = tpu.vector_load %arg13[%swap3A_157, %swap3A_158] {strides = array<i32>} : memref<80x128xf32, #tpu.memory_space<vmem>>, vector<1x16xf32>,
        %swap3A_160 = vector.shape_cast %swap3A_159 : vector<1x16xf32> to vector<16xf32>
        %swap3A_161 = vector.shape_cast %mul3A_156 : vector<16xf32> to vector<1x16xf32>
        tpu.vector_store %arg13[%swap3A_157, %swap3A_158], %swap3A_161 {strides = array<i32>} : memref<80x128xf32, #tpu.memory_space<vmem>>, vector<1x16xf32>,
        %get3A_162 = arith.index_cast %add3A_141 : i32 to index
        %get3A_163 = arith.constant 32 : index
        %get3A_164 = tpu.vector_load %arg13[%get3A_162, %get3A_163] {strides = array<i32>} : memref<80x128xf32, #tpu.memory_space<vmem>>, vector<1x16xf32>,
        %get3A_165 = vector.shape_cast %get3A_164 : vector<1x16xf32> to vector<16xf32>
        %mul3A_166 = arith.mulf %get3A_165, %gather3A_137 : vector<16xf32>
        %swap3A_167 = arith.index_cast %add3A_141 : i32 to index
        %swap3A_168 = arith.constant 32 : index
        %swap3A_169 = tpu.vector_load %arg13[%swap3A_167, %swap3A_168] {strides = array<i32>} : memref<80x128xf32, #tpu.memory_space<vmem>>, vector<1x16xf32>,
        %swap3A_170 = vector.shape_cast %swap3A_169 : vector<1x16xf32> to vector<16xf32>
        %swap3A_171 = vector.shape_cast %mul3A_166 : vector<16xf32> to vector<1x16xf32>
        tpu.vector_store %arg13[%swap3A_167, %swap3A_168], %swap3A_171 {strides = array<i32>} : memref<80x128xf32, #tpu.memory_space<vmem>>, vector<1x16xf32>,
        %get3A_172 = arith.index_cast %add3A_141 : i32 to index
        %get3A_173 = arith.constant 48 : index
        %get3A_174 = tpu.vector_load %arg13[%get3A_172, %get3A_173] {strides = array<i32>} : memref<80x128xf32, #tpu.memory_space<vmem>>, vector<1x16xf32>,
        %get3A_175 = vector.shape_cast %get3A_174 : vector<1x16xf32> to vector<16xf32>
        %mul3A_176 = arith.mulf %get3A_175, %gather3A_137 : vector<16xf32>
        %swap3A_177 = arith.index_cast %add3A_141 : i32 to index
        %swap3A_178 = arith.constant 48 : index
        %swap3A_179 = tpu.vector_load %arg13[%swap3A_177, %swap3A_178] {strides = array<i32>} : memref<80x128xf32, #tpu.memory_space<vmem>>, vector<1x16xf32>,
        %swap3A_180 = vector.shape_cast %swap3A_179 : vector<1x16xf32> to vector<16xf32>
        %swap3A_181 = vector.shape_cast %mul3A_176 : vector<16xf32> to vector<1x16xf32>
        tpu.vector_store %arg13[%swap3A_177, %swap3A_178], %swap3A_181 {strides = array<i32>} : memref<80x128xf32, #tpu.memory_space<vmem>>, vector<1x16xf32>,
        %get3A_182 = arith.index_cast %add3A_141 : i32 to index
        %get3A_183 = arith.constant 64 : index
        %get3A_184 = tpu.vector_load %arg13[%get3A_182, %get3A_183] {strides = array<i32>} : memref<80x128xf32, #tpu.memory_space<vmem>>, vector<1x16xf32>,
        %get3A_185 = vector.shape_cast %get3A_184 : vector<1x16xf32> to vector<16xf32>
        %mul3A_186 = arith.mulf %get3A_185, %gather3A_137 : vector<16xf32>
        %swap3A_187 = arith.index_cast %add3A_141 : i32 to index
        %swap3A_188 = arith.constant 64 : index
        %swap3A_189 = tpu.vector_load %arg13[%swap3A_187, %swap3A_188] {strides = array<i32>} : memref<80x128xf32, #tpu.memory_space<vmem>>, vector<1x16xf32>,
        %swap3A_190 = vector.shape_cast %swap3A_189 : vector<1x16xf32> to vector<16xf32>
        %swap3A_191 = vector.shape_cast %mul3A_186 : vector<16xf32> to vector<1x16xf32>
        tpu.vector_store %arg13[%swap3A_187, %swap3A_188], %swap3A_191 {strides = array<i32>} : memref<80x128xf32, #tpu.memory_space<vmem>>, vector<1x16xf32>,
        %get3A_192 = arith.index_cast %add3A_141 : i32 to index
        %get3A_193 = arith.constant 80 : index
        %get3A_194 = tpu.vector_load %arg13[%get3A_192, %get3A_193] {strides = array<i32>} : memref<80x128xf32, #tpu.memory_space<vmem>>, vector<1x16xf32>,
        %get3A_195 = vector.shape_cast %get3A_194 : vector<1x16xf32> to vector<16xf32>
        %mul3A_196 = arith.mulf %get3A_195, %gather3A_137 : vector<16xf32>
        %swap3A_197 = arith.index_cast %add3A_141 : i32 to index
        %swap3A_198 = arith.constant 80 : index
        %swap3A_199 = tpu.vector_load %arg13[%swap3A_197, %swap3A_198] {strides = array<i32>} : memref<80x128xf32, #tpu.memory_space<vmem>>, vector<1x16xf32>,
        %swap3A_200 = vector.shape_cast %swap3A_199 : vector<1x16xf32> to vector<16xf32>
        %swap3A_201 = vector.shape_cast %mul3A_196 : vector<16xf32> to vector<1x16xf32>
        tpu.vector_store %arg13[%swap3A_197, %swap3A_198], %swap3A_201 {strides = array<i32>} : memref<80x128xf32, #tpu.memory_space<vmem>>, vector<1x16xf32>,
        %get3A_202 = arith.index_cast %add3A_141 : i32 to index
        %get3A_203 = arith.constant 96 : index
        %get3A_204 = tpu.vector_load %arg13[%get3A_202, %get3A_203] {strides = array<i32>} : memref<80x128xf32, #tpu.memory_space<vmem>>, vector<1x16xf32>,
        %get3A_205 = vector.shape_cast %get3A_204 : vector<1x16xf32> to vector<16xf32>
        %mul3A_206 = arith.mulf %get3A_205, %gather3A_137 : vector<16xf32>
        %swap3A_207 = arith.index_cast %add3A_141 : i32 to index
        %swap3A_208 = arith.constant 96 : index
        %swap3A_209 = tpu.vector_load %arg13[%swap3A_207, %swap3A_208] {strides = array<i32>} : memref<80x128xf32, #tpu.memory_space<vmem>>, vector<1x16xf32>,
        %swap3A_210 = vector.shape_cast %swap3A_209 : vector<1x16xf32> to vector<16xf32>
        %swap3A_211 = vector.shape_cast %mul3A_206 : vector<16xf32> to vector<1x16xf32>
        tpu.vector_store %arg13[%swap3A_207, %swap3A_208], %swap3A_211 {strides = array<i32>} : memref<80x128xf32, #tpu.memory_space<vmem>>, vector<1x16xf32>,
        %get3A_212 = arith.index_cast %add3A_141 : i32 to index
        %get3A_213 = arith.constant 112 : index
        %get3A_214 = tpu.vector_load %arg13[%get3A_212, %get3A_213] {strides = array<i32>} : memref<80x128xf32, #tpu.memory_space<vmem>>, vector<1x16xf32>,
        %get3A_215 = vector.shape_cast %get3A_214 : vector<1x16xf32> to vector<16xf32>
        %mul3A_216 = arith.mulf %get3A_215, %gather3A_137 : vector<16xf32>
        %swap3A_217 = arith.index_cast %add3A_141 : i32 to index
        %swap3A_218 = arith.constant 112 : index
        %swap3A_219 = tpu.vector_load %arg13[%swap3A_217, %swap3A_218] {strides = array<i32>} : memref<80x128xf32, #tpu.memory_space<vmem>>, vector<1x16xf32>,
        %swap3A_220 = vector.shape_cast %swap3A_219 : vector<1x16xf32> to vector<16xf32>
        %swap3A_221 = vector.shape_cast %mul3A_216 : vector<16xf32> to vector<1x16xf32>
        tpu.vector_store %arg13[%swap3A_217, %swap3A_218], %swap3A_221 {strides = array<i32>} : memref<80x128xf32, #tpu.memory_space<vmem>>, vector<1x16xf32>,
        %broadcast_in_dim3A_222 = arith.constant 1 : i32
        %broadcast_in_dim3A_223 = vector.broadcast %broadcast_in_dim3A_222 : i32 to vector<16xi32>
        %lt3A_224 = arith.constant 0 : i32
        %lt3A_225 = vector.broadcast %lt3A_224 : i32 to vector<16xi32>
        %lt3A_226 = arith.cmpi slt, %broadcast_in_dim3A_223, %lt3A_225 : vector<16xi32>
        %add3A_227 = arith.constant 16 : i32
        %add3A_228 = vector.broadcast %add3A_227 : i32 to vector<16xi32>
        %add3A_229 = arith.addi %broadcast_in_dim3A_223, %add3A_228 : vector<16xi32>
        %select_n3A_230 = arith.select %lt3A_226, %add3A_229, %broadcast_in_dim3A_223 : vector<16xi1>, vector<16xi32>
        %broadcast_in_dim3A_231 = vector.shape_cast %select_n3A_230 : vector<16xi32> to vector<16x1xi32>
        %gather3A_232 = vector.shape_cast %broadcast_in_dim3A_231 : vector<16x1xi32> to vector<16xi32>
        %gather3A_233 = tpu.dynamic_gather %get3A_128[%gather3A_232] in [0] : vector<16xf32>, vector<16xi32> -> vector<16xf32>
        %mul3A_234 = arith.constant 16 : i32
        %mul3A_235 = arith.muli %scan3A_123, %mul3A_234 : i32
        %add3A_236 = arith.constant 1 : i32
        %add3A_237 = arith.addi %mul3A_235, %add3A_236 : i32
        %get3A_238 = arith.index_cast %add3A_237 : i32 to index
        %get3A_239 = arith.constant 0 : index
        %get3A_240 = tpu.vector_load %arg13[%get3A_238, %get3A_239] {strides = array<i32>} : memref<80x128xf32, #tpu.memory_space<vmem>>, vector<1x16xf32>,
        %get3A_241 = vector.shape_cast %get3A_240 : vector<1x16xf32> to vector<16xf32>
        %mul3A_242 = arith.mulf %get3A_241, %gather3A_233 : vector<16xf32>
        %swap3A_243 = arith.index_cast %add3A_237 : i32 to index
        %swap3A_244 = arith.constant 0 : index
        %swap3A_245 = tpu.vector_load %arg13[%swap3A_243, %swap3A_244] {strides = array<i32>} : memref<80x128xf32, #tpu.memory_space<vmem>>, vector<1x16xf32>,
        %swap3A_246 = vector.shape_cast %swap3A_245 : vector<1x16xf32> to vector<16xf32>
        %swap3A_247 = vector.shape_cast %mul3A_242 : vector<16xf32> to vector<1x16xf32>
        tpu.vector_store %arg13[%swap3A_243, %swap3A_244], %swap3A_247 {strides = array<i32>} : memref<80x128xf32, #tpu.memory_space<vmem>>, vector<1x16xf32>,
        %get3A_248 = arith.index_cast %add3A_237 : i32 to index
        %get3A_249 = arith.constant 16 : index
        %get3A_250 = tpu.vector_load %arg13[%get3A_248, %get3A_249] {strides = array<i32>} : memref<80x128xf32, #tpu.memory_space<vmem>>, vector<1x16xf32>,
        %get3A_251 = vector.shape_cast %get3A_250 : vector<1x16xf32> to vector<16xf32>
        %mul3A_252 = arith.mulf %get3A_251, %gather3A_233 : vector<16xf32>
        %swap3A_253 = arith.index_cast %add3A_237 : i32 to index
        %swap3A_254 = arith.constant 16 : index
        %swap3A_255 = tpu.vector_load %arg13[%swap3A_253, %swap3A_254] {strides = array<i32>} : memref<80x128xf32, #tpu.memory_space<vmem>>, vector<1x16xf32>,
        %swap3A_256 = vector.shape_cast %swap3A_255 : vector<1x16xf32> to vector<16xf32>
        %swap3A_257 = vector.shape_cast %mul3A_252 : vector<16xf32> to vector<1x16xf32>
        tpu.vector_store %arg13[%swap3A_253, %swap3A_254], %swap3A_257 {strides = array<i32>} : memref<80x128xf32, #tpu.memory_space<vmem>>, vector<1x16xf32>,
        %get3A_258 = arith.index_cast %add3A_237 : i32 to index
        %get3A_259 = arith.constant 32 : index
        %get3A_260 = tpu.vector_load %arg13[%get3A_258, %get3A_259] {strides = array<i32>} : memref<80x128xf32, #tpu.memory_space<vmem>>, vector<1x16xf32>,
        %get3A_261 = vector.shape_cast %get3A_260 : vector<1x16xf32> to vector<16xf32>
        %mul3A_262 = arith.mulf %get3A_261, %gather3A_233 : vector<16xf32>
        %swap3A_263 = arith.index_cast %add3A_237 : i32 to index
        %swap3A_264 = arith.constant 32 : index
        %swap3A_265 = tpu.vector_load %arg13[%swap3A_263, %swap3A_264] {strides = array<i32>} : memref<80x128xf32, #tpu.memory_space<vmem>>, vector<1x16xf32>,
        %swap3A_266 = vector.shape_cast %swap3A_265 : vector<1x16xf32> to vector<16xf32>
        %swap3A_267 = vector.shape_cast %mul3A_262 : vector<16xf32> to vector<1x16xf32>
        tpu.vector_store %arg13[%swap3A_263, %swap3A_264], %swap3A_267 {strides = array<i32>} : memref<80x128xf32, #tpu.memory_space<vmem>>, vector<1x16xf32>,
        %get3A_268 = arith.index_cast %add3A_237 : i32 to index
        %get3A_269 = arith.constant 48 : index
        %get3A_270 = tpu.vector_load %arg13[%get3A_268, %get3A_269] {strides = array<i32>} : memref<80x128xf32, #tpu.memory_space<vmem>>, vector<1x16xf32>,
        %get3A_271 = vector.shape_cast %get3A_270 : vector<1x16xf32> to vector<16xf32>
        %mul3A_272 = arith.mulf %get3A_271, %gather3A_233 : vector<16xf32>
        %swap3A_273 = arith.index_cast %add3A_237 : i32 to index
        %swap3A_274 = arith.constant 48 : index
        %swap3A_275 = tpu.vector_load %arg13[%swap3A_273, %swap3A_274] {strides = array<i32>} : memref<80x128xf32, #tpu.memory_space<vmem>>, vector<1x16xf32>,
        %swap3A_276 = vector.shape_cast %swap3A_275 : vector<1x16xf32> to vector<16xf32>
        %swap3A_277 = vector.shape_cast %mul3A_272 : vector<16xf32> to vector<1x16xf32>
        tpu.vector_store %arg13[%swap3A_273, %swap3A_274], %swap3A_277 {strides = array<i32>} : memref<80x128xf32, #tpu.memory_space<vmem>>, vector<1x16xf32>,
        %get3A_278 = arith.index_cast %add3A_237 : i32 to index
        %get3A_279 = arith.constant 64 : index
        %get3A_280 = tpu.vector_load %arg13[%get3A_278, %get3A_279] {strides = array<i32>} : memref<80x128xf32, #tpu.memory_space<vmem>>, vector<1x16xf32>,
        %get3A_281 = vector.shape_cast %get3A_280 : vector<1x16xf32> to vector<16xf32>
        %mul3A_282 = arith.mulf %get3A_281, %gather3A_233 : vector<16xf32>
        %swap3A_283 = arith.index_cast %add3A_237 : i32 to index
        %swap3A_284 = arith.constant 64 : index
        %swap3A_285 = tpu.vector_load %arg13[%swap3A_283, %swap3A_284] {strides = array<i32>} : memref<80x128xf32, #tpu.memory_space<vmem>>, vector<1x16xf32>,
        %swap3A_286 = vector.shape_cast %swap3A_285 : vector<1x16xf32> to vector<16xf32>
        %swap3A_287 = vector.shape_cast %mul3A_282 : vector<16xf32> to vector<1x16xf32>
        tpu.vector_store %arg13[%swap3A_283, %swap3A_284], %swap3A_287 {strides = array<i32>} : memref<80x128xf32, #tpu.memory_space<vmem>>, vector<1x16xf32>,
        %get3A_288 = arith.index_cast %add3A_237 : i32 to index
        %get3A_289 = arith.constant 80 : index
        %get3A_290 = tpu.vector_load %arg13[%get3A_288, %get3A_289] {strides = array<i32>} : memref<80x128xf32, #tpu.memory_space<vmem>>, vector<1x16xf32>,
        %get3A_291 = vector.shape_cast %get3A_290 : vector<1x16xf32> to vector<16xf32>
        %mul3A_292 = arith.mulf %get3A_291, %gather3A_233 : vector<16xf32>
        %swap3A_293 = arith.index_cast %add3A_237 : i32 to index
        %swap3A_294 = arith.constant 80 : index
        %swap3A_295 = tpu.vector_load %arg13[%swap3A_293, %swap3A_294] {strides = array<i32>} : memref<80x128xf32, #tpu.memory_space<vmem>>, vector<1x16xf32>,
        %swap3A_296 = vector.shape_cast %swap3A_295 : vector<1x16xf32> to vector<16xf32>
        %swap3A_297 = vector.shape_cast %mul3A_292 : vector<16xf32> to vector<1x16xf32>
        tpu.vector_store %arg13[%swap3A_293, %swap3A_294], %swap3A_297 {strides = array<i32>} : memref<80x128xf32, #tpu.memory_space<vmem>>, vector<1x16xf32>,
        %get3A_298 = arith.index_cast %add3A_237 : i32 to index
        %get3A_299 = arith.constant 96 : index
        %get3A_300 = tpu.vector_load %arg13[%get3A_298, %get3A_299] {strides = array<i32>} : memref<80x128xf32, #tpu.memory_space<vmem>>, vector<1x16xf32>,
        %get3A_301 = vector.shape_cast %get3A_300 : vector<1x16xf32> to vector<16xf32>
        %mul3A_302 = arith.mulf %get3A_301, %gather3A_233 : vector<16xf32>
        %swap3A_303 = arith.index_cast %add3A_237 : i32 to index
        %swap3A_304 = arith.constant 96 : index
        %swap3A_305 = tpu.vector_load %arg13[%swap3A_303, %swap3A_304] {strides = array<i32>} : memref<80x128xf32, #tpu.memory_space<vmem>>, vector<1x16xf32>,
        %swap3A_306 = vector.shape_cast %swap3A_305 : vector<1x16xf32> to vector<16xf32>
        %swap3A_307 = vector.shape_cast %mul3A_302 : vector<16xf32> to vector<1x16xf32>
        tpu.vector_store %arg13[%swap3A_303, %swap3A_304], %swap3A_307 {strides = array<i32>} : memref<80x128xf32, #tpu.memory_space<vmem>>, vector<1x16xf32>,
        %get3A_308 = arith.index_cast %add3A_237 : i32 to index
        %get3A_309 = arith.constant 112 : index
        %get3A_310 = tpu.vector_load %arg13[%get3A_308, %get3A_309] {strides = array<i32>} : memref<80x128xf32, #tpu.memory_space<vmem>>, vector<1x16xf32>,
        %get3A_311 = vector.shape_cast %get3A_310 : vector<1x16xf32> to vector<16xf32>
        %mul3A_312 = arith.mulf %get3A_311, %gather3A_233 : vector<16xf32>
        %swap3A_313 = arith.index_cast %add3A_237 : i32 to index
        %swap3A_314 = arith.constant 112 : index
        %swap3A_315 = tpu.vector_load %arg13[%swap3A_313, %swap3A_314] {strides = array<i32>} : memref<80x128xf32, #tpu.memory_space<vmem>>, vector<1x16xf32>,
        %swap3A_316 = vector.shape_cast %swap3A_315 : vector<1x16xf32> to vector<16xf32>
        %swap3A_317 = vector.shape_cast %mul3A_312 : vector<16xf32> to vector<1x16xf32>
        tpu.vector_store %arg13[%swap3A_313, %swap3A_314], %swap3A_317 {strides = array<i32>} : memref<80x128xf32, #tpu.memory_space<vmem>>, vector<1x16xf32>,
        %broadcast_in_dim3A_318 = arith.constant 2 : i32
        %broadcast_in_dim3A_319 = vector.broadcast %broadcast_in_dim3A_318 : i32 to vector<16xi32>
        %lt3A_320 = arith.constant 0 : i32
        %lt3A_321 = vector.broadcast %lt3A_320 : i32 to vector<16xi32>
        %lt3A_322 = arith.cmpi slt, %broadcast_in_dim3A_319, %lt3A_321 : vector<16xi32>
        %add3A_323 = arith.constant 16 : i32
        %add3A_324 = vector.broadcast %add3A_323 : i32 to vector<16xi32>
        %add3A_325 = arith.addi %broadcast_in_dim3A_319, %add3A_324 : vector<16xi32>
        %select_n3A_326 = arith.select %lt3A_322, %add3A_325, %broadcast_in_dim3A_319 : vector<16xi1>, vector<16xi32>
        %broadcast_in_dim3A_327 = vector.shape_cast %select_n3A_326 : vector<16xi32> to vector<16x1xi32>
        %gather3A_328 = vector.shape_cast %broadcast_in_dim3A_327 : vector<16x1xi32> to vector<16xi32>
        %gather3A_329 = tpu.dynamic_gather %get3A_128[%gather3A_328] in [0] : vector<16xf32>, vector<16xi32> -> vector<16xf32>
        %mul3A_330 = arith.constant 16 : i32
        %mul3A_331 = arith.muli %scan3A_123, %mul3A_330 : i32
        %add3A_332 = arith.constant 2 : i32
        %add3A_333 = arith.addi %mul3A_331, %add3A_332 : i32
        %get3A_334 = arith.index_cast %add3A_333 : i32 to index
        %get3A_335 = arith.constant 0 : index
        %get3A_336 = tpu.vector_load %arg13[%get3A_334, %get3A_335] {strides = array<i32>} : memref<80x128xf32, #tpu.memory_space<vmem>>, vector<1x16xf32>,
        %get3A_337 = vector.shape_cast %get3A_336 : vector<1x16xf32> to vector<16xf32>
        %mul3A_338 = arith.mulf %get3A_337, %gather3A_329 : vector<16xf32>
        %swap3A_339 = arith.index_cast %add3A_333 : i32 to index
        %swap3A_340 = arith.constant 0 : index
        %swap3A_341 = tpu.vector_load %arg13[%swap3A_339, %swap3A_340] {strides = array<i32>} : memref<80x128xf32, #tpu.memory_space<vmem>>, vector<1x16xf32>,
        %swap3A_342 = vector.shape_cast %swap3A_341 : vector<1x16xf32> to vector<16xf32>
        %swap3A_343 = vector.shape_cast %mul3A_338 : vector<16xf32> to vector<1x16xf32>
        tpu.vector_store %arg13[%swap3A_339, %swap3A_340], %swap3A_343 {strides = array<i32>} : memref<80x128xf32, #tpu.memory_space<vmem>>, vector<1x16xf32>,
        %get3A_344 = arith.index_cast %add3A_333 : i32 to index
        %get3A_345 = arith.constant 16 : index
        %get3A_346 = tpu.vector_load %arg13[%get3A_344, %get3A_345] {strides = array<i32>} : memref<80x128xf32, #tpu.memory_space<vmem>>, vector<1x16xf32>,
        %get3A_347 = vector.shape_cast %get3A_346 : vector<1x16xf32> to vector<16xf32>
        %mul3A_348 = arith.mulf %get3A_347, %gather3A_329 : vector<16xf32>
        %swap3A_349 = arith.index_cast %add3A_333 : i32 to index
        %swap3A_350 = arith.constant 16 : index
        %swap3A_351 = tpu.vector_load %arg13[%swap3A_349, %swap3A_350] {strides = array<i32>} : memref<80x128xf32, #tpu.memory_space<vmem>>, vector<1x16xf32>,
        %swap3A_352 = vector.shape_cast %swap3A_351 : vector<1x16xf32> to vector<16xf32>
        %swap3A_353 = vector.shape_cast %mul3A_348 : vector<16xf32> to vector<1x16xf32>
        tpu.vector_store %arg13[%swap3A_349, %swap3A_350], %swap3A_353 {strides = array<i32>} : memref<80x128xf32, #tpu.memory_space<vmem>>, vector<1x16xf32>,
        %get3A_354 = arith.index_cast %add3A_333 : i32 to index
        %get3A_355 = arith.constant 32 : index
        %get3A_356 = tpu.vector_load %arg13[%get3A_354, %get3A_355] {strides = array<i32>} : memref<80x128xf32, #tpu.memory_space<vmem>>, vector<1x16xf32>,
        %get3A_357 = vector.shape_cast %get3A_356 : vector<1x16xf32> to vector<16xf32>
        %mul3A_358 = arith.mulf %get3A_357, %gather3A_329 : vector<16xf32>
        %swap3A_359 = arith.index_cast %add3A_333 : i32 to index
        %swap3A_360 = arith.constant 32 : index
        %swap3A_361 = tpu.vector_load %arg13[%swap3A_359, %swap3A_360] {strides = array<i32>} : memref<80x128xf32, #tpu.memory_space<vmem>>, vector<1x16xf32>,
        %swap3A_362 = vector.shape_cast %swap3A_361 : vector<1x16xf32> to vector<16xf32>
        %swap3A_363 = vector.shape_cast %mul3A_358 : vector<16xf32> to vector<1x16xf32>
        tpu.vector_store %arg13[%swap3A_359, %swap3A_360], %swap3A_363 {strides = array<i32>} : memref<80x128xf32, #tpu.memory_space<vmem>>, vector<1x16xf32>,
        %get3A_364 = arith.index_cast %add3A_333 : i32 to index
        %get3A_365 = arith.constant 48 : index
        %get3A_366 = tpu.vector_load %arg13[%get3A_364, %get3A_365] {strides = array<i32>} : memref<80x128xf32, #tpu.memory_space<vmem>>, vector<1x16xf32>,
        %get3A_367 = vector.shape_cast %get3A_366 : vector<1x16xf32> to vector<16xf32>
        %mul3A_368 = arith.mulf %get3A_367, %gather3A_329 : vector<16xf32>
        %swap3A_369 = arith.index_cast %add3A_333 : i32 to index
        %swap3A_370 = arith.constant 48 : index
        %swap3A_371 = tpu.vector_load %arg13[%swap3A_369, %swap3A_370] {strides = array<i32>} : memref<80x128xf32, #tpu.memory_space<vmem>>, vector<1x16xf32>,
        %swap3A_372 = vector.shape_cast %swap3A_371 : vector<1x16xf32> to vector<16xf32>
        %swap3A_373 = vector.shape_cast %mul3A_368 : vector<16xf32> to vector<1x16xf32>
        tpu.vector_store %arg13[%swap3A_369, %swap3A_370], %swap3A_373 {strides = array<i32>} : memref<80x128xf32, #tpu.memory_space<vmem>>, vector<1x16xf32>,
        %get3A_374 = arith.index_cast %add3A_333 : i32 to index
        %get3A_375 = arith.constant 64 : index
        %get3A_376 = tpu.vector_load %arg13[%get3A_374, %get3A_375] {strides = array<i32>} : memref<80x128xf32, #tpu.memory_space<vmem>>, vector<1x16xf32>,
        %get3A_377 = vector.shape_cast %get3A_376 : vector<1x16xf32> to vector<16xf32>
        %mul3A_378 = arith.mulf %get3A_377, %gather3A_329 : vector<16xf32>
        %swap3A_379 = arith.index_cast %add3A_333 : i32 to index
        %swap3A_380 = arith.constant 64 : index
        %swap3A_381 = tpu.vector_load %arg13[%swap3A_379, %swap3A_380] {strides = array<i32>} : memref<80x128xf32, #tpu.memory_space<vmem>>, vector<1x16xf32>,
        %swap3A_382 = vector.shape_cast %swap3A_381 : vector<1x16xf32> to vector<16xf32>
        %swap3A_383 = vector.shape_cast %mul3A_378 : vector<16xf32> to vector<1x16xf32>
        tpu.vector_store %arg13[%swap3A_379, %swap3A_380], %swap3A_383 {strides = array<i32>} : memref<80x128xf32, #tpu.memory_space<vmem>>, vector<1x16xf32>,
        %get3A_384 = arith.index_cast %add3A_333 : i32 to index
        %get3A_385 = arith.constant 80 : index
        %get3A_386 = tpu.vector_load %arg13[%get3A_384, %get3A_385] {strides = array<i32>} : memref<80x128xf32, #tpu.memory_space<vmem>>, vector<1x16xf32>,
        %get3A_387 = vector.shape_cast %get3A_386 : vector<1x16xf32> to vector<16xf32>
        %mul3A_388 = arith.mulf %get3A_387, %gather3A_329 : vector<16xf32>
        %swap3A_389 = arith.index_cast %add3A_333 : i32 to index
        %swap3A_390 = arith.constant 80 : index
        %swap3A_391 = tpu.vector_load %arg13[%swap3A_389, %swap3A_390] {strides = array<i32>} : memref<80x128xf32, #tpu.memory_space<vmem>>, vector<1x16xf32>,
        %swap3A_392 = vector.shape_cast %swap3A_391 : vector<1x16xf32> to vector<16xf32>
        %swap3A_393 = vector.shape_cast %mul3A_388 : vector<16xf32> to vector<1x16xf32>
        tpu.vector_store %arg13[%swap3A_389, %swap3A_390], %swap3A_393 {strides = array<i32>} : memref<80x128xf32, #tpu.memory_space<vmem>>, vector<1x16xf32>,
        %get3A_394 = arith.index_cast %add3A_333 : i32 to index
        %get3A_395 = arith.constant 96 : index
        %get3A_396 = tpu.vector_load %arg13[%get3A_394, %get3A_395] {strides = array<i32>} : memref<80x128xf32, #tpu.memory_space<vmem>>, vector<1x16xf32>,
        %get3A_397 = vector.shape_cast %get3A_396 : vector<1x16xf32> to vector<16xf32>
        %mul3A_398 = arith.mulf %get3A_397, %gather3A_329 : vector<16xf32>
        %swap3A_399 = arith.index_cast %add3A_333 : i32 to index
        %swap3A_400 = arith.constant 96 : index
        %swap3A_401 = tpu.vector_load %arg13[%swap3A_399, %swap3A_400] {strides = array<i32>} : memref<80x128xf32, #tpu.memory_space<vmem>>, vector<1x16xf32>,
        %swap3A_402 = vector.shape_cast %swap3A_401 : vector<1x16xf32> to vector<16xf32>
        %swap3A_403 = vector.shape_cast %mul3A_398 : vector<16xf32> to vector<1x16xf32>
        tpu.vector_store %arg13[%swap3A_399, %swap3A_400], %swap3A_403 {strides = array<i32>} : memref<80x128xf32, #tpu.memory_space<vmem>>, vector<1x16xf32>,
        %get3A_404 = arith.index_cast %add3A_333 : i32 to index
        %get3A_405 = arith.constant 112 : index
        %get3A_406 = tpu.vector_load %arg13[%get3A_404, %get3A_405] {strides = array<i32>} : memref<80x128xf32, #tpu.memory_space<vmem>>, vector<1x16xf32>,
        %get3A_407 = vector.shape_cast %get3A_406 : vector<1x16xf32> to vector<16xf32>
        %mul3A_408 = arith.mulf %get3A_407, %gather3A_329 : vector<16xf32>
        %swap3A_409 = arith.index_cast %add3A_333 : i32 to index
        %swap3A_410 = arith.constant 112 : index
        %swap3A_411 = tpu.vector_load %arg13[%swap3A_409, %swap3A_410] {strides = array<i32>} : memref<80x128xf32, #tpu.memory_space<vmem>>, vector<1x16xf32>,
        %swap3A_412 = vector.shape_cast %swap3A_411 : vector<1x16xf32> to vector<16xf32>
        %swap3A_413 = vector.shape_cast %mul3A_408 : vector<16xf32> to vector<1x16xf32>
        tpu.vector_store %arg13[%swap3A_409, %swap3A_410], %swap3A_413 {strides = array<i32>} : memref<80x128xf32, #tpu.memory_space<vmem>>, vector<1x16xf32>,
        %broadcast_in_dim3A_414 = arith.constant 3 : i32
        %broadcast_in_dim3A_415 = vector.broadcast %broadcast_in_dim3A_414 : i32 to vector<16xi32>
        %lt3A_416 = arith.constant 0 : i32
        %lt3A_417 = vector.broadcast %lt3A_416 : i32 to vector<16xi32>
        %lt3A_418 = arith.cmpi slt, %broadcast_in_dim3A_415, %lt3A_417 : vector<16xi32>
        %add3A_419 = arith.constant 16 : i32
        %add3A_420 = vector.broadcast %add3A_419 : i32 to vector<16xi32>
        %add3A_421 = arith.addi %broadcast_in_dim3A_415, %add3A_420 : vector<16xi32>
        %select_n3A_422 = arith.select %lt3A_418, %add3A_421, %broadcast_in_dim3A_415 : vector<16xi1>, vector<16xi32>
        %broadcast_in_dim3A_423 = vector.shape_cast %select_n3A_422 : vector<16xi32> to vector<16x1xi32>
        %gather3A_424 = vector.shape_cast %broadcast_in_dim3A_423 : vector<16x1xi32> to vector<16xi32>
        %gather3A_425 = tpu.dynamic_gather %get3A_128[%gather3A_424] in [0] : vector<16xf32>, vector<16xi32> -> vector<16xf32>
        %mul3A_426 = arith.constant 16 : i32
        %mul3A_427 = arith.muli %scan3A_123, %mul3A_426 : i32
        %add3A_428 = arith.constant 3 : i32
        %add3A_429 = arith.addi %mul3A_427, %add3A_428 : i32
        %get3A_430 = arith.index_cast %add3A_429 : i32 to index
        %get3A_431 = arith.constant 0 : index
        %get3A_432 = tpu.vector_load %arg13[%get3A_430, %get3A_431] {strides = array<i32>} : memref<80x128xf32, #tpu.memory_space<vmem>>, vector<1x16xf32>,
        %get3A_433 = vector.shape_cast %get3A_432 : vector<1x16xf32> to vector<16xf32>
        %mul3A_434 = arith.mulf %get3A_433, %gather3A_425 : vector<16xf32>
        %swap3A_435 = arith.index_cast %add3A_429 : i32 to index
        %swap3A_436 = arith.constant 0 : index
        %swap3A_437 = tpu.vector_load %arg13[%swap3A_435, %swap3A_436] {strides = array<i32>} : memref<80x128xf32, #tpu.memory_space<vmem>>, vector<1x16xf32>,
        %swap3A_438 = vector.shape_cast %swap3A_437 : vector<1x16xf32> to vector<16xf32>
        %swap3A_439 = vector.shape_cast %mul3A_434 : vector<16xf32> to vector<1x16xf32>
        tpu.vector_store %arg13[%swap3A_435, %swap3A_436], %swap3A_439 {strides = array<i32>} : memref<80x128xf32, #tpu.memory_space<vmem>>, vector<1x16xf32>,
        %get3A_440 = arith.index_cast %add3A_429 : i32 to index
        %get3A_441 = arith.constant 16 : index
        %get3A_442 = tpu.vector_load %arg13[%get3A_440, %get3A_441] {strides = array<i32>} : memref<80x128xf32, #tpu.memory_space<vmem>>, vector<1x16xf32>,
        %get3A_443 = vector.shape_cast %get3A_442 : vector<1x16xf32> to vector<16xf32>
        %mul3A_444 = arith.mulf %get3A_443, %gather3A_425 : vector<16xf32>
        %swap3A_445 = arith.index_cast %add3A_429 : i32 to index
        %swap3A_446 = arith.constant 16 : index
        %swap3A_447 = tpu.vector_load %arg13[%swap3A_445, %swap3A_446] {strides = array<i32>} : memref<80x128xf32, #tpu.memory_space<vmem>>, vector<1x16xf32>,
        %swap3A_448 = vector.shape_cast %swap3A_447 : vector<1x16xf32> to vector<16xf32>
        %swap3A_449 = vector.shape_cast %mul3A_444 : vector<16xf32> to vector<1x16xf32>
        tpu.vector_store %arg13[%swap3A_445, %swap3A_446], %swap3A_449 {strides = array<i32>} : memref<80x128xf32, #tpu.memory_space<vmem>>, vector<1x16xf32>,
        %get3A_450 = arith.index_cast %add3A_429 : i32 to index
        %get3A_451 = arith.constant 32 : index
        %get3A_452 = tpu.vector_load %arg13[%get3A_450, %get3A_451] {strides = array<i32>} : memref<80x128xf32, #tpu.memory_space<vmem>>, vector<1x16xf32>,
        %get3A_453 = vector.shape_cast %get3A_452 : vector<1x16xf32> to vector<16xf32>
        %mul3A_454 = arith.mulf %get3A_453, %gather3A_425 : vector<16xf32>
        %swap3A_455 = arith.index_cast %add3A_429 : i32 to index
        %swap3A_456 = arith.constant 32 : index
        %swap3A_457 = tpu.vector_load %arg13[%swap3A_455, %swap3A_456] {strides = array<i32>} : memref<80x128xf32, #tpu.memory_space<vmem>>, vector<1x16xf32>,
        %swap3A_458 = vector.shape_cast %swap3A_457 : vector<1x16xf32> to vector<16xf32>
        %swap3A_459 = vector.shape_cast %mul3A_454 : vector<16xf32> to vector<1x16xf32>
        tpu.vector_store %arg13[%swap3A_455, %swap3A_456], %swap3A_459 {strides = array<i32>} : memref<80x128xf32, #tpu.memory_space<vmem>>, vector<1x16xf32>,
        %get3A_460 = arith.index_cast %add3A_429 : i32 to index
        %get3A_461 = arith.constant 48 : index
        %get3A_462 = tpu.vector_load %arg13[%get3A_460, %get3A_461] {strides = array<i32>} : memref<80x128xf32, #tpu.memory_space<vmem>>, vector<1x16xf32>,
        %get3A_463 = vector.shape_cast %get3A_462 : vector<1x16xf32> to vector<16xf32>
        %mul3A_464 = arith.mulf %get3A_463, %gather3A_425 : vector<16xf32>
        %swap3A_465 = arith.index_cast %add3A_429 : i32 to index
        %swap3A_466 = arith.constant 48 : index
        %swap3A_467 = tpu.vector_load %arg13[%swap3A_465, %swap3A_466] {strides = array<i32>} : memref<80x128xf32, #tpu.memory_space<vmem>>, vector<1x16xf32>,
        %swap3A_468 = vector.shape_cast %swap3A_467 : vector<1x16xf32> to vector<16xf32>
        %swap3A_469 = vector.shape_cast %mul3A_464 : vector<16xf32> to vector<1x16xf32>
        tpu.vector_store %arg13[%swap3A_465, %swap3A_466], %swap3A_469 {strides = array<i32>} : memref<80x128xf32, #tpu.memory_space<vmem>>, vector<1x16xf32>,
        %get3A_470 = arith.index_cast %add3A_429 : i32 to index
        %get3A_471 = arith.constant 64 : index
        %get3A_472 = tpu.vector_load %arg13[%get3A_470, %get3A_471] {strides = array<i32>} : memref<80x128xf32, #tpu.memory_space<vmem>>, vector<1x16xf32>,
        %get3A_473 = vector.shape_cast %get3A_472 : vector<1x16xf32> to vector<16xf32>
        %mul3A_474 = arith.mulf %get3A_473, %gather3A_425 : vector<16xf32>
        %swap3A_475 = arith.index_cast %add3A_429 : i32 to index
        %swap3A_476 = arith.constant 64 : index
        %swap3A_477 = tpu.vector_load %arg13[%swap3A_475, %swap3A_476] {strides = array<i32>} : memref<80x128xf32, #tpu.memory_space<vmem>>, vector<1x16xf32>,
        %swap3A_478 = vector.shape_cast %swap3A_477 : vector<1x16xf32> to vector<16xf32>
        %swap3A_479 = vector.shape_cast %mul3A_474 : vector<16xf32> to vector<1x16xf32>
        tpu.vector_store %arg13[%swap3A_475, %swap3A_476], %swap3A_479 {strides = array<i32>} : memref<80x128xf32, #tpu.memory_space<vmem>>, vector<1x16xf32>,
        %get3A_480 = arith.index_cast %add3A_429 : i32 to index
        %get3A_481 = arith.constant 80 : index
        %get3A_482 = tpu.vector_load %arg13[%get3A_480, %get3A_481] {strides = array<i32>} : memref<80x128xf32, #tpu.memory_space<vmem>>, vector<1x16xf32>,
        %get3A_483 = vector.shape_cast %get3A_482 : vector<1x16xf32> to vector<16xf32>
        %mul3A_484 = arith.mulf %get3A_483, %gather3A_425 : vector<16xf32>
        %swap3A_485 = arith.index_cast %add3A_429 : i32 to index
        %swap3A_486 = arith.constant 80 : index
        %swap3A_487 = tpu.vector_load %arg13[%swap3A_485, %swap3A_486] {strides = array<i32>} : memref<80x128xf32, #tpu.memory_space<vmem>>, vector<1x16xf32>,
        %swap3A_488 = vector.shape_cast %swap3A_487 : vector<1x16xf32> to vector<16xf32>
        %swap3A_489 = vector.shape_cast %mul3A_484 : vector<16xf32> to vector<1x16xf32>
        tpu.vector_store %arg13[%swap3A_485, %swap3A_486], %swap3A_489 {strides = array<i32>} : memref<80x128xf32, #tpu.memory_space<vmem>>, vector<1x16xf32>,
        %get3A_490 = arith.index_cast %add3A_429 : i32 to index
        %get3A_491 = arith.constant 96 : index
        %get3A_492 = tpu.vector_load %arg13[%get3A_490, %get3A_491] {strides = array<i32>} : memref<80x128xf32, #tpu.memory_space<vmem>>, vector<1x16xf32>,
        %get3A_493 = vector.shape_cast %get3A_492 : vector<1x16xf32> to vector<16xf32>
        %mul3A_494 = arith.mulf %get3A_493, %gather3A_425 : vector<16xf32>
        %swap3A_495 = arith.index_cast %add3A_429 : i32 to index
        %swap3A_496 = arith.constant 96 : index
        %swap3A_497 = tpu.vector_load %arg13[%swap3A_495, %swap3A_496] {strides = array<i32>} : memref<80x128xf32, #tpu.memory_space<vmem>>, vector<1x16xf32>,
        %swap3A_498 = vector.shape_cast %swap3A_497 : vector<1x16xf32> to vector<16xf32>
        %swap3A_499 = vector.shape_cast %mul3A_494 : vector<16xf32> to vector<1x16xf32>
        tpu.vector_store %arg13[%swap3A_495, %swap3A_496], %swap3A_499 {strides = array<i32>} : memref<80x128xf32, #tpu.memory_space<vmem>>, vector<1x16xf32>,
        %get3A_500 = arith.index_cast %add3A_429 : i32 to index
        %get3A_501 = arith.constant 112 : index
        %get3A_502 = tpu.vector_load %arg13[%get3A_500, %get3A_501] {strides = array<i32>} : memref<80x128xf32, #tpu.memory_space<vmem>>, vector<1x16xf32>,
        %get3A_503 = vector.shape_cast %get3A_502 : vector<1x16xf32> to vector<16xf32>
        %mul3A_504 = arith.mulf %get3A_503, %gather3A_425 : vector<16xf32>
        %swap3A_505 = arith.index_cast %add3A_429 : i32 to index
        %swap3A_506 = arith.constant 112 : index
        %swap3A_507 = tpu.vector_load %arg13[%swap3A_505, %swap3A_506] {strides = array<i32>} : memref<80x128xf32, #tpu.memory_space<vmem>>, vector<1x16xf32>,
        %swap3A_508 = vector.shape_cast %swap3A_507 : vector<1x16xf32> to vector<16xf32>
        %swap3A_509 = vector.shape_cast %mul3A_504 : vector<16xf32> to vector<1x16xf32>
        tpu.vector_store %arg13[%swap3A_505, %swap3A_506], %swap3A_509 {strides = array<i32>} : memref<80x128xf32, #tpu.memory_space<vmem>>, vector<1x16xf32>,
        %broadcast_in_dim3A_510 = arith.constant 4 : i32
        %broadcast_in_dim3A_511 = vector.broadcast %broadcast_in_dim3A_510 : i32 to vector<16xi32>
        %lt3A_512 = arith.constant 0 : i32
        %lt3A_513 = vector.broadcast %lt3A_512 : i32 to vector<16xi32>
        %lt3A_514 = arith.cmpi slt, %broadcast_in_dim3A_511, %lt3A_513 : vector<16xi32>
        %add3A_515 = arith.constant 16 : i32
        %add3A_516 = vector.broadcast %add3A_515 : i32 to vector<16xi32>
        %add3A_517 = arith.addi %broadcast_in_dim3A_511, %add3A_516 : vector<16xi32>
        %select_n3A_518 = arith.select %lt3A_514, %add3A_517, %broadcast_in_dim3A_511 : vector<16xi1>, vector<16xi32>
        %broadcast_in_dim3A_519 = vector.shape_cast %select_n3A_518 : vector<16xi32> to vector<16x1xi32>
        %gather3A_520 = vector.shape_cast %broadcast_in_dim3A_519 : vector<16x1xi32> to vector<16xi32>
        %gather3A_521 = tpu.dynamic_gather %get3A_128[%gather3A_520] in [0] : vector<16xf32>, vector<16xi32> -> vector<16xf32>
        %mul3A_522 = arith.constant 16 : i32
        %mul3A_523 = arith.muli %scan3A_123, %mul3A_522 : i32
        %add3A_524 = arith.constant 4 : i32
        %add3A_525 = arith.addi %mul3A_523, %add3A_524 : i32
        %get3A_526 = arith.index_cast %add3A_525 : i32 to index
        %get3A_527 = arith.constant 0 : index
        %get3A_528 = tpu.vector_load %arg13[%get3A_526, %get3A_527] {strides = array<i32>} : memref<80x128xf32, #tpu.memory_space<vmem>>, vector<1x16xf32>,
        %get3A_529 = vector.shape_cast %get3A_528 : vector<1x16xf32> to vector<16xf32>
        %mul3A_530 = arith.mulf %get3A_529, %gather3A_521 : vector<16xf32>
        %swap3A_531 = arith.index_cast %add3A_525 : i32 to index
        %swap3A_532 = arith.constant 0 : index
        %swap3A_533 = tpu.vector_load %arg13[%swap3A_531, %swap3A_532] {strides = array<i32>} : memref<80x128xf32, #tpu.memory_space<vmem>>, vector<1x16xf32>,
        %swap3A_534 = vector.shape_cast %swap3A_533 : vector<1x16xf32> to vector<16xf32>
        %swap3A_535 = vector.shape_cast %mul3A_530 : vector<16xf32> to vector<1x16xf32>
        tpu.vector_store %arg13[%swap3A_531, %swap3A_532], %swap3A_535 {strides = array<i32>} : memref<80x128xf32, #tpu.memory_space<vmem>>, vector<1x16xf32>,
        %get3A_536 = arith.index_cast %add3A_525 : i32 to index
        %get3A_537 = arith.constant 16 : index
        %get3A_538 = tpu.vector_load %arg13[%get3A_536, %get3A_537] {strides = array<i32>} : memref<80x128xf32, #tpu.memory_space<vmem>>, vector<1x16xf32>,
        %get3A_539 = vector.shape_cast %get3A_538 : vector<1x16xf32> to vector<16xf32>
        %mul3A_540 = arith.mulf %get3A_539, %gather3A_521 : vector<16xf32>
        %swap3A_541 = arith.index_cast %add3A_525 : i32 to index
        %swap3A_542 = arith.constant 16 : index
        %swap3A_543 = tpu.vector_load %arg13[%swap3A_541, %swap3A_542] {strides = array<i32>} : memref<80x128xf32, #tpu.memory_space<vmem>>, vector<1x16xf32>,
        %swap3A_544 = vector.shape_cast %swap3A_543 : vector<1x16xf32> to vector<16xf32>
        %swap3A_545 = vector.shape_cast %mul3A_540 : vector<16xf32> to vector<1x16xf32>
        tpu.vector_store %arg13[%swap3A_541, %swap3A_542], %swap3A_545 {strides = array<i32>} : memref<80x128xf32, #tpu.memory_space<vmem>>, vector<1x16xf32>,
        %get3A_546 = arith.index_cast %add3A_525 : i32 to index
        %get3A_547 = arith.constant 32 : index
        %get3A_548 = tpu.vector_load %arg13[%get3A_546, %get3A_547] {strides = array<i32>} : memref<80x128xf32, #tpu.memory_space<vmem>>, vector<1x16xf32>,
        %get3A_549 = vector.shape_cast %get3A_548 : vector<1x16xf32> to vector<16xf32>
        %mul3A_550 = arith.mulf %get3A_549, %gather3A_521 : vector<16xf32>
        %swap3A_551 = arith.index_cast %add3A_525 : i32 to index
        %swap3A_552 = arith.constant 32 : index
        %swap3A_553 = tpu.vector_load %arg13[%swap3A_551, %swap3A_552] {strides = array<i32>} : memref<80x128xf32, #tpu.memory_space<vmem>>, vector<1x16xf32>,
        %swap3A_554 = vector.shape_cast %swap3A_553 : vector<1x16xf32> to vector<16xf32>
        %swap3A_555 = vector.shape_cast %mul3A_550 : vector<16xf32> to vector<1x16xf32>
        tpu.vector_store %arg13[%swap3A_551, %swap3A_552], %swap3A_555 {strides = array<i32>} : memref<80x128xf32, #tpu.memory_space<vmem>>, vector<1x16xf32>,
        %get3A_556 = arith.index_cast %add3A_525 : i32 to index
        %get3A_557 = arith.constant 48 : index
        %get3A_558 = tpu.vector_load %arg13[%get3A_556, %get3A_557] {strides = array<i32>} : memref<80x128xf32, #tpu.memory_space<vmem>>, vector<1x16xf32>,
        %get3A_559 = vector.shape_cast %get3A_558 : vector<1x16xf32> to vector<16xf32>
        %mul3A_560 = arith.mulf %get3A_559, %gather3A_521 : vector<16xf32>
        %swap3A_561 = arith.index_cast %add3A_525 : i32 to index
        %swap3A_562 = arith.constant 48 : index
        %swap3A_563 = tpu.vector_load %arg13[%swap3A_561, %swap3A_562] {strides = array<i32>} : memref<80x128xf32, #tpu.memory_space<vmem>>, vector<1x16xf32>,
        %swap3A_564 = vector.shape_cast %swap3A_563 : vector<1x16xf32> to vector<16xf32>
        %swap3A_565 = vector.shape_cast %mul3A_560 : vector<16xf32> to vector<1x16xf32>
        tpu.vector_store %arg13[%swap3A_561, %swap3A_562], %swap3A_565 {strides = array<i32>} : memref<80x128xf32, #tpu.memory_space<vmem>>, vector<1x16xf32>,
        %get3A_566 = arith.index_cast %add3A_525 : i32 to index
        %get3A_567 = arith.constant 64 : index
        %get3A_568 = tpu.vector_load %arg13[%get3A_566, %get3A_567] {strides = array<i32>} : memref<80x128xf32, #tpu.memory_space<vmem>>, vector<1x16xf32>,
        %get3A_569 = vector.shape_cast %get3A_568 : vector<1x16xf32> to vector<16xf32>
        %mul3A_570 = arith.mulf %get3A_569, %gather3A_521 : vector<16xf32>
        %swap3A_571 = arith.index_cast %add3A_525 : i32 to index
        %swap3A_572 = arith.constant 64 : index
        %swap3A_573 = tpu.vector_load %arg13[%swap3A_571, %swap3A_572] {strides = array<i32>} : memref<80x128xf32, #tpu.memory_space<vmem>>, vector<1x16xf32>,
        %swap3A_574 = vector.shape_cast %swap3A_573 : vector<1x16xf32> to vector<16xf32>
        %swap3A_575 = vector.shape_cast %mul3A_570 : vector<16xf32> to vector<1x16xf32>
        tpu.vector_store %arg13[%swap3A_571, %swap3A_572], %swap3A_575 {strides = array<i32>} : memref<80x128xf32, #tpu.memory_space<vmem>>, vector<1x16xf32>,
        %get3A_576 = arith.index_cast %add3A_525 : i32 to index
        %get3A_577 = arith.constant 80 : index
        %get3A_578 = tpu.vector_load %arg13[%get3A_576, %get3A_577] {strides = array<i32>} : memref<80x128xf32, #tpu.memory_space<vmem>>, vector<1x16xf32>,
        %get3A_579 = vector.shape_cast %get3A_578 : vector<1x16xf32> to vector<16xf32>
        %mul3A_580 = arith.mulf %get3A_579, %gather3A_521 : vector<16xf32>
        %swap3A_581 = arith.index_cast %add3A_525 : i32 to index
        %swap3A_582 = arith.constant 80 : index
        %swap3A_583 = tpu.vector_load %arg13[%swap3A_581, %swap3A_582] {strides = array<i32>} : memref<80x128xf32, #tpu.memory_space<vmem>>, vector<1x16xf32>,
        %swap3A_584 = vector.shape_cast %swap3A_583 : vector<1x16xf32> to vector<16xf32>
        %swap3A_585 = vector.shape_cast %mul3A_580 : vector<16xf32> to vector<1x16xf32>
        tpu.vector_store %arg13[%swap3A_581, %swap3A_582], %swap3A_585 {strides = array<i32>} : memref<80x128xf32, #tpu.memory_space<vmem>>, vector<1x16xf32>,
        %get3A_586 = arith.index_cast %add3A_525 : i32 to index
        %get3A_587 = arith.constant 96 : index
        %get3A_588 = tpu.vector_load %arg13[%get3A_586, %get3A_587] {strides = array<i32>} : memref<80x128xf32, #tpu.memory_space<vmem>>, vector<1x16xf32>,
        %get3A_589 = vector.shape_cast %get3A_588 : vector<1x16xf32> to vector<16xf32>
        %mul3A_590 = arith.mulf %get3A_589, %gather3A_521 : vector<16xf32>
        %swap3A_591 = arith.index_cast %add3A_525 : i32 to index
        %swap3A_592 = arith.constant 96 : index
        %swap3A_593 = tpu.vector_load %arg13[%swap3A_591, %swap3A_592] {strides = array<i32>} : memref<80x128xf32, #tpu.memory_space<vmem>>, vector<1x16xf32>,
        %swap3A_594 = vector.shape_cast %swap3A_593 : vector<1x16xf32> to vector<16xf32>
        %swap3A_595 = vector.shape_cast %mul3A_590 : vector<16xf32> to vector<1x16xf32>
        tpu.vector_store %arg13[%swap3A_591, %swap3A_592], %swap3A_595 {strides = array<i32>} : memref<80x128xf32, #tpu.memory_space<vmem>>, vector<1x16xf32>,
        %get3A_596 = arith.index_cast %add3A_525 : i32 to index
        %get3A_597 = arith.constant 112 : index
        %get3A_598 = tpu.vector_load %arg13[%get3A_596, %get3A_597] {strides = array<i32>} : memref<80x128xf32, #tpu.memory_space<vmem>>, vector<1x16xf32>,
        %get3A_599 = vector.shape_cast %get3A_598 : vector<1x16xf32> to vector<16xf32>
        %mul3A_600 = arith.mulf %get3A_599, %gather3A_521 : vector<16xf32>
        %swap3A_601 = arith.index_cast %add3A_525 : i32 to index
        %swap3A_602 = arith.constant 112 : index
        %swap3A_603 = tpu.vector_load %arg13[%swap3A_601, %swap3A_602] {strides = array<i32>} : memref<80x128xf32, #tpu.memory_space<vmem>>, vector<1x16xf32>,
        %swap3A_604 = vector.shape_cast %swap3A_603 : vector<1x16xf32> to vector<16xf32>
        %swap3A_605 = vector.shape_cast %mul3A_600 : vector<16xf32> to vector<1x16xf32>
        tpu.vector_store %arg13[%swap3A_601, %swap3A_602], %swap3A_605 {strides = array<i32>} : memref<80x128xf32, #tpu.memory_space<vmem>>, vector<1x16xf32>,
        %broadcast_in_dim3A_606 = arith.constant 5 : i32
        %broadcast_in_dim3A_607 = vector.broadcast %broadcast_in_dim3A_606 : i32 to vector<16xi32>
        %lt3A_608 = arith.constant 0 : i32
        %lt3A_609 = vector.broadcast %lt3A_608 : i32 to vector<16xi32>
        %lt3A_610 = arith.cmpi slt, %broadcast_in_dim3A_607, %lt3A_609 : vector<16xi32>
        %add3A_611 = arith.constant 16 : i32
        %add3A_612 = vector.broadcast %add3A_611 : i32 to vector<16xi32>
        %add3A_613 = arith.addi %broadcast_in_dim3A_607, %add3A_612 : vector<16xi32>
        %select_n3A_614 = arith.select %lt3A_610, %add3A_613, %broadcast_in_dim3A_607 : vector<16xi1>, vector<16xi32>
        %broadcast_in_dim3A_615 = vector.shape_cast %select_n3A_614 : vector<16xi32> to vector<16x1xi32>
        %gather3A_616 = vector.shape_cast %broadcast_in_dim3A_615 : vector<16x1xi32> to vector<16xi32>
        %gather3A_617 = tpu.dynamic_gather %get3A_128[%gather3A_616] in [0] : vector<16xf32>, vector<16xi32> -> vector<16xf32>
        %mul3A_618 = arith.constant 16 : i32
        %mul3A_619 = arith.muli %scan3A_123, %mul3A_618 : i32
        %add3A_620 = arith.constant 5 : i32
        %add3A_621 = arith.addi %mul3A_619, %add3A_620 : i32
        %get3A_622 = arith.index_cast %add3A_621 : i32 to index
        %get3A_623 = arith.constant 0 : index
        %get3A_624 = tpu.vector_load %arg13[%get3A_622, %get3A_623] {strides = array<i32>} : memref<80x128xf32, #tpu.memory_space<vmem>>, vector<1x16xf32>,
        %get3A_625 = vector.shape_cast %get3A_624 : vector<1x16xf32> to vector<16xf32>
        %mul3A_626 = arith.mulf %get3A_625, %gather3A_617 : vector<16xf32>
        %swap3A_627 = arith.index_cast %add3A_621 : i32 to index
        %swap3A_628 = arith.constant 0 : index
        %swap3A_629 = tpu.vector_load %arg13[%swap3A_627, %swap3A_628] {strides = array<i32>} : memref<80x128xf32, #tpu.memory_space<vmem>>, vector<1x16xf32>,
        %swap3A_630 = vector.shape_cast %swap3A_629 : vector<1x16xf32> to vector<16xf32>
        %swap3A_631 = vector.shape_cast %mul3A_626 : vector<16xf32> to vector<1x16xf32>
        tpu.vector_store %arg13[%swap3A_627, %swap3A_628], %swap3A_631 {strides = array<i32>} : memref<80x128xf32, #tpu.memory_space<vmem>>, vector<1x16xf32>,
        %get3A_632 = arith.index_cast %add3A_621 : i32 to index
        %get3A_633 = arith.constant 16 : index
        %get3A_634 = tpu.vector_load %arg13[%get3A_632, %get3A_633] {strides = array<i32>} : memref<80x128xf32, #tpu.memory_space<vmem>>, vector<1x16xf32>,
        %get3A_635 = vector.shape_cast %get3A_634 : vector<1x16xf32> to vector<16xf32>
        %mul3A_636 = arith.mulf %get3A_635, %gather3A_617 : vector<16xf32>
        %swap3A_637 = arith.index_cast %add3A_621 : i32 to index
        %swap3A_638 = arith.constant 16 : index
        %swap3A_639 = tpu.vector_load %arg13[%swap3A_637, %swap3A_638] {strides = array<i32>} : memref<80x128xf32, #tpu.memory_space<vmem>>, vector<1x16xf32>,
        %swap3A_640 = vector.shape_cast %swap3A_639 : vector<1x16xf32> to vector<16xf32>
        %swap3A_641 = vector.shape_cast %mul3A_636 : vector<16xf32> to vector<1x16xf32>
        tpu.vector_store %arg13[%swap3A_637, %swap3A_638], %swap3A_641 {strides = array<i32>} : memref<80x128xf32, #tpu.memory_space<vmem>>, vector<1x16xf32>,
        %get3A_642 = arith.index_cast %add3A_621 : i32 to index
        %get3A_643 = arith.constant 32 : index
        %get3A_644 = tpu.vector_load %arg13[%get3A_642, %get3A_643] {strides = array<i32>} : memref<80x128xf32, #tpu.memory_space<vmem>>, vector<1x16xf32>,
        %get3A_645 = vector.shape_cast %get3A_644 : vector<1x16xf32> to vector<16xf32>
        %mul3A_646 = arith.mulf %get3A_645, %gather3A_617 : vector<16xf32>
        %swap3A_647 = arith.index_cast %add3A_621 : i32 to index
        %swap3A_648 = arith.constant 32 : index
        %swap3A_649 = tpu.vector_load %arg13[%swap3A_647, %swap3A_648] {strides = array<i32>} : memref<80x128xf32, #tpu.memory_space<vmem>>, vector<1x16xf32>,
        %swap3A_650 = vector.shape_cast %swap3A_649 : vector<1x16xf32> to vector<16xf32>
        %swap3A_651 = vector.shape_cast %mul3A_646 : vector<16xf32> to vector<1x16xf32>
        tpu.vector_store %arg13[%swap3A_647, %swap3A_648], %swap3A_651 {strides = array<i32>} : memref<80x128xf32, #tpu.memory_space<vmem>>, vector<1x16xf32>,
        %get3A_652 = arith.index_cast %add3A_621 : i32 to index
        %get3A_653 = arith.constant 48 : index
        %get3A_654 = tpu.vector_load %arg13[%get3A_652, %get3A_653] {strides = array<i32>} : memref<80x128xf32, #tpu.memory_space<vmem>>, vector<1x16xf32>,
        %get3A_655 = vector.shape_cast %get3A_654 : vector<1x16xf32> to vector<16xf32>
        %mul3A_656 = arith.mulf %get3A_655, %gather3A_617 : vector<16xf32>
        %swap3A_657 = arith.index_cast %add3A_621 : i32 to index
        %swap3A_658 = arith.constant 48 : index
        %swap3A_659 = tpu.vector_load %arg13[%swap3A_657, %swap3A_658] {strides = array<i32>} : memref<80x128xf32, #tpu.memory_space<vmem>>, vector<1x16xf32>,
        %swap3A_660 = vector.shape_cast %swap3A_659 : vector<1x16xf32> to vector<16xf32>
        %swap3A_661 = vector.shape_cast %mul3A_656 : vector<16xf32> to vector<1x16xf32>
        tpu.vector_store %arg13[%swap3A_657, %swap3A_658], %swap3A_661 {strides = array<i32>} : memref<80x128xf32, #tpu.memory_space<vmem>>, vector<1x16xf32>,
        %get3A_662 = arith.index_cast %add3A_621 : i32 to index
        %get3A_663 = arith.constant 64 : index
        %get3A_664 = tpu.vector_load %arg13[%get3A_662, %get3A_663] {strides = array<i32>} : memref<80x128xf32, #tpu.memory_space<vmem>>, vector<1x16xf32>,
        %get3A_665 = vector.shape_cast %get3A_664 : vector<1x16xf32> to vector<16xf32>
        %mul3A_666 = arith.mulf %get3A_665, %gather3A_617 : vector<16xf32>
        %swap3A_667 = arith.index_cast %add3A_621 : i32 to index
        %swap3A_668 = arith.constant 64 : index
        %swap3A_669 = tpu.vector_load %arg13[%swap3A_667, %swap3A_668] {strides = array<i32>} : memref<80x128xf32, #tpu.memory_space<vmem>>, vector<1x16xf32>,
        %swap3A_670 = vector.shape_cast %swap3A_669 : vector<1x16xf32> to vector<16xf32>
        %swap3A_671 = vector.shape_cast %mul3A_666 : vector<16xf32> to vector<1x16xf32>
        tpu.vector_store %arg13[%swap3A_667, %swap3A_668], %swap3A_671 {strides = array<i32>} : memref<80x128xf32, #tpu.memory_space<vmem>>, vector<1x16xf32>,
        %get3A_672 = arith.index_cast %add3A_621 : i32 to index
        %get3A_673 = arith.constant 80 : index
        %get3A_674 = tpu.vector_load %arg13[%get3A_672, %get3A_673] {strides = array<i32>} : memref<80x128xf32, #tpu.memory_space<vmem>>, vector<1x16xf32>,
        %get3A_675 = vector.shape_cast %get3A_674 : vector<1x16xf32> to vector<16xf32>
        %mul3A_676 = arith.mulf %get3A_675, %gather3A_617 : vector<16xf32>
        %swap3A_677 = arith.index_cast %add3A_621 : i32 to index
        %swap3A_678 = arith.constant 80 : index
        %swap3A_679 = tpu.vector_load %arg13[%swap3A_677, %swap3A_678] {strides = array<i32>} : memref<80x128xf32, #tpu.memory_space<vmem>>, vector<1x16xf32>,
        %swap3A_680 = vector.shape_cast %swap3A_679 : vector<1x16xf32> to vector<16xf32>
        %swap3A_681 = vector.shape_cast %mul3A_676 : vector<16xf32> to vector<1x16xf32>
        tpu.vector_store %arg13[%swap3A_677, %swap3A_678], %swap3A_681 {strides = array<i32>} : memref<80x128xf32, #tpu.memory_space<vmem>>, vector<1x16xf32>,
        %get3A_682 = arith.index_cast %add3A_621 : i32 to index
        %get3A_683 = arith.constant 96 : index
        %get3A_684 = tpu.vector_load %arg13[%get3A_682, %get3A_683] {strides = array<i32>} : memref<80x128xf32, #tpu.memory_space<vmem>>, vector<1x16xf32>,
        %get3A_685 = vector.shape_cast %get3A_684 : vector<1x16xf32> to vector<16xf32>
        %mul3A_686 = arith.mulf %get3A_685, %gather3A_617 : vector<16xf32>
        %swap3A_687 = arith.index_cast %add3A_621 : i32 to index
        %swap3A_688 = arith.constant 96 : index
        %swap3A_689 = tpu.vector_load %arg13[%swap3A_687, %swap3A_688] {strides = array<i32>} : memref<80x128xf32, #tpu.memory_space<vmem>>, vector<1x16xf32>,
        %swap3A_690 = vector.shape_cast %swap3A_689 : vector<1x16xf32> to vector<16xf32>
        %swap3A_691 = vector.shape_cast %mul3A_686 : vector<16xf32> to vector<1x16xf32>
        tpu.vector_store %arg13[%swap3A_687, %swap3A_688], %swap3A_691 {strides = array<i32>} : memref<80x128xf32, #tpu.memory_space<vmem>>, vector<1x16xf32>,
        %get3A_692 = arith.index_cast %add3A_621 : i32 to index
        %get3A_693 = arith.constant 112 : index
        %get3A_694 = tpu.vector_load %arg13[%get3A_692, %get3A_693] {strides = array<i32>} : memref<80x128xf32, #tpu.memory_space<vmem>>, vector<1x16xf32>,
        %get3A_695 = vector.shape_cast %get3A_694 : vector<1x16xf32> to vector<16xf32>
        %mul3A_696 = arith.mulf %get3A_695, %gather3A_617 : vector<16xf32>
        %swap3A_697 = arith.index_cast %add3A_621 : i32 to index
        %swap3A_698 = arith.constant 112 : index
        %swap3A_699 = tpu.vector_load %arg13[%swap3A_697, %swap3A_698] {strides = array<i32>} : memref<80x128xf32, #tpu.memory_space<vmem>>, vector<1x16xf32>,
        %swap3A_700 = vector.shape_cast %swap3A_699 : vector<1x16xf32> to vector<16xf32>
        %swap3A_701 = vector.shape_cast %mul3A_696 : vector<16xf32> to vector<1x16xf32>
        tpu.vector_store %arg13[%swap3A_697, %swap3A_698], %swap3A_701 {strides = array<i32>} : memref<80x128xf32, #tpu.memory_space<vmem>>, vector<1x16xf32>,
        %broadcast_in_dim3A_702 = arith.constant 6 : i32
        %broadcast_in_dim3A_703 = vector.broadcast %broadcast_in_dim3A_702 : i32 to vector<16xi32>
        %lt3A_704 = arith.constant 0 : i32
        %lt3A_705 = vector.broadcast %lt3A_704 : i32 to vector<16xi32>
        %lt3A_706 = arith.cmpi slt, %broadcast_in_dim3A_703, %lt3A_705 : vector<16xi32>
        %add3A_707 = arith.constant 16 : i32
        %add3A_708 = vector.broadcast %add3A_707 : i32 to vector<16xi32>
        %add3A_709 = arith.addi %broadcast_in_dim3A_703, %add3A_708 : vector<16xi32>
        %select_n3A_710 = arith.select %lt3A_706, %add3A_709, %broadcast_in_dim3A_703 : vector<16xi1>, vector<16xi32>
        %broadcast_in_dim3A_711 = vector.shape_cast %select_n3A_710 : vector<16xi32> to vector<16x1xi32>
        %gather3A_712 = vector.shape_cast %broadcast_in_dim3A_711 : vector<16x1xi32> to vector<16xi32>
        %gather3A_713 = tpu.dynamic_gather %get3A_128[%gather3A_712] in [0] : vector<16xf32>, vector<16xi32> -> vector<16xf32>
        %mul3A_714 = arith.constant 16 : i32
        %mul3A_715 = arith.muli %scan3A_123, %mul3A_714 : i32
        %add3A_716 = arith.constant 6 : i32
        %add3A_717 = arith.addi %mul3A_715, %add3A_716 : i32
        %get3A_718 = arith.index_cast %add3A_717 : i32 to index
        %get3A_719 = arith.constant 0 : index
        %get3A_720 = tpu.vector_load %arg13[%get3A_718, %get3A_719] {strides = array<i32>} : memref<80x128xf32, #tpu.memory_space<vmem>>, vector<1x16xf32>,
        %get3A_721 = vector.shape_cast %get3A_720 : vector<1x16xf32> to vector<16xf32>
        %mul3A_722 = arith.mulf %get3A_721, %gather3A_713 : vector<16xf32>
        %swap3A_723 = arith.index_cast %add3A_717 : i32 to index
        %swap3A_724 = arith.constant 0 : index
        %swap3A_725 = tpu.vector_load %arg13[%swap3A_723, %swap3A_724] {strides = array<i32>} : memref<80x128xf32, #tpu.memory_space<vmem>>, vector<1x16xf32>,
        %swap3A_726 = vector.shape_cast %swap3A_725 : vector<1x16xf32> to vector<16xf32>
        %swap3A_727 = vector.shape_cast %mul3A_722 : vector<16xf32> to vector<1x16xf32>
        tpu.vector_store %arg13[%swap3A_723, %swap3A_724], %swap3A_727 {strides = array<i32>} : memref<80x128xf32, #tpu.memory_space<vmem>>, vector<1x16xf32>,
        %get3A_728 = arith.index_cast %add3A_717 : i32 to index
        %get3A_729 = arith.constant 16 : index
        %get3A_730 = tpu.vector_load %arg13[%get3A_728, %get3A_729] {strides = array<i32>} : memref<80x128xf32, #tpu.memory_space<vmem>>, vector<1x16xf32>,
        %get3A_731 = vector.shape_cast %get3A_730 : vector<1x16xf32> to vector<16xf32>
        %mul3A_732 = arith.mulf %get3A_731, %gather3A_713 : vector<16xf32>
        %swap3A_733 = arith.index_cast %add3A_717 : i32 to index
        %swap3A_734 = arith.constant 16 : index
        %swap3A_735 = tpu.vector_load %arg13[%swap3A_733, %swap3A_734] {strides = array<i32>} : memref<80x128xf32, #tpu.memory_space<vmem>>, vector<1x16xf32>,
        %swap3A_736 = vector.shape_cast %swap3A_735 : vector<1x16xf32> to vector<16xf32>
        %swap3A_737 = vector.shape_cast %mul3A_732 : vector<16xf32> to vector<1x16xf32>
        tpu.vector_store %arg13[%swap3A_733, %swap3A_734], %swap3A_737 {strides = array<i32>} : memref<80x128xf32, #tpu.memory_space<vmem>>, vector<1x16xf32>,
        %get3A_738 = arith.index_cast %add3A_717 : i32 to index
        %get3A_739 = arith.constant 32 : index
        %get3A_740 = tpu.vector_load %arg13[%get3A_738, %get3A_739] {strides = array<i32>} : memref<80x128xf32, #tpu.memory_space<vmem>>, vector<1x16xf32>,
        %get3A_741 = vector.shape_cast %get3A_740 : vector<1x16xf32> to vector<16xf32>
        %mul3A_742 = arith.mulf %get3A_741, %gather3A_713 : vector<16xf32>
        %swap3A_743 = arith.index_cast %add3A_717 : i32 to index
        %swap3A_744 = arith.constant 32 : index
        %swap3A_745 = tpu.vector_load %arg13[%swap3A_743, %swap3A_744] {strides = array<i32>} : memref<80x128xf32, #tpu.memory_space<vmem>>, vector<1x16xf32>,
        %swap3A_746 = vector.shape_cast %swap3A_745 : vector<1x16xf32> to vector<16xf32>
        %swap3A_747 = vector.shape_cast %mul3A_742 : vector<16xf32> to vector<1x16xf32>
        tpu.vector_store %arg13[%swap3A_743, %swap3A_744], %swap3A_747 {strides = array<i32>} : memref<80x128xf32, #tpu.memory_space<vmem>>, vector<1x16xf32>,
        %get3A_748 = arith.index_cast %add3A_717 : i32 to index
        %get3A_749 = arith.constant 48 : index
        %get3A_750 = tpu.vector_load %arg13[%get3A_748, %get3A_749] {strides = array<i32>} : memref<80x128xf32, #tpu.memory_space<vmem>>, vector<1x16xf32>,
        %get3A_751 = vector.shape_cast %get3A_750 : vector<1x16xf32> to vector<16xf32>
        %mul3A_752 = arith.mulf %get3A_751, %gather3A_713 : vector<16xf32>
        %swap3A_753 = arith.index_cast %add3A_717 : i32 to index
        %swap3A_754 = arith.constant 48 : index
        %swap3A_755 = tpu.vector_load %arg13[%swap3A_753, %swap3A_754] {strides = array<i32>} : memref<80x128xf32, #tpu.memory_space<vmem>>, vector<1x16xf32>,
        %swap3A_756 = vector.shape_cast %swap3A_755 : vector<1x16xf32> to vector<16xf32>
        %swap3A_757 = vector.shape_cast %mul3A_752 : vector<16xf32> to vector<1x16xf32>
        tpu.vector_store %arg13[%swap3A_753, %swap3A_754], %swap3A_757 {strides = array<i32>} : memref<80x128xf32, #tpu.memory_space<vmem>>, vector<1x16xf32>,
        %get3A_758 = arith.index_cast %add3A_717 : i32 to index
        %get3A_759 = arith.constant 64 : index
        %get3A_760 = tpu.vector_load %arg13[%get3A_758, %get3A_759] {strides = array<i32>} : memref<80x128xf32, #tpu.memory_space<vmem>>, vector<1x16xf32>,
        %get3A_761 = vector.shape_cast %get3A_760 : vector<1x16xf32> to vector<16xf32>
        %mul3A_762 = arith.mulf %get3A_761, %gather3A_713 : vector<16xf32>
        %swap3A_763 = arith.index_cast %add3A_717 : i32 to index
        %swap3A_764 = arith.constant 64 : index
        %swap3A_765 = tpu.vector_load %arg13[%swap3A_763, %swap3A_764] {strides = array<i32>} : memref<80x128xf32, #tpu.memory_space<vmem>>, vector<1x16xf32>,
        %swap3A_766 = vector.shape_cast %swap3A_765 : vector<1x16xf32> to vector<16xf32>
        %swap3A_767 = vector.shape_cast %mul3A_762 : vector<16xf32> to vector<1x16xf32>
        tpu.vector_store %arg13[%swap3A_763, %swap3A_764], %swap3A_767 {strides = array<i32>} : memref<80x128xf32, #tpu.memory_space<vmem>>, vector<1x16xf32>,
        %get3A_768 = arith.index_cast %add3A_717 : i32 to index
        %get3A_769 = arith.constant 80 : index
        %get3A_770 = tpu.vector_load %arg13[%get3A_768, %get3A_769] {strides = array<i32>} : memref<80x128xf32, #tpu.memory_space<vmem>>, vector<1x16xf32>,
        %get3A_771 = vector.shape_cast %get3A_770 : vector<1x16xf32> to vector<16xf32>
        %mul3A_772 = arith.mulf %get3A_771, %gather3A_713 : vector<16xf32>
        %swap3A_773 = arith.index_cast %add3A_717 : i32 to index
        %swap3A_774 = arith.constant 80 : index
        %swap3A_775 = tpu.vector_load %arg13[%swap3A_773, %swap3A_774] {strides = array<i32>} : memref<80x128xf32, #tpu.memory_space<vmem>>, vector<1x16xf32>,
        %swap3A_776 = vector.shape_cast %swap3A_775 : vector<1x16xf32> to vector<16xf32>
        %swap3A_777 = vector.shape_cast %mul3A_772 : vector<16xf32> to vector<1x16xf32>
        tpu.vector_store %arg13[%swap3A_773, %swap3A_774], %swap3A_777 {strides = array<i32>} : memref<80x128xf32, #tpu.memory_space<vmem>>, vector<1x16xf32>,
        %get3A_778 = arith.index_cast %add3A_717 : i32 to index
        %get3A_779 = arith.constant 96 : index
        %get3A_780 = tpu.vector_load %arg13[%get3A_778, %get3A_779] {strides = array<i32>} : memref<80x128xf32, #tpu.memory_space<vmem>>, vector<1x16xf32>,
        %get3A_781 = vector.shape_cast %get3A_780 : vector<1x16xf32> to vector<16xf32>
        %mul3A_782 = arith.mulf %get3A_781, %gather3A_713 : vector<16xf32>
        %swap3A_783 = arith.index_cast %add3A_717 : i32 to index
        %swap3A_784 = arith.constant 96 : index
        %swap3A_785 = tpu.vector_load %arg13[%swap3A_783, %swap3A_784] {strides = array<i32>} : memref<80x128xf32, #tpu.memory_space<vmem>>, vector<1x16xf32>,
        %swap3A_786 = vector.shape_cast %swap3A_785 : vector<1x16xf32> to vector<16xf32>
        %swap3A_787 = vector.shape_cast %mul3A_782 : vector<16xf32> to vector<1x16xf32>
        tpu.vector_store %arg13[%swap3A_783, %swap3A_784], %swap3A_787 {strides = array<i32>} : memref<80x128xf32, #tpu.memory_space<vmem>>, vector<1x16xf32>,
        %get3A_788 = arith.index_cast %add3A_717 : i32 to index
        %get3A_789 = arith.constant 112 : index
        %get3A_790 = tpu.vector_load %arg13[%get3A_788, %get3A_789] {strides = array<i32>} : memref<80x128xf32, #tpu.memory_space<vmem>>, vector<1x16xf32>,
        %get3A_791 = vector.shape_cast %get3A_790 : vector<1x16xf32> to vector<16xf32>
        %mul3A_792 = arith.mulf %get3A_791, %gather3A_713 : vector<16xf32>
        %swap3A_793 = arith.index_cast %add3A_717 : i32 to index
        %swap3A_794 = arith.constant 112 : index
        %swap3A_795 = tpu.vector_load %arg13[%swap3A_793, %swap3A_794] {strides = array<i32>} : memref<80x128xf32, #tpu.memory_space<vmem>>, vector<1x16xf32>,
        %swap3A_796 = vector.shape_cast %swap3A_795 : vector<1x16xf32> to vector<16xf32>
        %swap3A_797 = vector.shape_cast %mul3A_792 : vector<16xf32> to vector<1x16xf32>
        tpu.vector_store %arg13[%swap3A_793, %swap3A_794], %swap3A_797 {strides = array<i32>} : memref<80x128xf32, #tpu.memory_space<vmem>>, vector<1x16xf32>,
        %broadcast_in_dim3A_798 = arith.constant 7 : i32
        %broadcast_in_dim3A_799 = vector.broadcast %broadcast_in_dim3A_798 : i32 to vector<16xi32>
        %lt3A_800 = arith.constant 0 : i32
        %lt3A_801 = vector.broadcast %lt3A_800 : i32 to vector<16xi32>
        %lt3A_802 = arith.cmpi slt, %broadcast_in_dim3A_799, %lt3A_801 : vector<16xi32>
        %add3A_803 = arith.constant 16 : i32
        %add3A_804 = vector.broadcast %add3A_803 : i32 to vector<16xi32>
        %add3A_805 = arith.addi %broadcast_in_dim3A_799, %add3A_804 : vector<16xi32>
        %select_n3A_806 = arith.select %lt3A_802, %add3A_805, %broadcast_in_dim3A_799 : vector<16xi1>, vector<16xi32>
        %broadcast_in_dim3A_807 = vector.shape_cast %select_n3A_806 : vector<16xi32> to vector<16x1xi32>
        %gather3A_808 = vector.shape_cast %broadcast_in_dim3A_807 : vector<16x1xi32> to vector<16xi32>
        %gather3A_809 = tpu.dynamic_gather %get3A_128[%gather3A_808] in [0] : vector<16xf32>, vector<16xi32> -> vector<16xf32>
        %mul3A_810 = arith.constant 16 : i32
        %mul3A_811 = arith.muli %scan3A_123, %mul3A_810 : i32
        %add3A_812 = arith.constant 7 : i32
        %add3A_813 = arith.addi %mul3A_811, %add3A_812 : i32
        %get3A_814 = arith.index_cast %add3A_813 : i32 to index
        %get3A_815 = arith.constant 0 : index
        %get3A_816 = tpu.vector_load %arg13[%get3A_814, %get3A_815] {strides = array<i32>} : memref<80x128xf32, #tpu.memory_space<vmem>>, vector<1x16xf32>,
        %get3A_817 = vector.shape_cast %get3A_816 : vector<1x16xf32> to vector<16xf32>
        %mul3A_818 = arith.mulf %get3A_817, %gather3A_809 : vector<16xf32>
        %swap3A_819 = arith.index_cast %add3A_813 : i32 to index
        %swap3A_820 = arith.constant 0 : index
        %swap3A_821 = tpu.vector_load %arg13[%swap3A_819, %swap3A_820] {strides = array<i32>} : memref<80x128xf32, #tpu.memory_space<vmem>>, vector<1x16xf32>,
        %swap3A_822 = vector.shape_cast %swap3A_821 : vector<1x16xf32> to vector<16xf32>
        %swap3A_823 = vector.shape_cast %mul3A_818 : vector<16xf32> to vector<1x16xf32>
        tpu.vector_store %arg13[%swap3A_819, %swap3A_820], %swap3A_823 {strides = array<i32>} : memref<80x128xf32, #tpu.memory_space<vmem>>, vector<1x16xf32>,
        %get3A_824 = arith.index_cast %add3A_813 : i32 to index
        %get3A_825 = arith.constant 16 : index
        %get3A_826 = tpu.vector_load %arg13[%get3A_824, %get3A_825] {strides = array<i32>} : memref<80x128xf32, #tpu.memory_space<vmem>>, vector<1x16xf32>,
        %get3A_827 = vector.shape_cast %get3A_826 : vector<1x16xf32> to vector<16xf32>
        %mul3A_828 = arith.mulf %get3A_827, %gather3A_809 : vector<16xf32>
        %swap3A_829 = arith.index_cast %add3A_813 : i32 to index
        %swap3A_830 = arith.constant 16 : index
        %swap3A_831 = tpu.vector_load %arg13[%swap3A_829, %swap3A_830] {strides = array<i32>} : memref<80x128xf32, #tpu.memory_space<vmem>>, vector<1x16xf32>,
        %swap3A_832 = vector.shape_cast %swap3A_831 : vector<1x16xf32> to vector<16xf32>
        %swap3A_833 = vector.shape_cast %mul3A_828 : vector<16xf32> to vector<1x16xf32>
        tpu.vector_store %arg13[%swap3A_829, %swap3A_830], %swap3A_833 {strides = array<i32>} : memref<80x128xf32, #tpu.memory_space<vmem>>, vector<1x16xf32>,
        %get3A_834 = arith.index_cast %add3A_813 : i32 to index
        %get3A_835 = arith.constant 32 : index
        %get3A_836 = tpu.vector_load %arg13[%get3A_834, %get3A_835] {strides = array<i32>} : memref<80x128xf32, #tpu.memory_space<vmem>>, vector<1x16xf32>,
        %get3A_837 = vector.shape_cast %get3A_836 : vector<1x16xf32> to vector<16xf32>
        %mul3A_838 = arith.mulf %get3A_837, %gather3A_809 : vector<16xf32>
        %swap3A_839 = arith.index_cast %add3A_813 : i32 to index
        %swap3A_840 = arith.constant 32 : index
        %swap3A_841 = tpu.vector_load %arg13[%swap3A_839, %swap3A_840] {strides = array<i32>} : memref<80x128xf32, #tpu.memory_space<vmem>>, vector<1x16xf32>,
        %swap3A_842 = vector.shape_cast %swap3A_841 : vector<1x16xf32> to vector<16xf32>
        %swap3A_843 = vector.shape_cast %mul3A_838 : vector<16xf32> to vector<1x16xf32>
        tpu.vector_store %arg13[%swap3A_839, %swap3A_840], %swap3A_843 {strides = array<i32>} : memref<80x128xf32, #tpu.memory_space<vmem>>, vector<1x16xf32>,
        %get3A_844 = arith.index_cast %add3A_813 : i32 to index
        %get3A_845 = arith.constant 48 : index
        %get3A_846 = tpu.vector_load %arg13[%get3A_844, %get3A_845] {strides = array<i32>} : memref<80x128xf32, #tpu.memory_space<vmem>>, vector<1x16xf32>,
        %get3A_847 = vector.shape_cast %get3A_846 : vector<1x16xf32> to vector<16xf32>
        %mul3A_848 = arith.mulf %get3A_847, %gather3A_809 : vector<16xf32>
        %swap3A_849 = arith.index_cast %add3A_813 : i32 to index
        %swap3A_850 = arith.constant 48 : index
        %swap3A_851 = tpu.vector_load %arg13[%swap3A_849, %swap3A_850] {strides = array<i32>} : memref<80x128xf32, #tpu.memory_space<vmem>>, vector<1x16xf32>,
        %swap3A_852 = vector.shape_cast %swap3A_851 : vector<1x16xf32> to vector<16xf32>
        %swap3A_853 = vector.shape_cast %mul3A_848 : vector<16xf32> to vector<1x16xf32>
        tpu.vector_store %arg13[%swap3A_849, %swap3A_850], %swap3A_853 {strides = array<i32>} : memref<80x128xf32, #tpu.memory_space<vmem>>, vector<1x16xf32>,
        %get3A_854 = arith.index_cast %add3A_813 : i32 to index
        %get3A_855 = arith.constant 64 : index
        %get3A_856 = tpu.vector_load %arg13[%get3A_854, %get3A_855] {strides = array<i32>} : memref<80x128xf32, #tpu.memory_space<vmem>>, vector<1x16xf32>,
        %get3A_857 = vector.shape_cast %get3A_856 : vector<1x16xf32> to vector<16xf32>
        %mul3A_858 = arith.mulf %get3A_857, %gather3A_809 : vector<16xf32>
        %swap3A_859 = arith.index_cast %add3A_813 : i32 to index
        %swap3A_860 = arith.constant 64 : index
        %swap3A_861 = tpu.vector_load %arg13[%swap3A_859, %swap3A_860] {strides = array<i32>} : memref<80x128xf32, #tpu.memory_space<vmem>>, vector<1x16xf32>,
        %swap3A_862 = vector.shape_cast %swap3A_861 : vector<1x16xf32> to vector<16xf32>
        %swap3A_863 = vector.shape_cast %mul3A_858 : vector<16xf32> to vector<1x16xf32>
        tpu.vector_store %arg13[%swap3A_859, %swap3A_860], %swap3A_863 {strides = array<i32>} : memref<80x128xf32, #tpu.memory_space<vmem>>, vector<1x16xf32>,
        %get3A_864 = arith.index_cast %add3A_813 : i32 to index
        %get3A_865 = arith.constant 80 : index
        %get3A_866 = tpu.vector_load %arg13[%get3A_864, %get3A_865] {strides = array<i32>} : memref<80x128xf32, #tpu.memory_space<vmem>>, vector<1x16xf32>,
        %get3A_867 = vector.shape_cast %get3A_866 : vector<1x16xf32> to vector<16xf32>
        %mul3A_868 = arith.mulf %get3A_867, %gather3A_809 : vector<16xf32>
        %swap3A_869 = arith.index_cast %add3A_813 : i32 to index
        %swap3A_870 = arith.constant 80 : index
        %swap3A_871 = tpu.vector_load %arg13[%swap3A_869, %swap3A_870] {strides = array<i32>} : memref<80x128xf32, #tpu.memory_space<vmem>>, vector<1x16xf32>,
        %swap3A_872 = vector.shape_cast %swap3A_871 : vector<1x16xf32> to vector<16xf32>
        %swap3A_873 = vector.shape_cast %mul3A_868 : vector<16xf32> to vector<1x16xf32>
        tpu.vector_store %arg13[%swap3A_869, %swap3A_870], %swap3A_873 {strides = array<i32>} : memref<80x128xf32, #tpu.memory_space<vmem>>, vector<1x16xf32>,
        %get3A_874 = arith.index_cast %add3A_813 : i32 to index
        %get3A_875 = arith.constant 96 : index
        %get3A_876 = tpu.vector_load %arg13[%get3A_874, %get3A_875] {strides = array<i32>} : memref<80x128xf32, #tpu.memory_space<vmem>>, vector<1x16xf32>,
        %get3A_877 = vector.shape_cast %get3A_876 : vector<1x16xf32> to vector<16xf32>
        %mul3A_878 = arith.mulf %get3A_877, %gather3A_809 : vector<16xf32>
        %swap3A_879 = arith.index_cast %add3A_813 : i32 to index
        %swap3A_880 = arith.constant 96 : index
        %swap3A_881 = tpu.vector_load %arg13[%swap3A_879, %swap3A_880] {strides = array<i32>} : memref<80x128xf32, #tpu.memory_space<vmem>>, vector<1x16xf32>,
        %swap3A_882 = vector.shape_cast %swap3A_881 : vector<1x16xf32> to vector<16xf32>
        %swap3A_883 = vector.shape_cast %mul3A_878 : vector<16xf32> to vector<1x16xf32>
        tpu.vector_store %arg13[%swap3A_879, %swap3A_880], %swap3A_883 {strides = array<i32>} : memref<80x128xf32, #tpu.memory_space<vmem>>, vector<1x16xf32>,
        %get3A_884 = arith.index_cast %add3A_813 : i32 to index
        %get3A_885 = arith.constant 112 : index
        %get3A_886 = tpu.vector_load %arg13[%get3A_884, %get3A_885] {strides = array<i32>} : memref<80x128xf32, #tpu.memory_space<vmem>>, vector<1x16xf32>,
        %get3A_887 = vector.shape_cast %get3A_886 : vector<1x16xf32> to vector<16xf32>
        %mul3A_888 = arith.mulf %get3A_887, %gather3A_809 : vector<16xf32>
        %swap3A_889 = arith.index_cast %add3A_813 : i32 to index
        %swap3A_890 = arith.constant 112 : index
        %swap3A_891 = tpu.vector_load %arg13[%swap3A_889, %swap3A_890] {strides = array<i32>} : memref<80x128xf32, #tpu.memory_space<vmem>>, vector<1x16xf32>,
        %swap3A_892 = vector.shape_cast %swap3A_891 : vector<1x16xf32> to vector<16xf32>
        %swap3A_893 = vector.shape_cast %mul3A_888 : vector<16xf32> to vector<1x16xf32>
        tpu.vector_store %arg13[%swap3A_889, %swap3A_890], %swap3A_893 {strides = array<i32>} : memref<80x128xf32, #tpu.memory_space<vmem>>, vector<1x16xf32>,
        %broadcast_in_dim3A_894 = arith.constant 8 : i32
        %broadcast_in_dim3A_895 = vector.broadcast %broadcast_in_dim3A_894 : i32 to vector<16xi32>
        %lt3A_896 = arith.constant 0 : i32
        %lt3A_897 = vector.broadcast %lt3A_896 : i32 to vector<16xi32>
        %lt3A_898 = arith.cmpi slt, %broadcast_in_dim3A_895, %lt3A_897 : vector<16xi32>
        %add3A_899 = arith.constant 16 : i32
        %add3A_900 = vector.broadcast %add3A_899 : i32 to vector<16xi32>
        %add3A_901 = arith.addi %broadcast_in_dim3A_895, %add3A_900 : vector<16xi32>
        %select_n3A_902 = arith.select %lt3A_898, %add3A_901, %broadcast_in_dim3A_895 : vector<16xi1>, vector<16xi32>
        %broadcast_in_dim3A_903 = vector.shape_cast %select_n3A_902 : vector<16xi32> to vector<16x1xi32>
        %gather3A_904 = vector.shape_cast %broadcast_in_dim3A_903 : vector<16x1xi32> to vector<16xi32>
        %gather3A_905 = tpu.dynamic_gather %get3A_128[%gather3A_904] in [0] : vector<16xf32>, vector<16xi32> -> vector<16xf32>
        %mul3A_906 = arith.constant 16 : i32
        %mul3A_907 = arith.muli %scan3A_123, %mul3A_906 : i32
        %add3A_908 = arith.constant 8 : i32
        %add3A_909 = arith.addi %mul3A_907, %add3A_908 : i32
        %get3A_910 = arith.index_cast %add3A_909 : i32 to index
        %get3A_911 = arith.constant 0 : index
        %get3A_912 = tpu.vector_load %arg13[%get3A_910, %get3A_911] {strides = array<i32>} : memref<80x128xf32, #tpu.memory_space<vmem>>, vector<1x16xf32>,
        %get3A_913 = vector.shape_cast %get3A_912 : vector<1x16xf32> to vector<16xf32>
        %mul3A_914 = arith.mulf %get3A_913, %gather3A_905 : vector<16xf32>
        %swap3A_915 = arith.index_cast %add3A_909 : i32 to index
        %swap3A_916 = arith.constant 0 : index
        %swap3A_917 = tpu.vector_load %arg13[%swap3A_915, %swap3A_916] {strides = array<i32>} : memref<80x128xf32, #tpu.memory_space<vmem>>, vector<1x16xf32>,
        %swap3A_918 = vector.shape_cast %swap3A_917 : vector<1x16xf32> to vector<16xf32>
        %swap3A_919 = vector.shape_cast %mul3A_914 : vector<16xf32> to vector<1x16xf32>
        tpu.vector_store %arg13[%swap3A_915, %swap3A_916], %swap3A_919 {strides = array<i32>} : memref<80x128xf32, #tpu.memory_space<vmem>>, vector<1x16xf32>,
        %get3A_920 = arith.index_cast %add3A_909 : i32 to index
        %get3A_921 = arith.constant 16 : index
        %get3A_922 = tpu.vector_load %arg13[%get3A_920, %get3A_921] {strides = array<i32>} : memref<80x128xf32, #tpu.memory_space<vmem>>, vector<1x16xf32>,
        %get3A_923 = vector.shape_cast %get3A_922 : vector<1x16xf32> to vector<16xf32>
        %mul3A_924 = arith.mulf %get3A_923, %gather3A_905 : vector<16xf32>
        %swap3A_925 = arith.index_cast %add3A_909 : i32 to index
        %swap3A_926 = arith.constant 16 : index
        %swap3A_927 = tpu.vector_load %arg13[%swap3A_925, %swap3A_926] {strides = array<i32>} : memref<80x128xf32, #tpu.memory_space<vmem>>, vector<1x16xf32>,
        %swap3A_928 = vector.shape_cast %swap3A_927 : vector<1x16xf32> to vector<16xf32>
        %swap3A_929 = vector.shape_cast %mul3A_924 : vector<16xf32> to vector<1x16xf32>
        tpu.vector_store %arg13[%swap3A_925, %swap3A_926], %swap3A_929 {strides = array<i32>} : memref<80x128xf32, #tpu.memory_space<vmem>>, vector<1x16xf32>,
        %get3A_930 = arith.index_cast %add3A_909 : i32 to index
        %get3A_931 = arith.constant 32 : index
        %get3A_932 = tpu.vector_load %arg13[%get3A_930, %get3A_931] {strides = array<i32>} : memref<80x128xf32, #tpu.memory_space<vmem>>, vector<1x16xf32>,
        %get3A_933 = vector.shape_cast %get3A_932 : vector<1x16xf32> to vector<16xf32>
        %mul3A_934 = arith.mulf %get3A_933, %gather3A_905 : vector<16xf32>
        %swap3A_935 = arith.index_cast %add3A_909 : i32 to index
        %swap3A_936 = arith.constant 32 : index
        %swap3A_937 = tpu.vector_load %arg13[%swap3A_935, %swap3A_936] {strides = array<i32>} : memref<80x128xf32, #tpu.memory_space<vmem>>, vector<1x16xf32>,
        %swap3A_938 = vector.shape_cast %swap3A_937 : vector<1x16xf32> to vector<16xf32>
        %swap3A_939 = vector.shape_cast %mul3A_934 : vector<16xf32> to vector<1x16xf32>
        tpu.vector_store %arg13[%swap3A_935, %swap3A_936], %swap3A_939 {strides = array<i32>} : memref<80x128xf32, #tpu.memory_space<vmem>>, vector<1x16xf32>,
        %get3A_940 = arith.index_cast %add3A_909 : i32 to index
        %get3A_941 = arith.constant 48 : index
        %get3A_942 = tpu.vector_load %arg13[%get3A_940, %get3A_941] {strides = array<i32>} : memref<80x128xf32, #tpu.memory_space<vmem>>, vector<1x16xf32>,
        %get3A_943 = vector.shape_cast %get3A_942 : vector<1x16xf32> to vector<16xf32>
        %mul3A_944 = arith.mulf %get3A_943, %gather3A_905 : vector<16xf32>
        %swap3A_945 = arith.index_cast %add3A_909 : i32 to index
        %swap3A_946 = arith.constant 48 : index
        %swap3A_947 = tpu.vector_load %arg13[%swap3A_945, %swap3A_946] {strides = array<i32>} : memref<80x128xf32, #tpu.memory_space<vmem>>, vector<1x16xf32>,
        %swap3A_948 = vector.shape_cast %swap3A_947 : vector<1x16xf32> to vector<16xf32>
        %swap3A_949 = vector.shape_cast %mul3A_944 : vector<16xf32> to vector<1x16xf32>
        tpu.vector_store %arg13[%swap3A_945, %swap3A_946], %swap3A_949 {strides = array<i32>} : memref<80x128xf32, #tpu.memory_space<vmem>>, vector<1x16xf32>,
        %get3A_950 = arith.index_cast %add3A_909 : i32 to index
        %get3A_951 = arith.constant 64 : index
        %get3A_952 = tpu.vector_load %arg13[%get3A_950, %get3A_951] {strides = array<i32>} : memref<80x128xf32, #tpu.memory_space<vmem>>, vector<1x16xf32>,
        %get3A_953 = vector.shape_cast %get3A_952 : vector<1x16xf32> to vector<16xf32>
        %mul3A_954 = arith.mulf %get3A_953, %gather3A_905 : vector<16xf32>
        %swap3A_955 = arith.index_cast %add3A_909 : i32 to index
        %swap3A_956 = arith.constant 64 : index
        %swap3A_957 = tpu.vector_load %arg13[%swap3A_955, %swap3A_956] {strides = array<i32>} : memref<80x128xf32, #tpu.memory_space<vmem>>, vector<1x16xf32>,
        %swap3A_958 = vector.shape_cast %swap3A_957 : vector<1x16xf32> to vector<16xf32>
        %swap3A_959 = vector.shape_cast %mul3A_954 : vector<16xf32> to vector<1x16xf32>
        tpu.vector_store %arg13[%swap3A_955, %swap3A_956], %swap3A_959 {strides = array<i32>} : memref<80x128xf32, #tpu.memory_space<vmem>>, vector<1x16xf32>,
        %get3A_960 = arith.index_cast %add3A_909 : i32 to index
        %get3A_961 = arith.constant 80 : index
        %get3A_962 = tpu.vector_load %arg13[%get3A_960, %get3A_961] {strides = array<i32>} : memref<80x128xf32, #tpu.memory_space<vmem>>, vector<1x16xf32>,
        %get3A_963 = vector.shape_cast %get3A_962 : vector<1x16xf32> to vector<16xf32>
        %mul3A_964 = arith.mulf %get3A_963, %gather3A_905 : vector<16xf32>
        %swap3A_965 = arith.index_cast %add3A_909 : i32 to index
        %swap3A_966 = arith.constant 80 : index
        %swap3A_967 = tpu.vector_load %arg13[%swap3A_965, %swap3A_966] {strides = array<i32>} : memref<80x128xf32, #tpu.memory_space<vmem>>, vector<1x16xf32>,
        %swap3A_968 = vector.shape_cast %swap3A_967 : vector<1x16xf32> to vector<16xf32>
        %swap3A_969 = vector.shape_cast %mul3A_964 : vector<16xf32> to vector<1x16xf32>
        tpu.vector_store %arg13[%swap3A_965, %swap3A_966], %swap3A_969 {strides = array<i32>} : memref<80x128xf32, #tpu.memory_space<vmem>>, vector<1x16xf32>,
        %get3A_970 = arith.index_cast %add3A_909 : i32 to index
        %get3A_971 = arith.constant 96 : index
        %get3A_972 = tpu.vector_load %arg13[%get3A_970, %get3A_971] {strides = array<i32>} : memref<80x128xf32, #tpu.memory_space<vmem>>, vector<1x16xf32>,
        %get3A_973 = vector.shape_cast %get3A_972 : vector<1x16xf32> to vector<16xf32>
        %mul3A_974 = arith.mulf %get3A_973, %gather3A_905 : vector<16xf32>
        %swap3A_975 = arith.index_cast %add3A_909 : i32 to index
        %swap3A_976 = arith.constant 96 : index
        %swap3A_977 = tpu.vector_load %arg13[%swap3A_975, %swap3A_976] {strides = array<i32>} : memref<80x128xf32, #tpu.memory_space<vmem>>, vector<1x16xf32>,
        %swap3A_978 = vector.shape_cast %swap3A_977 : vector<1x16xf32> to vector<16xf32>
        %swap3A_979 = vector.shape_cast %mul3A_974 : vector<16xf32> to vector<1x16xf32>
        tpu.vector_store %arg13[%swap3A_975, %swap3A_976], %swap3A_979 {strides = array<i32>} : memref<80x128xf32, #tpu.memory_space<vmem>>, vector<1x16xf32>,
        %get3A_980 = arith.index_cast %add3A_909 : i32 to index
        %get3A_981 = arith.constant 112 : index
        %get3A_982 = tpu.vector_load %arg13[%get3A_980, %get3A_981] {strides = array<i32>} : memref<80x128xf32, #tpu.memory_space<vmem>>, vector<1x16xf32>,
        %get3A_983 = vector.shape_cast %get3A_982 : vector<1x16xf32> to vector<16xf32>
        %mul3A_984 = arith.mulf %get3A_983, %gather3A_905 : vector<16xf32>
        %swap3A_985 = arith.index_cast %add3A_909 : i32 to index
        %swap3A_986 = arith.constant 112 : index
        %swap3A_987 = tpu.vector_load %arg13[%swap3A_985, %swap3A_986] {strides = array<i32>} : memref<80x128xf32, #tpu.memory_space<vmem>>, vector<1x16xf32>,
        %swap3A_988 = vector.shape_cast %swap3A_987 : vector<1x16xf32> to vector<16xf32>
        %swap3A_989 = vector.shape_cast %mul3A_984 : vector<16xf32> to vector<1x16xf32>
        tpu.vector_store %arg13[%swap3A_985, %swap3A_986], %swap3A_989 {strides = array<i32>} : memref<80x128xf32, #tpu.memory_space<vmem>>, vector<1x16xf32>,
        %broadcast_in_dim3A_990 = arith.constant 9 : i32
        %broadcast_in_dim3A_991 = vector.broadcast %broadcast_in_dim3A_990 : i32 to vector<16xi32>
        %lt3A_992 = arith.constant 0 : i32
        %lt3A_993 = vector.broadcast %lt3A_992 : i32 to vector<16xi32>
        %lt3A_994 = arith.cmpi slt, %broadcast_in_dim3A_991, %lt3A_993 : vector<16xi32>
        %add3A_995 = arith.constant 16 : i32
        %add3A_996 = vector.broadcast %add3A_995 : i32 to vector<16xi32>
        %add3A_997 = arith.addi %broadcast_in_dim3A_991, %add3A_996 : vector<16xi32>
        %select_n3A_998 = arith.select %lt3A_994, %add3A_997, %broadcast_in_dim3A_991 : vector<16xi1>, vector<16xi32>
        %broadcast_in_dim3A_999 = vector.shape_cast %select_n3A_998 : vector<16xi32> to vector<16x1xi32>
        %gather3A_1000 = vector.shape_cast %broadcast_in_dim3A_999 : vector<16x1xi32> to vector<16xi32>
        %gather3A_1001 = tpu.dynamic_gather %get3A_128[%gather3A_1000] in [0] : vector<16xf32>, vector<16xi32> -> vector<16xf32>
        %mul3A_1002 = arith.constant 16 : i32
        %mul3A_1003 = arith.muli %scan3A_123, %mul3A_1002 : i32
        %add3A_1004 = arith.constant 9 : i32
        %add3A_1005 = arith.addi %mul3A_1003, %add3A_1004 : i32
        %get3A_1006 = arith.index_cast %add3A_1005 : i32 to index
        %get3A_1007 = arith.constant 0 : index
        %get3A_1008 = tpu.vector_load %arg13[%get3A_1006, %get3A_1007] {strides = array<i32>} : memref<80x128xf32, #tpu.memory_space<vmem>>, vector<1x16xf32>,
        %get3A_1009 = vector.shape_cast %get3A_1008 : vector<1x16xf32> to vector<16xf32>
        %mul3A_1010 = arith.mulf %get3A_1009, %gather3A_1001 : vector<16xf32>
        %swap3A_1011 = arith.index_cast %add3A_1005 : i32 to index
        %swap3A_1012 = arith.constant 0 : index
        %swap3A_1013 = tpu.vector_load %arg13[%swap3A_1011, %swap3A_1012] {strides = array<i32>} : memref<80x128xf32, #tpu.memory_space<vmem>>, vector<1x16xf32>,
        %swap3A_1014 = vector.shape_cast %swap3A_1013 : vector<1x16xf32> to vector<16xf32>
        %swap3A_1015 = vector.shape_cast %mul3A_1010 : vector<16xf32> to vector<1x16xf32>
        tpu.vector_store %arg13[%swap3A_1011, %swap3A_1012], %swap3A_1015 {strides = array<i32>} : memref<80x128xf32, #tpu.memory_space<vmem>>, vector<1x16xf32>,
        %get3A_1016 = arith.index_cast %add3A_1005 : i32 to index
        %get3A_1017 = arith.constant 16 : index
        %get3A_1018 = tpu.vector_load %arg13[%get3A_1016, %get3A_1017] {strides = array<i32>} : memref<80x128xf32, #tpu.memory_space<vmem>>, vector<1x16xf32>,
        %get3A_1019 = vector.shape_cast %get3A_1018 : vector<1x16xf32> to vector<16xf32>
        %mul3A_1020 = arith.mulf %get3A_1019, %gather3A_1001 : vector<16xf32>
        %swap3A_1021 = arith.index_cast %add3A_1005 : i32 to index
        %swap3A_1022 = arith.constant 16 : index
        %swap3A_1023 = tpu.vector_load %arg13[%swap3A_1021, %swap3A_1022] {strides = array<i32>} : memref<80x128xf32, #tpu.memory_space<vmem>>, vector<1x16xf32>,
        %swap3A_1024 = vector.shape_cast %swap3A_1023 : vector<1x16xf32> to vector<16xf32>
        %swap3A_1025 = vector.shape_cast %mul3A_1020 : vector<16xf32> to vector<1x16xf32>
        tpu.vector_store %arg13[%swap3A_1021, %swap3A_1022], %swap3A_1025 {strides = array<i32>} : memref<80x128xf32, #tpu.memory_space<vmem>>, vector<1x16xf32>,
        %get3A_1026 = arith.index_cast %add3A_1005 : i32 to index
        %get3A_1027 = arith.constant 32 : index
        %get3A_1028 = tpu.vector_load %arg13[%get3A_1026, %get3A_1027] {strides = array<i32>} : memref<80x128xf32, #tpu.memory_space<vmem>>, vector<1x16xf32>,
        %get3A_1029 = vector.shape_cast %get3A_1028 : vector<1x16xf32> to vector<16xf32>
        %mul3A_1030 = arith.mulf %get3A_1029, %gather3A_1001 : vector<16xf32>
        %swap3A_1031 = arith.index_cast %add3A_1005 : i32 to index
        %swap3A_1032 = arith.constant 32 : index
        %swap3A_1033 = tpu.vector_load %arg13[%swap3A_1031, %swap3A_1032] {strides = array<i32>} : memref<80x128xf32, #tpu.memory_space<vmem>>, vector<1x16xf32>,
        %swap3A_1034 = vector.shape_cast %swap3A_1033 : vector<1x16xf32> to vector<16xf32>
        %swap3A_1035 = vector.shape_cast %mul3A_1030 : vector<16xf32> to vector<1x16xf32>
        tpu.vector_store %arg13[%swap3A_1031, %swap3A_1032], %swap3A_1035 {strides = array<i32>} : memref<80x128xf32, #tpu.memory_space<vmem>>, vector<1x16xf32>,
        %get3A_1036 = arith.index_cast %add3A_1005 : i32 to index
        %get3A_1037 = arith.constant 48 : index
        %get3A_1038 = tpu.vector_load %arg13[%get3A_1036, %get3A_1037] {strides = array<i32>} : memref<80x128xf32, #tpu.memory_space<vmem>>, vector<1x16xf32>,
        %get3A_1039 = vector.shape_cast %get3A_1038 : vector<1x16xf32> to vector<16xf32>
        %mul3A_1040 = arith.mulf %get3A_1039, %gather3A_1001 : vector<16xf32>
        %swap3A_1041 = arith.index_cast %add3A_1005 : i32 to index
        %swap3A_1042 = arith.constant 48 : index
        %swap3A_1043 = tpu.vector_load %arg13[%swap3A_1041, %swap3A_1042] {strides = array<i32>} : memref<80x128xf32, #tpu.memory_space<vmem>>, vector<1x16xf32>,
        %swap3A_1044 = vector.shape_cast %swap3A_1043 : vector<1x16xf32> to vector<16xf32>
        %swap3A_1045 = vector.shape_cast %mul3A_1040 : vector<16xf32> to vector<1x16xf32>
        tpu.vector_store %arg13[%swap3A_1041, %swap3A_1042], %swap3A_1045 {strides = array<i32>} : memref<80x128xf32, #tpu.memory_space<vmem>>, vector<1x16xf32>,
        %get3A_1046 = arith.index_cast %add3A_1005 : i32 to index
        %get3A_1047 = arith.constant 64 : index
        %get3A_1048 = tpu.vector_load %arg13[%get3A_1046, %get3A_1047] {strides = array<i32>} : memref<80x128xf32, #tpu.memory_space<vmem>>, vector<1x16xf32>,
        %get3A_1049 = vector.shape_cast %get3A_1048 : vector<1x16xf32> to vector<16xf32>
        %mul3A_1050 = arith.mulf %get3A_1049, %gather3A_1001 : vector<16xf32>
        %swap3A_1051 = arith.index_cast %add3A_1005 : i32 to index
        %swap3A_1052 = arith.constant 64 : index
        %swap3A_1053 = tpu.vector_load %arg13[%swap3A_1051, %swap3A_1052] {strides = array<i32>} : memref<80x128xf32, #tpu.memory_space<vmem>>, vector<1x16xf32>,
        %swap3A_1054 = vector.shape_cast %swap3A_1053 : vector<1x16xf32> to vector<16xf32>
        %swap3A_1055 = vector.shape_cast %mul3A_1050 : vector<16xf32> to vector<1x16xf32>
        tpu.vector_store %arg13[%swap3A_1051, %swap3A_1052], %swap3A_1055 {strides = array<i32>} : memref<80x128xf32, #tpu.memory_space<vmem>>, vector<1x16xf32>,
        %get3A_1056 = arith.index_cast %add3A_1005 : i32 to index
        %get3A_1057 = arith.constant 80 : index
        %get3A_1058 = tpu.vector_load %arg13[%get3A_1056, %get3A_1057] {strides = array<i32>} : memref<80x128xf32, #tpu.memory_space<vmem>>, vector<1x16xf32>,
        %get3A_1059 = vector.shape_cast %get3A_1058 : vector<1x16xf32> to vector<16xf32>
        %mul3A_1060 = arith.mulf %get3A_1059, %gather3A_1001 : vector<16xf32>
        %swap3A_1061 = arith.index_cast %add3A_1005 : i32 to index
        %swap3A_1062 = arith.constant 80 : index
        %swap3A_1063 = tpu.vector_load %arg13[%swap3A_1061, %swap3A_1062] {strides = array<i32>} : memref<80x128xf32, #tpu.memory_space<vmem>>, vector<1x16xf32>,
        %swap3A_1064 = vector.shape_cast %swap3A_1063 : vector<1x16xf32> to vector<16xf32>
        %swap3A_1065 = vector.shape_cast %mul3A_1060 : vector<16xf32> to vector<1x16xf32>
        tpu.vector_store %arg13[%swap3A_1061, %swap3A_1062], %swap3A_1065 {strides = array<i32>} : memref<80x128xf32, #tpu.memory_space<vmem>>, vector<1x16xf32>,
        %get3A_1066 = arith.index_cast %add3A_1005 : i32 to index
        %get3A_1067 = arith.constant 96 : index
        %get3A_1068 = tpu.vector_load %arg13[%get3A_1066, %get3A_1067] {strides = array<i32>} : memref<80x128xf32, #tpu.memory_space<vmem>>, vector<1x16xf32>,
        %get3A_1069 = vector.shape_cast %get3A_1068 : vector<1x16xf32> to vector<16xf32>
        %mul3A_1070 = arith.mulf %get3A_1069, %gather3A_1001 : vector<16xf32>
        %swap3A_1071 = arith.index_cast %add3A_1005 : i32 to index
        %swap3A_1072 = arith.constant 96 : index
        %swap3A_1073 = tpu.vector_load %arg13[%swap3A_1071, %swap3A_1072] {strides = array<i32>} : memref<80x128xf32, #tpu.memory_space<vmem>>, vector<1x16xf32>,
        %swap3A_1074 = vector.shape_cast %swap3A_1073 : vector<1x16xf32> to vector<16xf32>
        %swap3A_1075 = vector.shape_cast %mul3A_1070 : vector<16xf32> to vector<1x16xf32>
        tpu.vector_store %arg13[%swap3A_1071, %swap3A_1072], %swap3A_1075 {strides = array<i32>} : memref<80x128xf32, #tpu.memory_space<vmem>>, vector<1x16xf32>,
        %get3A_1076 = arith.index_cast %add3A_1005 : i32 to index
        %get3A_1077 = arith.constant 112 : index
        %get3A_1078 = tpu.vector_load %arg13[%get3A_1076, %get3A_1077] {strides = array<i32>} : memref<80x128xf32, #tpu.memory_space<vmem>>, vector<1x16xf32>,
        %get3A_1079 = vector.shape_cast %get3A_1078 : vector<1x16xf32> to vector<16xf32>
        %mul3A_1080 = arith.mulf %get3A_1079, %gather3A_1001 : vector<16xf32>
        %swap3A_1081 = arith.index_cast %add3A_1005 : i32 to index
        %swap3A_1082 = arith.constant 112 : index
        %swap3A_1083 = tpu.vector_load %arg13[%swap3A_1081, %swap3A_1082] {strides = array<i32>} : memref<80x128xf32, #tpu.memory_space<vmem>>, vector<1x16xf32>,
        %swap3A_1084 = vector.shape_cast %swap3A_1083 : vector<1x16xf32> to vector<16xf32>
        %swap3A_1085 = vector.shape_cast %mul3A_1080 : vector<16xf32> to vector<1x16xf32>
        tpu.vector_store %arg13[%swap3A_1081, %swap3A_1082], %swap3A_1085 {strides = array<i32>} : memref<80x128xf32, #tpu.memory_space<vmem>>, vector<1x16xf32>,
        %broadcast_in_dim3A_1086 = arith.constant 10 : i32
        %broadcast_in_dim3A_1087 = vector.broadcast %broadcast_in_dim3A_1086 : i32 to vector<16xi32>
        %lt3A_1088 = arith.constant 0 : i32
        %lt3A_1089 = vector.broadcast %lt3A_1088 : i32 to vector<16xi32>
        %lt3A_1090 = arith.cmpi slt, %broadcast_in_dim3A_1087, %lt3A_1089 : vector<16xi32>
        %add3A_1091 = arith.constant 16 : i32
        %add3A_1092 = vector.broadcast %add3A_1091 : i32 to vector<16xi32>
        %add3A_1093 = arith.addi %broadcast_in_dim3A_1087, %add3A_1092 : vector<16xi32>
        %select_n3A_1094 = arith.select %lt3A_1090, %add3A_1093, %broadcast_in_dim3A_1087 : vector<16xi1>, vector<16xi32>
        %broadcast_in_dim3A_1095 = vector.shape_cast %select_n3A_1094 : vector<16xi32> to vector<16x1xi32>
        %gather3A_1096 = vector.shape_cast %broadcast_in_dim3A_1095 : vector<16x1xi32> to vector<16xi32>
        %gather3A_1097 = tpu.dynamic_gather %get3A_128[%gather3A_1096] in [0] : vector<16xf32>, vector<16xi32> -> vector<16xf32>
        %mul3A_1098 = arith.constant 16 : i32
        %mul3A_1099 = arith.muli %scan3A_123, %mul3A_1098 : i32
        %add3A_1100 = arith.constant 10 : i32
        %add3A_1101 = arith.addi %mul3A_1099, %add3A_1100 : i32
        %get3A_1102 = arith.index_cast %add3A_1101 : i32 to index
        %get3A_1103 = arith.constant 0 : index
        %get3A_1104 = tpu.vector_load %arg13[%get3A_1102, %get3A_1103] {strides = array<i32>} : memref<80x128xf32, #tpu.memory_space<vmem>>, vector<1x16xf32>,
        %get3A_1105 = vector.shape_cast %get3A_1104 : vector<1x16xf32> to vector<16xf32>
        %mul3A_1106 = arith.mulf %get3A_1105, %gather3A_1097 : vector<16xf32>
        %swap3A_1107 = arith.index_cast %add3A_1101 : i32 to index
        %swap3A_1108 = arith.constant 0 : index
        %swap3A_1109 = tpu.vector_load %arg13[%swap3A_1107, %swap3A_1108] {strides = array<i32>} : memref<80x128xf32, #tpu.memory_space<vmem>>, vector<1x16xf32>,
        %swap3A_1110 = vector.shape_cast %swap3A_1109 : vector<1x16xf32> to vector<16xf32>
        %swap3A_1111 = vector.shape_cast %mul3A_1106 : vector<16xf32> to vector<1x16xf32>
        tpu.vector_store %arg13[%swap3A_1107, %swap3A_1108], %swap3A_1111 {strides = array<i32>} : memref<80x128xf32, #tpu.memory_space<vmem>>, vector<1x16xf32>,
        %get3A_1112 = arith.index_cast %add3A_1101 : i32 to index
        %get3A_1113 = arith.constant 16 : index
        %get3A_1114 = tpu.vector_load %arg13[%get3A_1112, %get3A_1113] {strides = array<i32>} : memref<80x128xf32, #tpu.memory_space<vmem>>, vector<1x16xf32>,
        %get3A_1115 = vector.shape_cast %get3A_1114 : vector<1x16xf32> to vector<16xf32>
        %mul3A_1116 = arith.mulf %get3A_1115, %gather3A_1097 : vector<16xf32>
        %swap3A_1117 = arith.index_cast %add3A_1101 : i32 to index
        %swap3A_1118 = arith.constant 16 : index
        %swap3A_1119 = tpu.vector_load %arg13[%swap3A_1117, %swap3A_1118] {strides = array<i32>} : memref<80x128xf32, #tpu.memory_space<vmem>>, vector<1x16xf32>,
        %swap3A_1120 = vector.shape_cast %swap3A_1119 : vector<1x16xf32> to vector<16xf32>
        %swap3A_1121 = vector.shape_cast %mul3A_1116 : vector<16xf32> to vector<1x16xf32>
        tpu.vector_store %arg13[%swap3A_1117, %swap3A_1118], %swap3A_1121 {strides = array<i32>} : memref<80x128xf32, #tpu.memory_space<vmem>>, vector<1x16xf32>,
        %get3A_1122 = arith.index_cast %add3A_1101 : i32 to index
        %get3A_1123 = arith.constant 32 : index
        %get3A_1124 = tpu.vector_load %arg13[%get3A_1122, %get3A_1123] {strides = array<i32>} : memref<80x128xf32, #tpu.memory_space<vmem>>, vector<1x16xf32>,
        %get3A_1125 = vector.shape_cast %get3A_1124 : vector<1x16xf32> to vector<16xf32>
        %mul3A_1126 = arith.mulf %get3A_1125, %gather3A_1097 : vector<16xf32>
        %swap3A_1127 = arith.index_cast %add3A_1101 : i32 to index
        %swap3A_1128 = arith.constant 32 : index
        %swap3A_1129 = tpu.vector_load %arg13[%swap3A_1127, %swap3A_1128] {strides = array<i32>} : memref<80x128xf32, #tpu.memory_space<vmem>>, vector<1x16xf32>,
        %swap3A_1130 = vector.shape_cast %swap3A_1129 : vector<1x16xf32> to vector<16xf32>
        %swap3A_1131 = vector.shape_cast %mul3A_1126 : vector<16xf32> to vector<1x16xf32>
        tpu.vector_store %arg13[%swap3A_1127, %swap3A_1128], %swap3A_1131 {strides = array<i32>} : memref<80x128xf32, #tpu.memory_space<vmem>>, vector<1x16xf32>,
        %get3A_1132 = arith.index_cast %add3A_1101 : i32 to index
        %get3A_1133 = arith.constant 48 : index
        %get3A_1134 = tpu.vector_load %arg13[%get3A_1132, %get3A_1133] {strides = array<i32>} : memref<80x128xf32, #tpu.memory_space<vmem>>, vector<1x16xf32>,
        %get3A_1135 = vector.shape_cast %get3A_1134 : vector<1x16xf32> to vector<16xf32>
        %mul3A_1136 = arith.mulf %get3A_1135, %gather3A_1097 : vector<16xf32>
        %swap3A_1137 = arith.index_cast %add3A_1101 : i32 to index
        %swap3A_1138 = arith.constant 48 : index
        %swap3A_1139 = tpu.vector_load %arg13[%swap3A_1137, %swap3A_1138] {strides = array<i32>} : memref<80x128xf32, #tpu.memory_space<vmem>>, vector<1x16xf32>,
        %swap3A_1140 = vector.shape_cast %swap3A_1139 : vector<1x16xf32> to vector<16xf32>
        %swap3A_1141 = vector.shape_cast %mul3A_1136 : vector<16xf32> to vector<1x16xf32>
        tpu.vector_store %arg13[%swap3A_1137, %swap3A_1138], %swap3A_1141 {strides = array<i32>} : memref<80x128xf32, #tpu.memory_space<vmem>>, vector<1x16xf32>,
        %get3A_1142 = arith.index_cast %add3A_1101 : i32 to index
        %get3A_1143 = arith.constant 64 : index
        %get3A_1144 = tpu.vector_load %arg13[%get3A_1142, %get3A_1143] {strides = array<i32>} : memref<80x128xf32, #tpu.memory_space<vmem>>, vector<1x16xf32>,
        %get3A_1145 = vector.shape_cast %get3A_1144 : vector<1x16xf32> to vector<16xf32>
        %mul3A_1146 = arith.mulf %get3A_1145, %gather3A_1097 : vector<16xf32>
        %swap3A_1147 = arith.index_cast %add3A_1101 : i32 to index
        %swap3A_1148 = arith.constant 64 : index
        %swap3A_1149 = tpu.vector_load %arg13[%swap3A_1147, %swap3A_1148] {strides = array<i32>} : memref<80x128xf32, #tpu.memory_space<vmem>>, vector<1x16xf32>,
        %swap3A_1150 = vector.shape_cast %swap3A_1149 : vector<1x16xf32> to vector<16xf32>
        %swap3A_1151 = vector.shape_cast %mul3A_1146 : vector<16xf32> to vector<1x16xf32>
        tpu.vector_store %arg13[%swap3A_1147, %swap3A_1148], %swap3A_1151 {strides = array<i32>} : memref<80x128xf32, #tpu.memory_space<vmem>>, vector<1x16xf32>,
        %get3A_1152 = arith.index_cast %add3A_1101 : i32 to index
        %get3A_1153 = arith.constant 80 : index
        %get3A_1154 = tpu.vector_load %arg13[%get3A_1152, %get3A_1153] {strides = array<i32>} : memref<80x128xf32, #tpu.memory_space<vmem>>, vector<1x16xf32>,
        %get3A_1155 = vector.shape_cast %get3A_1154 : vector<1x16xf32> to vector<16xf32>
        %mul3A_1156 = arith.mulf %get3A_1155, %gather3A_1097 : vector<16xf32>
        %swap3A_1157 = arith.index_cast %add3A_1101 : i32 to index
        %swap3A_1158 = arith.constant 80 : index
        %swap3A_1159 = tpu.vector_load %arg13[%swap3A_1157, %swap3A_1158] {strides = array<i32>} : memref<80x128xf32, #tpu.memory_space<vmem>>, vector<1x16xf32>,
        %swap3A_1160 = vector.shape_cast %swap3A_1159 : vector<1x16xf32> to vector<16xf32>
        %swap3A_1161 = vector.shape_cast %mul3A_1156 : vector<16xf32> to vector<1x16xf32>
        tpu.vector_store %arg13[%swap3A_1157, %swap3A_1158], %swap3A_1161 {strides = array<i32>} : memref<80x128xf32, #tpu.memory_space<vmem>>, vector<1x16xf32>,
        %get3A_1162 = arith.index_cast %add3A_1101 : i32 to index
        %get3A_1163 = arith.constant 96 : index
        %get3A_1164 = tpu.vector_load %arg13[%get3A_1162, %get3A_1163] {strides = array<i32>} : memref<80x128xf32, #tpu.memory_space<vmem>>, vector<1x16xf32>,
        %get3A_1165 = vector.shape_cast %get3A_1164 : vector<1x16xf32> to vector<16xf32>
        %mul3A_1166 = arith.mulf %get3A_1165, %gather3A_1097 : vector<16xf32>
        %swap3A_1167 = arith.index_cast %add3A_1101 : i32 to index
        %swap3A_1168 = arith.constant 96 : index
        %swap3A_1169 = tpu.vector_load %arg13[%swap3A_1167, %swap3A_1168] {strides = array<i32>} : memref<80x128xf32, #tpu.memory_space<vmem>>, vector<1x16xf32>,
        %swap3A_1170 = vector.shape_cast %swap3A_1169 : vector<1x16xf32> to vector<16xf32>
        %swap3A_1171 = vector.shape_cast %mul3A_1166 : vector<16xf32> to vector<1x16xf32>
        tpu.vector_store %arg13[%swap3A_1167, %swap3A_1168], %swap3A_1171 {strides = array<i32>} : memref<80x128xf32, #tpu.memory_space<vmem>>, vector<1x16xf32>,
        %get3A_1172 = arith.index_cast %add3A_1101 : i32 to index
        %get3A_1173 = arith.constant 112 : index
        %get3A_1174 = tpu.vector_load %arg13[%get3A_1172, %get3A_1173] {strides = array<i32>} : memref<80x128xf32, #tpu.memory_space<vmem>>, vector<1x16xf32>,
        %get3A_1175 = vector.shape_cast %get3A_1174 : vector<1x16xf32> to vector<16xf32>
        %mul3A_1176 = arith.mulf %get3A_1175, %gather3A_1097 : vector<16xf32>
        %swap3A_1177 = arith.index_cast %add3A_1101 : i32 to index
        %swap3A_1178 = arith.constant 112 : index
        %swap3A_1179 = tpu.vector_load %arg13[%swap3A_1177, %swap3A_1178] {strides = array<i32>} : memref<80x128xf32, #tpu.memory_space<vmem>>, vector<1x16xf32>,
        %swap3A_1180 = vector.shape_cast %swap3A_1179 : vector<1x16xf32> to vector<16xf32>
        %swap3A_1181 = vector.shape_cast %mul3A_1176 : vector<16xf32> to vector<1x16xf32>
        tpu.vector_store %arg13[%swap3A_1177, %swap3A_1178], %swap3A_1181 {strides = array<i32>} : memref<80x128xf32, #tpu.memory_space<vmem>>, vector<1x16xf32>,
        %broadcast_in_dim3A_1182 = arith.constant 11 : i32
        %broadcast_in_dim3A_1183 = vector.broadcast %broadcast_in_dim3A_1182 : i32 to vector<16xi32>
        %lt3A_1184 = arith.constant 0 : i32
        %lt3A_1185 = vector.broadcast %lt3A_1184 : i32 to vector<16xi32>
        %lt3A_1186 = arith.cmpi slt, %broadcast_in_dim3A_1183, %lt3A_1185 : vector<16xi32>
        %add3A_1187 = arith.constant 16 : i32
        %add3A_1188 = vector.broadcast %add3A_1187 : i32 to vector<16xi32>
        %add3A_1189 = arith.addi %broadcast_in_dim3A_1183, %add3A_1188 : vector<16xi32>
        %select_n3A_1190 = arith.select %lt3A_1186, %add3A_1189, %broadcast_in_dim3A_1183 : vector<16xi1>, vector<16xi32>
        %broadcast_in_dim3A_1191 = vector.shape_cast %select_n3A_1190 : vector<16xi32> to vector<16x1xi32>
        %gather3A_1192 = vector.shape_cast %broadcast_in_dim3A_1191 : vector<16x1xi32> to vector<16xi32>
        %gather3A_1193 = tpu.dynamic_gather %get3A_128[%gather3A_1192] in [0] : vector<16xf32>, vector<16xi32> -> vector<16xf32>
        %mul3A_1194 = arith.constant 16 : i32
        %mul3A_1195 = arith.muli %scan3A_123, %mul3A_1194 : i32
        %add3A_1196 = arith.constant 11 : i32
        %add3A_1197 = arith.addi %mul3A_1195, %add3A_1196 : i32
        %get3A_1198 = arith.index_cast %add3A_1197 : i32 to index
        %get3A_1199 = arith.constant 0 : index
        %get3A_1200 = tpu.vector_load %arg13[%get3A_1198, %get3A_1199] {strides = array<i32>} : memref<80x128xf32, #tpu.memory_space<vmem>>, vector<1x16xf32>,
        %get3A_1201 = vector.shape_cast %get3A_1200 : vector<1x16xf32> to vector<16xf32>
        %mul3A_1202 = arith.mulf %get3A_1201, %gather3A_1193 : vector<16xf32>
        %swap3A_1203 = arith.index_cast %add3A_1197 : i32 to index
        %swap3A_1204 = arith.constant 0 : index
        %swap3A_1205 = tpu.vector_load %arg13[%swap3A_1203, %swap3A_1204] {strides = array<i32>} : memref<80x128xf32, #tpu.memory_space<vmem>>, vector<1x16xf32>,
        %swap3A_1206 = vector.shape_cast %swap3A_1205 : vector<1x16xf32> to vector<16xf32>
        %swap3A_1207 = vector.shape_cast %mul3A_1202 : vector<16xf32> to vector<1x16xf32>
        tpu.vector_store %arg13[%swap3A_1203, %swap3A_1204], %swap3A_1207 {strides = array<i32>} : memref<80x128xf32, #tpu.memory_space<vmem>>, vector<1x16xf32>,
        %get3A_1208 = arith.index_cast %add3A_1197 : i32 to index
        %get3A_1209 = arith.constant 16 : index
        %get3A_1210 = tpu.vector_load %arg13[%get3A_1208, %get3A_1209] {strides = array<i32>} : memref<80x128xf32, #tpu.memory_space<vmem>>, vector<1x16xf32>,
        %get3A_1211 = vector.shape_cast %get3A_1210 : vector<1x16xf32> to vector<16xf32>
        %mul3A_1212 = arith.mulf %get3A_1211, %gather3A_1193 : vector<16xf32>
        %swap3A_1213 = arith.index_cast %add3A_1197 : i32 to index
        %swap3A_1214 = arith.constant 16 : index
        %swap3A_1215 = tpu.vector_load %arg13[%swap3A_1213, %swap3A_1214] {strides = array<i32>} : memref<80x128xf32, #tpu.memory_space<vmem>>, vector<1x16xf32>,
        %swap3A_1216 = vector.shape_cast %swap3A_1215 : vector<1x16xf32> to vector<16xf32>
        %swap3A_1217 = vector.shape_cast %mul3A_1212 : vector<16xf32> to vector<1x16xf32>
        tpu.vector_store %arg13[%swap3A_1213, %swap3A_1214], %swap3A_1217 {strides = array<i32>} : memref<80x128xf32, #tpu.memory_space<vmem>>, vector<1x16xf32>,
        %get3A_1218 = arith.index_cast %add3A_1197 : i32 to index
        %get3A_1219 = arith.constant 32 : index
        %get3A_1220 = tpu.vector_load %arg13[%get3A_1218, %get3A_1219] {strides = array<i32>} : memref<80x128xf32, #tpu.memory_space<vmem>>, vector<1x16xf32>,
        %get3A_1221 = vector.shape_cast %get3A_1220 : vector<1x16xf32> to vector<16xf32>
        %mul3A_1222 = arith.mulf %get3A_1221, %gather3A_1193 : vector<16xf32>
        %swap3A_1223 = arith.index_cast %add3A_1197 : i32 to index
        %swap3A_1224 = arith.constant 32 : index
        %swap3A_1225 = tpu.vector_load %arg13[%swap3A_1223, %swap3A_1224] {strides = array<i32>} : memref<80x128xf32, #tpu.memory_space<vmem>>, vector<1x16xf32>,
        %swap3A_1226 = vector.shape_cast %swap3A_1225 : vector<1x16xf32> to vector<16xf32>
        %swap3A_1227 = vector.shape_cast %mul3A_1222 : vector<16xf32> to vector<1x16xf32>
        tpu.vector_store %arg13[%swap3A_1223, %swap3A_1224], %swap3A_1227 {strides = array<i32>} : memref<80x128xf32, #tpu.memory_space<vmem>>, vector<1x16xf32>,
        %get3A_1228 = arith.index_cast %add3A_1197 : i32 to index
        %get3A_1229 = arith.constant 48 : index
        %get3A_1230 = tpu.vector_load %arg13[%get3A_1228, %get3A_1229] {strides = array<i32>} : memref<80x128xf32, #tpu.memory_space<vmem>>, vector<1x16xf32>,
        %get3A_1231 = vector.shape_cast %get3A_1230 : vector<1x16xf32> to vector<16xf32>
        %mul3A_1232 = arith.mulf %get3A_1231, %gather3A_1193 : vector<16xf32>
        %swap3A_1233 = arith.index_cast %add3A_1197 : i32 to index
        %swap3A_1234 = arith.constant 48 : index
        %swap3A_1235 = tpu.vector_load %arg13[%swap3A_1233, %swap3A_1234] {strides = array<i32>} : memref<80x128xf32, #tpu.memory_space<vmem>>, vector<1x16xf32>,
        %swap3A_1236 = vector.shape_cast %swap3A_1235 : vector<1x16xf32> to vector<16xf32>
        %swap3A_1237 = vector.shape_cast %mul3A_1232 : vector<16xf32> to vector<1x16xf32>
        tpu.vector_store %arg13[%swap3A_1233, %swap3A_1234], %swap3A_1237 {strides = array<i32>} : memref<80x128xf32, #tpu.memory_space<vmem>>, vector<1x16xf32>,
        %get3A_1238 = arith.index_cast %add3A_1197 : i32 to index
        %get3A_1239 = arith.constant 64 : index
        %get3A_1240 = tpu.vector_load %arg13[%get3A_1238, %get3A_1239] {strides = array<i32>} : memref<80x128xf32, #tpu.memory_space<vmem>>, vector<1x16xf32>,
        %get3A_1241 = vector.shape_cast %get3A_1240 : vector<1x16xf32> to vector<16xf32>
        %mul3A_1242 = arith.mulf %get3A_1241, %gather3A_1193 : vector<16xf32>
        %swap3A_1243 = arith.index_cast %add3A_1197 : i32 to index
        %swap3A_1244 = arith.constant 64 : index
        %swap3A_1245 = tpu.vector_load %arg13[%swap3A_1243, %swap3A_1244] {strides = array<i32>} : memref<80x128xf32, #tpu.memory_space<vmem>>, vector<1x16xf32>,
        %swap3A_1246 = vector.shape_cast %swap3A_1245 : vector<1x16xf32> to vector<16xf32>
        %swap3A_1247 = vector.shape_cast %mul3A_1242 : vector<16xf32> to vector<1x16xf32>
        tpu.vector_store %arg13[%swap3A_1243, %swap3A_1244], %swap3A_1247 {strides = array<i32>} : memref<80x128xf32, #tpu.memory_space<vmem>>, vector<1x16xf32>,
        %get3A_1248 = arith.index_cast %add3A_1197 : i32 to index
        %get3A_1249 = arith.constant 80 : index
        %get3A_1250 = tpu.vector_load %arg13[%get3A_1248, %get3A_1249] {strides = array<i32>} : memref<80x128xf32, #tpu.memory_space<vmem>>, vector<1x16xf32>,
        %get3A_1251 = vector.shape_cast %get3A_1250 : vector<1x16xf32> to vector<16xf32>
        %mul3A_1252 = arith.mulf %get3A_1251, %gather3A_1193 : vector<16xf32>
        %swap3A_1253 = arith.index_cast %add3A_1197 : i32 to index
        %swap3A_1254 = arith.constant 80 : index
        %swap3A_1255 = tpu.vector_load %arg13[%swap3A_1253, %swap3A_1254] {strides = array<i32>} : memref<80x128xf32, #tpu.memory_space<vmem>>, vector<1x16xf32>,
        %swap3A_1256 = vector.shape_cast %swap3A_1255 : vector<1x16xf32> to vector<16xf32>
        %swap3A_1257 = vector.shape_cast %mul3A_1252 : vector<16xf32> to vector<1x16xf32>
        tpu.vector_store %arg13[%swap3A_1253, %swap3A_1254], %swap3A_1257 {strides = array<i32>} : memref<80x128xf32, #tpu.memory_space<vmem>>, vector<1x16xf32>,
        %get3A_1258 = arith.index_cast %add3A_1197 : i32 to index
        %get3A_1259 = arith.constant 96 : index
        %get3A_1260 = tpu.vector_load %arg13[%get3A_1258, %get3A_1259] {strides = array<i32>} : memref<80x128xf32, #tpu.memory_space<vmem>>, vector<1x16xf32>,
        %get3A_1261 = vector.shape_cast %get3A_1260 : vector<1x16xf32> to vector<16xf32>
        %mul3A_1262 = arith.mulf %get3A_1261, %gather3A_1193 : vector<16xf32>
        %swap3A_1263 = arith.index_cast %add3A_1197 : i32 to index
        %swap3A_1264 = arith.constant 96 : index
        %swap3A_1265 = tpu.vector_load %arg13[%swap3A_1263, %swap3A_1264] {strides = array<i32>} : memref<80x128xf32, #tpu.memory_space<vmem>>, vector<1x16xf32>,
        %swap3A_1266 = vector.shape_cast %swap3A_1265 : vector<1x16xf32> to vector<16xf32>
        %swap3A_1267 = vector.shape_cast %mul3A_1262 : vector<16xf32> to vector<1x16xf32>
        tpu.vector_store %arg13[%swap3A_1263, %swap3A_1264], %swap3A_1267 {strides = array<i32>} : memref<80x128xf32, #tpu.memory_space<vmem>>, vector<1x16xf32>,
        %get3A_1268 = arith.index_cast %add3A_1197 : i32 to index
        %get3A_1269 = arith.constant 112 : index
        %get3A_1270 = tpu.vector_load %arg13[%get3A_1268, %get3A_1269] {strides = array<i32>} : memref<80x128xf32, #tpu.memory_space<vmem>>, vector<1x16xf32>,
        %get3A_1271 = vector.shape_cast %get3A_1270 : vector<1x16xf32> to vector<16xf32>
        %mul3A_1272 = arith.mulf %get3A_1271, %gather3A_1193 : vector<16xf32>
        %swap3A_1273 = arith.index_cast %add3A_1197 : i32 to index
        %swap3A_1274 = arith.constant 112 : index
        %swap3A_1275 = tpu.vector_load %arg13[%swap3A_1273, %swap3A_1274] {strides = array<i32>} : memref<80x128xf32, #tpu.memory_space<vmem>>, vector<1x16xf32>,
        %swap3A_1276 = vector.shape_cast %swap3A_1275 : vector<1x16xf32> to vector<16xf32>
        %swap3A_1277 = vector.shape_cast %mul3A_1272 : vector<16xf32> to vector<1x16xf32>
        tpu.vector_store %arg13[%swap3A_1273, %swap3A_1274], %swap3A_1277 {strides = array<i32>} : memref<80x128xf32, #tpu.memory_space<vmem>>, vector<1x16xf32>,
        %broadcast_in_dim3A_1278 = arith.constant 12 : i32
        %broadcast_in_dim3A_1279 = vector.broadcast %broadcast_in_dim3A_1278 : i32 to vector<16xi32>
        %lt3A_1280 = arith.constant 0 : i32
        %lt3A_1281 = vector.broadcast %lt3A_1280 : i32 to vector<16xi32>
        %lt3A_1282 = arith.cmpi slt, %broadcast_in_dim3A_1279, %lt3A_1281 : vector<16xi32>
        %add3A_1283 = arith.constant 16 : i32
        %add3A_1284 = vector.broadcast %add3A_1283 : i32 to vector<16xi32>
        %add3A_1285 = arith.addi %broadcast_in_dim3A_1279, %add3A_1284 : vector<16xi32>
        %select_n3A_1286 = arith.select %lt3A_1282, %add3A_1285, %broadcast_in_dim3A_1279 : vector<16xi1>, vector<16xi32>
        %broadcast_in_dim3A_1287 = vector.shape_cast %select_n3A_1286 : vector<16xi32> to vector<16x1xi32>
        %gather3A_1288 = vector.shape_cast %broadcast_in_dim3A_1287 : vector<16x1xi32> to vector<16xi32>
        %gather3A_1289 = tpu.dynamic_gather %get3A_128[%gather3A_1288] in [0] : vector<16xf32>, vector<16xi32> -> vector<16xf32>
        %mul3A_1290 = arith.constant 16 : i32
        %mul3A_1291 = arith.muli %scan3A_123, %mul3A_1290 : i32
        %add3A_1292 = arith.constant 12 : i32
        %add3A_1293 = arith.addi %mul3A_1291, %add3A_1292 : i32
        %get3A_1294 = arith.index_cast %add3A_1293 : i32 to index
        %get3A_1295 = arith.constant 0 : index
        %get3A_1296 = tpu.vector_load %arg13[%get3A_1294, %get3A_1295] {strides = array<i32>} : memref<80x128xf32, #tpu.memory_space<vmem>>, vector<1x16xf32>,
        %get3A_1297 = vector.shape_cast %get3A_1296 : vector<1x16xf32> to vector<16xf32>
        %mul3A_1298 = arith.mulf %get3A_1297, %gather3A_1289 : vector<16xf32>
        %swap3A_1299 = arith.index_cast %add3A_1293 : i32 to index
        %swap3A_1300 = arith.constant 0 : index
        %swap3A_1301 = tpu.vector_load %arg13[%swap3A_1299, %swap3A_1300] {strides = array<i32>} : memref<80x128xf32, #tpu.memory_space<vmem>>, vector<1x16xf32>,
        %swap3A_1302 = vector.shape_cast %swap3A_1301 : vector<1x16xf32> to vector<16xf32>
        %swap3A_1303 = vector.shape_cast %mul3A_1298 : vector<16xf32> to vector<1x16xf32>
        tpu.vector_store %arg13[%swap3A_1299, %swap3A_1300], %swap3A_1303 {strides = array<i32>} : memref<80x128xf32, #tpu.memory_space<vmem>>, vector<1x16xf32>,
        %get3A_1304 = arith.index_cast %add3A_1293 : i32 to index
        %get3A_1305 = arith.constant 16 : index
        %get3A_1306 = tpu.vector_load %arg13[%get3A_1304, %get3A_1305] {strides = array<i32>} : memref<80x128xf32, #tpu.memory_space<vmem>>, vector<1x16xf32>,
        %get3A_1307 = vector.shape_cast %get3A_1306 : vector<1x16xf32> to vector<16xf32>
        %mul3A_1308 = arith.mulf %get3A_1307, %gather3A_1289 : vector<16xf32>
        %swap3A_1309 = arith.index_cast %add3A_1293 : i32 to index
        %swap3A_1310 = arith.constant 16 : index
        %swap3A_1311 = tpu.vector_load %arg13[%swap3A_1309, %swap3A_1310] {strides = array<i32>} : memref<80x128xf32, #tpu.memory_space<vmem>>, vector<1x16xf32>,
        %swap3A_1312 = vector.shape_cast %swap3A_1311 : vector<1x16xf32> to vector<16xf32>
        %swap3A_1313 = vector.shape_cast %mul3A_1308 : vector<16xf32> to vector<1x16xf32>
        tpu.vector_store %arg13[%swap3A_1309, %swap3A_1310], %swap3A_1313 {strides = array<i32>} : memref<80x128xf32, #tpu.memory_space<vmem>>, vector<1x16xf32>,
        %get3A_1314 = arith.index_cast %add3A_1293 : i32 to index
        %get3A_1315 = arith.constant 32 : index
        %get3A_1316 = tpu.vector_load %arg13[%get3A_1314, %get3A_1315] {strides = array<i32>} : memref<80x128xf32, #tpu.memory_space<vmem>>, vector<1x16xf32>,
        %get3A_1317 = vector.shape_cast %get3A_1316 : vector<1x16xf32> to vector<16xf32>
        %mul3A_1318 = arith.mulf %get3A_1317, %gather3A_1289 : vector<16xf32>
        %swap3A_1319 = arith.index_cast %add3A_1293 : i32 to index
        %swap3A_1320 = arith.constant 32 : index
        %swap3A_1321 = tpu.vector_load %arg13[%swap3A_1319, %swap3A_1320] {strides = array<i32>} : memref<80x128xf32, #tpu.memory_space<vmem>>, vector<1x16xf32>,
        %swap3A_1322 = vector.shape_cast %swap3A_1321 : vector<1x16xf32> to vector<16xf32>
        %swap3A_1323 = vector.shape_cast %mul3A_1318 : vector<16xf32> to vector<1x16xf32>
        tpu.vector_store %arg13[%swap3A_1319, %swap3A_1320], %swap3A_1323 {strides = array<i32>} : memref<80x128xf32, #tpu.memory_space<vmem>>, vector<1x16xf32>,
        %get3A_1324 = arith.index_cast %add3A_1293 : i32 to index
        %get3A_1325 = arith.constant 48 : index
        %get3A_1326 = tpu.vector_load %arg13[%get3A_1324, %get3A_1325] {strides = array<i32>} : memref<80x128xf32, #tpu.memory_space<vmem>>, vector<1x16xf32>,
        %get3A_1327 = vector.shape_cast %get3A_1326 : vector<1x16xf32> to vector<16xf32>
        %mul3A_1328 = arith.mulf %get3A_1327, %gather3A_1289 : vector<16xf32>
        %swap3A_1329 = arith.index_cast %add3A_1293 : i32 to index
        %swap3A_1330 = arith.constant 48 : index
        %swap3A_1331 = tpu.vector_load %arg13[%swap3A_1329, %swap3A_1330] {strides = array<i32>} : memref<80x128xf32, #tpu.memory_space<vmem>>, vector<1x16xf32>,
        %swap3A_1332 = vector.shape_cast %swap3A_1331 : vector<1x16xf32> to vector<16xf32>
        %swap3A_1333 = vector.shape_cast %mul3A_1328 : vector<16xf32> to vector<1x16xf32>
        tpu.vector_store %arg13[%swap3A_1329, %swap3A_1330], %swap3A_1333 {strides = array<i32>} : memref<80x128xf32, #tpu.memory_space<vmem>>, vector<1x16xf32>,
        %get3A_1334 = arith.index_cast %add3A_1293 : i32 to index
        %get3A_1335 = arith.constant 64 : index
        %get3A_1336 = tpu.vector_load %arg13[%get3A_1334, %get3A_1335] {strides = array<i32>} : memref<80x128xf32, #tpu.memory_space<vmem>>, vector<1x16xf32>,
        %get3A_1337 = vector.shape_cast %get3A_1336 : vector<1x16xf32> to vector<16xf32>
        %mul3A_1338 = arith.mulf %get3A_1337, %gather3A_1289 : vector<16xf32>
        %swap3A_1339 = arith.index_cast %add3A_1293 : i32 to index
        %swap3A_1340 = arith.constant 64 : index
        %swap3A_1341 = tpu.vector_load %arg13[%swap3A_1339, %swap3A_1340] {strides = array<i32>} : memref<80x128xf32, #tpu.memory_space<vmem>>, vector<1x16xf32>,
        %swap3A_1342 = vector.shape_cast %swap3A_1341 : vector<1x16xf32> to vector<16xf32>
        %swap3A_1343 = vector.shape_cast %mul3A_1338 : vector<16xf32> to vector<1x16xf32>
        tpu.vector_store %arg13[%swap3A_1339, %swap3A_1340], %swap3A_1343 {strides = array<i32>} : memref<80x128xf32, #tpu.memory_space<vmem>>, vector<1x16xf32>,
        %get3A_1344 = arith.index_cast %add3A_1293 : i32 to index
        %get3A_1345 = arith.constant 80 : index
        %get3A_1346 = tpu.vector_load %arg13[%get3A_1344, %get3A_1345] {strides = array<i32>} : memref<80x128xf32, #tpu.memory_space<vmem>>, vector<1x16xf32>,
        %get3A_1347 = vector.shape_cast %get3A_1346 : vector<1x16xf32> to vector<16xf32>
        %mul3A_1348 = arith.mulf %get3A_1347, %gather3A_1289 : vector<16xf32>
        %swap3A_1349 = arith.index_cast %add3A_1293 : i32 to index
        %swap3A_1350 = arith.constant 80 : index
        %swap3A_1351 = tpu.vector_load %arg13[%swap3A_1349, %swap3A_1350] {strides = array<i32>} : memref<80x128xf32, #tpu.memory_space<vmem>>, vector<1x16xf32>,
        %swap3A_1352 = vector.shape_cast %swap3A_1351 : vector<1x16xf32> to vector<16xf32>
        %swap3A_1353 = vector.shape_cast %mul3A_1348 : vector<16xf32> to vector<1x16xf32>
        tpu.vector_store %arg13[%swap3A_1349, %swap3A_1350], %swap3A_1353 {strides = array<i32>} : memref<80x128xf32, #tpu.memory_space<vmem>>, vector<1x16xf32>,
        %get3A_1354 = arith.index_cast %add3A_1293 : i32 to index
        %get3A_1355 = arith.constant 96 : index
        %get3A_1356 = tpu.vector_load %arg13[%get3A_1354, %get3A_1355] {strides = array<i32>} : memref<80x128xf32, #tpu.memory_space<vmem>>, vector<1x16xf32>,
        %get3A_1357 = vector.shape_cast %get3A_1356 : vector<1x16xf32> to vector<16xf32>
        %mul3A_1358 = arith.mulf %get3A_1357, %gather3A_1289 : vector<16xf32>
        %swap3A_1359 = arith.index_cast %add3A_1293 : i32 to index
        %swap3A_1360 = arith.constant 96 : index
        %swap3A_1361 = tpu.vector_load %arg13[%swap3A_1359, %swap3A_1360] {strides = array<i32>} : memref<80x128xf32, #tpu.memory_space<vmem>>, vector<1x16xf32>,
        %swap3A_1362 = vector.shape_cast %swap3A_1361 : vector<1x16xf32> to vector<16xf32>
        %swap3A_1363 = vector.shape_cast %mul3A_1358 : vector<16xf32> to vector<1x16xf32>
        tpu.vector_store %arg13[%swap3A_1359, %swap3A_1360], %swap3A_1363 {strides = array<i32>} : memref<80x128xf32, #tpu.memory_space<vmem>>, vector<1x16xf32>,
        %get3A_1364 = arith.index_cast %add3A_1293 : i32 to index
        %get3A_1365 = arith.constant 112 : index
        %get3A_1366 = tpu.vector_load %arg13[%get3A_1364, %get3A_1365] {strides = array<i32>} : memref<80x128xf32, #tpu.memory_space<vmem>>, vector<1x16xf32>,
        %get3A_1367 = vector.shape_cast %get3A_1366 : vector<1x16xf32> to vector<16xf32>
        %mul3A_1368 = arith.mulf %get3A_1367, %gather3A_1289 : vector<16xf32>
        %swap3A_1369 = arith.index_cast %add3A_1293 : i32 to index
        %swap3A_1370 = arith.constant 112 : index
        %swap3A_1371 = tpu.vector_load %arg13[%swap3A_1369, %swap3A_1370] {strides = array<i32>} : memref<80x128xf32, #tpu.memory_space<vmem>>, vector<1x16xf32>,
        %swap3A_1372 = vector.shape_cast %swap3A_1371 : vector<1x16xf32> to vector<16xf32>
        %swap3A_1373 = vector.shape_cast %mul3A_1368 : vector<16xf32> to vector<1x16xf32>
        tpu.vector_store %arg13[%swap3A_1369, %swap3A_1370], %swap3A_1373 {strides = array<i32>} : memref<80x128xf32, #tpu.memory_space<vmem>>, vector<1x16xf32>,
        %broadcast_in_dim3A_1374 = arith.constant 13 : i32
        %broadcast_in_dim3A_1375 = vector.broadcast %broadcast_in_dim3A_1374 : i32 to vector<16xi32>
        %lt3A_1376 = arith.constant 0 : i32
        %lt3A_1377 = vector.broadcast %lt3A_1376 : i32 to vector<16xi32>
        %lt3A_1378 = arith.cmpi slt, %broadcast_in_dim3A_1375, %lt3A_1377 : vector<16xi32>
        %add3A_1379 = arith.constant 16 : i32
        %add3A_1380 = vector.broadcast %add3A_1379 : i32 to vector<16xi32>
        %add3A_1381 = arith.addi %broadcast_in_dim3A_1375, %add3A_1380 : vector<16xi32>
        %select_n3A_1382 = arith.select %lt3A_1378, %add3A_1381, %broadcast_in_dim3A_1375 : vector<16xi1>, vector<16xi32>
        %broadcast_in_dim3A_1383 = vector.shape_cast %select_n3A_1382 : vector<16xi32> to vector<16x1xi32>
        %gather3A_1384 = vector.shape_cast %broadcast_in_dim3A_1383 : vector<16x1xi32> to vector<16xi32>
        %gather3A_1385 = tpu.dynamic_gather %get3A_128[%gather3A_1384] in [0] : vector<16xf32>, vector<16xi32> -> vector<16xf32>
        %mul3A_1386 = arith.constant 16 : i32
        %mul3A_1387 = arith.muli %scan3A_123, %mul3A_1386 : i32
        %add3A_1388 = arith.constant 13 : i32
        %add3A_1389 = arith.addi %mul3A_1387, %add3A_1388 : i32
        %get3A_1390 = arith.index_cast %add3A_1389 : i32 to index
        %get3A_1391 = arith.constant 0 : index
        %get3A_1392 = tpu.vector_load %arg13[%get3A_1390, %get3A_1391] {strides = array<i32>} : memref<80x128xf32, #tpu.memory_space<vmem>>, vector<1x16xf32>,
        %get3A_1393 = vector.shape_cast %get3A_1392 : vector<1x16xf32> to vector<16xf32>
        %mul3A_1394 = arith.mulf %get3A_1393, %gather3A_1385 : vector<16xf32>
        %swap3A_1395 = arith.index_cast %add3A_1389 : i32 to index
        %swap3A_1396 = arith.constant 0 : index
        %swap3A_1397 = tpu.vector_load %arg13[%swap3A_1395, %swap3A_1396] {strides = array<i32>} : memref<80x128xf32, #tpu.memory_space<vmem>>, vector<1x16xf32>,
        %swap3A_1398 = vector.shape_cast %swap3A_1397 : vector<1x16xf32> to vector<16xf32>
        %swap3A_1399 = vector.shape_cast %mul3A_1394 : vector<16xf32> to vector<1x16xf32>
        tpu.vector_store %arg13[%swap3A_1395, %swap3A_1396], %swap3A_1399 {strides = array<i32>} : memref<80x128xf32, #tpu.memory_space<vmem>>, vector<1x16xf32>,
        %get3A_1400 = arith.index_cast %add3A_1389 : i32 to index
        %get3A_1401 = arith.constant 16 : index
        %get3A_1402 = tpu.vector_load %arg13[%get3A_1400, %get3A_1401] {strides = array<i32>} : memref<80x128xf32, #tpu.memory_space<vmem>>, vector<1x16xf32>,
        %get3A_1403 = vector.shape_cast %get3A_1402 : vector<1x16xf32> to vector<16xf32>
        %mul3A_1404 = arith.mulf %get3A_1403, %gather3A_1385 : vector<16xf32>
        %swap3A_1405 = arith.index_cast %add3A_1389 : i32 to index
        %swap3A_1406 = arith.constant 16 : index
        %swap3A_1407 = tpu.vector_load %arg13[%swap3A_1405, %swap3A_1406] {strides = array<i32>} : memref<80x128xf32, #tpu.memory_space<vmem>>, vector<1x16xf32>,
        %swap3A_1408 = vector.shape_cast %swap3A_1407 : vector<1x16xf32> to vector<16xf32>
        %swap3A_1409 = vector.shape_cast %mul3A_1404 : vector<16xf32> to vector<1x16xf32>
        tpu.vector_store %arg13[%swap3A_1405, %swap3A_1406], %swap3A_1409 {strides = array<i32>} : memref<80x128xf32, #tpu.memory_space<vmem>>, vector<1x16xf32>,
        %get3A_1410 = arith.index_cast %add3A_1389 : i32 to index
        %get3A_1411 = arith.constant 32 : index
        %get3A_1412 = tpu.vector_load %arg13[%get3A_1410, %get3A_1411] {strides = array<i32>} : memref<80x128xf32, #tpu.memory_space<vmem>>, vector<1x16xf32>,
        %get3A_1413 = vector.shape_cast %get3A_1412 : vector<1x16xf32> to vector<16xf32>
        %mul3A_1414 = arith.mulf %get3A_1413, %gather3A_1385 : vector<16xf32>
        %swap3A_1415 = arith.index_cast %add3A_1389 : i32 to index
        %swap3A_1416 = arith.constant 32 : index
        %swap3A_1417 = tpu.vector_load %arg13[%swap3A_1415, %swap3A_1416] {strides = array<i32>} : memref<80x128xf32, #tpu.memory_space<vmem>>, vector<1x16xf32>,
        %swap3A_1418 = vector.shape_cast %swap3A_1417 : vector<1x16xf32> to vector<16xf32>
        %swap3A_1419 = vector.shape_cast %mul3A_1414 : vector<16xf32> to vector<1x16xf32>
        tpu.vector_store %arg13[%swap3A_1415, %swap3A_1416], %swap3A_1419 {strides = array<i32>} : memref<80x128xf32, #tpu.memory_space<vmem>>, vector<1x16xf32>,
        %get3A_1420 = arith.index_cast %add3A_1389 : i32 to index
        %get3A_1421 = arith.constant 48 : index
        %get3A_1422 = tpu.vector_load %arg13[%get3A_1420, %get3A_1421] {strides = array<i32>} : memref<80x128xf32, #tpu.memory_space<vmem>>, vector<1x16xf32>,
        %get3A_1423 = vector.shape_cast %get3A_1422 : vector<1x16xf32> to vector<16xf32>
        %mul3A_1424 = arith.mulf %get3A_1423, %gather3A_1385 : vector<16xf32>
        %swap3A_1425 = arith.index_cast %add3A_1389 : i32 to index
        %swap3A_1426 = arith.constant 48 : index
        %swap3A_1427 = tpu.vector_load %arg13[%swap3A_1425, %swap3A_1426] {strides = array<i32>} : memref<80x128xf32, #tpu.memory_space<vmem>>, vector<1x16xf32>,
        %swap3A_1428 = vector.shape_cast %swap3A_1427 : vector<1x16xf32> to vector<16xf32>
        %swap3A_1429 = vector.shape_cast %mul3A_1424 : vector<16xf32> to vector<1x16xf32>
        tpu.vector_store %arg13[%swap3A_1425, %swap3A_1426], %swap3A_1429 {strides = array<i32>} : memref<80x128xf32, #tpu.memory_space<vmem>>, vector<1x16xf32>,
        %get3A_1430 = arith.index_cast %add3A_1389 : i32 to index
        %get3A_1431 = arith.constant 64 : index
        %get3A_1432 = tpu.vector_load %arg13[%get3A_1430, %get3A_1431] {strides = array<i32>} : memref<80x128xf32, #tpu.memory_space<vmem>>, vector<1x16xf32>,
        %get3A_1433 = vector.shape_cast %get3A_1432 : vector<1x16xf32> to vector<16xf32>
        %mul3A_1434 = arith.mulf %get3A_1433, %gather3A_1385 : vector<16xf32>
        %swap3A_1435 = arith.index_cast %add3A_1389 : i32 to index
        %swap3A_1436 = arith.constant 64 : index
        %swap3A_1437 = tpu.vector_load %arg13[%swap3A_1435, %swap3A_1436] {strides = array<i32>} : memref<80x128xf32, #tpu.memory_space<vmem>>, vector<1x16xf32>,
        %swap3A_1438 = vector.shape_cast %swap3A_1437 : vector<1x16xf32> to vector<16xf32>
        %swap3A_1439 = vector.shape_cast %mul3A_1434 : vector<16xf32> to vector<1x16xf32>
        tpu.vector_store %arg13[%swap3A_1435, %swap3A_1436], %swap3A_1439 {strides = array<i32>} : memref<80x128xf32, #tpu.memory_space<vmem>>, vector<1x16xf32>,
        %get3A_1440 = arith.index_cast %add3A_1389 : i32 to index
        %get3A_1441 = arith.constant 80 : index
        %get3A_1442 = tpu.vector_load %arg13[%get3A_1440, %get3A_1441] {strides = array<i32>} : memref<80x128xf32, #tpu.memory_space<vmem>>, vector<1x16xf32>,
        %get3A_1443 = vector.shape_cast %get3A_1442 : vector<1x16xf32> to vector<16xf32>
        %mul3A_1444 = arith.mulf %get3A_1443, %gather3A_1385 : vector<16xf32>
        %swap3A_1445 = arith.index_cast %add3A_1389 : i32 to index
        %swap3A_1446 = arith.constant 80 : index
        %swap3A_1447 = tpu.vector_load %arg13[%swap3A_1445, %swap3A_1446] {strides = array<i32>} : memref<80x128xf32, #tpu.memory_space<vmem>>, vector<1x16xf32>,
        %swap3A_1448 = vector.shape_cast %swap3A_1447 : vector<1x16xf32> to vector<16xf32>
        %swap3A_1449 = vector.shape_cast %mul3A_1444 : vector<16xf32> to vector<1x16xf32>
        tpu.vector_store %arg13[%swap3A_1445, %swap3A_1446], %swap3A_1449 {strides = array<i32>} : memref<80x128xf32, #tpu.memory_space<vmem>>, vector<1x16xf32>,
        %get3A_1450 = arith.index_cast %add3A_1389 : i32 to index
        %get3A_1451 = arith.constant 96 : index
        %get3A_1452 = tpu.vector_load %arg13[%get3A_1450, %get3A_1451] {strides = array<i32>} : memref<80x128xf32, #tpu.memory_space<vmem>>, vector<1x16xf32>,
        %get3A_1453 = vector.shape_cast %get3A_1452 : vector<1x16xf32> to vector<16xf32>
        %mul3A_1454 = arith.mulf %get3A_1453, %gather3A_1385 : vector<16xf32>
        %swap3A_1455 = arith.index_cast %add3A_1389 : i32 to index
        %swap3A_1456 = arith.constant 96 : index
        %swap3A_1457 = tpu.vector_load %arg13[%swap3A_1455, %swap3A_1456] {strides = array<i32>} : memref<80x128xf32, #tpu.memory_space<vmem>>, vector<1x16xf32>,
        %swap3A_1458 = vector.shape_cast %swap3A_1457 : vector<1x16xf32> to vector<16xf32>
        %swap3A_1459 = vector.shape_cast %mul3A_1454 : vector<16xf32> to vector<1x16xf32>
        tpu.vector_store %arg13[%swap3A_1455, %swap3A_1456], %swap3A_1459 {strides = array<i32>} : memref<80x128xf32, #tpu.memory_space<vmem>>, vector<1x16xf32>,
        %get3A_1460 = arith.index_cast %add3A_1389 : i32 to index
        %get3A_1461 = arith.constant 112 : index
        %get3A_1462 = tpu.vector_load %arg13[%get3A_1460, %get3A_1461] {strides = array<i32>} : memref<80x128xf32, #tpu.memory_space<vmem>>, vector<1x16xf32>,
        %get3A_1463 = vector.shape_cast %get3A_1462 : vector<1x16xf32> to vector<16xf32>
        %mul3A_1464 = arith.mulf %get3A_1463, %gather3A_1385 : vector<16xf32>
        %swap3A_1465 = arith.index_cast %add3A_1389 : i32 to index
        %swap3A_1466 = arith.constant 112 : index
        %swap3A_1467 = tpu.vector_load %arg13[%swap3A_1465, %swap3A_1466] {strides = array<i32>} : memref<80x128xf32, #tpu.memory_space<vmem>>, vector<1x16xf32>,
        %swap3A_1468 = vector.shape_cast %swap3A_1467 : vector<1x16xf32> to vector<16xf32>
        %swap3A_1469 = vector.shape_cast %mul3A_1464 : vector<16xf32> to vector<1x16xf32>
        tpu.vector_store %arg13[%swap3A_1465, %swap3A_1466], %swap3A_1469 {strides = array<i32>} : memref<80x128xf32, #tpu.memory_space<vmem>>, vector<1x16xf32>,
        %broadcast_in_dim3A_1470 = arith.constant 14 : i32
        %broadcast_in_dim3A_1471 = vector.broadcast %broadcast_in_dim3A_1470 : i32 to vector<16xi32>
        %lt3A_1472 = arith.constant 0 : i32
        %lt3A_1473 = vector.broadcast %lt3A_1472 : i32 to vector<16xi32>
        %lt3A_1474 = arith.cmpi slt, %broadcast_in_dim3A_1471, %lt3A_1473 : vector<16xi32>
        %add3A_1475 = arith.constant 16 : i32
        %add3A_1476 = vector.broadcast %add3A_1475 : i32 to vector<16xi32>
        %add3A_1477 = arith.addi %broadcast_in_dim3A_1471, %add3A_1476 : vector<16xi32>
        %select_n3A_1478 = arith.select %lt3A_1474, %add3A_1477, %broadcast_in_dim3A_1471 : vector<16xi1>, vector<16xi32>
        %broadcast_in_dim3A_1479 = vector.shape_cast %select_n3A_1478 : vector<16xi32> to vector<16x1xi32>
        %gather3A_1480 = vector.shape_cast %broadcast_in_dim3A_1479 : vector<16x1xi32> to vector<16xi32>
        %gather3A_1481 = tpu.dynamic_gather %get3A_128[%gather3A_1480] in [0] : vector<16xf32>, vector<16xi32> -> vector<16xf32>
        %mul3A_1482 = arith.constant 16 : i32
        %mul3A_1483 = arith.muli %scan3A_123, %mul3A_1482 : i32
        %add3A_1484 = arith.constant 14 : i32
        %add3A_1485 = arith.addi %mul3A_1483, %add3A_1484 : i32
        %get3A_1486 = arith.index_cast %add3A_1485 : i32 to index
        %get3A_1487 = arith.constant 0 : index
        %get3A_1488 = tpu.vector_load %arg13[%get3A_1486, %get3A_1487] {strides = array<i32>} : memref<80x128xf32, #tpu.memory_space<vmem>>, vector<1x16xf32>,
        %get3A_1489 = vector.shape_cast %get3A_1488 : vector<1x16xf32> to vector<16xf32>
        %mul3A_1490 = arith.mulf %get3A_1489, %gather3A_1481 : vector<16xf32>
        %swap3A_1491 = arith.index_cast %add3A_1485 : i32 to index
        %swap3A_1492 = arith.constant 0 : index
        %swap3A_1493 = tpu.vector_load %arg13[%swap3A_1491, %swap3A_1492] {strides = array<i32>} : memref<80x128xf32, #tpu.memory_space<vmem>>, vector<1x16xf32>,
        %swap3A_1494 = vector.shape_cast %swap3A_1493 : vector<1x16xf32> to vector<16xf32>
        %swap3A_1495 = vector.shape_cast %mul3A_1490 : vector<16xf32> to vector<1x16xf32>
        tpu.vector_store %arg13[%swap3A_1491, %swap3A_1492], %swap3A_1495 {strides = array<i32>} : memref<80x128xf32, #tpu.memory_space<vmem>>, vector<1x16xf32>,
        %get3A_1496 = arith.index_cast %add3A_1485 : i32 to index
        %get3A_1497 = arith.constant 16 : index
        %get3A_1498 = tpu.vector_load %arg13[%get3A_1496, %get3A_1497] {strides = array<i32>} : memref<80x128xf32, #tpu.memory_space<vmem>>, vector<1x16xf32>,
        %get3A_1499 = vector.shape_cast %get3A_1498 : vector<1x16xf32> to vector<16xf32>
        %mul3A_1500 = arith.mulf %get3A_1499, %gather3A_1481 : vector<16xf32>
        %swap3A_1501 = arith.index_cast %add3A_1485 : i32 to index
        %swap3A_1502 = arith.constant 16 : index
        %swap3A_1503 = tpu.vector_load %arg13[%swap3A_1501, %swap3A_1502] {strides = array<i32>} : memref<80x128xf32, #tpu.memory_space<vmem>>, vector<1x16xf32>,
        %swap3A_1504 = vector.shape_cast %swap3A_1503 : vector<1x16xf32> to vector<16xf32>
        %swap3A_1505 = vector.shape_cast %mul3A_1500 : vector<16xf32> to vector<1x16xf32>
        tpu.vector_store %arg13[%swap3A_1501, %swap3A_1502], %swap3A_1505 {strides = array<i32>} : memref<80x128xf32, #tpu.memory_space<vmem>>, vector<1x16xf32>,
        %get3A_1506 = arith.index_cast %add3A_1485 : i32 to index
        %get3A_1507 = arith.constant 32 : index
        %get3A_1508 = tpu.vector_load %arg13[%get3A_1506, %get3A_1507] {strides = array<i32>} : memref<80x128xf32, #tpu.memory_space<vmem>>, vector<1x16xf32>,
        %get3A_1509 = vector.shape_cast %get3A_1508 : vector<1x16xf32> to vector<16xf32>
        %mul3A_1510 = arith.mulf %get3A_1509, %gather3A_1481 : vector<16xf32>
        %swap3A_1511 = arith.index_cast %add3A_1485 : i32 to index
        %swap3A_1512 = arith.constant 32 : index
        %swap3A_1513 = tpu.vector_load %arg13[%swap3A_1511, %swap3A_1512] {strides = array<i32>} : memref<80x128xf32, #tpu.memory_space<vmem>>, vector<1x16xf32>,
        %swap3A_1514 = vector.shape_cast %swap3A_1513 : vector<1x16xf32> to vector<16xf32>
        %swap3A_1515 = vector.shape_cast %mul3A_1510 : vector<16xf32> to vector<1x16xf32>
        tpu.vector_store %arg13[%swap3A_1511, %swap3A_1512], %swap3A_1515 {strides = array<i32>} : memref<80x128xf32, #tpu.memory_space<vmem>>, vector<1x16xf32>,
        %get3A_1516 = arith.index_cast %add3A_1485 : i32 to index
        %get3A_1517 = arith.constant 48 : index
        %get3A_1518 = tpu.vector_load %arg13[%get3A_1516, %get3A_1517] {strides = array<i32>} : memref<80x128xf32, #tpu.memory_space<vmem>>, vector<1x16xf32>,
        %get3A_1519 = vector.shape_cast %get3A_1518 : vector<1x16xf32> to vector<16xf32>
        %mul3A_1520 = arith.mulf %get3A_1519, %gather3A_1481 : vector<16xf32>
        %swap3A_1521 = arith.index_cast %add3A_1485 : i32 to index
        %swap3A_1522 = arith.constant 48 : index
        %swap3A_1523 = tpu.vector_load %arg13[%swap3A_1521, %swap3A_1522] {strides = array<i32>} : memref<80x128xf32, #tpu.memory_space<vmem>>, vector<1x16xf32>,
        %swap3A_1524 = vector.shape_cast %swap3A_1523 : vector<1x16xf32> to vector<16xf32>
        %swap3A_1525 = vector.shape_cast %mul3A_1520 : vector<16xf32> to vector<1x16xf32>
        tpu.vector_store %arg13[%swap3A_1521, %swap3A_1522], %swap3A_1525 {strides = array<i32>} : memref<80x128xf32, #tpu.memory_space<vmem>>, vector<1x16xf32>,
        %get3A_1526 = arith.index_cast %add3A_1485 : i32 to index
        %get3A_1527 = arith.constant 64 : index
        %get3A_1528 = tpu.vector_load %arg13[%get3A_1526, %get3A_1527] {strides = array<i32>} : memref<80x128xf32, #tpu.memory_space<vmem>>, vector<1x16xf32>,
        %get3A_1529 = vector.shape_cast %get3A_1528 : vector<1x16xf32> to vector<16xf32>
        %mul3A_1530 = arith.mulf %get3A_1529, %gather3A_1481 : vector<16xf32>
        %swap3A_1531 = arith.index_cast %add3A_1485 : i32 to index
        %swap3A_1532 = arith.constant 64 : index
        %swap3A_1533 = tpu.vector_load %arg13[%swap3A_1531, %swap3A_1532] {strides = array<i32>} : memref<80x128xf32, #tpu.memory_space<vmem>>, vector<1x16xf32>,
        %swap3A_1534 = vector.shape_cast %swap3A_1533 : vector<1x16xf32> to vector<16xf32>
        %swap3A_1535 = vector.shape_cast %mul3A_1530 : vector<16xf32> to vector<1x16xf32>
        tpu.vector_store %arg13[%swap3A_1531, %swap3A_1532], %swap3A_1535 {strides = array<i32>} : memref<80x128xf32, #tpu.memory_space<vmem>>, vector<1x16xf32>,
        %get3A_1536 = arith.index_cast %add3A_1485 : i32 to index
        %get3A_1537 = arith.constant 80 : index
        %get3A_1538 = tpu.vector_load %arg13[%get3A_1536, %get3A_1537] {strides = array<i32>} : memref<80x128xf32, #tpu.memory_space<vmem>>, vector<1x16xf32>,
        %get3A_1539 = vector.shape_cast %get3A_1538 : vector<1x16xf32> to vector<16xf32>
        %mul3A_1540 = arith.mulf %get3A_1539, %gather3A_1481 : vector<16xf32>
        %swap3A_1541 = arith.index_cast %add3A_1485 : i32 to index
        %swap3A_1542 = arith.constant 80 : index
        %swap3A_1543 = tpu.vector_load %arg13[%swap3A_1541, %swap3A_1542] {strides = array<i32>} : memref<80x128xf32, #tpu.memory_space<vmem>>, vector<1x16xf32>,
        %swap3A_1544 = vector.shape_cast %swap3A_1543 : vector<1x16xf32> to vector<16xf32>
        %swap3A_1545 = vector.shape_cast %mul3A_1540 : vector<16xf32> to vector<1x16xf32>
        tpu.vector_store %arg13[%swap3A_1541, %swap3A_1542], %swap3A_1545 {strides = array<i32>} : memref<80x128xf32, #tpu.memory_space<vmem>>, vector<1x16xf32>,
        %get3A_1546 = arith.index_cast %add3A_1485 : i32 to index
        %get3A_1547 = arith.constant 96 : index
        %get3A_1548 = tpu.vector_load %arg13[%get3A_1546, %get3A_1547] {strides = array<i32>} : memref<80x128xf32, #tpu.memory_space<vmem>>, vector<1x16xf32>,
        %get3A_1549 = vector.shape_cast %get3A_1548 : vector<1x16xf32> to vector<16xf32>
        %mul3A_1550 = arith.mulf %get3A_1549, %gather3A_1481 : vector<16xf32>
        %swap3A_1551 = arith.index_cast %add3A_1485 : i32 to index
        %swap3A_1552 = arith.constant 96 : index
        %swap3A_1553 = tpu.vector_load %arg13[%swap3A_1551, %swap3A_1552] {strides = array<i32>} : memref<80x128xf32, #tpu.memory_space<vmem>>, vector<1x16xf32>,
        %swap3A_1554 = vector.shape_cast %swap3A_1553 : vector<1x16xf32> to vector<16xf32>
        %swap3A_1555 = vector.shape_cast %mul3A_1550 : vector<16xf32> to vector<1x16xf32>
        tpu.vector_store %arg13[%swap3A_1551, %swap3A_1552], %swap3A_1555 {strides = array<i32>} : memref<80x128xf32, #tpu.memory_space<vmem>>, vector<1x16xf32>,
        %get3A_1556 = arith.index_cast %add3A_1485 : i32 to index
        %get3A_1557 = arith.constant 112 : index
        %get3A_1558 = tpu.vector_load %arg13[%get3A_1556, %get3A_1557] {strides = array<i32>} : memref<80x128xf32, #tpu.memory_space<vmem>>, vector<1x16xf32>,
        %get3A_1559 = vector.shape_cast %get3A_1558 : vector<1x16xf32> to vector<16xf32>
        %mul3A_1560 = arith.mulf %get3A_1559, %gather3A_1481 : vector<16xf32>
        %swap3A_1561 = arith.index_cast %add3A_1485 : i32 to index
        %swap3A_1562 = arith.constant 112 : index
        %swap3A_1563 = tpu.vector_load %arg13[%swap3A_1561, %swap3A_1562] {strides = array<i32>} : memref<80x128xf32, #tpu.memory_space<vmem>>, vector<1x16xf32>,
        %swap3A_1564 = vector.shape_cast %swap3A_1563 : vector<1x16xf32> to vector<16xf32>
        %swap3A_1565 = vector.shape_cast %mul3A_1560 : vector<16xf32> to vector<1x16xf32>
        tpu.vector_store %arg13[%swap3A_1561, %swap3A_1562], %swap3A_1565 {strides = array<i32>} : memref<80x128xf32, #tpu.memory_space<vmem>>, vector<1x16xf32>,
        %broadcast_in_dim3A_1566 = arith.constant 15 : i32
        %broadcast_in_dim3A_1567 = vector.broadcast %broadcast_in_dim3A_1566 : i32 to vector<16xi32>
        %lt3A_1568 = arith.constant 0 : i32
        %lt3A_1569 = vector.broadcast %lt3A_1568 : i32 to vector<16xi32>
        %lt3A_1570 = arith.cmpi slt, %broadcast_in_dim3A_1567, %lt3A_1569 : vector<16xi32>
        %add3A_1571 = arith.constant 16 : i32
        %add3A_1572 = vector.broadcast %add3A_1571 : i32 to vector<16xi32>
        %add3A_1573 = arith.addi %broadcast_in_dim3A_1567, %add3A_1572 : vector<16xi32>
        %select_n3A_1574 = arith.select %lt3A_1570, %add3A_1573, %broadcast_in_dim3A_1567 : vector<16xi1>, vector<16xi32>
        %broadcast_in_dim3A_1575 = vector.shape_cast %select_n3A_1574 : vector<16xi32> to vector<16x1xi32>
        %gather3A_1576 = vector.shape_cast %broadcast_in_dim3A_1575 : vector<16x1xi32> to vector<16xi32>
        %gather3A_1577 = tpu.dynamic_gather %get3A_128[%gather3A_1576] in [0] : vector<16xf32>, vector<16xi32> -> vector<16xf32>
        %mul3A_1578 = arith.constant 16 : i32
        %mul3A_1579 = arith.muli %scan3A_123, %mul3A_1578 : i32
        %add3A_1580 = arith.constant 15 : i32
        %add3A_1581 = arith.addi %mul3A_1579, %add3A_1580 : i32
        %get3A_1582 = arith.index_cast %add3A_1581 : i32 to index
        %get3A_1583 = arith.constant 0 : index
        %get3A_1584 = tpu.vector_load %arg13[%get3A_1582, %get3A_1583] {strides = array<i32>} : memref<80x128xf32, #tpu.memory_space<vmem>>, vector<1x16xf32>,
        %get3A_1585 = vector.shape_cast %get3A_1584 : vector<1x16xf32> to vector<16xf32>
        %mul3A_1586 = arith.mulf %get3A_1585, %gather3A_1577 : vector<16xf32>
        %swap3A_1587 = arith.index_cast %add3A_1581 : i32 to index
        %swap3A_1588 = arith.constant 0 : index
        %swap3A_1589 = tpu.vector_load %arg13[%swap3A_1587, %swap3A_1588] {strides = array<i32>} : memref<80x128xf32, #tpu.memory_space<vmem>>, vector<1x16xf32>,
        %swap3A_1590 = vector.shape_cast %swap3A_1589 : vector<1x16xf32> to vector<16xf32>
        %swap3A_1591 = vector.shape_cast %mul3A_1586 : vector<16xf32> to vector<1x16xf32>
        tpu.vector_store %arg13[%swap3A_1587, %swap3A_1588], %swap3A_1591 {strides = array<i32>} : memref<80x128xf32, #tpu.memory_space<vmem>>, vector<1x16xf32>,
        %get3A_1592 = arith.index_cast %add3A_1581 : i32 to index
        %get3A_1593 = arith.constant 16 : index
        %get3A_1594 = tpu.vector_load %arg13[%get3A_1592, %get3A_1593] {strides = array<i32>} : memref<80x128xf32, #tpu.memory_space<vmem>>, vector<1x16xf32>,
        %get3A_1595 = vector.shape_cast %get3A_1594 : vector<1x16xf32> to vector<16xf32>
        %mul3A_1596 = arith.mulf %get3A_1595, %gather3A_1577 : vector<16xf32>
        %swap3A_1597 = arith.index_cast %add3A_1581 : i32 to index
        %swap3A_1598 = arith.constant 16 : index
        %swap3A_1599 = tpu.vector_load %arg13[%swap3A_1597, %swap3A_1598] {strides = array<i32>} : memref<80x128xf32, #tpu.memory_space<vmem>>, vector<1x16xf32>,
        %swap3A_1600 = vector.shape_cast %swap3A_1599 : vector<1x16xf32> to vector<16xf32>
        %swap3A_1601 = vector.shape_cast %mul3A_1596 : vector<16xf32> to vector<1x16xf32>
        tpu.vector_store %arg13[%swap3A_1597, %swap3A_1598], %swap3A_1601 {strides = array<i32>} : memref<80x128xf32, #tpu.memory_space<vmem>>, vector<1x16xf32>,
        %get3A_1602 = arith.index_cast %add3A_1581 : i32 to index
        %get3A_1603 = arith.constant 32 : index
        %get3A_1604 = tpu.vector_load %arg13[%get3A_1602, %get3A_1603] {strides = array<i32>} : memref<80x128xf32, #tpu.memory_space<vmem>>, vector<1x16xf32>,
        %get3A_1605 = vector.shape_cast %get3A_1604 : vector<1x16xf32> to vector<16xf32>
        %mul3A_1606 = arith.mulf %get3A_1605, %gather3A_1577 : vector<16xf32>
        %swap3A_1607 = arith.index_cast %add3A_1581 : i32 to index
        %swap3A_1608 = arith.constant 32 : index
        %swap3A_1609 = tpu.vector_load %arg13[%swap3A_1607, %swap3A_1608] {strides = array<i32>} : memref<80x128xf32, #tpu.memory_space<vmem>>, vector<1x16xf32>,
        %swap3A_1610 = vector.shape_cast %swap3A_1609 : vector<1x16xf32> to vector<16xf32>
        %swap3A_1611 = vector.shape_cast %mul3A_1606 : vector<16xf32> to vector<1x16xf32>
        tpu.vector_store %arg13[%swap3A_1607, %swap3A_1608], %swap3A_1611 {strides = array<i32>} : memref<80x128xf32, #tpu.memory_space<vmem>>, vector<1x16xf32>,
        %get3A_1612 = arith.index_cast %add3A_1581 : i32 to index
        %get3A_1613 = arith.constant 48 : index
        %get3A_1614 = tpu.vector_load %arg13[%get3A_1612, %get3A_1613] {strides = array<i32>} : memref<80x128xf32, #tpu.memory_space<vmem>>, vector<1x16xf32>,
        %get3A_1615 = vector.shape_cast %get3A_1614 : vector<1x16xf32> to vector<16xf32>
        %mul3A_1616 = arith.mulf %get3A_1615, %gather3A_1577 : vector<16xf32>
        %swap3A_1617 = arith.index_cast %add3A_1581 : i32 to index
        %swap3A_1618 = arith.constant 48 : index
        %swap3A_1619 = tpu.vector_load %arg13[%swap3A_1617, %swap3A_1618] {strides = array<i32>} : memref<80x128xf32, #tpu.memory_space<vmem>>, vector<1x16xf32>,
        %swap3A_1620 = vector.shape_cast %swap3A_1619 : vector<1x16xf32> to vector<16xf32>
        %swap3A_1621 = vector.shape_cast %mul3A_1616 : vector<16xf32> to vector<1x16xf32>
        tpu.vector_store %arg13[%swap3A_1617, %swap3A_1618], %swap3A_1621 {strides = array<i32>} : memref<80x128xf32, #tpu.memory_space<vmem>>, vector<1x16xf32>,
        %get3A_1622 = arith.index_cast %add3A_1581 : i32 to index
        %get3A_1623 = arith.constant 64 : index
        %get3A_1624 = tpu.vector_load %arg13[%get3A_1622, %get3A_1623] {strides = array<i32>} : memref<80x128xf32, #tpu.memory_space<vmem>>, vector<1x16xf32>,
        %get3A_1625 = vector.shape_cast %get3A_1624 : vector<1x16xf32> to vector<16xf32>
        %mul3A_1626 = arith.mulf %get3A_1625, %gather3A_1577 : vector<16xf32>
        %swap3A_1627 = arith.index_cast %add3A_1581 : i32 to index
        %swap3A_1628 = arith.constant 64 : index
        %swap3A_1629 = tpu.vector_load %arg13[%swap3A_1627, %swap3A_1628] {strides = array<i32>} : memref<80x128xf32, #tpu.memory_space<vmem>>, vector<1x16xf32>,
        %swap3A_1630 = vector.shape_cast %swap3A_1629 : vector<1x16xf32> to vector<16xf32>
        %swap3A_1631 = vector.shape_cast %mul3A_1626 : vector<16xf32> to vector<1x16xf32>
        tpu.vector_store %arg13[%swap3A_1627, %swap3A_1628], %swap3A_1631 {strides = array<i32>} : memref<80x128xf32, #tpu.memory_space<vmem>>, vector<1x16xf32>,
        %get3A_1632 = arith.index_cast %add3A_1581 : i32 to index
        %get3A_1633 = arith.constant 80 : index
        %get3A_1634 = tpu.vector_load %arg13[%get3A_1632, %get3A_1633] {strides = array<i32>} : memref<80x128xf32, #tpu.memory_space<vmem>>, vector<1x16xf32>,
        %get3A_1635 = vector.shape_cast %get3A_1634 : vector<1x16xf32> to vector<16xf32>
        %mul3A_1636 = arith.mulf %get3A_1635, %gather3A_1577 : vector<16xf32>
        %swap3A_1637 = arith.index_cast %add3A_1581 : i32 to index
        %swap3A_1638 = arith.constant 80 : index
        %swap3A_1639 = tpu.vector_load %arg13[%swap3A_1637, %swap3A_1638] {strides = array<i32>} : memref<80x128xf32, #tpu.memory_space<vmem>>, vector<1x16xf32>,
        %swap3A_1640 = vector.shape_cast %swap3A_1639 : vector<1x16xf32> to vector<16xf32>
        %swap3A_1641 = vector.shape_cast %mul3A_1636 : vector<16xf32> to vector<1x16xf32>
        tpu.vector_store %arg13[%swap3A_1637, %swap3A_1638], %swap3A_1641 {strides = array<i32>} : memref<80x128xf32, #tpu.memory_space<vmem>>, vector<1x16xf32>,
        %get3A_1642 = arith.index_cast %add3A_1581 : i32 to index
        %get3A_1643 = arith.constant 96 : index
        %get3A_1644 = tpu.vector_load %arg13[%get3A_1642, %get3A_1643] {strides = array<i32>} : memref<80x128xf32, #tpu.memory_space<vmem>>, vector<1x16xf32>,
        %get3A_1645 = vector.shape_cast %get3A_1644 : vector<1x16xf32> to vector<16xf32>
        %mul3A_1646 = arith.mulf %get3A_1645, %gather3A_1577 : vector<16xf32>
        %swap3A_1647 = arith.index_cast %add3A_1581 : i32 to index
        %swap3A_1648 = arith.constant 96 : index
        %swap3A_1649 = tpu.vector_load %arg13[%swap3A_1647, %swap3A_1648] {strides = array<i32>} : memref<80x128xf32, #tpu.memory_space<vmem>>, vector<1x16xf32>,
        %swap3A_1650 = vector.shape_cast %swap3A_1649 : vector<1x16xf32> to vector<16xf32>
        %swap3A_1651 = vector.shape_cast %mul3A_1646 : vector<16xf32> to vector<1x16xf32>
        tpu.vector_store %arg13[%swap3A_1647, %swap3A_1648], %swap3A_1651 {strides = array<i32>} : memref<80x128xf32, #tpu.memory_space<vmem>>, vector<1x16xf32>,
        %get3A_1652 = arith.index_cast %add3A_1581 : i32 to index
        %get3A_1653 = arith.constant 112 : index
        %get3A_1654 = tpu.vector_load %arg13[%get3A_1652, %get3A_1653] {strides = array<i32>} : memref<80x128xf32, #tpu.memory_space<vmem>>, vector<1x16xf32>,
        %get3A_1655 = vector.shape_cast %get3A_1654 : vector<1x16xf32> to vector<16xf32>
        %mul3A_1656 = arith.mulf %get3A_1655, %gather3A_1577 : vector<16xf32>
        %swap3A_1657 = arith.index_cast %add3A_1581 : i32 to index
        %swap3A_1658 = arith.constant 112 : index
        %swap3A_1659 = tpu.vector_load %arg13[%swap3A_1657, %swap3A_1658] {strides = array<i32>} : memref<80x128xf32, #tpu.memory_space<vmem>>, vector<1x16xf32>,
        %swap3A_1660 = vector.shape_cast %swap3A_1659 : vector<1x16xf32> to vector<16xf32>
        %swap3A_1661 = vector.shape_cast %mul3A_1656 : vector<16xf32> to vector<1x16xf32>
        tpu.vector_store %arg13[%swap3A_1657, %swap3A_1658], %swap3A_1661 {strides = array<i32>} : memref<80x128xf32, #tpu.memory_space<vmem>>, vector<1x16xf32>,
      }
      %scan3A_122 = arith.constant 5 : i32
      "tpu.region"() ({
        %run_scoped3A = tpu.sem_alloc : memref<!tpu.dma_semaphore, #tpu.memory_space<semaphore_mem>>
        %dma_start3A_123 = arith.constant 0 : i32
        %dma_start3A_124 = arith.constant 0 : i32
        %dma_start3A_125 = tpu.memref_slice %arg15[%dma_start3A_123, %dma_start3A_124] : memref<10240x128xf32, #tpu.memory_space<vmem_shared>> -> memref<10240x128xf32, #tpu.memory_space<vmem_shared>>
        tpu.enqueue_indirect_dma source(%arg13 : memref<80x128xf32, #tpu.memory_space<vmem>>) target(%dma_start3A_125 : memref<10240x128xf32, #tpu.memory_space<vmem_shared>>) offsets(%arg10 : memref<80xi32, #tpu.memory_space<vmem>>) semaphore(%run_scoped3A : memref<!tpu.dma_semaphore, #tpu.memory_space<semaphore_mem>>) {add = true}
        %dma_wait3A_126 = arith.constant 0 : i32
        %dma_wait3A_127 = arith.constant 0 : i32
        %dma_wait3A_128 = tpu.memref_slice %arg15[%dma_wait3A_126, %dma_wait3A_127] : memref<10240x128xf32, #tpu.memory_space<vmem_shared>> -> memref<10240x128xf32, #tpu.memory_space<vmem_shared>>
        tpu.wait_indirect_dma semaphore(%run_scoped3A : memref<!tpu.dma_semaphore, #tpu.memory_space<semaphore_mem>>) src(%arg13 : memref<80x128xf32, #tpu.memory_space<vmem>>) dst(%dma_wait3A_128 : memref<10240x128xf32, #tpu.memory_space<vmem_shared>>)
        tpu.yield
      }) : () -> ()
    }
    %scan3A_32 = arith.constant 125 : i32
    %barrier3A_33 = arith.constant 0 : index
    tpu.barrier barrier_id(%barrier3A_33)
    %mul3A_34 = arith.constant 640 : i32
    %mul3A_35 = arith.muli %arg1, %mul3A_34 : i32
    %mul3A_36 = arith.constant 10240 : i32
    %mul3A_37 = arith.muli %arg0, %mul3A_36 : i32
    %add3A_38 = arith.addi %mul3A_37, %mul3A_35 : i32
    "tpu.region"() ({
      %run_scoped3A = tpu.sem_alloc : memref<!tpu.dma_semaphore, #tpu.memory_space<semaphore_mem>>
      %dma_start3A = arith.constant 0 : i32
      %dma_start3A_39 = tpu.memref_slice %arg7[%add3A_38, %dma_start3A] : memref<20480x128xf32, #tpu.memory_space<hbm>> -> memref<640x128xf32, #tpu.memory_space<hbm>>
      %dma_start3A_40 = arith.constant 0 : i32
      %dma_start3A_41 = tpu.memref_slice %arg15[%mul3A_35, %dma_start3A_40] : memref<10240x128xf32, #tpu.memory_space<vmem_shared>> -> memref<640x128xf32, #tpu.memory_space<vmem_shared>>
      tpu.enqueue_dma source(%dma_start3A_41 : memref<640x128xf32, #tpu.memory_space<vmem_shared>>) target(%dma_start3A_39 : memref<640x128xf32, #tpu.memory_space<hbm>>) target_semaphore(%run_scoped3A : memref<!tpu.dma_semaphore, #tpu.memory_space<semaphore_mem>>)
      %dma_wait3A = arith.constant 0 : i32
      %dma_wait3A_42 = tpu.memref_slice %arg7[%add3A_38, %dma_wait3A] : memref<20480x128xf32, #tpu.memory_space<hbm>> -> memref<640x128xf32, #tpu.memory_space<hbm>>
      %dma_wait3A_43 = arith.constant 0 : i32
      %dma_wait3A_44 = tpu.memref_slice %arg15[%mul3A_35, %dma_wait3A_43] : memref<10240x128xf32, #tpu.memory_space<vmem_shared>> -> memref<640x128xf32, #tpu.memory_space<vmem_shared>>
      tpu.wait_dma2 semaphore(%run_scoped3A : memref<!tpu.dma_semaphore, #tpu.memory_space<semaphore_mem>>) src(%dma_wait3A_44 : memref<640x128xf32, #tpu.memory_space<vmem_shared>>) dst(%dma_wait3A_42 : memref<640x128xf32, #tpu.memory_space<hbm>>)
      tpu.yield
    }) : () -> ()
    return
  }
}

#map = affine_map<(d0, d1) -> (0, 0)>
#map1 = affine_map<(d0, d1) -> (0)>
module attributes {stable_mosaic.version = 14 : i64} {
  func.func @agg_kernel(%arg0: i32, %arg1: i32, %arg2: memref<80000x128xf32, #tpu.memory_space<hbm>>, %arg3: memref<320000xi32, #tpu.memory_space<hbm>>, %arg4: memref<320000xi32, #tpu.memory_space<hbm>>, %arg5: memref<320000xi32, #tpu.memory_space<hbm>>, %arg6: memref<320000xf32, #tpu.memory_space<hbm>>, %arg7: memref<20480x128xf32, #tpu.memory_space<hbm>>, %arg8: memref<80xi32, #tpu.memory_space<vmem>>, %arg9: memref<80xi32, #tpu.memory_space<vmem>>, %arg10: memref<80xi32, #tpu.memory_space<vmem>>, %arg11: memref<80xf32, #tpu.memory_space<vmem>>, %arg12: memref<80xi32, #tpu.memory_space<vmem>>, %arg13: memref<80x128xf32, #tpu.memory_space<vmem>>, %arg14: memref<128x128xf32, #tpu.memory_space<vmem>>, %arg15: memref<10240x128xf32, #tpu.memory_space<vmem_shared>>, %arg16: memref<!tpu.dma_semaphore, #tpu.memory_space<semaphore_mem>>) attributes {dimension_semantics = [#tpu.dimension_semantics<core_parallel>, #tpu.dimension_semantics<subcore_parallel>], iteration_bounds = array<i64: 2, 16>, scalar_prefetch = 0 : i64, scratch_operands = 9 : i64, tpu.core_type = #tpu.core_type<sc_vector_subcore>, window_params = [{transform_indices = #map}, {transform_indices = #map1}, {transform_indices = #map1}, {transform_indices = #map1}, {transform_indices = #map1}, {transform_indices = #map}]} {
    %mul3A = arith.constant 2 : i32
    %mul3A_0 = arith.muli %arg1, %mul3A : i32
    %add3A = arith.addi %mul3A_0, %arg0 : i32
    %broadcast_in_dim3A = arith.constant 0.000000e+00 : f32
    %broadcast_in_dim3A_1 = vector.broadcast %broadcast_in_dim3A : f32 to vector<16xf32>
    %scan3A = arith.constant 0 : i32
    %scan3A_2 = arith.constant 0 : i32
    %scan3A_3 = arith.constant 128 : i32
    %scan3A_4 = arith.addi %scan3A_2, %scan3A_3 : i32
    %scan3A_5 = arith.constant 1 : i32
    scf.for %scan3A_39 = %scan3A_2 to %scan3A_4 step %scan3A_5  : i32 {
      %swap3A = arith.index_cast %scan3A_39 : i32 to index
      %swap3A_40 = arith.constant 0 : index
      %swap3A_41 = tpu.vector_load %arg14[%swap3A, %swap3A_40] {strides = array<i32>} : memref<128x128xf32, #tpu.memory_space<vmem>>, vector<1x16xf32>,
      %swap3A_42 = vector.shape_cast %swap3A_41 : vector<1x16xf32> to vector<16xf32>
      %swap3A_43 = vector.shape_cast %broadcast_in_dim3A_1 : vector<16xf32> to vector<1x16xf32>
      tpu.vector_store %arg14[%swap3A, %swap3A_40], %swap3A_43 {strides = array<i32>} : memref<128x128xf32, #tpu.memory_space<vmem>>, vector<1x16xf32>,
      %swap3A_44 = arith.index_cast %scan3A_39 : i32 to index
      %swap3A_45 = arith.constant 16 : index
      %swap3A_46 = tpu.vector_load %arg14[%swap3A_44, %swap3A_45] {strides = array<i32>} : memref<128x128xf32, #tpu.memory_space<vmem>>, vector<1x16xf32>,
      %swap3A_47 = vector.shape_cast %swap3A_46 : vector<1x16xf32> to vector<16xf32>
      %swap3A_48 = vector.shape_cast %broadcast_in_dim3A_1 : vector<16xf32> to vector<1x16xf32>
      tpu.vector_store %arg14[%swap3A_44, %swap3A_45], %swap3A_48 {strides = array<i32>} : memref<128x128xf32, #tpu.memory_space<vmem>>, vector<1x16xf32>,
      %swap3A_49 = arith.index_cast %scan3A_39 : i32 to index
      %swap3A_50 = arith.constant 32 : index
      %swap3A_51 = tpu.vector_load %arg14[%swap3A_49, %swap3A_50] {strides = array<i32>} : memref<128x128xf32, #tpu.memory_space<vmem>>, vector<1x16xf32>,
      %swap3A_52 = vector.shape_cast %swap3A_51 : vector<1x16xf32> to vector<16xf32>
      %swap3A_53 = vector.shape_cast %broadcast_in_dim3A_1 : vector<16xf32> to vector<1x16xf32>
      tpu.vector_store %arg14[%swap3A_49, %swap3A_50], %swap3A_53 {strides = array<i32>} : memref<128x128xf32, #tpu.memory_space<vmem>>, vector<1x16xf32>,
      %swap3A_54 = arith.index_cast %scan3A_39 : i32 to index
      %swap3A_55 = arith.constant 48 : index
      %swap3A_56 = tpu.vector_load %arg14[%swap3A_54, %swap3A_55] {strides = array<i32>} : memref<128x128xf32, #tpu.memory_space<vmem>>, vector<1x16xf32>,
      %swap3A_57 = vector.shape_cast %swap3A_56 : vector<1x16xf32> to vector<16xf32>
      %swap3A_58 = vector.shape_cast %broadcast_in_dim3A_1 : vector<16xf32> to vector<1x16xf32>
      tpu.vector_store %arg14[%swap3A_54, %swap3A_55], %swap3A_58 {strides = array<i32>} : memref<128x128xf32, #tpu.memory_space<vmem>>, vector<1x16xf32>,
      %swap3A_59 = arith.index_cast %scan3A_39 : i32 to index
      %swap3A_60 = arith.constant 64 : index
      %swap3A_61 = tpu.vector_load %arg14[%swap3A_59, %swap3A_60] {strides = array<i32>} : memref<128x128xf32, #tpu.memory_space<vmem>>, vector<1x16xf32>,
      %swap3A_62 = vector.shape_cast %swap3A_61 : vector<1x16xf32> to vector<16xf32>
      %swap3A_63 = vector.shape_cast %broadcast_in_dim3A_1 : vector<16xf32> to vector<1x16xf32>
      tpu.vector_store %arg14[%swap3A_59, %swap3A_60], %swap3A_63 {strides = array<i32>} : memref<128x128xf32, #tpu.memory_space<vmem>>, vector<1x16xf32>,
      %swap3A_64 = arith.index_cast %scan3A_39 : i32 to index
      %swap3A_65 = arith.constant 80 : index
      %swap3A_66 = tpu.vector_load %arg14[%swap3A_64, %swap3A_65] {strides = array<i32>} : memref<128x128xf32, #tpu.memory_space<vmem>>, vector<1x16xf32>,
      %swap3A_67 = vector.shape_cast %swap3A_66 : vector<1x16xf32> to vector<16xf32>
      %swap3A_68 = vector.shape_cast %broadcast_in_dim3A_1 : vector<16xf32> to vector<1x16xf32>
      tpu.vector_store %arg14[%swap3A_64, %swap3A_65], %swap3A_68 {strides = array<i32>} : memref<128x128xf32, #tpu.memory_space<vmem>>, vector<1x16xf32>,
      %swap3A_69 = arith.index_cast %scan3A_39 : i32 to index
      %swap3A_70 = arith.constant 96 : index
      %swap3A_71 = tpu.vector_load %arg14[%swap3A_69, %swap3A_70] {strides = array<i32>} : memref<128x128xf32, #tpu.memory_space<vmem>>, vector<1x16xf32>,
      %swap3A_72 = vector.shape_cast %swap3A_71 : vector<1x16xf32> to vector<16xf32>
      %swap3A_73 = vector.shape_cast %broadcast_in_dim3A_1 : vector<16xf32> to vector<1x16xf32>
      tpu.vector_store %arg14[%swap3A_69, %swap3A_70], %swap3A_73 {strides = array<i32>} : memref<128x128xf32, #tpu.memory_space<vmem>>, vector<1x16xf32>,
      %swap3A_74 = arith.index_cast %scan3A_39 : i32 to index
      %swap3A_75 = arith.constant 112 : index
      %swap3A_76 = tpu.vector_load %arg14[%swap3A_74, %swap3A_75] {strides = array<i32>} : memref<128x128xf32, #tpu.memory_space<vmem>>, vector<1x16xf32>,
      %swap3A_77 = vector.shape_cast %swap3A_76 : vector<1x16xf32> to vector<16xf32>
      %swap3A_78 = vector.shape_cast %broadcast_in_dim3A_1 : vector<16xf32> to vector<1x16xf32>
      tpu.vector_store %arg14[%swap3A_74, %swap3A_75], %swap3A_78 {strides = array<i32>} : memref<128x128xf32, #tpu.memory_space<vmem>>, vector<1x16xf32>,
    }
    %scan3A_6 = arith.constant 128 : i32
    %mul3A_7 = arith.constant 640 : i32
    %mul3A_8 = arith.muli %arg1, %mul3A_7 : i32
    %add3A_9 = arith.constant 0 : i32
    %add3A_10 = arith.addi %mul3A_8, %add3A_9 : i32
    "tpu.region"() ({
      %run_scoped3A = tpu.sem_alloc : memref<!tpu.dma_semaphore, #tpu.memory_space<semaphore_mem>>
      %dma_start3A = arith.constant 0 : i32
      %dma_start3A_39 = tpu.memref_slice %arg15[%add3A_10, %dma_start3A] : memref<10240x128xf32, #tpu.memory_space<vmem_shared>> -> memref<128x128xf32, #tpu.memory_space<vmem_shared>>
      %dma_start3A_40 = arith.constant 0 : i32
      %dma_start3A_41 = tpu.memref_slice %arg15[%add3A_10, %dma_start3A_40] : memref<10240x128xf32, #tpu.memory_space<vmem_shared>> -> memref<128x128xf32, #tpu.memory_space<vmem_shared>>
      tpu.enqueue_dma source(%arg14 : memref<128x128xf32, #tpu.memory_space<vmem>>) target(%dma_start3A_41 : memref<128x128xf32, #tpu.memory_space<vmem_shared>>) target_semaphore(%run_scoped3A : memref<!tpu.dma_semaphore, #tpu.memory_space<semaphore_mem>>)
      %dma_wait3A = arith.constant 0 : i32
      %dma_wait3A_42 = tpu.memref_slice %arg15[%add3A_10, %dma_wait3A] : memref<10240x128xf32, #tpu.memory_space<vmem_shared>> -> memref<128x128xf32, #tpu.memory_space<vmem_shared>>
      %dma_wait3A_43 = arith.constant 0 : i32
      %dma_wait3A_44 = tpu.memref_slice %arg15[%add3A_10, %dma_wait3A_43] : memref<10240x128xf32, #tpu.memory_space<vmem_shared>> -> memref<128x128xf32, #tpu.memory_space<vmem_shared>>
      tpu.wait_dma2 semaphore(%run_scoped3A : memref<!tpu.dma_semaphore, #tpu.memory_space<semaphore_mem>>) src(%arg14 : memref<128x128xf32, #tpu.memory_space<vmem>>) dst(%dma_wait3A_44 : memref<128x128xf32, #tpu.memory_space<vmem_shared>>)
      tpu.yield
    }) : () -> ()
    %mul3A_11 = arith.constant 640 : i32
    %mul3A_12 = arith.muli %arg1, %mul3A_11 : i32
    %add3A_13 = arith.constant 128 : i32
    %add3A_14 = arith.addi %mul3A_12, %add3A_13 : i32
    "tpu.region"() ({
      %run_scoped3A = tpu.sem_alloc : memref<!tpu.dma_semaphore, #tpu.memory_space<semaphore_mem>>
      %dma_start3A = arith.constant 0 : i32
      %dma_start3A_39 = tpu.memref_slice %arg15[%add3A_14, %dma_start3A] : memref<10240x128xf32, #tpu.memory_space<vmem_shared>> -> memref<128x128xf32, #tpu.memory_space<vmem_shared>>
      %dma_start3A_40 = arith.constant 0 : i32
      %dma_start3A_41 = tpu.memref_slice %arg15[%add3A_14, %dma_start3A_40] : memref<10240x128xf32, #tpu.memory_space<vmem_shared>> -> memref<128x128xf32, #tpu.memory_space<vmem_shared>>
      tpu.enqueue_dma source(%arg14 : memref<128x128xf32, #tpu.memory_space<vmem>>) target(%dma_start3A_41 : memref<128x128xf32, #tpu.memory_space<vmem_shared>>) target_semaphore(%run_scoped3A : memref<!tpu.dma_semaphore, #tpu.memory_space<semaphore_mem>>)
      %dma_wait3A = arith.constant 0 : i32
      %dma_wait3A_42 = tpu.memref_slice %arg15[%add3A_14, %dma_wait3A] : memref<10240x128xf32, #tpu.memory_space<vmem_shared>> -> memref<128x128xf32, #tpu.memory_space<vmem_shared>>
      %dma_wait3A_43 = arith.constant 0 : i32
      %dma_wait3A_44 = tpu.memref_slice %arg15[%add3A_14, %dma_wait3A_43] : memref<10240x128xf32, #tpu.memory_space<vmem_shared>> -> memref<128x128xf32, #tpu.memory_space<vmem_shared>>
      tpu.wait_dma2 semaphore(%run_scoped3A : memref<!tpu.dma_semaphore, #tpu.memory_space<semaphore_mem>>) src(%arg14 : memref<128x128xf32, #tpu.memory_space<vmem>>) dst(%dma_wait3A_44 : memref<128x128xf32, #tpu.memory_space<vmem_shared>>)
      tpu.yield
    }) : () -> ()
    %mul3A_15 = arith.constant 640 : i32
    %mul3A_16 = arith.muli %arg1, %mul3A_15 : i32
    %add3A_17 = arith.constant 256 : i32
    %add3A_18 = arith.addi %mul3A_16, %add3A_17 : i32
    "tpu.region"() ({
      %run_scoped3A = tpu.sem_alloc : memref<!tpu.dma_semaphore, #tpu.memory_space<semaphore_mem>>
      %dma_start3A = arith.constant 0 : i32
      %dma_start3A_39 = tpu.memref_slice %arg15[%add3A_18, %dma_start3A] : memref<10240x128xf32, #tpu.memory_space<vmem_shared>> -> memref<128x128xf32, #tpu.memory_space<vmem_shared>>
      %dma_start3A_40 = arith.constant 0 : i32
      %dma_start3A_41 = tpu.memref_slice %arg15[%add3A_18, %dma_start3A_40] : memref<10240x128xf32, #tpu.memory_space<vmem_shared>> -> memref<128x128xf32, #tpu.memory_space<vmem_shared>>
      tpu.enqueue_dma source(%arg14 : memref<128x128xf32, #tpu.memory_space<vmem>>) target(%dma_start3A_41 : memref<128x128xf32, #tpu.memory_space<vmem_shared>>) target_semaphore(%run_scoped3A : memref<!tpu.dma_semaphore, #tpu.memory_space<semaphore_mem>>)
      %dma_wait3A = arith.constant 0 : i32
      %dma_wait3A_42 = tpu.memref_slice %arg15[%add3A_18, %dma_wait3A] : memref<10240x128xf32, #tpu.memory_space<vmem_shared>> -> memref<128x128xf32, #tpu.memory_space<vmem_shared>>
      %dma_wait3A_43 = arith.constant 0 : i32
      %dma_wait3A_44 = tpu.memref_slice %arg15[%add3A_18, %dma_wait3A_43] : memref<10240x128xf32, #tpu.memory_space<vmem_shared>> -> memref<128x128xf32, #tpu.memory_space<vmem_shared>>
      tpu.wait_dma2 semaphore(%run_scoped3A : memref<!tpu.dma_semaphore, #tpu.memory_space<semaphore_mem>>) src(%arg14 : memref<128x128xf32, #tpu.memory_space<vmem>>) dst(%dma_wait3A_44 : memref<128x128xf32, #tpu.memory_space<vmem_shared>>)
      tpu.yield
    }) : () -> ()
    %mul3A_19 = arith.constant 640 : i32
    %mul3A_20 = arith.muli %arg1, %mul3A_19 : i32
    %add3A_21 = arith.constant 384 : i32
    %add3A_22 = arith.addi %mul3A_20, %add3A_21 : i32
    "tpu.region"() ({
      %run_scoped3A = tpu.sem_alloc : memref<!tpu.dma_semaphore, #tpu.memory_space<semaphore_mem>>
      %dma_start3A = arith.constant 0 : i32
      %dma_start3A_39 = tpu.memref_slice %arg15[%add3A_22, %dma_start3A] : memref<10240x128xf32, #tpu.memory_space<vmem_shared>> -> memref<128x128xf32, #tpu.memory_space<vmem_shared>>
      %dma_start3A_40 = arith.constant 0 : i32
      %dma_start3A_41 = tpu.memref_slice %arg15[%add3A_22, %dma_start3A_40] : memref<10240x128xf32, #tpu.memory_space<vmem_shared>> -> memref<128x128xf32, #tpu.memory_space<vmem_shared>>
      tpu.enqueue_dma source(%arg14 : memref<128x128xf32, #tpu.memory_space<vmem>>) target(%dma_start3A_41 : memref<128x128xf32, #tpu.memory_space<vmem_shared>>) target_semaphore(%run_scoped3A : memref<!tpu.dma_semaphore, #tpu.memory_space<semaphore_mem>>)
      %dma_wait3A = arith.constant 0 : i32
      %dma_wait3A_42 = tpu.memref_slice %arg15[%add3A_22, %dma_wait3A] : memref<10240x128xf32, #tpu.memory_space<vmem_shared>> -> memref<128x128xf32, #tpu.memory_space<vmem_shared>>
      %dma_wait3A_43 = arith.constant 0 : i32
      %dma_wait3A_44 = tpu.memref_slice %arg15[%add3A_22, %dma_wait3A_43] : memref<10240x128xf32, #tpu.memory_space<vmem_shared>> -> memref<128x128xf32, #tpu.memory_space<vmem_shared>>
      tpu.wait_dma2 semaphore(%run_scoped3A : memref<!tpu.dma_semaphore, #tpu.memory_space<semaphore_mem>>) src(%arg14 : memref<128x128xf32, #tpu.memory_space<vmem>>) dst(%dma_wait3A_44 : memref<128x128xf32, #tpu.memory_space<vmem_shared>>)
      tpu.yield
    }) : () -> ()
    %mul3A_23 = arith.constant 640 : i32
    %mul3A_24 = arith.muli %arg1, %mul3A_23 : i32
    %add3A_25 = arith.constant 512 : i32
    %add3A_26 = arith.addi %mul3A_24, %add3A_25 : i32
    "tpu.region"() ({
      %run_scoped3A = tpu.sem_alloc : memref<!tpu.dma_semaphore, #tpu.memory_space<semaphore_mem>>
      %dma_start3A = arith.constant 0 : i32
      %dma_start3A_39 = tpu.memref_slice %arg15[%add3A_26, %dma_start3A] : memref<10240x128xf32, #tpu.memory_space<vmem_shared>> -> memref<128x128xf32, #tpu.memory_space<vmem_shared>>
      %dma_start3A_40 = arith.constant 0 : i32
      %dma_start3A_41 = tpu.memref_slice %arg15[%add3A_26, %dma_start3A_40] : memref<10240x128xf32, #tpu.memory_space<vmem_shared>> -> memref<128x128xf32, #tpu.memory_space<vmem_shared>>
      tpu.enqueue_dma source(%arg14 : memref<128x128xf32, #tpu.memory_space<vmem>>) target(%dma_start3A_41 : memref<128x128xf32, #tpu.memory_space<vmem_shared>>) target_semaphore(%run_scoped3A : memref<!tpu.dma_semaphore, #tpu.memory_space<semaphore_mem>>)
      %dma_wait3A = arith.constant 0 : i32
      %dma_wait3A_42 = tpu.memref_slice %arg15[%add3A_26, %dma_wait3A] : memref<10240x128xf32, #tpu.memory_space<vmem_shared>> -> memref<128x128xf32, #tpu.memory_space<vmem_shared>>
      %dma_wait3A_43 = arith.constant 0 : i32
      %dma_wait3A_44 = tpu.memref_slice %arg15[%add3A_26, %dma_wait3A_43] : memref<10240x128xf32, #tpu.memory_space<vmem_shared>> -> memref<128x128xf32, #tpu.memory_space<vmem_shared>>
      tpu.wait_dma2 semaphore(%run_scoped3A : memref<!tpu.dma_semaphore, #tpu.memory_space<semaphore_mem>>) src(%arg14 : memref<128x128xf32, #tpu.memory_space<vmem>>) dst(%dma_wait3A_44 : memref<128x128xf32, #tpu.memory_space<vmem_shared>>)
      tpu.yield
    }) : () -> ()
    %barrier3A = arith.constant 0 : index
    tpu.barrier barrier_id(%barrier3A)
    %scan3A_27 = arith.constant 0 : i32
    %scan3A_28 = arith.constant 0 : i32
    %scan3A_29 = arith.constant 125 : i32
    %scan3A_30 = arith.addi %scan3A_28, %scan3A_29 : i32
    %scan3A_31 = arith.constant 1 : i32
    scf.for %scan3A_39 = %scan3A_28 to %scan3A_30 step %scan3A_31  : i32 {
      %mul3A_40 = arith.constant 10000 : i32
      %mul3A_41 = arith.muli %add3A, %mul3A_40 : i32
      %mul3A_42 = arith.constant 80 : i32
      %mul3A_43 = arith.muli %scan3A_39, %mul3A_42 : i32
      %add3A_44 = arith.addi %mul3A_41, %mul3A_43 : i32
      "tpu.region"() ({
        %run_scoped3A = tpu.sem_alloc : memref<!tpu.dma_semaphore, #tpu.memory_space<semaphore_mem>>
        %dma_start3A_123 = tpu.memref_slice %arg3[%add3A_44] : memref<320000xi32, #tpu.memory_space<hbm>> -> memref<80xi32, #tpu.memory_space<hbm>>
        %dma_start3A_124 = tpu.memref_slice %arg3[%add3A_44] : memref<320000xi32, #tpu.memory_space<hbm>> -> memref<80xi32, #tpu.memory_space<hbm>>
        tpu.enqueue_dma source(%dma_start3A_124 : memref<80xi32, #tpu.memory_space<hbm>>) target(%arg8 : memref<80xi32, #tpu.memory_space<vmem>>) target_semaphore(%run_scoped3A : memref<!tpu.dma_semaphore, #tpu.memory_space<semaphore_mem>>)
        %dma_wait3A_125 = tpu.memref_slice %arg3[%add3A_44] : memref<320000xi32, #tpu.memory_space<hbm>> -> memref<80xi32, #tpu.memory_space<hbm>>
        %dma_wait3A_126 = tpu.memref_slice %arg3[%add3A_44] : memref<320000xi32, #tpu.memory_space<hbm>> -> memref<80xi32, #tpu.memory_space<hbm>>
        tpu.wait_dma2 semaphore(%run_scoped3A : memref<!tpu.dma_semaphore, #tpu.memory_space<semaphore_mem>>) src(%dma_wait3A_126 : memref<80xi32, #tpu.memory_space<hbm>>) dst(%arg8 : memref<80xi32, #tpu.memory_space<vmem>>)
        tpu.yield
      }) : () -> ()
      "tpu.region"() ({
        %run_scoped3A = tpu.sem_alloc : memref<!tpu.dma_semaphore, #tpu.memory_space<semaphore_mem>>
        %dma_start3A_123 = tpu.memref_slice %arg4[%add3A_44] : memref<320000xi32, #tpu.memory_space<hbm>> -> memref<80xi32, #tpu.memory_space<hbm>>
        %dma_start3A_124 = tpu.memref_slice %arg4[%add3A_44] : memref<320000xi32, #tpu.memory_space<hbm>> -> memref<80xi32, #tpu.memory_space<hbm>>
        tpu.enqueue_dma source(%dma_start3A_124 : memref<80xi32, #tpu.memory_space<hbm>>) target(%arg9 : memref<80xi32, #tpu.memory_space<vmem>>) target_semaphore(%run_scoped3A : memref<!tpu.dma_semaphore, #tpu.memory_space<semaphore_mem>>)
        %dma_wait3A_125 = tpu.memref_slice %arg4[%add3A_44] : memref<320000xi32, #tpu.memory_space<hbm>> -> memref<80xi32, #tpu.memory_space<hbm>>
        %dma_wait3A_126 = tpu.memref_slice %arg4[%add3A_44] : memref<320000xi32, #tpu.memory_space<hbm>> -> memref<80xi32, #tpu.memory_space<hbm>>
        tpu.wait_dma2 semaphore(%run_scoped3A : memref<!tpu.dma_semaphore, #tpu.memory_space<semaphore_mem>>) src(%dma_wait3A_126 : memref<80xi32, #tpu.memory_space<hbm>>) dst(%arg9 : memref<80xi32, #tpu.memory_space<vmem>>)
        tpu.yield
      }) : () -> ()
      "tpu.region"() ({
        %run_scoped3A = tpu.sem_alloc : memref<!tpu.dma_semaphore, #tpu.memory_space<semaphore_mem>>
        %dma_start3A_123 = tpu.memref_slice %arg5[%add3A_44] : memref<320000xi32, #tpu.memory_space<hbm>> -> memref<80xi32, #tpu.memory_space<hbm>>
        %dma_start3A_124 = tpu.memref_slice %arg5[%add3A_44] : memref<320000xi32, #tpu.memory_space<hbm>> -> memref<80xi32, #tpu.memory_space<hbm>>
        tpu.enqueue_dma source(%dma_start3A_124 : memref<80xi32, #tpu.memory_space<hbm>>) target(%arg10 : memref<80xi32, #tpu.memory_space<vmem>>) target_semaphore(%run_scoped3A : memref<!tpu.dma_semaphore, #tpu.memory_space<semaphore_mem>>)
        %dma_wait3A_125 = tpu.memref_slice %arg5[%add3A_44] : memref<320000xi32, #tpu.memory_space<hbm>> -> memref<80xi32, #tpu.memory_space<hbm>>
        %dma_wait3A_126 = tpu.memref_slice %arg5[%add3A_44] : memref<320000xi32, #tpu.memory_space<hbm>> -> memref<80xi32, #tpu.memory_space<hbm>>
        tpu.wait_dma2 semaphore(%run_scoped3A : memref<!tpu.dma_semaphore, #tpu.memory_space<semaphore_mem>>) src(%dma_wait3A_126 : memref<80xi32, #tpu.memory_space<hbm>>) dst(%arg10 : memref<80xi32, #tpu.memory_space<vmem>>)
        tpu.yield
      }) : () -> ()
      "tpu.region"() ({
        %run_scoped3A = tpu.sem_alloc : memref<!tpu.dma_semaphore, #tpu.memory_space<semaphore_mem>>
        %dma_start3A_123 = tpu.memref_slice %arg6[%add3A_44] : memref<320000xf32, #tpu.memory_space<hbm>> -> memref<80xf32, #tpu.memory_space<hbm>>
        %dma_start3A_124 = tpu.memref_slice %arg6[%add3A_44] : memref<320000xf32, #tpu.memory_space<hbm>> -> memref<80xf32, #tpu.memory_space<hbm>>
        tpu.enqueue_dma source(%dma_start3A_124 : memref<80xf32, #tpu.memory_space<hbm>>) target(%arg11 : memref<80xf32, #tpu.memory_space<vmem>>) target_semaphore(%run_scoped3A : memref<!tpu.dma_semaphore, #tpu.memory_space<semaphore_mem>>)
        %dma_wait3A_125 = tpu.memref_slice %arg6[%add3A_44] : memref<320000xf32, #tpu.memory_space<hbm>> -> memref<80xf32, #tpu.memory_space<hbm>>
        %dma_wait3A_126 = tpu.memref_slice %arg6[%add3A_44] : memref<320000xf32, #tpu.memory_space<hbm>> -> memref<80xf32, #tpu.memory_space<hbm>>
        tpu.wait_dma2 semaphore(%run_scoped3A : memref<!tpu.dma_semaphore, #tpu.memory_space<semaphore_mem>>) src(%dma_wait3A_126 : memref<80xf32, #tpu.memory_space<hbm>>) dst(%arg11 : memref<80xf32, #tpu.memory_space<vmem>>)
        tpu.yield
      }) : () -> ()
      %get3A = arith.constant 0 : index
      %get3A_45 = tpu.vector_load %arg9[%get3A] {strides = array<i32>} : memref<80xi32, #tpu.memory_space<vmem>>, vector<16xi32>,
      %get3A_46 = vector.shape_cast %get3A_45 : vector<16xi32> to vector<16xi32>
      %mul3A_47 = arith.constant 10000 : i32
      %mul3A_48 = vector.broadcast %mul3A_47 : i32 to vector<16xi32>
      %mul3A_49 = arith.muli %get3A_46, %mul3A_48 : vector<16xi32>
      %get3A_50 = arith.constant 0 : index
      %get3A_51 = tpu.vector_load %arg8[%get3A_50] {strides = array<i32>} : memref<80xi32, #tpu.memory_space<vmem>>, vector<16xi32>,
      %get3A_52 = vector.shape_cast %get3A_51 : vector<16xi32> to vector<16xi32>
      %add3A_53 = arith.addi %mul3A_49, %get3A_52 : vector<16xi32>
      %swap3A = arith.constant 0 : index
      %swap3A_54 = tpu.vector_load %arg12[%swap3A] {strides = array<i32>} : memref<80xi32, #tpu.memory_space<vmem>>, vector<16xi32>,
      %swap3A_55 = vector.shape_cast %swap3A_54 : vector<16xi32> to vector<16xi32>
      %swap3A_56 = vector.shape_cast %add3A_53 : vector<16xi32> to vector<16xi32>
      tpu.vector_store %arg12[%swap3A], %swap3A_56 {strides = array<i32>} : memref<80xi32, #tpu.memory_space<vmem>>, vector<16xi32>,
      %get3A_57 = arith.constant 16 : index
      %get3A_58 = tpu.vector_load %arg9[%get3A_57] {strides = array<i32>} : memref<80xi32, #tpu.memory_space<vmem>>, vector<16xi32>,
      %get3A_59 = vector.shape_cast %get3A_58 : vector<16xi32> to vector<16xi32>
      %mul3A_60 = arith.constant 10000 : i32
      %mul3A_61 = vector.broadcast %mul3A_60 : i32 to vector<16xi32>
      %mul3A_62 = arith.muli %get3A_59, %mul3A_61 : vector<16xi32>
      %get3A_63 = arith.constant 16 : index
      %get3A_64 = tpu.vector_load %arg8[%get3A_63] {strides = array<i32>} : memref<80xi32, #tpu.memory_space<vmem>>, vector<16xi32>,
      %get3A_65 = vector.shape_cast %get3A_64 : vector<16xi32> to vector<16xi32>
      %add3A_66 = arith.addi %mul3A_62, %get3A_65 : vector<16xi32>
      %swap3A_67 = arith.constant 16 : index
      %swap3A_68 = tpu.vector_load %arg12[%swap3A_67] {strides = array<i32>} : memref<80xi32, #tpu.memory_space<vmem>>, vector<16xi32>,
      %swap3A_69 = vector.shape_cast %swap3A_68 : vector<16xi32> to vector<16xi32>
      %swap3A_70 = vector.shape_cast %add3A_66 : vector<16xi32> to vector<16xi32>
      tpu.vector_store %arg12[%swap3A_67], %swap3A_70 {strides = array<i32>} : memref<80xi32, #tpu.memory_space<vmem>>, vector<16xi32>,
      %get3A_71 = arith.constant 32 : index
      %get3A_72 = tpu.vector_load %arg9[%get3A_71] {strides = array<i32>} : memref<80xi32, #tpu.memory_space<vmem>>, vector<16xi32>,
      %get3A_73 = vector.shape_cast %get3A_72 : vector<16xi32> to vector<16xi32>
      %mul3A_74 = arith.constant 10000 : i32
      %mul3A_75 = vector.broadcast %mul3A_74 : i32 to vector<16xi32>
      %mul3A_76 = arith.muli %get3A_73, %mul3A_75 : vector<16xi32>
      %get3A_77 = arith.constant 32 : index
      %get3A_78 = tpu.vector_load %arg8[%get3A_77] {strides = array<i32>} : memref<80xi32, #tpu.memory_space<vmem>>, vector<16xi32>,
      %get3A_79 = vector.shape_cast %get3A_78 : vector<16xi32> to vector<16xi32>
      %add3A_80 = arith.addi %mul3A_76, %get3A_79 : vector<16xi32>
      %swap3A_81 = arith.constant 32 : index
      %swap3A_82 = tpu.vector_load %arg12[%swap3A_81] {strides = array<i32>} : memref<80xi32, #tpu.memory_space<vmem>>, vector<16xi32>,
      %swap3A_83 = vector.shape_cast %swap3A_82 : vector<16xi32> to vector<16xi32>
      %swap3A_84 = vector.shape_cast %add3A_80 : vector<16xi32> to vector<16xi32>
      tpu.vector_store %arg12[%swap3A_81], %swap3A_84 {strides = array<i32>} : memref<80xi32, #tpu.memory_space<vmem>>, vector<16xi32>,
      %get3A_85 = arith.constant 48 : index
      %get3A_86 = tpu.vector_load %arg9[%get3A_85] {strides = array<i32>} : memref<80xi32, #tpu.memory_space<vmem>>, vector<16xi32>,
      %get3A_87 = vector.shape_cast %get3A_86 : vector<16xi32> to vector<16xi32>
      %mul3A_88 = arith.constant 10000 : i32
      %mul3A_89 = vector.broadcast %mul3A_88 : i32 to vector<16xi32>
      %mul3A_90 = arith.muli %get3A_87, %mul3A_89 : vector<16xi32>
      %get3A_91 = arith.constant 48 : index
      %get3A_92 = tpu.vector_load %arg8[%get3A_91] {strides = array<i32>} : memref<80xi32, #tpu.memory_space<vmem>>, vector<16xi32>,
      %get3A_93 = vector.shape_cast %get3A_92 : vector<16xi32> to vector<16xi32>
      %add3A_94 = arith.addi %mul3A_90, %get3A_93 : vector<16xi32>
      %swap3A_95 = arith.constant 48 : index
      %swap3A_96 = tpu.vector_load %arg12[%swap3A_95] {strides = array<i32>} : memref<80xi32, #tpu.memory_space<vmem>>, vector<16xi32>,
      %swap3A_97 = vector.shape_cast %swap3A_96 : vector<16xi32> to vector<16xi32>
      %swap3A_98 = vector.shape_cast %add3A_94 : vector<16xi32> to vector<16xi32>
      tpu.vector_store %arg12[%swap3A_95], %swap3A_98 {strides = array<i32>} : memref<80xi32, #tpu.memory_space<vmem>>, vector<16xi32>,
      %get3A_99 = arith.constant 64 : index
      %get3A_100 = tpu.vector_load %arg9[%get3A_99] {strides = array<i32>} : memref<80xi32, #tpu.memory_space<vmem>>, vector<16xi32>,
      %get3A_101 = vector.shape_cast %get3A_100 : vector<16xi32> to vector<16xi32>
      %mul3A_102 = arith.constant 10000 : i32
      %mul3A_103 = vector.broadcast %mul3A_102 : i32 to vector<16xi32>
      %mul3A_104 = arith.muli %get3A_101, %mul3A_103 : vector<16xi32>
      %get3A_105 = arith.constant 64 : index
      %get3A_106 = tpu.vector_load %arg8[%get3A_105] {strides = array<i32>} : memref<80xi32, #tpu.memory_space<vmem>>, vector<16xi32>,
      %get3A_107 = vector.shape_cast %get3A_106 : vector<16xi32> to vector<16xi32>
      %add3A_108 = arith.addi %mul3A_104, %get3A_107 : vector<16xi32>
      %swap3A_109 = arith.constant 64 : index
      %swap3A_110 = tpu.vector_load %arg12[%swap3A_109] {strides = array<i32>} : memref<80xi32, #tpu.memory_space<vmem>>, vector<16xi32>,
      %swap3A_111 = vector.shape_cast %swap3A_110 : vector<16xi32> to vector<16xi32>
      %swap3A_112 = vector.shape_cast %add3A_108 : vector<16xi32> to vector<16xi32>
      tpu.vector_store %arg12[%swap3A_109], %swap3A_112 {strides = array<i32>} : memref<80xi32, #tpu.memory_space<vmem>>, vector<16xi32>,
      %dma_start3A = arith.constant 0 : i32
      %dma_start3A_113 = arith.constant 0 : i32
      %dma_start3A_114 = tpu.memref_slice %arg2[%dma_start3A, %dma_start3A_113] : memref<80000x128xf32, #tpu.memory_space<hbm>> -> memref<80000x128xf32, #tpu.memory_space<hbm>>
      tpu.enqueue_indirect_dma source(%dma_start3A_114 : memref<80000x128xf32, #tpu.memory_space<hbm>>) target(%arg13 : memref<80x128xf32, #tpu.memory_space<vmem>>) offsets(%arg12 : memref<80xi32, #tpu.memory_space<vmem>>) semaphore(%arg16 : memref<!tpu.dma_semaphore, #tpu.memory_space<semaphore_mem>>)
      %dma_wait3A = arith.constant 0 : i32
      %dma_wait3A_115 = arith.constant 0 : i32
      %dma_wait3A_116 = tpu.memref_slice %arg2[%dma_wait3A, %dma_wait3A_115] : memref<80000x128xf32, #tpu.memory_space<hbm>> -> memref<80000x128xf32, #tpu.memory_space<hbm>>
      tpu.wait_indirect_dma semaphore(%arg16 : memref<!tpu.dma_semaphore, #tpu.memory_space<semaphore_mem>>) src(%dma_wait3A_116 : memref<80000x128xf32, #tpu.memory_space<hbm>>) dst(%arg13 : memref<80x128xf32, #tpu.memory_space<vmem>>)
      %scan3A_117 = arith.constant 0 : i32
      %scan3A_118 = arith.constant 0 : i32
      %scan3A_119 = arith.constant 5 : i32
      %scan3A_120 = arith.addi %scan3A_118, %scan3A_119 : i32
      %scan3A_121 = arith.constant 1 : i32
      scf.for %scan3A_123 = %scan3A_118 to %scan3A_120 step %scan3A_121  : i32 {
        %mul3A_124 = arith.constant 16 : i32
        %mul3A_125 = arith.muli %scan3A_123, %mul3A_124 : i32
        %get3A_126 = arith.index_cast %mul3A_125 : i32 to index
        %get3A_127 = tpu.vector_load %arg11[%get3A_126] {strides = array<i32>} : memref<80xf32, #tpu.memory_space<vmem>>, vector<16xf32>,
        %get3A_128 = vector.shape_cast %get3A_127 : vector<16xf32> to vector<16xf32>
        %broadcast_in_dim3A_129 = arith.constant 0 : i32
        %broadcast_in_dim3A_130 = vector.broadcast %broadcast_in_dim3A_129 : i32 to vector<16xi32>
        %lt3A = arith.constant 0 : i32
        %lt3A_131 = vector.broadcast %lt3A : i32 to vector<16xi32>
        %lt3A_132 = arith.cmpi slt, %broadcast_in_dim3A_130, %lt3A_131 : vector<16xi32>
        %add3A_133 = arith.constant 16 : i32
        %add3A_134 = vector.broadcast %add3A_133 : i32 to vector<16xi32>
        %add3A_135 = arith.addi %broadcast_in_dim3A_130, %add3A_134 : vector<16xi32>
        %select_n3A = arith.select %lt3A_132, %add3A_135, %broadcast_in_dim3A_130 : vector<16xi1>, vector<16xi32>
        %broadcast_in_dim3A_136 = vector.shape_cast %select_n3A : vector<16xi32> to vector<16x1xi32>
        %gather3A = vector.shape_cast %broadcast_in_dim3A_136 : vector<16x1xi32> to vector<16xi32>
        %gather3A_137 = tpu.dynamic_gather %get3A_128[%gather3A] in [0] : vector<16xf32>, vector<16xi32> -> vector<16xf32>
        %mul3A_138 = arith.constant 16 : i32
        %mul3A_139 = arith.muli %scan3A_123, %mul3A_138 : i32
        %add3A_140 = arith.constant 0 : i32
        %add3A_141 = arith.addi %mul3A_139, %add3A_140 : i32
        %get3A_142 = arith.index_cast %add3A_141 : i32 to index
        %get3A_143 = arith.constant 0 : index
        %get3A_144 = tpu.vector_load %arg13[%get3A_142, %get3A_143] {strides = array<i32>} : memref<80x128xf32, #tpu.memory_space<vmem>>, vector<1x16xf32>,
        %get3A_145 = vector.shape_cast %get3A_144 : vector<1x16xf32> to vector<16xf32>
        %mul3A_146 = arith.mulf %get3A_145, %gather3A_137 : vector<16xf32>
        %swap3A_147 = arith.index_cast %add3A_141 : i32 to index
        %swap3A_148 = arith.constant 0 : index
        %swap3A_149 = tpu.vector_load %arg13[%swap3A_147, %swap3A_148] {strides = array<i32>} : memref<80x128xf32, #tpu.memory_space<vmem>>, vector<1x16xf32>,
        %swap3A_150 = vector.shape_cast %swap3A_149 : vector<1x16xf32> to vector<16xf32>
        %swap3A_151 = vector.shape_cast %mul3A_146 : vector<16xf32> to vector<1x16xf32>
        tpu.vector_store %arg13[%swap3A_147, %swap3A_148], %swap3A_151 {strides = array<i32>} : memref<80x128xf32, #tpu.memory_space<vmem>>, vector<1x16xf32>,
        %get3A_152 = arith.index_cast %add3A_141 : i32 to index
        %get3A_153 = arith.constant 16 : index
        %get3A_154 = tpu.vector_load %arg13[%get3A_152, %get3A_153] {strides = array<i32>} : memref<80x128xf32, #tpu.memory_space<vmem>>, vector<1x16xf32>,
        %get3A_155 = vector.shape_cast %get3A_154 : vector<1x16xf32> to vector<16xf32>
        %mul3A_156 = arith.mulf %get3A_155, %gather3A_137 : vector<16xf32>
        %swap3A_157 = arith.index_cast %add3A_141 : i32 to index
        %swap3A_158 = arith.constant 16 : index
        %swap3A_159 = tpu.vector_load %arg13[%swap3A_157, %swap3A_158] {strides = array<i32>} : memref<80x128xf32, #tpu.memory_space<vmem>>, vector<1x16xf32>,
        %swap3A_160 = vector.shape_cast %swap3A_159 : vector<1x16xf32> to vector<16xf32>
        %swap3A_161 = vector.shape_cast %mul3A_156 : vector<16xf32> to vector<1x16xf32>
        tpu.vector_store %arg13[%swap3A_157, %swap3A_158], %swap3A_161 {strides = array<i32>} : memref<80x128xf32, #tpu.memory_space<vmem>>, vector<1x16xf32>,
        %get3A_162 = arith.index_cast %add3A_141 : i32 to index
        %get3A_163 = arith.constant 32 : index
        %get3A_164 = tpu.vector_load %arg13[%get3A_162, %get3A_163] {strides = array<i32>} : memref<80x128xf32, #tpu.memory_space<vmem>>, vector<1x16xf32>,
        %get3A_165 = vector.shape_cast %get3A_164 : vector<1x16xf32> to vector<16xf32>
        %mul3A_166 = arith.mulf %get3A_165, %gather3A_137 : vector<16xf32>
        %swap3A_167 = arith.index_cast %add3A_141 : i32 to index
        %swap3A_168 = arith.constant 32 : index
        %swap3A_169 = tpu.vector_load %arg13[%swap3A_167, %swap3A_168] {strides = array<i32>} : memref<80x128xf32, #tpu.memory_space<vmem>>, vector<1x16xf32>,
        %swap3A_170 = vector.shape_cast %swap3A_169 : vector<1x16xf32> to vector<16xf32>
        %swap3A_171 = vector.shape_cast %mul3A_166 : vector<16xf32> to vector<1x16xf32>
        tpu.vector_store %arg13[%swap3A_167, %swap3A_168], %swap3A_171 {strides = array<i32>} : memref<80x128xf32, #tpu.memory_space<vmem>>, vector<1x16xf32>,
        %get3A_172 = arith.index_cast %add3A_141 : i32 to index
        %get3A_173 = arith.constant 48 : index
        %get3A_174 = tpu.vector_load %arg13[%get3A_172, %get3A_173] {strides = array<i32>} : memref<80x128xf32, #tpu.memory_space<vmem>>, vector<1x16xf32>,
        %get3A_175 = vector.shape_cast %get3A_174 : vector<1x16xf32> to vector<16xf32>
        %mul3A_176 = arith.mulf %get3A_175, %gather3A_137 : vector<16xf32>
        %swap3A_177 = arith.index_cast %add3A_141 : i32 to index
        %swap3A_178 = arith.constant 48 : index
        %swap3A_179 = tpu.vector_load %arg13[%swap3A_177, %swap3A_178] {strides = array<i32>} : memref<80x128xf32, #tpu.memory_space<vmem>>, vector<1x16xf32>,
        %swap3A_180 = vector.shape_cast %swap3A_179 : vector<1x16xf32> to vector<16xf32>
        %swap3A_181 = vector.shape_cast %mul3A_176 : vector<16xf32> to vector<1x16xf32>
        tpu.vector_store %arg13[%swap3A_177, %swap3A_178], %swap3A_181 {strides = array<i32>} : memref<80x128xf32, #tpu.memory_space<vmem>>, vector<1x16xf32>,
        %get3A_182 = arith.index_cast %add3A_141 : i32 to index
        %get3A_183 = arith.constant 64 : index
        %get3A_184 = tpu.vector_load %arg13[%get3A_182, %get3A_183] {strides = array<i32>} : memref<80x128xf32, #tpu.memory_space<vmem>>, vector<1x16xf32>,
        %get3A_185 = vector.shape_cast %get3A_184 : vector<1x16xf32> to vector<16xf32>
        %mul3A_186 = arith.mulf %get3A_185, %gather3A_137 : vector<16xf32>
        %swap3A_187 = arith.index_cast %add3A_141 : i32 to index
        %swap3A_188 = arith.constant 64 : index
        %swap3A_189 = tpu.vector_load %arg13[%swap3A_187, %swap3A_188] {strides = array<i32>} : memref<80x128xf32, #tpu.memory_space<vmem>>, vector<1x16xf32>,
        %swap3A_190 = vector.shape_cast %swap3A_189 : vector<1x16xf32> to vector<16xf32>
        %swap3A_191 = vector.shape_cast %mul3A_186 : vector<16xf32> to vector<1x16xf32>
        tpu.vector_store %arg13[%swap3A_187, %swap3A_188], %swap3A_191 {strides = array<i32>} : memref<80x128xf32, #tpu.memory_space<vmem>>, vector<1x16xf32>,
        %get3A_192 = arith.index_cast %add3A_141 : i32 to index
        %get3A_193 = arith.constant 80 : index
        %get3A_194 = tpu.vector_load %arg13[%get3A_192, %get3A_193] {strides = array<i32>} : memref<80x128xf32, #tpu.memory_space<vmem>>, vector<1x16xf32>,
        %get3A_195 = vector.shape_cast %get3A_194 : vector<1x16xf32> to vector<16xf32>
        %mul3A_196 = arith.mulf %get3A_195, %gather3A_137 : vector<16xf32>
        %swap3A_197 = arith.index_cast %add3A_141 : i32 to index
        %swap3A_198 = arith.constant 80 : index
        %swap3A_199 = tpu.vector_load %arg13[%swap3A_197, %swap3A_198] {strides = array<i32>} : memref<80x128xf32, #tpu.memory_space<vmem>>, vector<1x16xf32>,
        %swap3A_200 = vector.shape_cast %swap3A_199 : vector<1x16xf32> to vector<16xf32>
        %swap3A_201 = vector.shape_cast %mul3A_196 : vector<16xf32> to vector<1x16xf32>
        tpu.vector_store %arg13[%swap3A_197, %swap3A_198], %swap3A_201 {strides = array<i32>} : memref<80x128xf32, #tpu.memory_space<vmem>>, vector<1x16xf32>,
        %get3A_202 = arith.index_cast %add3A_141 : i32 to index
        %get3A_203 = arith.constant 96 : index
        %get3A_204 = tpu.vector_load %arg13[%get3A_202, %get3A_203] {strides = array<i32>} : memref<80x128xf32, #tpu.memory_space<vmem>>, vector<1x16xf32>,
        %get3A_205 = vector.shape_cast %get3A_204 : vector<1x16xf32> to vector<16xf32>
        %mul3A_206 = arith.mulf %get3A_205, %gather3A_137 : vector<16xf32>
        %swap3A_207 = arith.index_cast %add3A_141 : i32 to index
        %swap3A_208 = arith.constant 96 : index
        %swap3A_209 = tpu.vector_load %arg13[%swap3A_207, %swap3A_208] {strides = array<i32>} : memref<80x128xf32, #tpu.memory_space<vmem>>, vector<1x16xf32>,
        %swap3A_210 = vector.shape_cast %swap3A_209 : vector<1x16xf32> to vector<16xf32>
        %swap3A_211 = vector.shape_cast %mul3A_206 : vector<16xf32> to vector<1x16xf32>
        tpu.vector_store %arg13[%swap3A_207, %swap3A_208], %swap3A_211 {strides = array<i32>} : memref<80x128xf32, #tpu.memory_space<vmem>>, vector<1x16xf32>,
        %get3A_212 = arith.index_cast %add3A_141 : i32 to index
        %get3A_213 = arith.constant 112 : index
        %get3A_214 = tpu.vector_load %arg13[%get3A_212, %get3A_213] {strides = array<i32>} : memref<80x128xf32, #tpu.memory_space<vmem>>, vector<1x16xf32>,
        %get3A_215 = vector.shape_cast %get3A_214 : vector<1x16xf32> to vector<16xf32>
        %mul3A_216 = arith.mulf %get3A_215, %gather3A_137 : vector<16xf32>
        %swap3A_217 = arith.index_cast %add3A_141 : i32 to index
        %swap3A_218 = arith.constant 112 : index
        %swap3A_219 = tpu.vector_load %arg13[%swap3A_217, %swap3A_218] {strides = array<i32>} : memref<80x128xf32, #tpu.memory_space<vmem>>, vector<1x16xf32>,
        %swap3A_220 = vector.shape_cast %swap3A_219 : vector<1x16xf32> to vector<16xf32>
        %swap3A_221 = vector.shape_cast %mul3A_216 : vector<16xf32> to vector<1x16xf32>
        tpu.vector_store %arg13[%swap3A_217, %swap3A_218], %swap3A_221 {strides = array<i32>} : memref<80x128xf32, #tpu.memory_space<vmem>>, vector<1x16xf32>,
        %broadcast_in_dim3A_222 = arith.constant 1 : i32
        %broadcast_in_dim3A_223 = vector.broadcast %broadcast_in_dim3A_222 : i32 to vector<16xi32>
        %lt3A_224 = arith.constant 0 : i32
        %lt3A_225 = vector.broadcast %lt3A_224 : i32 to vector<16xi32>
        %lt3A_226 = arith.cmpi slt, %broadcast_in_dim3A_223, %lt3A_225 : vector<16xi32>
        %add3A_227 = arith.constant 16 : i32
        %add3A_228 = vector.broadcast %add3A_227 : i32 to vector<16xi32>
        %add3A_229 = arith.addi %broadcast_in_dim3A_223, %add3A_228 : vector<16xi32>
        %select_n3A_230 = arith.select %lt3A_226, %add3A_229, %broadcast_in_dim3A_223 : vector<16xi1>, vector<16xi32>
        %broadcast_in_dim3A_231 = vector.shape_cast %select_n3A_230 : vector<16xi32> to vector<16x1xi32>
        %gather3A_232 = vector.shape_cast %broadcast_in_dim3A_231 : vector<16x1xi32> to vector<16xi32>
        %gather3A_233 = tpu.dynamic_gather %get3A_128[%gather3A_232] in [0] : vector<16xf32>, vector<16xi32> -> vector<16xf32>
        %mul3A_234 = arith.constant 16 : i32
        %mul3A_235 = arith.muli %scan3A_123, %mul3A_234 : i32
        %add3A_236 = arith.constant 1 : i32
        %add3A_237 = arith.addi %mul3A_235, %add3A_236 : i32
        %get3A_238 = arith.index_cast %add3A_237 : i32 to index
        %get3A_239 = arith.constant 0 : index
        %get3A_240 = tpu.vector_load %arg13[%get3A_238, %get3A_239] {strides = array<i32>} : memref<80x128xf32, #tpu.memory_space<vmem>>, vector<1x16xf32>,
        %get3A_241 = vector.shape_cast %get3A_240 : vector<1x16xf32> to vector<16xf32>
        %mul3A_242 = arith.mulf %get3A_241, %gather3A_233 : vector<16xf32>
        %swap3A_243 = arith.index_cast %add3A_237 : i32 to index
        %swap3A_244 = arith.constant 0 : index
        %swap3A_245 = tpu.vector_load %arg13[%swap3A_243, %swap3A_244] {strides = array<i32>} : memref<80x128xf32, #tpu.memory_space<vmem>>, vector<1x16xf32>,
        %swap3A_246 = vector.shape_cast %swap3A_245 : vector<1x16xf32> to vector<16xf32>
        %swap3A_247 = vector.shape_cast %mul3A_242 : vector<16xf32> to vector<1x16xf32>
        tpu.vector_store %arg13[%swap3A_243, %swap3A_244], %swap3A_247 {strides = array<i32>} : memref<80x128xf32, #tpu.memory_space<vmem>>, vector<1x16xf32>,
        %get3A_248 = arith.index_cast %add3A_237 : i32 to index
        %get3A_249 = arith.constant 16 : index
        %get3A_250 = tpu.vector_load %arg13[%get3A_248, %get3A_249] {strides = array<i32>} : memref<80x128xf32, #tpu.memory_space<vmem>>, vector<1x16xf32>,
        %get3A_251 = vector.shape_cast %get3A_250 : vector<1x16xf32> to vector<16xf32>
        %mul3A_252 = arith.mulf %get3A_251, %gather3A_233 : vector<16xf32>
        %swap3A_253 = arith.index_cast %add3A_237 : i32 to index
        %swap3A_254 = arith.constant 16 : index
        %swap3A_255 = tpu.vector_load %arg13[%swap3A_253, %swap3A_254] {strides = array<i32>} : memref<80x128xf32, #tpu.memory_space<vmem>>, vector<1x16xf32>,
        %swap3A_256 = vector.shape_cast %swap3A_255 : vector<1x16xf32> to vector<16xf32>
        %swap3A_257 = vector.shape_cast %mul3A_252 : vector<16xf32> to vector<1x16xf32>
        tpu.vector_store %arg13[%swap3A_253, %swap3A_254], %swap3A_257 {strides = array<i32>} : memref<80x128xf32, #tpu.memory_space<vmem>>, vector<1x16xf32>,
        %get3A_258 = arith.index_cast %add3A_237 : i32 to index
        %get3A_259 = arith.constant 32 : index
        %get3A_260 = tpu.vector_load %arg13[%get3A_258, %get3A_259] {strides = array<i32>} : memref<80x128xf32, #tpu.memory_space<vmem>>, vector<1x16xf32>,
        %get3A_261 = vector.shape_cast %get3A_260 : vector<1x16xf32> to vector<16xf32>
        %mul3A_262 = arith.mulf %get3A_261, %gather3A_233 : vector<16xf32>
        %swap3A_263 = arith.index_cast %add3A_237 : i32 to index
        %swap3A_264 = arith.constant 32 : index
        %swap3A_265 = tpu.vector_load %arg13[%swap3A_263, %swap3A_264] {strides = array<i32>} : memref<80x128xf32, #tpu.memory_space<vmem>>, vector<1x16xf32>,
        %swap3A_266 = vector.shape_cast %swap3A_265 : vector<1x16xf32> to vector<16xf32>
        %swap3A_267 = vector.shape_cast %mul3A_262 : vector<16xf32> to vector<1x16xf32>
        tpu.vector_store %arg13[%swap3A_263, %swap3A_264], %swap3A_267 {strides = array<i32>} : memref<80x128xf32, #tpu.memory_space<vmem>>, vector<1x16xf32>,
        %get3A_268 = arith.index_cast %add3A_237 : i32 to index
        %get3A_269 = arith.constant 48 : index
        %get3A_270 = tpu.vector_load %arg13[%get3A_268, %get3A_269] {strides = array<i32>} : memref<80x128xf32, #tpu.memory_space<vmem>>, vector<1x16xf32>,
        %get3A_271 = vector.shape_cast %get3A_270 : vector<1x16xf32> to vector<16xf32>
        %mul3A_272 = arith.mulf %get3A_271, %gather3A_233 : vector<16xf32>
        %swap3A_273 = arith.index_cast %add3A_237 : i32 to index
        %swap3A_274 = arith.constant 48 : index
        %swap3A_275 = tpu.vector_load %arg13[%swap3A_273, %swap3A_274] {strides = array<i32>} : memref<80x128xf32, #tpu.memory_space<vmem>>, vector<1x16xf32>,
        %swap3A_276 = vector.shape_cast %swap3A_275 : vector<1x16xf32> to vector<16xf32>
        %swap3A_277 = vector.shape_cast %mul3A_272 : vector<16xf32> to vector<1x16xf32>
        tpu.vector_store %arg13[%swap3A_273, %swap3A_274], %swap3A_277 {strides = array<i32>} : memref<80x128xf32, #tpu.memory_space<vmem>>, vector<1x16xf32>,
        %get3A_278 = arith.index_cast %add3A_237 : i32 to index
        %get3A_279 = arith.constant 64 : index
        %get3A_280 = tpu.vector_load %arg13[%get3A_278, %get3A_279] {strides = array<i32>} : memref<80x128xf32, #tpu.memory_space<vmem>>, vector<1x16xf32>,
        %get3A_281 = vector.shape_cast %get3A_280 : vector<1x16xf32> to vector<16xf32>
        %mul3A_282 = arith.mulf %get3A_281, %gather3A_233 : vector<16xf32>
        %swap3A_283 = arith.index_cast %add3A_237 : i32 to index
        %swap3A_284 = arith.constant 64 : index
        %swap3A_285 = tpu.vector_load %arg13[%swap3A_283, %swap3A_284] {strides = array<i32>} : memref<80x128xf32, #tpu.memory_space<vmem>>, vector<1x16xf32>,
        %swap3A_286 = vector.shape_cast %swap3A_285 : vector<1x16xf32> to vector<16xf32>
        %swap3A_287 = vector.shape_cast %mul3A_282 : vector<16xf32> to vector<1x16xf32>
        tpu.vector_store %arg13[%swap3A_283, %swap3A_284], %swap3A_287 {strides = array<i32>} : memref<80x128xf32, #tpu.memory_space<vmem>>, vector<1x16xf32>,
        %get3A_288 = arith.index_cast %add3A_237 : i32 to index
        %get3A_289 = arith.constant 80 : index
        %get3A_290 = tpu.vector_load %arg13[%get3A_288, %get3A_289] {strides = array<i32>} : memref<80x128xf32, #tpu.memory_space<vmem>>, vector<1x16xf32>,
        %get3A_291 = vector.shape_cast %get3A_290 : vector<1x16xf32> to vector<16xf32>
        %mul3A_292 = arith.mulf %get3A_291, %gather3A_233 : vector<16xf32>
        %swap3A_293 = arith.index_cast %add3A_237 : i32 to index
        %swap3A_294 = arith.constant 80 : index
        %swap3A_295 = tpu.vector_load %arg13[%swap3A_293, %swap3A_294] {strides = array<i32>} : memref<80x128xf32, #tpu.memory_space<vmem>>, vector<1x16xf32>,
        %swap3A_296 = vector.shape_cast %swap3A_295 : vector<1x16xf32> to vector<16xf32>
        %swap3A_297 = vector.shape_cast %mul3A_292 : vector<16xf32> to vector<1x16xf32>
        tpu.vector_store %arg13[%swap3A_293, %swap3A_294], %swap3A_297 {strides = array<i32>} : memref<80x128xf32, #tpu.memory_space<vmem>>, vector<1x16xf32>,
        %get3A_298 = arith.index_cast %add3A_237 : i32 to index
        %get3A_299 = arith.constant 96 : index
        %get3A_300 = tpu.vector_load %arg13[%get3A_298, %get3A_299] {strides = array<i32>} : memref<80x128xf32, #tpu.memory_space<vmem>>, vector<1x16xf32>,
        %get3A_301 = vector.shape_cast %get3A_300 : vector<1x16xf32> to vector<16xf32>
        %mul3A_302 = arith.mulf %get3A_301, %gather3A_233 : vector<16xf32>
        %swap3A_303 = arith.index_cast %add3A_237 : i32 to index
        %swap3A_304 = arith.constant 96 : index
        %swap3A_305 = tpu.vector_load %arg13[%swap3A_303, %swap3A_304] {strides = array<i32>} : memref<80x128xf32, #tpu.memory_space<vmem>>, vector<1x16xf32>,
        %swap3A_306 = vector.shape_cast %swap3A_305 : vector<1x16xf32> to vector<16xf32>
        %swap3A_307 = vector.shape_cast %mul3A_302 : vector<16xf32> to vector<1x16xf32>
        tpu.vector_store %arg13[%swap3A_303, %swap3A_304], %swap3A_307 {strides = array<i32>} : memref<80x128xf32, #tpu.memory_space<vmem>>, vector<1x16xf32>,
        %get3A_308 = arith.index_cast %add3A_237 : i32 to index
        %get3A_309 = arith.constant 112 : index
        %get3A_310 = tpu.vector_load %arg13[%get3A_308, %get3A_309] {strides = array<i32>} : memref<80x128xf32, #tpu.memory_space<vmem>>, vector<1x16xf32>,
        %get3A_311 = vector.shape_cast %get3A_310 : vector<1x16xf32> to vector<16xf32>
        %mul3A_312 = arith.mulf %get3A_311, %gather3A_233 : vector<16xf32>
        %swap3A_313 = arith.index_cast %add3A_237 : i32 to index
        %swap3A_314 = arith.constant 112 : index
        %swap3A_315 = tpu.vector_load %arg13[%swap3A_313, %swap3A_314] {strides = array<i32>} : memref<80x128xf32, #tpu.memory_space<vmem>>, vector<1x16xf32>,
        %swap3A_316 = vector.shape_cast %swap3A_315 : vector<1x16xf32> to vector<16xf32>
        %swap3A_317 = vector.shape_cast %mul3A_312 : vector<16xf32> to vector<1x16xf32>
        tpu.vector_store %arg13[%swap3A_313, %swap3A_314], %swap3A_317 {strides = array<i32>} : memref<80x128xf32, #tpu.memory_space<vmem>>, vector<1x16xf32>,
        %broadcast_in_dim3A_318 = arith.constant 2 : i32
        %broadcast_in_dim3A_319 = vector.broadcast %broadcast_in_dim3A_318 : i32 to vector<16xi32>
        %lt3A_320 = arith.constant 0 : i32
        %lt3A_321 = vector.broadcast %lt3A_320 : i32 to vector<16xi32>
        %lt3A_322 = arith.cmpi slt, %broadcast_in_dim3A_319, %lt3A_321 : vector<16xi32>
        %add3A_323 = arith.constant 16 : i32
        %add3A_324 = vector.broadcast %add3A_323 : i32 to vector<16xi32>
        %add3A_325 = arith.addi %broadcast_in_dim3A_319, %add3A_324 : vector<16xi32>
        %select_n3A_326 = arith.select %lt3A_322, %add3A_325, %broadcast_in_dim3A_319 : vector<16xi1>, vector<16xi32>
        %broadcast_in_dim3A_327 = vector.shape_cast %select_n3A_326 : vector<16xi32> to vector<16x1xi32>
        %gather3A_328 = vector.shape_cast %broadcast_in_dim3A_327 : vector<16x1xi32> to vector<16xi32>
        %gather3A_329 = tpu.dynamic_gather %get3A_128[%gather3A_328] in [0] : vector<16xf32>, vector<16xi32> -> vector<16xf32>
        %mul3A_330 = arith.constant 16 : i32
        %mul3A_331 = arith.muli %scan3A_123, %mul3A_330 : i32
        %add3A_332 = arith.constant 2 : i32
        %add3A_333 = arith.addi %mul3A_331, %add3A_332 : i32
        %get3A_334 = arith.index_cast %add3A_333 : i32 to index
        %get3A_335 = arith.constant 0 : index
        %get3A_336 = tpu.vector_load %arg13[%get3A_334, %get3A_335] {strides = array<i32>} : memref<80x128xf32, #tpu.memory_space<vmem>>, vector<1x16xf32>,
        %get3A_337 = vector.shape_cast %get3A_336 : vector<1x16xf32> to vector<16xf32>
        %mul3A_338 = arith.mulf %get3A_337, %gather3A_329 : vector<16xf32>
        %swap3A_339 = arith.index_cast %add3A_333 : i32 to index
        %swap3A_340 = arith.constant 0 : index
        %swap3A_341 = tpu.vector_load %arg13[%swap3A_339, %swap3A_340] {strides = array<i32>} : memref<80x128xf32, #tpu.memory_space<vmem>>, vector<1x16xf32>,
        %swap3A_342 = vector.shape_cast %swap3A_341 : vector<1x16xf32> to vector<16xf32>
        %swap3A_343 = vector.shape_cast %mul3A_338 : vector<16xf32> to vector<1x16xf32>
        tpu.vector_store %arg13[%swap3A_339, %swap3A_340], %swap3A_343 {strides = array<i32>} : memref<80x128xf32, #tpu.memory_space<vmem>>, vector<1x16xf32>,
        %get3A_344 = arith.index_cast %add3A_333 : i32 to index
        %get3A_345 = arith.constant 16 : index
        %get3A_346 = tpu.vector_load %arg13[%get3A_344, %get3A_345] {strides = array<i32>} : memref<80x128xf32, #tpu.memory_space<vmem>>, vector<1x16xf32>,
        %get3A_347 = vector.shape_cast %get3A_346 : vector<1x16xf32> to vector<16xf32>
        %mul3A_348 = arith.mulf %get3A_347, %gather3A_329 : vector<16xf32>
        %swap3A_349 = arith.index_cast %add3A_333 : i32 to index
        %swap3A_350 = arith.constant 16 : index
        %swap3A_351 = tpu.vector_load %arg13[%swap3A_349, %swap3A_350] {strides = array<i32>} : memref<80x128xf32, #tpu.memory_space<vmem>>, vector<1x16xf32>,
        %swap3A_352 = vector.shape_cast %swap3A_351 : vector<1x16xf32> to vector<16xf32>
        %swap3A_353 = vector.shape_cast %mul3A_348 : vector<16xf32> to vector<1x16xf32>
        tpu.vector_store %arg13[%swap3A_349, %swap3A_350], %swap3A_353 {strides = array<i32>} : memref<80x128xf32, #tpu.memory_space<vmem>>, vector<1x16xf32>,
        %get3A_354 = arith.index_cast %add3A_333 : i32 to index
        %get3A_355 = arith.constant 32 : index
        %get3A_356 = tpu.vector_load %arg13[%get3A_354, %get3A_355] {strides = array<i32>} : memref<80x128xf32, #tpu.memory_space<vmem>>, vector<1x16xf32>,
        %get3A_357 = vector.shape_cast %get3A_356 : vector<1x16xf32> to vector<16xf32>
        %mul3A_358 = arith.mulf %get3A_357, %gather3A_329 : vector<16xf32>
        %swap3A_359 = arith.index_cast %add3A_333 : i32 to index
        %swap3A_360 = arith.constant 32 : index
        %swap3A_361 = tpu.vector_load %arg13[%swap3A_359, %swap3A_360] {strides = array<i32>} : memref<80x128xf32, #tpu.memory_space<vmem>>, vector<1x16xf32>,
        %swap3A_362 = vector.shape_cast %swap3A_361 : vector<1x16xf32> to vector<16xf32>
        %swap3A_363 = vector.shape_cast %mul3A_358 : vector<16xf32> to vector<1x16xf32>
        tpu.vector_store %arg13[%swap3A_359, %swap3A_360], %swap3A_363 {strides = array<i32>} : memref<80x128xf32, #tpu.memory_space<vmem>>, vector<1x16xf32>,
        %get3A_364 = arith.index_cast %add3A_333 : i32 to index
        %get3A_365 = arith.constant 48 : index
        %get3A_366 = tpu.vector_load %arg13[%get3A_364, %get3A_365] {strides = array<i32>} : memref<80x128xf32, #tpu.memory_space<vmem>>, vector<1x16xf32>,
        %get3A_367 = vector.shape_cast %get3A_366 : vector<1x16xf32> to vector<16xf32>
        %mul3A_368 = arith.mulf %get3A_367, %gather3A_329 : vector<16xf32>
        %swap3A_369 = arith.index_cast %add3A_333 : i32 to index
        %swap3A_370 = arith.constant 48 : index
        %swap3A_371 = tpu.vector_load %arg13[%swap3A_369, %swap3A_370] {strides = array<i32>} : memref<80x128xf32, #tpu.memory_space<vmem>>, vector<1x16xf32>,
        %swap3A_372 = vector.shape_cast %swap3A_371 : vector<1x16xf32> to vector<16xf32>
        %swap3A_373 = vector.shape_cast %mul3A_368 : vector<16xf32> to vector<1x16xf32>
        tpu.vector_store %arg13[%swap3A_369, %swap3A_370], %swap3A_373 {strides = array<i32>} : memref<80x128xf32, #tpu.memory_space<vmem>>, vector<1x16xf32>,
        %get3A_374 = arith.index_cast %add3A_333 : i32 to index
        %get3A_375 = arith.constant 64 : index
        %get3A_376 = tpu.vector_load %arg13[%get3A_374, %get3A_375] {strides = array<i32>} : memref<80x128xf32, #tpu.memory_space<vmem>>, vector<1x16xf32>,
        %get3A_377 = vector.shape_cast %get3A_376 : vector<1x16xf32> to vector<16xf32>
        %mul3A_378 = arith.mulf %get3A_377, %gather3A_329 : vector<16xf32>
        %swap3A_379 = arith.index_cast %add3A_333 : i32 to index
        %swap3A_380 = arith.constant 64 : index
        %swap3A_381 = tpu.vector_load %arg13[%swap3A_379, %swap3A_380] {strides = array<i32>} : memref<80x128xf32, #tpu.memory_space<vmem>>, vector<1x16xf32>,
        %swap3A_382 = vector.shape_cast %swap3A_381 : vector<1x16xf32> to vector<16xf32>
        %swap3A_383 = vector.shape_cast %mul3A_378 : vector<16xf32> to vector<1x16xf32>
        tpu.vector_store %arg13[%swap3A_379, %swap3A_380], %swap3A_383 {strides = array<i32>} : memref<80x128xf32, #tpu.memory_space<vmem>>, vector<1x16xf32>,
        %get3A_384 = arith.index_cast %add3A_333 : i32 to index
        %get3A_385 = arith.constant 80 : index
        %get3A_386 = tpu.vector_load %arg13[%get3A_384, %get3A_385] {strides = array<i32>} : memref<80x128xf32, #tpu.memory_space<vmem>>, vector<1x16xf32>,
        %get3A_387 = vector.shape_cast %get3A_386 : vector<1x16xf32> to vector<16xf32>
        %mul3A_388 = arith.mulf %get3A_387, %gather3A_329 : vector<16xf32>
        %swap3A_389 = arith.index_cast %add3A_333 : i32 to index
        %swap3A_390 = arith.constant 80 : index
        %swap3A_391 = tpu.vector_load %arg13[%swap3A_389, %swap3A_390] {strides = array<i32>} : memref<80x128xf32, #tpu.memory_space<vmem>>, vector<1x16xf32>,
        %swap3A_392 = vector.shape_cast %swap3A_391 : vector<1x16xf32> to vector<16xf32>
        %swap3A_393 = vector.shape_cast %mul3A_388 : vector<16xf32> to vector<1x16xf32>
        tpu.vector_store %arg13[%swap3A_389, %swap3A_390], %swap3A_393 {strides = array<i32>} : memref<80x128xf32, #tpu.memory_space<vmem>>, vector<1x16xf32>,
        %get3A_394 = arith.index_cast %add3A_333 : i32 to index
        %get3A_395 = arith.constant 96 : index
        %get3A_396 = tpu.vector_load %arg13[%get3A_394, %get3A_395] {strides = array<i32>} : memref<80x128xf32, #tpu.memory_space<vmem>>, vector<1x16xf32>,
        %get3A_397 = vector.shape_cast %get3A_396 : vector<1x16xf32> to vector<16xf32>
        %mul3A_398 = arith.mulf %get3A_397, %gather3A_329 : vector<16xf32>
        %swap3A_399 = arith.index_cast %add3A_333 : i32 to index
        %swap3A_400 = arith.constant 96 : index
        %swap3A_401 = tpu.vector_load %arg13[%swap3A_399, %swap3A_400] {strides = array<i32>} : memref<80x128xf32, #tpu.memory_space<vmem>>, vector<1x16xf32>,
        %swap3A_402 = vector.shape_cast %swap3A_401 : vector<1x16xf32> to vector<16xf32>
        %swap3A_403 = vector.shape_cast %mul3A_398 : vector<16xf32> to vector<1x16xf32>
        tpu.vector_store %arg13[%swap3A_399, %swap3A_400], %swap3A_403 {strides = array<i32>} : memref<80x128xf32, #tpu.memory_space<vmem>>, vector<1x16xf32>,
        %get3A_404 = arith.index_cast %add3A_333 : i32 to index
        %get3A_405 = arith.constant 112 : index
        %get3A_406 = tpu.vector_load %arg13[%get3A_404, %get3A_405] {strides = array<i32>} : memref<80x128xf32, #tpu.memory_space<vmem>>, vector<1x16xf32>,
        %get3A_407 = vector.shape_cast %get3A_406 : vector<1x16xf32> to vector<16xf32>
        %mul3A_408 = arith.mulf %get3A_407, %gather3A_329 : vector<16xf32>
        %swap3A_409 = arith.index_cast %add3A_333 : i32 to index
        %swap3A_410 = arith.constant 112 : index
        %swap3A_411 = tpu.vector_load %arg13[%swap3A_409, %swap3A_410] {strides = array<i32>} : memref<80x128xf32, #tpu.memory_space<vmem>>, vector<1x16xf32>,
        %swap3A_412 = vector.shape_cast %swap3A_411 : vector<1x16xf32> to vector<16xf32>
        %swap3A_413 = vector.shape_cast %mul3A_408 : vector<16xf32> to vector<1x16xf32>
        tpu.vector_store %arg13[%swap3A_409, %swap3A_410], %swap3A_413 {strides = array<i32>} : memref<80x128xf32, #tpu.memory_space<vmem>>, vector<1x16xf32>,
        %broadcast_in_dim3A_414 = arith.constant 3 : i32
        %broadcast_in_dim3A_415 = vector.broadcast %broadcast_in_dim3A_414 : i32 to vector<16xi32>
        %lt3A_416 = arith.constant 0 : i32
        %lt3A_417 = vector.broadcast %lt3A_416 : i32 to vector<16xi32>
        %lt3A_418 = arith.cmpi slt, %broadcast_in_dim3A_415, %lt3A_417 : vector<16xi32>
        %add3A_419 = arith.constant 16 : i32
        %add3A_420 = vector.broadcast %add3A_419 : i32 to vector<16xi32>
        %add3A_421 = arith.addi %broadcast_in_dim3A_415, %add3A_420 : vector<16xi32>
        %select_n3A_422 = arith.select %lt3A_418, %add3A_421, %broadcast_in_dim3A_415 : vector<16xi1>, vector<16xi32>
        %broadcast_in_dim3A_423 = vector.shape_cast %select_n3A_422 : vector<16xi32> to vector<16x1xi32>
        %gather3A_424 = vector.shape_cast %broadcast_in_dim3A_423 : vector<16x1xi32> to vector<16xi32>
        %gather3A_425 = tpu.dynamic_gather %get3A_128[%gather3A_424] in [0] : vector<16xf32>, vector<16xi32> -> vector<16xf32>
        %mul3A_426 = arith.constant 16 : i32
        %mul3A_427 = arith.muli %scan3A_123, %mul3A_426 : i32
        %add3A_428 = arith.constant 3 : i32
        %add3A_429 = arith.addi %mul3A_427, %add3A_428 : i32
        %get3A_430 = arith.index_cast %add3A_429 : i32 to index
        %get3A_431 = arith.constant 0 : index
        %get3A_432 = tpu.vector_load %arg13[%get3A_430, %get3A_431] {strides = array<i32>} : memref<80x128xf32, #tpu.memory_space<vmem>>, vector<1x16xf32>,
        %get3A_433 = vector.shape_cast %get3A_432 : vector<1x16xf32> to vector<16xf32>
        %mul3A_434 = arith.mulf %get3A_433, %gather3A_425 : vector<16xf32>
        %swap3A_435 = arith.index_cast %add3A_429 : i32 to index
        %swap3A_436 = arith.constant 0 : index
        %swap3A_437 = tpu.vector_load %arg13[%swap3A_435, %swap3A_436] {strides = array<i32>} : memref<80x128xf32, #tpu.memory_space<vmem>>, vector<1x16xf32>,
        %swap3A_438 = vector.shape_cast %swap3A_437 : vector<1x16xf32> to vector<16xf32>
        %swap3A_439 = vector.shape_cast %mul3A_434 : vector<16xf32> to vector<1x16xf32>
        tpu.vector_store %arg13[%swap3A_435, %swap3A_436], %swap3A_439 {strides = array<i32>} : memref<80x128xf32, #tpu.memory_space<vmem>>, vector<1x16xf32>,
        %get3A_440 = arith.index_cast %add3A_429 : i32 to index
        %get3A_441 = arith.constant 16 : index
        %get3A_442 = tpu.vector_load %arg13[%get3A_440, %get3A_441] {strides = array<i32>} : memref<80x128xf32, #tpu.memory_space<vmem>>, vector<1x16xf32>,
        %get3A_443 = vector.shape_cast %get3A_442 : vector<1x16xf32> to vector<16xf32>
        %mul3A_444 = arith.mulf %get3A_443, %gather3A_425 : vector<16xf32>
        %swap3A_445 = arith.index_cast %add3A_429 : i32 to index
        %swap3A_446 = arith.constant 16 : index
        %swap3A_447 = tpu.vector_load %arg13[%swap3A_445, %swap3A_446] {strides = array<i32>} : memref<80x128xf32, #tpu.memory_space<vmem>>, vector<1x16xf32>,
        %swap3A_448 = vector.shape_cast %swap3A_447 : vector<1x16xf32> to vector<16xf32>
        %swap3A_449 = vector.shape_cast %mul3A_444 : vector<16xf32> to vector<1x16xf32>
        tpu.vector_store %arg13[%swap3A_445, %swap3A_446], %swap3A_449 {strides = array<i32>} : memref<80x128xf32, #tpu.memory_space<vmem>>, vector<1x16xf32>,
        %get3A_450 = arith.index_cast %add3A_429 : i32 to index
        %get3A_451 = arith.constant 32 : index
        %get3A_452 = tpu.vector_load %arg13[%get3A_450, %get3A_451] {strides = array<i32>} : memref<80x128xf32, #tpu.memory_space<vmem>>, vector<1x16xf32>,
        %get3A_453 = vector.shape_cast %get3A_452 : vector<1x16xf32> to vector<16xf32>
        %mul3A_454 = arith.mulf %get3A_453, %gather3A_425 : vector<16xf32>
        %swap3A_455 = arith.index_cast %add3A_429 : i32 to index
        %swap3A_456 = arith.constant 32 : index
        %swap3A_457 = tpu.vector_load %arg13[%swap3A_455, %swap3A_456] {strides = array<i32>} : memref<80x128xf32, #tpu.memory_space<vmem>>, vector<1x16xf32>,
        %swap3A_458 = vector.shape_cast %swap3A_457 : vector<1x16xf32> to vector<16xf32>
        %swap3A_459 = vector.shape_cast %mul3A_454 : vector<16xf32> to vector<1x16xf32>
        tpu.vector_store %arg13[%swap3A_455, %swap3A_456], %swap3A_459 {strides = array<i32>} : memref<80x128xf32, #tpu.memory_space<vmem>>, vector<1x16xf32>,
        %get3A_460 = arith.index_cast %add3A_429 : i32 to index
        %get3A_461 = arith.constant 48 : index
        %get3A_462 = tpu.vector_load %arg13[%get3A_460, %get3A_461] {strides = array<i32>} : memref<80x128xf32, #tpu.memory_space<vmem>>, vector<1x16xf32>,
        %get3A_463 = vector.shape_cast %get3A_462 : vector<1x16xf32> to vector<16xf32>
        %mul3A_464 = arith.mulf %get3A_463, %gather3A_425 : vector<16xf32>
        %swap3A_465 = arith.index_cast %add3A_429 : i32 to index
        %swap3A_466 = arith.constant 48 : index
        %swap3A_467 = tpu.vector_load %arg13[%swap3A_465, %swap3A_466] {strides = array<i32>} : memref<80x128xf32, #tpu.memory_space<vmem>>, vector<1x16xf32>,
        %swap3A_468 = vector.shape_cast %swap3A_467 : vector<1x16xf32> to vector<16xf32>
        %swap3A_469 = vector.shape_cast %mul3A_464 : vector<16xf32> to vector<1x16xf32>
        tpu.vector_store %arg13[%swap3A_465, %swap3A_466], %swap3A_469 {strides = array<i32>} : memref<80x128xf32, #tpu.memory_space<vmem>>, vector<1x16xf32>,
        %get3A_470 = arith.index_cast %add3A_429 : i32 to index
        %get3A_471 = arith.constant 64 : index
        %get3A_472 = tpu.vector_load %arg13[%get3A_470, %get3A_471] {strides = array<i32>} : memref<80x128xf32, #tpu.memory_space<vmem>>, vector<1x16xf32>,
        %get3A_473 = vector.shape_cast %get3A_472 : vector<1x16xf32> to vector<16xf32>
        %mul3A_474 = arith.mulf %get3A_473, %gather3A_425 : vector<16xf32>
        %swap3A_475 = arith.index_cast %add3A_429 : i32 to index
        %swap3A_476 = arith.constant 64 : index
        %swap3A_477 = tpu.vector_load %arg13[%swap3A_475, %swap3A_476] {strides = array<i32>} : memref<80x128xf32, #tpu.memory_space<vmem>>, vector<1x16xf32>,
        %swap3A_478 = vector.shape_cast %swap3A_477 : vector<1x16xf32> to vector<16xf32>
        %swap3A_479 = vector.shape_cast %mul3A_474 : vector<16xf32> to vector<1x16xf32>
        tpu.vector_store %arg13[%swap3A_475, %swap3A_476], %swap3A_479 {strides = array<i32>} : memref<80x128xf32, #tpu.memory_space<vmem>>, vector<1x16xf32>,
        %get3A_480 = arith.index_cast %add3A_429 : i32 to index
        %get3A_481 = arith.constant 80 : index
        %get3A_482 = tpu.vector_load %arg13[%get3A_480, %get3A_481] {strides = array<i32>} : memref<80x128xf32, #tpu.memory_space<vmem>>, vector<1x16xf32>,
        %get3A_483 = vector.shape_cast %get3A_482 : vector<1x16xf32> to vector<16xf32>
        %mul3A_484 = arith.mulf %get3A_483, %gather3A_425 : vector<16xf32>
        %swap3A_485 = arith.index_cast %add3A_429 : i32 to index
        %swap3A_486 = arith.constant 80 : index
        %swap3A_487 = tpu.vector_load %arg13[%swap3A_485, %swap3A_486] {strides = array<i32>} : memref<80x128xf32, #tpu.memory_space<vmem>>, vector<1x16xf32>,
        %swap3A_488 = vector.shape_cast %swap3A_487 : vector<1x16xf32> to vector<16xf32>
        %swap3A_489 = vector.shape_cast %mul3A_484 : vector<16xf32> to vector<1x16xf32>
        tpu.vector_store %arg13[%swap3A_485, %swap3A_486], %swap3A_489 {strides = array<i32>} : memref<80x128xf32, #tpu.memory_space<vmem>>, vector<1x16xf32>,
        %get3A_490 = arith.index_cast %add3A_429 : i32 to index
        %get3A_491 = arith.constant 96 : index
        %get3A_492 = tpu.vector_load %arg13[%get3A_490, %get3A_491] {strides = array<i32>} : memref<80x128xf32, #tpu.memory_space<vmem>>, vector<1x16xf32>,
        %get3A_493 = vector.shape_cast %get3A_492 : vector<1x16xf32> to vector<16xf32>
        %mul3A_494 = arith.mulf %get3A_493, %gather3A_425 : vector<16xf32>
        %swap3A_495 = arith.index_cast %add3A_429 : i32 to index
        %swap3A_496 = arith.constant 96 : index
        %swap3A_497 = tpu.vector_load %arg13[%swap3A_495, %swap3A_496] {strides = array<i32>} : memref<80x128xf32, #tpu.memory_space<vmem>>, vector<1x16xf32>,
        %swap3A_498 = vector.shape_cast %swap3A_497 : vector<1x16xf32> to vector<16xf32>
        %swap3A_499 = vector.shape_cast %mul3A_494 : vector<16xf32> to vector<1x16xf32>
        tpu.vector_store %arg13[%swap3A_495, %swap3A_496], %swap3A_499 {strides = array<i32>} : memref<80x128xf32, #tpu.memory_space<vmem>>, vector<1x16xf32>,
        %get3A_500 = arith.index_cast %add3A_429 : i32 to index
        %get3A_501 = arith.constant 112 : index
        %get3A_502 = tpu.vector_load %arg13[%get3A_500, %get3A_501] {strides = array<i32>} : memref<80x128xf32, #tpu.memory_space<vmem>>, vector<1x16xf32>,
        %get3A_503 = vector.shape_cast %get3A_502 : vector<1x16xf32> to vector<16xf32>
        %mul3A_504 = arith.mulf %get3A_503, %gather3A_425 : vector<16xf32>
        %swap3A_505 = arith.index_cast %add3A_429 : i32 to index
        %swap3A_506 = arith.constant 112 : index
        %swap3A_507 = tpu.vector_load %arg13[%swap3A_505, %swap3A_506] {strides = array<i32>} : memref<80x128xf32, #tpu.memory_space<vmem>>, vector<1x16xf32>,
        %swap3A_508 = vector.shape_cast %swap3A_507 : vector<1x16xf32> to vector<16xf32>
        %swap3A_509 = vector.shape_cast %mul3A_504 : vector<16xf32> to vector<1x16xf32>
        tpu.vector_store %arg13[%swap3A_505, %swap3A_506], %swap3A_509 {strides = array<i32>} : memref<80x128xf32, #tpu.memory_space<vmem>>, vector<1x16xf32>,
        %broadcast_in_dim3A_510 = arith.constant 4 : i32
        %broadcast_in_dim3A_511 = vector.broadcast %broadcast_in_dim3A_510 : i32 to vector<16xi32>
        %lt3A_512 = arith.constant 0 : i32
        %lt3A_513 = vector.broadcast %lt3A_512 : i32 to vector<16xi32>
        %lt3A_514 = arith.cmpi slt, %broadcast_in_dim3A_511, %lt3A_513 : vector<16xi32>
        %add3A_515 = arith.constant 16 : i32
        %add3A_516 = vector.broadcast %add3A_515 : i32 to vector<16xi32>
        %add3A_517 = arith.addi %broadcast_in_dim3A_511, %add3A_516 : vector<16xi32>
        %select_n3A_518 = arith.select %lt3A_514, %add3A_517, %broadcast_in_dim3A_511 : vector<16xi1>, vector<16xi32>
        %broadcast_in_dim3A_519 = vector.shape_cast %select_n3A_518 : vector<16xi32> to vector<16x1xi32>
        %gather3A_520 = vector.shape_cast %broadcast_in_dim3A_519 : vector<16x1xi32> to vector<16xi32>
        %gather3A_521 = tpu.dynamic_gather %get3A_128[%gather3A_520] in [0] : vector<16xf32>, vector<16xi32> -> vector<16xf32>
        %mul3A_522 = arith.constant 16 : i32
        %mul3A_523 = arith.muli %scan3A_123, %mul3A_522 : i32
        %add3A_524 = arith.constant 4 : i32
        %add3A_525 = arith.addi %mul3A_523, %add3A_524 : i32
        %get3A_526 = arith.index_cast %add3A_525 : i32 to index
        %get3A_527 = arith.constant 0 : index
        %get3A_528 = tpu.vector_load %arg13[%get3A_526, %get3A_527] {strides = array<i32>} : memref<80x128xf32, #tpu.memory_space<vmem>>, vector<1x16xf32>,
        %get3A_529 = vector.shape_cast %get3A_528 : vector<1x16xf32> to vector<16xf32>
        %mul3A_530 = arith.mulf %get3A_529, %gather3A_521 : vector<16xf32>
        %swap3A_531 = arith.index_cast %add3A_525 : i32 to index
        %swap3A_532 = arith.constant 0 : index
        %swap3A_533 = tpu.vector_load %arg13[%swap3A_531, %swap3A_532] {strides = array<i32>} : memref<80x128xf32, #tpu.memory_space<vmem>>, vector<1x16xf32>,
        %swap3A_534 = vector.shape_cast %swap3A_533 : vector<1x16xf32> to vector<16xf32>
        %swap3A_535 = vector.shape_cast %mul3A_530 : vector<16xf32> to vector<1x16xf32>
        tpu.vector_store %arg13[%swap3A_531, %swap3A_532], %swap3A_535 {strides = array<i32>} : memref<80x128xf32, #tpu.memory_space<vmem>>, vector<1x16xf32>,
        %get3A_536 = arith.index_cast %add3A_525 : i32 to index
        %get3A_537 = arith.constant 16 : index
        %get3A_538 = tpu.vector_load %arg13[%get3A_536, %get3A_537] {strides = array<i32>} : memref<80x128xf32, #tpu.memory_space<vmem>>, vector<1x16xf32>,
        %get3A_539 = vector.shape_cast %get3A_538 : vector<1x16xf32> to vector<16xf32>
        %mul3A_540 = arith.mulf %get3A_539, %gather3A_521 : vector<16xf32>
        %swap3A_541 = arith.index_cast %add3A_525 : i32 to index
        %swap3A_542 = arith.constant 16 : index
        %swap3A_543 = tpu.vector_load %arg13[%swap3A_541, %swap3A_542] {strides = array<i32>} : memref<80x128xf32, #tpu.memory_space<vmem>>, vector<1x16xf32>,
        %swap3A_544 = vector.shape_cast %swap3A_543 : vector<1x16xf32> to vector<16xf32>
        %swap3A_545 = vector.shape_cast %mul3A_540 : vector<16xf32> to vector<1x16xf32>
        tpu.vector_store %arg13[%swap3A_541, %swap3A_542], %swap3A_545 {strides = array<i32>} : memref<80x128xf32, #tpu.memory_space<vmem>>, vector<1x16xf32>,
        %get3A_546 = arith.index_cast %add3A_525 : i32 to index
        %get3A_547 = arith.constant 32 : index
        %get3A_548 = tpu.vector_load %arg13[%get3A_546, %get3A_547] {strides = array<i32>} : memref<80x128xf32, #tpu.memory_space<vmem>>, vector<1x16xf32>,
        %get3A_549 = vector.shape_cast %get3A_548 : vector<1x16xf32> to vector<16xf32>
        %mul3A_550 = arith.mulf %get3A_549, %gather3A_521 : vector<16xf32>
        %swap3A_551 = arith.index_cast %add3A_525 : i32 to index
        %swap3A_552 = arith.constant 32 : index
        %swap3A_553 = tpu.vector_load %arg13[%swap3A_551, %swap3A_552] {strides = array<i32>} : memref<80x128xf32, #tpu.memory_space<vmem>>, vector<1x16xf32>,
        %swap3A_554 = vector.shape_cast %swap3A_553 : vector<1x16xf32> to vector<16xf32>
        %swap3A_555 = vector.shape_cast %mul3A_550 : vector<16xf32> to vector<1x16xf32>
        tpu.vector_store %arg13[%swap3A_551, %swap3A_552], %swap3A_555 {strides = array<i32>} : memref<80x128xf32, #tpu.memory_space<vmem>>, vector<1x16xf32>,
        %get3A_556 = arith.index_cast %add3A_525 : i32 to index
        %get3A_557 = arith.constant 48 : index
        %get3A_558 = tpu.vector_load %arg13[%get3A_556, %get3A_557] {strides = array<i32>} : memref<80x128xf32, #tpu.memory_space<vmem>>, vector<1x16xf32>,
        %get3A_559 = vector.shape_cast %get3A_558 : vector<1x16xf32> to vector<16xf32>
        %mul3A_560 = arith.mulf %get3A_559, %gather3A_521 : vector<16xf32>
        %swap3A_561 = arith.index_cast %add3A_525 : i32 to index
        %swap3A_562 = arith.constant 48 : index
        %swap3A_563 = tpu.vector_load %arg13[%swap3A_561, %swap3A_562] {strides = array<i32>} : memref<80x128xf32, #tpu.memory_space<vmem>>, vector<1x16xf32>,
        %swap3A_564 = vector.shape_cast %swap3A_563 : vector<1x16xf32> to vector<16xf32>
        %swap3A_565 = vector.shape_cast %mul3A_560 : vector<16xf32> to vector<1x16xf32>
        tpu.vector_store %arg13[%swap3A_561, %swap3A_562], %swap3A_565 {strides = array<i32>} : memref<80x128xf32, #tpu.memory_space<vmem>>, vector<1x16xf32>,
        %get3A_566 = arith.index_cast %add3A_525 : i32 to index
        %get3A_567 = arith.constant 64 : index
        %get3A_568 = tpu.vector_load %arg13[%get3A_566, %get3A_567] {strides = array<i32>} : memref<80x128xf32, #tpu.memory_space<vmem>>, vector<1x16xf32>,
        %get3A_569 = vector.shape_cast %get3A_568 : vector<1x16xf32> to vector<16xf32>
        %mul3A_570 = arith.mulf %get3A_569, %gather3A_521 : vector<16xf32>
        %swap3A_571 = arith.index_cast %add3A_525 : i32 to index
        %swap3A_572 = arith.constant 64 : index
        %swap3A_573 = tpu.vector_load %arg13[%swap3A_571, %swap3A_572] {strides = array<i32>} : memref<80x128xf32, #tpu.memory_space<vmem>>, vector<1x16xf32>,
        %swap3A_574 = vector.shape_cast %swap3A_573 : vector<1x16xf32> to vector<16xf32>
        %swap3A_575 = vector.shape_cast %mul3A_570 : vector<16xf32> to vector<1x16xf32>
        tpu.vector_store %arg13[%swap3A_571, %swap3A_572], %swap3A_575 {strides = array<i32>} : memref<80x128xf32, #tpu.memory_space<vmem>>, vector<1x16xf32>,
        %get3A_576 = arith.index_cast %add3A_525 : i32 to index
        %get3A_577 = arith.constant 80 : index
        %get3A_578 = tpu.vector_load %arg13[%get3A_576, %get3A_577] {strides = array<i32>} : memref<80x128xf32, #tpu.memory_space<vmem>>, vector<1x16xf32>,
        %get3A_579 = vector.shape_cast %get3A_578 : vector<1x16xf32> to vector<16xf32>
        %mul3A_580 = arith.mulf %get3A_579, %gather3A_521 : vector<16xf32>
        %swap3A_581 = arith.index_cast %add3A_525 : i32 to index
        %swap3A_582 = arith.constant 80 : index
        %swap3A_583 = tpu.vector_load %arg13[%swap3A_581, %swap3A_582] {strides = array<i32>} : memref<80x128xf32, #tpu.memory_space<vmem>>, vector<1x16xf32>,
        %swap3A_584 = vector.shape_cast %swap3A_583 : vector<1x16xf32> to vector<16xf32>
        %swap3A_585 = vector.shape_cast %mul3A_580 : vector<16xf32> to vector<1x16xf32>
        tpu.vector_store %arg13[%swap3A_581, %swap3A_582], %swap3A_585 {strides = array<i32>} : memref<80x128xf32, #tpu.memory_space<vmem>>, vector<1x16xf32>,
        %get3A_586 = arith.index_cast %add3A_525 : i32 to index
        %get3A_587 = arith.constant 96 : index
        %get3A_588 = tpu.vector_load %arg13[%get3A_586, %get3A_587] {strides = array<i32>} : memref<80x128xf32, #tpu.memory_space<vmem>>, vector<1x16xf32>,
        %get3A_589 = vector.shape_cast %get3A_588 : vector<1x16xf32> to vector<16xf32>
        %mul3A_590 = arith.mulf %get3A_589, %gather3A_521 : vector<16xf32>
        %swap3A_591 = arith.index_cast %add3A_525 : i32 to index
        %swap3A_592 = arith.constant 96 : index
        %swap3A_593 = tpu.vector_load %arg13[%swap3A_591, %swap3A_592] {strides = array<i32>} : memref<80x128xf32, #tpu.memory_space<vmem>>, vector<1x16xf32>,
        %swap3A_594 = vector.shape_cast %swap3A_593 : vector<1x16xf32> to vector<16xf32>
        %swap3A_595 = vector.shape_cast %mul3A_590 : vector<16xf32> to vector<1x16xf32>
        tpu.vector_store %arg13[%swap3A_591, %swap3A_592], %swap3A_595 {strides = array<i32>} : memref<80x128xf32, #tpu.memory_space<vmem>>, vector<1x16xf32>,
        %get3A_596 = arith.index_cast %add3A_525 : i32 to index
        %get3A_597 = arith.constant 112 : index
        %get3A_598 = tpu.vector_load %arg13[%get3A_596, %get3A_597] {strides = array<i32>} : memref<80x128xf32, #tpu.memory_space<vmem>>, vector<1x16xf32>,
        %get3A_599 = vector.shape_cast %get3A_598 : vector<1x16xf32> to vector<16xf32>
        %mul3A_600 = arith.mulf %get3A_599, %gather3A_521 : vector<16xf32>
        %swap3A_601 = arith.index_cast %add3A_525 : i32 to index
        %swap3A_602 = arith.constant 112 : index
        %swap3A_603 = tpu.vector_load %arg13[%swap3A_601, %swap3A_602] {strides = array<i32>} : memref<80x128xf32, #tpu.memory_space<vmem>>, vector<1x16xf32>,
        %swap3A_604 = vector.shape_cast %swap3A_603 : vector<1x16xf32> to vector<16xf32>
        %swap3A_605 = vector.shape_cast %mul3A_600 : vector<16xf32> to vector<1x16xf32>
        tpu.vector_store %arg13[%swap3A_601, %swap3A_602], %swap3A_605 {strides = array<i32>} : memref<80x128xf32, #tpu.memory_space<vmem>>, vector<1x16xf32>,
        %broadcast_in_dim3A_606 = arith.constant 5 : i32
        %broadcast_in_dim3A_607 = vector.broadcast %broadcast_in_dim3A_606 : i32 to vector<16xi32>
        %lt3A_608 = arith.constant 0 : i32
        %lt3A_609 = vector.broadcast %lt3A_608 : i32 to vector<16xi32>
        %lt3A_610 = arith.cmpi slt, %broadcast_in_dim3A_607, %lt3A_609 : vector<16xi32>
        %add3A_611 = arith.constant 16 : i32
        %add3A_612 = vector.broadcast %add3A_611 : i32 to vector<16xi32>
        %add3A_613 = arith.addi %broadcast_in_dim3A_607, %add3A_612 : vector<16xi32>
        %select_n3A_614 = arith.select %lt3A_610, %add3A_613, %broadcast_in_dim3A_607 : vector<16xi1>, vector<16xi32>
        %broadcast_in_dim3A_615 = vector.shape_cast %select_n3A_614 : vector<16xi32> to vector<16x1xi32>
        %gather3A_616 = vector.shape_cast %broadcast_in_dim3A_615 : vector<16x1xi32> to vector<16xi32>
        %gather3A_617 = tpu.dynamic_gather %get3A_128[%gather3A_616] in [0] : vector<16xf32>, vector<16xi32> -> vector<16xf32>
        %mul3A_618 = arith.constant 16 : i32
        %mul3A_619 = arith.muli %scan3A_123, %mul3A_618 : i32
        %add3A_620 = arith.constant 5 : i32
        %add3A_621 = arith.addi %mul3A_619, %add3A_620 : i32
        %get3A_622 = arith.index_cast %add3A_621 : i32 to index
        %get3A_623 = arith.constant 0 : index
        %get3A_624 = tpu.vector_load %arg13[%get3A_622, %get3A_623] {strides = array<i32>} : memref<80x128xf32, #tpu.memory_space<vmem>>, vector<1x16xf32>,
        %get3A_625 = vector.shape_cast %get3A_624 : vector<1x16xf32> to vector<16xf32>
        %mul3A_626 = arith.mulf %get3A_625, %gather3A_617 : vector<16xf32>
        %swap3A_627 = arith.index_cast %add3A_621 : i32 to index
        %swap3A_628 = arith.constant 0 : index
        %swap3A_629 = tpu.vector_load %arg13[%swap3A_627, %swap3A_628] {strides = array<i32>} : memref<80x128xf32, #tpu.memory_space<vmem>>, vector<1x16xf32>,
        %swap3A_630 = vector.shape_cast %swap3A_629 : vector<1x16xf32> to vector<16xf32>
        %swap3A_631 = vector.shape_cast %mul3A_626 : vector<16xf32> to vector<1x16xf32>
        tpu.vector_store %arg13[%swap3A_627, %swap3A_628], %swap3A_631 {strides = array<i32>} : memref<80x128xf32, #tpu.memory_space<vmem>>, vector<1x16xf32>,
        %get3A_632 = arith.index_cast %add3A_621 : i32 to index
        %get3A_633 = arith.constant 16 : index
        %get3A_634 = tpu.vector_load %arg13[%get3A_632, %get3A_633] {strides = array<i32>} : memref<80x128xf32, #tpu.memory_space<vmem>>, vector<1x16xf32>,
        %get3A_635 = vector.shape_cast %get3A_634 : vector<1x16xf32> to vector<16xf32>
        %mul3A_636 = arith.mulf %get3A_635, %gather3A_617 : vector<16xf32>
        %swap3A_637 = arith.index_cast %add3A_621 : i32 to index
        %swap3A_638 = arith.constant 16 : index
        %swap3A_639 = tpu.vector_load %arg13[%swap3A_637, %swap3A_638] {strides = array<i32>} : memref<80x128xf32, #tpu.memory_space<vmem>>, vector<1x16xf32>,
        %swap3A_640 = vector.shape_cast %swap3A_639 : vector<1x16xf32> to vector<16xf32>
        %swap3A_641 = vector.shape_cast %mul3A_636 : vector<16xf32> to vector<1x16xf32>
        tpu.vector_store %arg13[%swap3A_637, %swap3A_638], %swap3A_641 {strides = array<i32>} : memref<80x128xf32, #tpu.memory_space<vmem>>, vector<1x16xf32>,
        %get3A_642 = arith.index_cast %add3A_621 : i32 to index
        %get3A_643 = arith.constant 32 : index
        %get3A_644 = tpu.vector_load %arg13[%get3A_642, %get3A_643] {strides = array<i32>} : memref<80x128xf32, #tpu.memory_space<vmem>>, vector<1x16xf32>,
        %get3A_645 = vector.shape_cast %get3A_644 : vector<1x16xf32> to vector<16xf32>
        %mul3A_646 = arith.mulf %get3A_645, %gather3A_617 : vector<16xf32>
        %swap3A_647 = arith.index_cast %add3A_621 : i32 to index
        %swap3A_648 = arith.constant 32 : index
        %swap3A_649 = tpu.vector_load %arg13[%swap3A_647, %swap3A_648] {strides = array<i32>} : memref<80x128xf32, #tpu.memory_space<vmem>>, vector<1x16xf32>,
        %swap3A_650 = vector.shape_cast %swap3A_649 : vector<1x16xf32> to vector<16xf32>
        %swap3A_651 = vector.shape_cast %mul3A_646 : vector<16xf32> to vector<1x16xf32>
        tpu.vector_store %arg13[%swap3A_647, %swap3A_648], %swap3A_651 {strides = array<i32>} : memref<80x128xf32, #tpu.memory_space<vmem>>, vector<1x16xf32>,
        %get3A_652 = arith.index_cast %add3A_621 : i32 to index
        %get3A_653 = arith.constant 48 : index
        %get3A_654 = tpu.vector_load %arg13[%get3A_652, %get3A_653] {strides = array<i32>} : memref<80x128xf32, #tpu.memory_space<vmem>>, vector<1x16xf32>,
        %get3A_655 = vector.shape_cast %get3A_654 : vector<1x16xf32> to vector<16xf32>
        %mul3A_656 = arith.mulf %get3A_655, %gather3A_617 : vector<16xf32>
        %swap3A_657 = arith.index_cast %add3A_621 : i32 to index
        %swap3A_658 = arith.constant 48 : index
        %swap3A_659 = tpu.vector_load %arg13[%swap3A_657, %swap3A_658] {strides = array<i32>} : memref<80x128xf32, #tpu.memory_space<vmem>>, vector<1x16xf32>,
        %swap3A_660 = vector.shape_cast %swap3A_659 : vector<1x16xf32> to vector<16xf32>
        %swap3A_661 = vector.shape_cast %mul3A_656 : vector<16xf32> to vector<1x16xf32>
        tpu.vector_store %arg13[%swap3A_657, %swap3A_658], %swap3A_661 {strides = array<i32>} : memref<80x128xf32, #tpu.memory_space<vmem>>, vector<1x16xf32>,
        %get3A_662 = arith.index_cast %add3A_621 : i32 to index
        %get3A_663 = arith.constant 64 : index
        %get3A_664 = tpu.vector_load %arg13[%get3A_662, %get3A_663] {strides = array<i32>} : memref<80x128xf32, #tpu.memory_space<vmem>>, vector<1x16xf32>,
        %get3A_665 = vector.shape_cast %get3A_664 : vector<1x16xf32> to vector<16xf32>
        %mul3A_666 = arith.mulf %get3A_665, %gather3A_617 : vector<16xf32>
        %swap3A_667 = arith.index_cast %add3A_621 : i32 to index
        %swap3A_668 = arith.constant 64 : index
        %swap3A_669 = tpu.vector_load %arg13[%swap3A_667, %swap3A_668] {strides = array<i32>} : memref<80x128xf32, #tpu.memory_space<vmem>>, vector<1x16xf32>,
        %swap3A_670 = vector.shape_cast %swap3A_669 : vector<1x16xf32> to vector<16xf32>
        %swap3A_671 = vector.shape_cast %mul3A_666 : vector<16xf32> to vector<1x16xf32>
        tpu.vector_store %arg13[%swap3A_667, %swap3A_668], %swap3A_671 {strides = array<i32>} : memref<80x128xf32, #tpu.memory_space<vmem>>, vector<1x16xf32>,
        %get3A_672 = arith.index_cast %add3A_621 : i32 to index
        %get3A_673 = arith.constant 80 : index
        %get3A_674 = tpu.vector_load %arg13[%get3A_672, %get3A_673] {strides = array<i32>} : memref<80x128xf32, #tpu.memory_space<vmem>>, vector<1x16xf32>,
        %get3A_675 = vector.shape_cast %get3A_674 : vector<1x16xf32> to vector<16xf32>
        %mul3A_676 = arith.mulf %get3A_675, %gather3A_617 : vector<16xf32>
        %swap3A_677 = arith.index_cast %add3A_621 : i32 to index
        %swap3A_678 = arith.constant 80 : index
        %swap3A_679 = tpu.vector_load %arg13[%swap3A_677, %swap3A_678] {strides = array<i32>} : memref<80x128xf32, #tpu.memory_space<vmem>>, vector<1x16xf32>,
        %swap3A_680 = vector.shape_cast %swap3A_679 : vector<1x16xf32> to vector<16xf32>
        %swap3A_681 = vector.shape_cast %mul3A_676 : vector<16xf32> to vector<1x16xf32>
        tpu.vector_store %arg13[%swap3A_677, %swap3A_678], %swap3A_681 {strides = array<i32>} : memref<80x128xf32, #tpu.memory_space<vmem>>, vector<1x16xf32>,
        %get3A_682 = arith.index_cast %add3A_621 : i32 to index
        %get3A_683 = arith.constant 96 : index
        %get3A_684 = tpu.vector_load %arg13[%get3A_682, %get3A_683] {strides = array<i32>} : memref<80x128xf32, #tpu.memory_space<vmem>>, vector<1x16xf32>,
        %get3A_685 = vector.shape_cast %get3A_684 : vector<1x16xf32> to vector<16xf32>
        %mul3A_686 = arith.mulf %get3A_685, %gather3A_617 : vector<16xf32>
        %swap3A_687 = arith.index_cast %add3A_621 : i32 to index
        %swap3A_688 = arith.constant 96 : index
        %swap3A_689 = tpu.vector_load %arg13[%swap3A_687, %swap3A_688] {strides = array<i32>} : memref<80x128xf32, #tpu.memory_space<vmem>>, vector<1x16xf32>,
        %swap3A_690 = vector.shape_cast %swap3A_689 : vector<1x16xf32> to vector<16xf32>
        %swap3A_691 = vector.shape_cast %mul3A_686 : vector<16xf32> to vector<1x16xf32>
        tpu.vector_store %arg13[%swap3A_687, %swap3A_688], %swap3A_691 {strides = array<i32>} : memref<80x128xf32, #tpu.memory_space<vmem>>, vector<1x16xf32>,
        %get3A_692 = arith.index_cast %add3A_621 : i32 to index
        %get3A_693 = arith.constant 112 : index
        %get3A_694 = tpu.vector_load %arg13[%get3A_692, %get3A_693] {strides = array<i32>} : memref<80x128xf32, #tpu.memory_space<vmem>>, vector<1x16xf32>,
        %get3A_695 = vector.shape_cast %get3A_694 : vector<1x16xf32> to vector<16xf32>
        %mul3A_696 = arith.mulf %get3A_695, %gather3A_617 : vector<16xf32>
        %swap3A_697 = arith.index_cast %add3A_621 : i32 to index
        %swap3A_698 = arith.constant 112 : index
        %swap3A_699 = tpu.vector_load %arg13[%swap3A_697, %swap3A_698] {strides = array<i32>} : memref<80x128xf32, #tpu.memory_space<vmem>>, vector<1x16xf32>,
        %swap3A_700 = vector.shape_cast %swap3A_699 : vector<1x16xf32> to vector<16xf32>
        %swap3A_701 = vector.shape_cast %mul3A_696 : vector<16xf32> to vector<1x16xf32>
        tpu.vector_store %arg13[%swap3A_697, %swap3A_698], %swap3A_701 {strides = array<i32>} : memref<80x128xf32, #tpu.memory_space<vmem>>, vector<1x16xf32>,
        %broadcast_in_dim3A_702 = arith.constant 6 : i32
        %broadcast_in_dim3A_703 = vector.broadcast %broadcast_in_dim3A_702 : i32 to vector<16xi32>
        %lt3A_704 = arith.constant 0 : i32
        %lt3A_705 = vector.broadcast %lt3A_704 : i32 to vector<16xi32>
        %lt3A_706 = arith.cmpi slt, %broadcast_in_dim3A_703, %lt3A_705 : vector<16xi32>
        %add3A_707 = arith.constant 16 : i32
        %add3A_708 = vector.broadcast %add3A_707 : i32 to vector<16xi32>
        %add3A_709 = arith.addi %broadcast_in_dim3A_703, %add3A_708 : vector<16xi32>
        %select_n3A_710 = arith.select %lt3A_706, %add3A_709, %broadcast_in_dim3A_703 : vector<16xi1>, vector<16xi32>
        %broadcast_in_dim3A_711 = vector.shape_cast %select_n3A_710 : vector<16xi32> to vector<16x1xi32>
        %gather3A_712 = vector.shape_cast %broadcast_in_dim3A_711 : vector<16x1xi32> to vector<16xi32>
        %gather3A_713 = tpu.dynamic_gather %get3A_128[%gather3A_712] in [0] : vector<16xf32>, vector<16xi32> -> vector<16xf32>
        %mul3A_714 = arith.constant 16 : i32
        %mul3A_715 = arith.muli %scan3A_123, %mul3A_714 : i32
        %add3A_716 = arith.constant 6 : i32
        %add3A_717 = arith.addi %mul3A_715, %add3A_716 : i32
        %get3A_718 = arith.index_cast %add3A_717 : i32 to index
        %get3A_719 = arith.constant 0 : index
        %get3A_720 = tpu.vector_load %arg13[%get3A_718, %get3A_719] {strides = array<i32>} : memref<80x128xf32, #tpu.memory_space<vmem>>, vector<1x16xf32>,
        %get3A_721 = vector.shape_cast %get3A_720 : vector<1x16xf32> to vector<16xf32>
        %mul3A_722 = arith.mulf %get3A_721, %gather3A_713 : vector<16xf32>
        %swap3A_723 = arith.index_cast %add3A_717 : i32 to index
        %swap3A_724 = arith.constant 0 : index
        %swap3A_725 = tpu.vector_load %arg13[%swap3A_723, %swap3A_724] {strides = array<i32>} : memref<80x128xf32, #tpu.memory_space<vmem>>, vector<1x16xf32>,
        %swap3A_726 = vector.shape_cast %swap3A_725 : vector<1x16xf32> to vector<16xf32>
        %swap3A_727 = vector.shape_cast %mul3A_722 : vector<16xf32> to vector<1x16xf32>
        tpu.vector_store %arg13[%swap3A_723, %swap3A_724], %swap3A_727 {strides = array<i32>} : memref<80x128xf32, #tpu.memory_space<vmem>>, vector<1x16xf32>,
        %get3A_728 = arith.index_cast %add3A_717 : i32 to index
        %get3A_729 = arith.constant 16 : index
        %get3A_730 = tpu.vector_load %arg13[%get3A_728, %get3A_729] {strides = array<i32>} : memref<80x128xf32, #tpu.memory_space<vmem>>, vector<1x16xf32>,
        %get3A_731 = vector.shape_cast %get3A_730 : vector<1x16xf32> to vector<16xf32>
        %mul3A_732 = arith.mulf %get3A_731, %gather3A_713 : vector<16xf32>
        %swap3A_733 = arith.index_cast %add3A_717 : i32 to index
        %swap3A_734 = arith.constant 16 : index
        %swap3A_735 = tpu.vector_load %arg13[%swap3A_733, %swap3A_734] {strides = array<i32>} : memref<80x128xf32, #tpu.memory_space<vmem>>, vector<1x16xf32>,
        %swap3A_736 = vector.shape_cast %swap3A_735 : vector<1x16xf32> to vector<16xf32>
        %swap3A_737 = vector.shape_cast %mul3A_732 : vector<16xf32> to vector<1x16xf32>
        tpu.vector_store %arg13[%swap3A_733, %swap3A_734], %swap3A_737 {strides = array<i32>} : memref<80x128xf32, #tpu.memory_space<vmem>>, vector<1x16xf32>,
        %get3A_738 = arith.index_cast %add3A_717 : i32 to index
        %get3A_739 = arith.constant 32 : index
        %get3A_740 = tpu.vector_load %arg13[%get3A_738, %get3A_739] {strides = array<i32>} : memref<80x128xf32, #tpu.memory_space<vmem>>, vector<1x16xf32>,
        %get3A_741 = vector.shape_cast %get3A_740 : vector<1x16xf32> to vector<16xf32>
        %mul3A_742 = arith.mulf %get3A_741, %gather3A_713 : vector<16xf32>
        %swap3A_743 = arith.index_cast %add3A_717 : i32 to index
        %swap3A_744 = arith.constant 32 : index
        %swap3A_745 = tpu.vector_load %arg13[%swap3A_743, %swap3A_744] {strides = array<i32>} : memref<80x128xf32, #tpu.memory_space<vmem>>, vector<1x16xf32>,
        %swap3A_746 = vector.shape_cast %swap3A_745 : vector<1x16xf32> to vector<16xf32>
        %swap3A_747 = vector.shape_cast %mul3A_742 : vector<16xf32> to vector<1x16xf32>
        tpu.vector_store %arg13[%swap3A_743, %swap3A_744], %swap3A_747 {strides = array<i32>} : memref<80x128xf32, #tpu.memory_space<vmem>>, vector<1x16xf32>,
        %get3A_748 = arith.index_cast %add3A_717 : i32 to index
        %get3A_749 = arith.constant 48 : index
        %get3A_750 = tpu.vector_load %arg13[%get3A_748, %get3A_749] {strides = array<i32>} : memref<80x128xf32, #tpu.memory_space<vmem>>, vector<1x16xf32>,
        %get3A_751 = vector.shape_cast %get3A_750 : vector<1x16xf32> to vector<16xf32>
        %mul3A_752 = arith.mulf %get3A_751, %gather3A_713 : vector<16xf32>
        %swap3A_753 = arith.index_cast %add3A_717 : i32 to index
        %swap3A_754 = arith.constant 48 : index
        %swap3A_755 = tpu.vector_load %arg13[%swap3A_753, %swap3A_754] {strides = array<i32>} : memref<80x128xf32, #tpu.memory_space<vmem>>, vector<1x16xf32>,
        %swap3A_756 = vector.shape_cast %swap3A_755 : vector<1x16xf32> to vector<16xf32>
        %swap3A_757 = vector.shape_cast %mul3A_752 : vector<16xf32> to vector<1x16xf32>
        tpu.vector_store %arg13[%swap3A_753, %swap3A_754], %swap3A_757 {strides = array<i32>} : memref<80x128xf32, #tpu.memory_space<vmem>>, vector<1x16xf32>,
        %get3A_758 = arith.index_cast %add3A_717 : i32 to index
        %get3A_759 = arith.constant 64 : index
        %get3A_760 = tpu.vector_load %arg13[%get3A_758, %get3A_759] {strides = array<i32>} : memref<80x128xf32, #tpu.memory_space<vmem>>, vector<1x16xf32>,
        %get3A_761 = vector.shape_cast %get3A_760 : vector<1x16xf32> to vector<16xf32>
        %mul3A_762 = arith.mulf %get3A_761, %gather3A_713 : vector<16xf32>
        %swap3A_763 = arith.index_cast %add3A_717 : i32 to index
        %swap3A_764 = arith.constant 64 : index
        %swap3A_765 = tpu.vector_load %arg13[%swap3A_763, %swap3A_764] {strides = array<i32>} : memref<80x128xf32, #tpu.memory_space<vmem>>, vector<1x16xf32>,
        %swap3A_766 = vector.shape_cast %swap3A_765 : vector<1x16xf32> to vector<16xf32>
        %swap3A_767 = vector.shape_cast %mul3A_762 : vector<16xf32> to vector<1x16xf32>
        tpu.vector_store %arg13[%swap3A_763, %swap3A_764], %swap3A_767 {strides = array<i32>} : memref<80x128xf32, #tpu.memory_space<vmem>>, vector<1x16xf32>,
        %get3A_768 = arith.index_cast %add3A_717 : i32 to index
        %get3A_769 = arith.constant 80 : index
        %get3A_770 = tpu.vector_load %arg13[%get3A_768, %get3A_769] {strides = array<i32>} : memref<80x128xf32, #tpu.memory_space<vmem>>, vector<1x16xf32>,
        %get3A_771 = vector.shape_cast %get3A_770 : vector<1x16xf32> to vector<16xf32>
        %mul3A_772 = arith.mulf %get3A_771, %gather3A_713 : vector<16xf32>
        %swap3A_773 = arith.index_cast %add3A_717 : i32 to index
        %swap3A_774 = arith.constant 80 : index
        %swap3A_775 = tpu.vector_load %arg13[%swap3A_773, %swap3A_774] {strides = array<i32>} : memref<80x128xf32, #tpu.memory_space<vmem>>, vector<1x16xf32>,
        %swap3A_776 = vector.shape_cast %swap3A_775 : vector<1x16xf32> to vector<16xf32>
        %swap3A_777 = vector.shape_cast %mul3A_772 : vector<16xf32> to vector<1x16xf32>
        tpu.vector_store %arg13[%swap3A_773, %swap3A_774], %swap3A_777 {strides = array<i32>} : memref<80x128xf32, #tpu.memory_space<vmem>>, vector<1x16xf32>,
        %get3A_778 = arith.index_cast %add3A_717 : i32 to index
        %get3A_779 = arith.constant 96 : index
        %get3A_780 = tpu.vector_load %arg13[%get3A_778, %get3A_779] {strides = array<i32>} : memref<80x128xf32, #tpu.memory_space<vmem>>, vector<1x16xf32>,
        %get3A_781 = vector.shape_cast %get3A_780 : vector<1x16xf32> to vector<16xf32>
        %mul3A_782 = arith.mulf %get3A_781, %gather3A_713 : vector<16xf32>
        %swap3A_783 = arith.index_cast %add3A_717 : i32 to index
        %swap3A_784 = arith.constant 96 : index
        %swap3A_785 = tpu.vector_load %arg13[%swap3A_783, %swap3A_784] {strides = array<i32>} : memref<80x128xf32, #tpu.memory_space<vmem>>, vector<1x16xf32>,
        %swap3A_786 = vector.shape_cast %swap3A_785 : vector<1x16xf32> to vector<16xf32>
        %swap3A_787 = vector.shape_cast %mul3A_782 : vector<16xf32> to vector<1x16xf32>
        tpu.vector_store %arg13[%swap3A_783, %swap3A_784], %swap3A_787 {strides = array<i32>} : memref<80x128xf32, #tpu.memory_space<vmem>>, vector<1x16xf32>,
        %get3A_788 = arith.index_cast %add3A_717 : i32 to index
        %get3A_789 = arith.constant 112 : index
        %get3A_790 = tpu.vector_load %arg13[%get3A_788, %get3A_789] {strides = array<i32>} : memref<80x128xf32, #tpu.memory_space<vmem>>, vector<1x16xf32>,
        %get3A_791 = vector.shape_cast %get3A_790 : vector<1x16xf32> to vector<16xf32>
        %mul3A_792 = arith.mulf %get3A_791, %gather3A_713 : vector<16xf32>
        %swap3A_793 = arith.index_cast %add3A_717 : i32 to index
        %swap3A_794 = arith.constant 112 : index
        %swap3A_795 = tpu.vector_load %arg13[%swap3A_793, %swap3A_794] {strides = array<i32>} : memref<80x128xf32, #tpu.memory_space<vmem>>, vector<1x16xf32>,
        %swap3A_796 = vector.shape_cast %swap3A_795 : vector<1x16xf32> to vector<16xf32>
        %swap3A_797 = vector.shape_cast %mul3A_792 : vector<16xf32> to vector<1x16xf32>
        tpu.vector_store %arg13[%swap3A_793, %swap3A_794], %swap3A_797 {strides = array<i32>} : memref<80x128xf32, #tpu.memory_space<vmem>>, vector<1x16xf32>,
        %broadcast_in_dim3A_798 = arith.constant 7 : i32
        %broadcast_in_dim3A_799 = vector.broadcast %broadcast_in_dim3A_798 : i32 to vector<16xi32>
        %lt3A_800 = arith.constant 0 : i32
        %lt3A_801 = vector.broadcast %lt3A_800 : i32 to vector<16xi32>
        %lt3A_802 = arith.cmpi slt, %broadcast_in_dim3A_799, %lt3A_801 : vector<16xi32>
        %add3A_803 = arith.constant 16 : i32
        %add3A_804 = vector.broadcast %add3A_803 : i32 to vector<16xi32>
        %add3A_805 = arith.addi %broadcast_in_dim3A_799, %add3A_804 : vector<16xi32>
        %select_n3A_806 = arith.select %lt3A_802, %add3A_805, %broadcast_in_dim3A_799 : vector<16xi1>, vector<16xi32>
        %broadcast_in_dim3A_807 = vector.shape_cast %select_n3A_806 : vector<16xi32> to vector<16x1xi32>
        %gather3A_808 = vector.shape_cast %broadcast_in_dim3A_807 : vector<16x1xi32> to vector<16xi32>
        %gather3A_809 = tpu.dynamic_gather %get3A_128[%gather3A_808] in [0] : vector<16xf32>, vector<16xi32> -> vector<16xf32>
        %mul3A_810 = arith.constant 16 : i32
        %mul3A_811 = arith.muli %scan3A_123, %mul3A_810 : i32
        %add3A_812 = arith.constant 7 : i32
        %add3A_813 = arith.addi %mul3A_811, %add3A_812 : i32
        %get3A_814 = arith.index_cast %add3A_813 : i32 to index
        %get3A_815 = arith.constant 0 : index
        %get3A_816 = tpu.vector_load %arg13[%get3A_814, %get3A_815] {strides = array<i32>} : memref<80x128xf32, #tpu.memory_space<vmem>>, vector<1x16xf32>,
        %get3A_817 = vector.shape_cast %get3A_816 : vector<1x16xf32> to vector<16xf32>
        %mul3A_818 = arith.mulf %get3A_817, %gather3A_809 : vector<16xf32>
        %swap3A_819 = arith.index_cast %add3A_813 : i32 to index
        %swap3A_820 = arith.constant 0 : index
        %swap3A_821 = tpu.vector_load %arg13[%swap3A_819, %swap3A_820] {strides = array<i32>} : memref<80x128xf32, #tpu.memory_space<vmem>>, vector<1x16xf32>,
        %swap3A_822 = vector.shape_cast %swap3A_821 : vector<1x16xf32> to vector<16xf32>
        %swap3A_823 = vector.shape_cast %mul3A_818 : vector<16xf32> to vector<1x16xf32>
        tpu.vector_store %arg13[%swap3A_819, %swap3A_820], %swap3A_823 {strides = array<i32>} : memref<80x128xf32, #tpu.memory_space<vmem>>, vector<1x16xf32>,
        %get3A_824 = arith.index_cast %add3A_813 : i32 to index
        %get3A_825 = arith.constant 16 : index
        %get3A_826 = tpu.vector_load %arg13[%get3A_824, %get3A_825] {strides = array<i32>} : memref<80x128xf32, #tpu.memory_space<vmem>>, vector<1x16xf32>,
        %get3A_827 = vector.shape_cast %get3A_826 : vector<1x16xf32> to vector<16xf32>
        %mul3A_828 = arith.mulf %get3A_827, %gather3A_809 : vector<16xf32>
        %swap3A_829 = arith.index_cast %add3A_813 : i32 to index
        %swap3A_830 = arith.constant 16 : index
        %swap3A_831 = tpu.vector_load %arg13[%swap3A_829, %swap3A_830] {strides = array<i32>} : memref<80x128xf32, #tpu.memory_space<vmem>>, vector<1x16xf32>,
        %swap3A_832 = vector.shape_cast %swap3A_831 : vector<1x16xf32> to vector<16xf32>
        %swap3A_833 = vector.shape_cast %mul3A_828 : vector<16xf32> to vector<1x16xf32>
        tpu.vector_store %arg13[%swap3A_829, %swap3A_830], %swap3A_833 {strides = array<i32>} : memref<80x128xf32, #tpu.memory_space<vmem>>, vector<1x16xf32>,
        %get3A_834 = arith.index_cast %add3A_813 : i32 to index
        %get3A_835 = arith.constant 32 : index
        %get3A_836 = tpu.vector_load %arg13[%get3A_834, %get3A_835] {strides = array<i32>} : memref<80x128xf32, #tpu.memory_space<vmem>>, vector<1x16xf32>,
        %get3A_837 = vector.shape_cast %get3A_836 : vector<1x16xf32> to vector<16xf32>
        %mul3A_838 = arith.mulf %get3A_837, %gather3A_809 : vector<16xf32>
        %swap3A_839 = arith.index_cast %add3A_813 : i32 to index
        %swap3A_840 = arith.constant 32 : index
        %swap3A_841 = tpu.vector_load %arg13[%swap3A_839, %swap3A_840] {strides = array<i32>} : memref<80x128xf32, #tpu.memory_space<vmem>>, vector<1x16xf32>,
        %swap3A_842 = vector.shape_cast %swap3A_841 : vector<1x16xf32> to vector<16xf32>
        %swap3A_843 = vector.shape_cast %mul3A_838 : vector<16xf32> to vector<1x16xf32>
        tpu.vector_store %arg13[%swap3A_839, %swap3A_840], %swap3A_843 {strides = array<i32>} : memref<80x128xf32, #tpu.memory_space<vmem>>, vector<1x16xf32>,
        %get3A_844 = arith.index_cast %add3A_813 : i32 to index
        %get3A_845 = arith.constant 48 : index
        %get3A_846 = tpu.vector_load %arg13[%get3A_844, %get3A_845] {strides = array<i32>} : memref<80x128xf32, #tpu.memory_space<vmem>>, vector<1x16xf32>,
        %get3A_847 = vector.shape_cast %get3A_846 : vector<1x16xf32> to vector<16xf32>
        %mul3A_848 = arith.mulf %get3A_847, %gather3A_809 : vector<16xf32>
        %swap3A_849 = arith.index_cast %add3A_813 : i32 to index
        %swap3A_850 = arith.constant 48 : index
        %swap3A_851 = tpu.vector_load %arg13[%swap3A_849, %swap3A_850] {strides = array<i32>} : memref<80x128xf32, #tpu.memory_space<vmem>>, vector<1x16xf32>,
        %swap3A_852 = vector.shape_cast %swap3A_851 : vector<1x16xf32> to vector<16xf32>
        %swap3A_853 = vector.shape_cast %mul3A_848 : vector<16xf32> to vector<1x16xf32>
        tpu.vector_store %arg13[%swap3A_849, %swap3A_850], %swap3A_853 {strides = array<i32>} : memref<80x128xf32, #tpu.memory_space<vmem>>, vector<1x16xf32>,
        %get3A_854 = arith.index_cast %add3A_813 : i32 to index
        %get3A_855 = arith.constant 64 : index
        %get3A_856 = tpu.vector_load %arg13[%get3A_854, %get3A_855] {strides = array<i32>} : memref<80x128xf32, #tpu.memory_space<vmem>>, vector<1x16xf32>,
        %get3A_857 = vector.shape_cast %get3A_856 : vector<1x16xf32> to vector<16xf32>
        %mul3A_858 = arith.mulf %get3A_857, %gather3A_809 : vector<16xf32>
        %swap3A_859 = arith.index_cast %add3A_813 : i32 to index
        %swap3A_860 = arith.constant 64 : index
        %swap3A_861 = tpu.vector_load %arg13[%swap3A_859, %swap3A_860] {strides = array<i32>} : memref<80x128xf32, #tpu.memory_space<vmem>>, vector<1x16xf32>,
        %swap3A_862 = vector.shape_cast %swap3A_861 : vector<1x16xf32> to vector<16xf32>
        %swap3A_863 = vector.shape_cast %mul3A_858 : vector<16xf32> to vector<1x16xf32>
        tpu.vector_store %arg13[%swap3A_859, %swap3A_860], %swap3A_863 {strides = array<i32>} : memref<80x128xf32, #tpu.memory_space<vmem>>, vector<1x16xf32>,
        %get3A_864 = arith.index_cast %add3A_813 : i32 to index
        %get3A_865 = arith.constant 80 : index
        %get3A_866 = tpu.vector_load %arg13[%get3A_864, %get3A_865] {strides = array<i32>} : memref<80x128xf32, #tpu.memory_space<vmem>>, vector<1x16xf32>,
        %get3A_867 = vector.shape_cast %get3A_866 : vector<1x16xf32> to vector<16xf32>
        %mul3A_868 = arith.mulf %get3A_867, %gather3A_809 : vector<16xf32>
        %swap3A_869 = arith.index_cast %add3A_813 : i32 to index
        %swap3A_870 = arith.constant 80 : index
        %swap3A_871 = tpu.vector_load %arg13[%swap3A_869, %swap3A_870] {strides = array<i32>} : memref<80x128xf32, #tpu.memory_space<vmem>>, vector<1x16xf32>,
        %swap3A_872 = vector.shape_cast %swap3A_871 : vector<1x16xf32> to vector<16xf32>
        %swap3A_873 = vector.shape_cast %mul3A_868 : vector<16xf32> to vector<1x16xf32>
        tpu.vector_store %arg13[%swap3A_869, %swap3A_870], %swap3A_873 {strides = array<i32>} : memref<80x128xf32, #tpu.memory_space<vmem>>, vector<1x16xf32>,
        %get3A_874 = arith.index_cast %add3A_813 : i32 to index
        %get3A_875 = arith.constant 96 : index
        %get3A_876 = tpu.vector_load %arg13[%get3A_874, %get3A_875] {strides = array<i32>} : memref<80x128xf32, #tpu.memory_space<vmem>>, vector<1x16xf32>,
        %get3A_877 = vector.shape_cast %get3A_876 : vector<1x16xf32> to vector<16xf32>
        %mul3A_878 = arith.mulf %get3A_877, %gather3A_809 : vector<16xf32>
        %swap3A_879 = arith.index_cast %add3A_813 : i32 to index
        %swap3A_880 = arith.constant 96 : index
        %swap3A_881 = tpu.vector_load %arg13[%swap3A_879, %swap3A_880] {strides = array<i32>} : memref<80x128xf32, #tpu.memory_space<vmem>>, vector<1x16xf32>,
        %swap3A_882 = vector.shape_cast %swap3A_881 : vector<1x16xf32> to vector<16xf32>
        %swap3A_883 = vector.shape_cast %mul3A_878 : vector<16xf32> to vector<1x16xf32>
        tpu.vector_store %arg13[%swap3A_879, %swap3A_880], %swap3A_883 {strides = array<i32>} : memref<80x128xf32, #tpu.memory_space<vmem>>, vector<1x16xf32>,
        %get3A_884 = arith.index_cast %add3A_813 : i32 to index
        %get3A_885 = arith.constant 112 : index
        %get3A_886 = tpu.vector_load %arg13[%get3A_884, %get3A_885] {strides = array<i32>} : memref<80x128xf32, #tpu.memory_space<vmem>>, vector<1x16xf32>,
        %get3A_887 = vector.shape_cast %get3A_886 : vector<1x16xf32> to vector<16xf32>
        %mul3A_888 = arith.mulf %get3A_887, %gather3A_809 : vector<16xf32>
        %swap3A_889 = arith.index_cast %add3A_813 : i32 to index
        %swap3A_890 = arith.constant 112 : index
        %swap3A_891 = tpu.vector_load %arg13[%swap3A_889, %swap3A_890] {strides = array<i32>} : memref<80x128xf32, #tpu.memory_space<vmem>>, vector<1x16xf32>,
        %swap3A_892 = vector.shape_cast %swap3A_891 : vector<1x16xf32> to vector<16xf32>
        %swap3A_893 = vector.shape_cast %mul3A_888 : vector<16xf32> to vector<1x16xf32>
        tpu.vector_store %arg13[%swap3A_889, %swap3A_890], %swap3A_893 {strides = array<i32>} : memref<80x128xf32, #tpu.memory_space<vmem>>, vector<1x16xf32>,
        %broadcast_in_dim3A_894 = arith.constant 8 : i32
        %broadcast_in_dim3A_895 = vector.broadcast %broadcast_in_dim3A_894 : i32 to vector<16xi32>
        %lt3A_896 = arith.constant 0 : i32
        %lt3A_897 = vector.broadcast %lt3A_896 : i32 to vector<16xi32>
        %lt3A_898 = arith.cmpi slt, %broadcast_in_dim3A_895, %lt3A_897 : vector<16xi32>
        %add3A_899 = arith.constant 16 : i32
        %add3A_900 = vector.broadcast %add3A_899 : i32 to vector<16xi32>
        %add3A_901 = arith.addi %broadcast_in_dim3A_895, %add3A_900 : vector<16xi32>
        %select_n3A_902 = arith.select %lt3A_898, %add3A_901, %broadcast_in_dim3A_895 : vector<16xi1>, vector<16xi32>
        %broadcast_in_dim3A_903 = vector.shape_cast %select_n3A_902 : vector<16xi32> to vector<16x1xi32>
        %gather3A_904 = vector.shape_cast %broadcast_in_dim3A_903 : vector<16x1xi32> to vector<16xi32>
        %gather3A_905 = tpu.dynamic_gather %get3A_128[%gather3A_904] in [0] : vector<16xf32>, vector<16xi32> -> vector<16xf32>
        %mul3A_906 = arith.constant 16 : i32
        %mul3A_907 = arith.muli %scan3A_123, %mul3A_906 : i32
        %add3A_908 = arith.constant 8 : i32
        %add3A_909 = arith.addi %mul3A_907, %add3A_908 : i32
        %get3A_910 = arith.index_cast %add3A_909 : i32 to index
        %get3A_911 = arith.constant 0 : index
        %get3A_912 = tpu.vector_load %arg13[%get3A_910, %get3A_911] {strides = array<i32>} : memref<80x128xf32, #tpu.memory_space<vmem>>, vector<1x16xf32>,
        %get3A_913 = vector.shape_cast %get3A_912 : vector<1x16xf32> to vector<16xf32>
        %mul3A_914 = arith.mulf %get3A_913, %gather3A_905 : vector<16xf32>
        %swap3A_915 = arith.index_cast %add3A_909 : i32 to index
        %swap3A_916 = arith.constant 0 : index
        %swap3A_917 = tpu.vector_load %arg13[%swap3A_915, %swap3A_916] {strides = array<i32>} : memref<80x128xf32, #tpu.memory_space<vmem>>, vector<1x16xf32>,
        %swap3A_918 = vector.shape_cast %swap3A_917 : vector<1x16xf32> to vector<16xf32>
        %swap3A_919 = vector.shape_cast %mul3A_914 : vector<16xf32> to vector<1x16xf32>
        tpu.vector_store %arg13[%swap3A_915, %swap3A_916], %swap3A_919 {strides = array<i32>} : memref<80x128xf32, #tpu.memory_space<vmem>>, vector<1x16xf32>,
        %get3A_920 = arith.index_cast %add3A_909 : i32 to index
        %get3A_921 = arith.constant 16 : index
        %get3A_922 = tpu.vector_load %arg13[%get3A_920, %get3A_921] {strides = array<i32>} : memref<80x128xf32, #tpu.memory_space<vmem>>, vector<1x16xf32>,
        %get3A_923 = vector.shape_cast %get3A_922 : vector<1x16xf32> to vector<16xf32>
        %mul3A_924 = arith.mulf %get3A_923, %gather3A_905 : vector<16xf32>
        %swap3A_925 = arith.index_cast %add3A_909 : i32 to index
        %swap3A_926 = arith.constant 16 : index
        %swap3A_927 = tpu.vector_load %arg13[%swap3A_925, %swap3A_926] {strides = array<i32>} : memref<80x128xf32, #tpu.memory_space<vmem>>, vector<1x16xf32>,
        %swap3A_928 = vector.shape_cast %swap3A_927 : vector<1x16xf32> to vector<16xf32>
        %swap3A_929 = vector.shape_cast %mul3A_924 : vector<16xf32> to vector<1x16xf32>
        tpu.vector_store %arg13[%swap3A_925, %swap3A_926], %swap3A_929 {strides = array<i32>} : memref<80x128xf32, #tpu.memory_space<vmem>>, vector<1x16xf32>,
        %get3A_930 = arith.index_cast %add3A_909 : i32 to index
        %get3A_931 = arith.constant 32 : index
        %get3A_932 = tpu.vector_load %arg13[%get3A_930, %get3A_931] {strides = array<i32>} : memref<80x128xf32, #tpu.memory_space<vmem>>, vector<1x16xf32>,
        %get3A_933 = vector.shape_cast %get3A_932 : vector<1x16xf32> to vector<16xf32>
        %mul3A_934 = arith.mulf %get3A_933, %gather3A_905 : vector<16xf32>
        %swap3A_935 = arith.index_cast %add3A_909 : i32 to index
        %swap3A_936 = arith.constant 32 : index
        %swap3A_937 = tpu.vector_load %arg13[%swap3A_935, %swap3A_936] {strides = array<i32>} : memref<80x128xf32, #tpu.memory_space<vmem>>, vector<1x16xf32>,
        %swap3A_938 = vector.shape_cast %swap3A_937 : vector<1x16xf32> to vector<16xf32>
        %swap3A_939 = vector.shape_cast %mul3A_934 : vector<16xf32> to vector<1x16xf32>
        tpu.vector_store %arg13[%swap3A_935, %swap3A_936], %swap3A_939 {strides = array<i32>} : memref<80x128xf32, #tpu.memory_space<vmem>>, vector<1x16xf32>,
        %get3A_940 = arith.index_cast %add3A_909 : i32 to index
        %get3A_941 = arith.constant 48 : index
        %get3A_942 = tpu.vector_load %arg13[%get3A_940, %get3A_941] {strides = array<i32>} : memref<80x128xf32, #tpu.memory_space<vmem>>, vector<1x16xf32>,
        %get3A_943 = vector.shape_cast %get3A_942 : vector<1x16xf32> to vector<16xf32>
        %mul3A_944 = arith.mulf %get3A_943, %gather3A_905 : vector<16xf32>
        %swap3A_945 = arith.index_cast %add3A_909 : i32 to index
        %swap3A_946 = arith.constant 48 : index
        %swap3A_947 = tpu.vector_load %arg13[%swap3A_945, %swap3A_946] {strides = array<i32>} : memref<80x128xf32, #tpu.memory_space<vmem>>, vector<1x16xf32>,
        %swap3A_948 = vector.shape_cast %swap3A_947 : vector<1x16xf32> to vector<16xf32>
        %swap3A_949 = vector.shape_cast %mul3A_944 : vector<16xf32> to vector<1x16xf32>
        tpu.vector_store %arg13[%swap3A_945, %swap3A_946], %swap3A_949 {strides = array<i32>} : memref<80x128xf32, #tpu.memory_space<vmem>>, vector<1x16xf32>,
        %get3A_950 = arith.index_cast %add3A_909 : i32 to index
        %get3A_951 = arith.constant 64 : index
        %get3A_952 = tpu.vector_load %arg13[%get3A_950, %get3A_951] {strides = array<i32>} : memref<80x128xf32, #tpu.memory_space<vmem>>, vector<1x16xf32>,
        %get3A_953 = vector.shape_cast %get3A_952 : vector<1x16xf32> to vector<16xf32>
        %mul3A_954 = arith.mulf %get3A_953, %gather3A_905 : vector<16xf32>
        %swap3A_955 = arith.index_cast %add3A_909 : i32 to index
        %swap3A_956 = arith.constant 64 : index
        %swap3A_957 = tpu.vector_load %arg13[%swap3A_955, %swap3A_956] {strides = array<i32>} : memref<80x128xf32, #tpu.memory_space<vmem>>, vector<1x16xf32>,
        %swap3A_958 = vector.shape_cast %swap3A_957 : vector<1x16xf32> to vector<16xf32>
        %swap3A_959 = vector.shape_cast %mul3A_954 : vector<16xf32> to vector<1x16xf32>
        tpu.vector_store %arg13[%swap3A_955, %swap3A_956], %swap3A_959 {strides = array<i32>} : memref<80x128xf32, #tpu.memory_space<vmem>>, vector<1x16xf32>,
        %get3A_960 = arith.index_cast %add3A_909 : i32 to index
        %get3A_961 = arith.constant 80 : index
        %get3A_962 = tpu.vector_load %arg13[%get3A_960, %get3A_961] {strides = array<i32>} : memref<80x128xf32, #tpu.memory_space<vmem>>, vector<1x16xf32>,
        %get3A_963 = vector.shape_cast %get3A_962 : vector<1x16xf32> to vector<16xf32>
        %mul3A_964 = arith.mulf %get3A_963, %gather3A_905 : vector<16xf32>
        %swap3A_965 = arith.index_cast %add3A_909 : i32 to index
        %swap3A_966 = arith.constant 80 : index
        %swap3A_967 = tpu.vector_load %arg13[%swap3A_965, %swap3A_966] {strides = array<i32>} : memref<80x128xf32, #tpu.memory_space<vmem>>, vector<1x16xf32>,
        %swap3A_968 = vector.shape_cast %swap3A_967 : vector<1x16xf32> to vector<16xf32>
        %swap3A_969 = vector.shape_cast %mul3A_964 : vector<16xf32> to vector<1x16xf32>
        tpu.vector_store %arg13[%swap3A_965, %swap3A_966], %swap3A_969 {strides = array<i32>} : memref<80x128xf32, #tpu.memory_space<vmem>>, vector<1x16xf32>,
        %get3A_970 = arith.index_cast %add3A_909 : i32 to index
        %get3A_971 = arith.constant 96 : index
        %get3A_972 = tpu.vector_load %arg13[%get3A_970, %get3A_971] {strides = array<i32>} : memref<80x128xf32, #tpu.memory_space<vmem>>, vector<1x16xf32>,
        %get3A_973 = vector.shape_cast %get3A_972 : vector<1x16xf32> to vector<16xf32>
        %mul3A_974 = arith.mulf %get3A_973, %gather3A_905 : vector<16xf32>
        %swap3A_975 = arith.index_cast %add3A_909 : i32 to index
        %swap3A_976 = arith.constant 96 : index
        %swap3A_977 = tpu.vector_load %arg13[%swap3A_975, %swap3A_976] {strides = array<i32>} : memref<80x128xf32, #tpu.memory_space<vmem>>, vector<1x16xf32>,
        %swap3A_978 = vector.shape_cast %swap3A_977 : vector<1x16xf32> to vector<16xf32>
        %swap3A_979 = vector.shape_cast %mul3A_974 : vector<16xf32> to vector<1x16xf32>
        tpu.vector_store %arg13[%swap3A_975, %swap3A_976], %swap3A_979 {strides = array<i32>} : memref<80x128xf32, #tpu.memory_space<vmem>>, vector<1x16xf32>,
        %get3A_980 = arith.index_cast %add3A_909 : i32 to index
        %get3A_981 = arith.constant 112 : index
        %get3A_982 = tpu.vector_load %arg13[%get3A_980, %get3A_981] {strides = array<i32>} : memref<80x128xf32, #tpu.memory_space<vmem>>, vector<1x16xf32>,
        %get3A_983 = vector.shape_cast %get3A_982 : vector<1x16xf32> to vector<16xf32>
        %mul3A_984 = arith.mulf %get3A_983, %gather3A_905 : vector<16xf32>
        %swap3A_985 = arith.index_cast %add3A_909 : i32 to index
        %swap3A_986 = arith.constant 112 : index
        %swap3A_987 = tpu.vector_load %arg13[%swap3A_985, %swap3A_986] {strides = array<i32>} : memref<80x128xf32, #tpu.memory_space<vmem>>, vector<1x16xf32>,
        %swap3A_988 = vector.shape_cast %swap3A_987 : vector<1x16xf32> to vector<16xf32>
        %swap3A_989 = vector.shape_cast %mul3A_984 : vector<16xf32> to vector<1x16xf32>
        tpu.vector_store %arg13[%swap3A_985, %swap3A_986], %swap3A_989 {strides = array<i32>} : memref<80x128xf32, #tpu.memory_space<vmem>>, vector<1x16xf32>,
        %broadcast_in_dim3A_990 = arith.constant 9 : i32
        %broadcast_in_dim3A_991 = vector.broadcast %broadcast_in_dim3A_990 : i32 to vector<16xi32>
        %lt3A_992 = arith.constant 0 : i32
        %lt3A_993 = vector.broadcast %lt3A_992 : i32 to vector<16xi32>
        %lt3A_994 = arith.cmpi slt, %broadcast_in_dim3A_991, %lt3A_993 : vector<16xi32>
        %add3A_995 = arith.constant 16 : i32
        %add3A_996 = vector.broadcast %add3A_995 : i32 to vector<16xi32>
        %add3A_997 = arith.addi %broadcast_in_dim3A_991, %add3A_996 : vector<16xi32>
        %select_n3A_998 = arith.select %lt3A_994, %add3A_997, %broadcast_in_dim3A_991 : vector<16xi1>, vector<16xi32>
        %broadcast_in_dim3A_999 = vector.shape_cast %select_n3A_998 : vector<16xi32> to vector<16x1xi32>
        %gather3A_1000 = vector.shape_cast %broadcast_in_dim3A_999 : vector<16x1xi32> to vector<16xi32>
        %gather3A_1001 = tpu.dynamic_gather %get3A_128[%gather3A_1000] in [0] : vector<16xf32>, vector<16xi32> -> vector<16xf32>
        %mul3A_1002 = arith.constant 16 : i32
        %mul3A_1003 = arith.muli %scan3A_123, %mul3A_1002 : i32
        %add3A_1004 = arith.constant 9 : i32
        %add3A_1005 = arith.addi %mul3A_1003, %add3A_1004 : i32
        %get3A_1006 = arith.index_cast %add3A_1005 : i32 to index
        %get3A_1007 = arith.constant 0 : index
        %get3A_1008 = tpu.vector_load %arg13[%get3A_1006, %get3A_1007] {strides = array<i32>} : memref<80x128xf32, #tpu.memory_space<vmem>>, vector<1x16xf32>,
        %get3A_1009 = vector.shape_cast %get3A_1008 : vector<1x16xf32> to vector<16xf32>
        %mul3A_1010 = arith.mulf %get3A_1009, %gather3A_1001 : vector<16xf32>
        %swap3A_1011 = arith.index_cast %add3A_1005 : i32 to index
        %swap3A_1012 = arith.constant 0 : index
        %swap3A_1013 = tpu.vector_load %arg13[%swap3A_1011, %swap3A_1012] {strides = array<i32>} : memref<80x128xf32, #tpu.memory_space<vmem>>, vector<1x16xf32>,
        %swap3A_1014 = vector.shape_cast %swap3A_1013 : vector<1x16xf32> to vector<16xf32>
        %swap3A_1015 = vector.shape_cast %mul3A_1010 : vector<16xf32> to vector<1x16xf32>
        tpu.vector_store %arg13[%swap3A_1011, %swap3A_1012], %swap3A_1015 {strides = array<i32>} : memref<80x128xf32, #tpu.memory_space<vmem>>, vector<1x16xf32>,
        %get3A_1016 = arith.index_cast %add3A_1005 : i32 to index
        %get3A_1017 = arith.constant 16 : index
        %get3A_1018 = tpu.vector_load %arg13[%get3A_1016, %get3A_1017] {strides = array<i32>} : memref<80x128xf32, #tpu.memory_space<vmem>>, vector<1x16xf32>,
        %get3A_1019 = vector.shape_cast %get3A_1018 : vector<1x16xf32> to vector<16xf32>
        %mul3A_1020 = arith.mulf %get3A_1019, %gather3A_1001 : vector<16xf32>
        %swap3A_1021 = arith.index_cast %add3A_1005 : i32 to index
        %swap3A_1022 = arith.constant 16 : index
        %swap3A_1023 = tpu.vector_load %arg13[%swap3A_1021, %swap3A_1022] {strides = array<i32>} : memref<80x128xf32, #tpu.memory_space<vmem>>, vector<1x16xf32>,
        %swap3A_1024 = vector.shape_cast %swap3A_1023 : vector<1x16xf32> to vector<16xf32>
        %swap3A_1025 = vector.shape_cast %mul3A_1020 : vector<16xf32> to vector<1x16xf32>
        tpu.vector_store %arg13[%swap3A_1021, %swap3A_1022], %swap3A_1025 {strides = array<i32>} : memref<80x128xf32, #tpu.memory_space<vmem>>, vector<1x16xf32>,
        %get3A_1026 = arith.index_cast %add3A_1005 : i32 to index
        %get3A_1027 = arith.constant 32 : index
        %get3A_1028 = tpu.vector_load %arg13[%get3A_1026, %get3A_1027] {strides = array<i32>} : memref<80x128xf32, #tpu.memory_space<vmem>>, vector<1x16xf32>,
        %get3A_1029 = vector.shape_cast %get3A_1028 : vector<1x16xf32> to vector<16xf32>
        %mul3A_1030 = arith.mulf %get3A_1029, %gather3A_1001 : vector<16xf32>
        %swap3A_1031 = arith.index_cast %add3A_1005 : i32 to index
        %swap3A_1032 = arith.constant 32 : index
        %swap3A_1033 = tpu.vector_load %arg13[%swap3A_1031, %swap3A_1032] {strides = array<i32>} : memref<80x128xf32, #tpu.memory_space<vmem>>, vector<1x16xf32>,
        %swap3A_1034 = vector.shape_cast %swap3A_1033 : vector<1x16xf32> to vector<16xf32>
        %swap3A_1035 = vector.shape_cast %mul3A_1030 : vector<16xf32> to vector<1x16xf32>
        tpu.vector_store %arg13[%swap3A_1031, %swap3A_1032], %swap3A_1035 {strides = array<i32>} : memref<80x128xf32, #tpu.memory_space<vmem>>, vector<1x16xf32>,
        %get3A_1036 = arith.index_cast %add3A_1005 : i32 to index
        %get3A_1037 = arith.constant 48 : index
        %get3A_1038 = tpu.vector_load %arg13[%get3A_1036, %get3A_1037] {strides = array<i32>} : memref<80x128xf32, #tpu.memory_space<vmem>>, vector<1x16xf32>,
        %get3A_1039 = vector.shape_cast %get3A_1038 : vector<1x16xf32> to vector<16xf32>
        %mul3A_1040 = arith.mulf %get3A_1039, %gather3A_1001 : vector<16xf32>
        %swap3A_1041 = arith.index_cast %add3A_1005 : i32 to index
        %swap3A_1042 = arith.constant 48 : index
        %swap3A_1043 = tpu.vector_load %arg13[%swap3A_1041, %swap3A_1042] {strides = array<i32>} : memref<80x128xf32, #tpu.memory_space<vmem>>, vector<1x16xf32>,
        %swap3A_1044 = vector.shape_cast %swap3A_1043 : vector<1x16xf32> to vector<16xf32>
        %swap3A_1045 = vector.shape_cast %mul3A_1040 : vector<16xf32> to vector<1x16xf32>
        tpu.vector_store %arg13[%swap3A_1041, %swap3A_1042], %swap3A_1045 {strides = array<i32>} : memref<80x128xf32, #tpu.memory_space<vmem>>, vector<1x16xf32>,
        %get3A_1046 = arith.index_cast %add3A_1005 : i32 to index
        %get3A_1047 = arith.constant 64 : index
        %get3A_1048 = tpu.vector_load %arg13[%get3A_1046, %get3A_1047] {strides = array<i32>} : memref<80x128xf32, #tpu.memory_space<vmem>>, vector<1x16xf32>,
        %get3A_1049 = vector.shape_cast %get3A_1048 : vector<1x16xf32> to vector<16xf32>
        %mul3A_1050 = arith.mulf %get3A_1049, %gather3A_1001 : vector<16xf32>
        %swap3A_1051 = arith.index_cast %add3A_1005 : i32 to index
        %swap3A_1052 = arith.constant 64 : index
        %swap3A_1053 = tpu.vector_load %arg13[%swap3A_1051, %swap3A_1052] {strides = array<i32>} : memref<80x128xf32, #tpu.memory_space<vmem>>, vector<1x16xf32>,
        %swap3A_1054 = vector.shape_cast %swap3A_1053 : vector<1x16xf32> to vector<16xf32>
        %swap3A_1055 = vector.shape_cast %mul3A_1050 : vector<16xf32> to vector<1x16xf32>
        tpu.vector_store %arg13[%swap3A_1051, %swap3A_1052], %swap3A_1055 {strides = array<i32>} : memref<80x128xf32, #tpu.memory_space<vmem>>, vector<1x16xf32>,
        %get3A_1056 = arith.index_cast %add3A_1005 : i32 to index
        %get3A_1057 = arith.constant 80 : index
        %get3A_1058 = tpu.vector_load %arg13[%get3A_1056, %get3A_1057] {strides = array<i32>} : memref<80x128xf32, #tpu.memory_space<vmem>>, vector<1x16xf32>,
        %get3A_1059 = vector.shape_cast %get3A_1058 : vector<1x16xf32> to vector<16xf32>
        %mul3A_1060 = arith.mulf %get3A_1059, %gather3A_1001 : vector<16xf32>
        %swap3A_1061 = arith.index_cast %add3A_1005 : i32 to index
        %swap3A_1062 = arith.constant 80 : index
        %swap3A_1063 = tpu.vector_load %arg13[%swap3A_1061, %swap3A_1062] {strides = array<i32>} : memref<80x128xf32, #tpu.memory_space<vmem>>, vector<1x16xf32>,
        %swap3A_1064 = vector.shape_cast %swap3A_1063 : vector<1x16xf32> to vector<16xf32>
        %swap3A_1065 = vector.shape_cast %mul3A_1060 : vector<16xf32> to vector<1x16xf32>
        tpu.vector_store %arg13[%swap3A_1061, %swap3A_1062], %swap3A_1065 {strides = array<i32>} : memref<80x128xf32, #tpu.memory_space<vmem>>, vector<1x16xf32>,
        %get3A_1066 = arith.index_cast %add3A_1005 : i32 to index
        %get3A_1067 = arith.constant 96 : index
        %get3A_1068 = tpu.vector_load %arg13[%get3A_1066, %get3A_1067] {strides = array<i32>} : memref<80x128xf32, #tpu.memory_space<vmem>>, vector<1x16xf32>,
        %get3A_1069 = vector.shape_cast %get3A_1068 : vector<1x16xf32> to vector<16xf32>
        %mul3A_1070 = arith.mulf %get3A_1069, %gather3A_1001 : vector<16xf32>
        %swap3A_1071 = arith.index_cast %add3A_1005 : i32 to index
        %swap3A_1072 = arith.constant 96 : index
        %swap3A_1073 = tpu.vector_load %arg13[%swap3A_1071, %swap3A_1072] {strides = array<i32>} : memref<80x128xf32, #tpu.memory_space<vmem>>, vector<1x16xf32>,
        %swap3A_1074 = vector.shape_cast %swap3A_1073 : vector<1x16xf32> to vector<16xf32>
        %swap3A_1075 = vector.shape_cast %mul3A_1070 : vector<16xf32> to vector<1x16xf32>
        tpu.vector_store %arg13[%swap3A_1071, %swap3A_1072], %swap3A_1075 {strides = array<i32>} : memref<80x128xf32, #tpu.memory_space<vmem>>, vector<1x16xf32>,
        %get3A_1076 = arith.index_cast %add3A_1005 : i32 to index
        %get3A_1077 = arith.constant 112 : index
        %get3A_1078 = tpu.vector_load %arg13[%get3A_1076, %get3A_1077] {strides = array<i32>} : memref<80x128xf32, #tpu.memory_space<vmem>>, vector<1x16xf32>,
        %get3A_1079 = vector.shape_cast %get3A_1078 : vector<1x16xf32> to vector<16xf32>
        %mul3A_1080 = arith.mulf %get3A_1079, %gather3A_1001 : vector<16xf32>
        %swap3A_1081 = arith.index_cast %add3A_1005 : i32 to index
        %swap3A_1082 = arith.constant 112 : index
        %swap3A_1083 = tpu.vector_load %arg13[%swap3A_1081, %swap3A_1082] {strides = array<i32>} : memref<80x128xf32, #tpu.memory_space<vmem>>, vector<1x16xf32>,
        %swap3A_1084 = vector.shape_cast %swap3A_1083 : vector<1x16xf32> to vector<16xf32>
        %swap3A_1085 = vector.shape_cast %mul3A_1080 : vector<16xf32> to vector<1x16xf32>
        tpu.vector_store %arg13[%swap3A_1081, %swap3A_1082], %swap3A_1085 {strides = array<i32>} : memref<80x128xf32, #tpu.memory_space<vmem>>, vector<1x16xf32>,
        %broadcast_in_dim3A_1086 = arith.constant 10 : i32
        %broadcast_in_dim3A_1087 = vector.broadcast %broadcast_in_dim3A_1086 : i32 to vector<16xi32>
        %lt3A_1088 = arith.constant 0 : i32
        %lt3A_1089 = vector.broadcast %lt3A_1088 : i32 to vector<16xi32>
        %lt3A_1090 = arith.cmpi slt, %broadcast_in_dim3A_1087, %lt3A_1089 : vector<16xi32>
        %add3A_1091 = arith.constant 16 : i32
        %add3A_1092 = vector.broadcast %add3A_1091 : i32 to vector<16xi32>
        %add3A_1093 = arith.addi %broadcast_in_dim3A_1087, %add3A_1092 : vector<16xi32>
        %select_n3A_1094 = arith.select %lt3A_1090, %add3A_1093, %broadcast_in_dim3A_1087 : vector<16xi1>, vector<16xi32>
        %broadcast_in_dim3A_1095 = vector.shape_cast %select_n3A_1094 : vector<16xi32> to vector<16x1xi32>
        %gather3A_1096 = vector.shape_cast %broadcast_in_dim3A_1095 : vector<16x1xi32> to vector<16xi32>
        %gather3A_1097 = tpu.dynamic_gather %get3A_128[%gather3A_1096] in [0] : vector<16xf32>, vector<16xi32> -> vector<16xf32>
        %mul3A_1098 = arith.constant 16 : i32
        %mul3A_1099 = arith.muli %scan3A_123, %mul3A_1098 : i32
        %add3A_1100 = arith.constant 10 : i32
        %add3A_1101 = arith.addi %mul3A_1099, %add3A_1100 : i32
        %get3A_1102 = arith.index_cast %add3A_1101 : i32 to index
        %get3A_1103 = arith.constant 0 : index
        %get3A_1104 = tpu.vector_load %arg13[%get3A_1102, %get3A_1103] {strides = array<i32>} : memref<80x128xf32, #tpu.memory_space<vmem>>, vector<1x16xf32>,
        %get3A_1105 = vector.shape_cast %get3A_1104 : vector<1x16xf32> to vector<16xf32>
        %mul3A_1106 = arith.mulf %get3A_1105, %gather3A_1097 : vector<16xf32>
        %swap3A_1107 = arith.index_cast %add3A_1101 : i32 to index
        %swap3A_1108 = arith.constant 0 : index
        %swap3A_1109 = tpu.vector_load %arg13[%swap3A_1107, %swap3A_1108] {strides = array<i32>} : memref<80x128xf32, #tpu.memory_space<vmem>>, vector<1x16xf32>,
        %swap3A_1110 = vector.shape_cast %swap3A_1109 : vector<1x16xf32> to vector<16xf32>
        %swap3A_1111 = vector.shape_cast %mul3A_1106 : vector<16xf32> to vector<1x16xf32>
        tpu.vector_store %arg13[%swap3A_1107, %swap3A_1108], %swap3A_1111 {strides = array<i32>} : memref<80x128xf32, #tpu.memory_space<vmem>>, vector<1x16xf32>,
        %get3A_1112 = arith.index_cast %add3A_1101 : i32 to index
        %get3A_1113 = arith.constant 16 : index
        %get3A_1114 = tpu.vector_load %arg13[%get3A_1112, %get3A_1113] {strides = array<i32>} : memref<80x128xf32, #tpu.memory_space<vmem>>, vector<1x16xf32>,
        %get3A_1115 = vector.shape_cast %get3A_1114 : vector<1x16xf32> to vector<16xf32>
        %mul3A_1116 = arith.mulf %get3A_1115, %gather3A_1097 : vector<16xf32>
        %swap3A_1117 = arith.index_cast %add3A_1101 : i32 to index
        %swap3A_1118 = arith.constant 16 : index
        %swap3A_1119 = tpu.vector_load %arg13[%swap3A_1117, %swap3A_1118] {strides = array<i32>} : memref<80x128xf32, #tpu.memory_space<vmem>>, vector<1x16xf32>,
        %swap3A_1120 = vector.shape_cast %swap3A_1119 : vector<1x16xf32> to vector<16xf32>
        %swap3A_1121 = vector.shape_cast %mul3A_1116 : vector<16xf32> to vector<1x16xf32>
        tpu.vector_store %arg13[%swap3A_1117, %swap3A_1118], %swap3A_1121 {strides = array<i32>} : memref<80x128xf32, #tpu.memory_space<vmem>>, vector<1x16xf32>,
        %get3A_1122 = arith.index_cast %add3A_1101 : i32 to index
        %get3A_1123 = arith.constant 32 : index
        %get3A_1124 = tpu.vector_load %arg13[%get3A_1122, %get3A_1123] {strides = array<i32>} : memref<80x128xf32, #tpu.memory_space<vmem>>, vector<1x16xf32>,
        %get3A_1125 = vector.shape_cast %get3A_1124 : vector<1x16xf32> to vector<16xf32>
        %mul3A_1126 = arith.mulf %get3A_1125, %gather3A_1097 : vector<16xf32>
        %swap3A_1127 = arith.index_cast %add3A_1101 : i32 to index
        %swap3A_1128 = arith.constant 32 : index
        %swap3A_1129 = tpu.vector_load %arg13[%swap3A_1127, %swap3A_1128] {strides = array<i32>} : memref<80x128xf32, #tpu.memory_space<vmem>>, vector<1x16xf32>,
        %swap3A_1130 = vector.shape_cast %swap3A_1129 : vector<1x16xf32> to vector<16xf32>
        %swap3A_1131 = vector.shape_cast %mul3A_1126 : vector<16xf32> to vector<1x16xf32>
        tpu.vector_store %arg13[%swap3A_1127, %swap3A_1128], %swap3A_1131 {strides = array<i32>} : memref<80x128xf32, #tpu.memory_space<vmem>>, vector<1x16xf32>,
        %get3A_1132 = arith.index_cast %add3A_1101 : i32 to index
        %get3A_1133 = arith.constant 48 : index
        %get3A_1134 = tpu.vector_load %arg13[%get3A_1132, %get3A_1133] {strides = array<i32>} : memref<80x128xf32, #tpu.memory_space<vmem>>, vector<1x16xf32>,
        %get3A_1135 = vector.shape_cast %get3A_1134 : vector<1x16xf32> to vector<16xf32>
        %mul3A_1136 = arith.mulf %get3A_1135, %gather3A_1097 : vector<16xf32>
        %swap3A_1137 = arith.index_cast %add3A_1101 : i32 to index
        %swap3A_1138 = arith.constant 48 : index
        %swap3A_1139 = tpu.vector_load %arg13[%swap3A_1137, %swap3A_1138] {strides = array<i32>} : memref<80x128xf32, #tpu.memory_space<vmem>>, vector<1x16xf32>,
        %swap3A_1140 = vector.shape_cast %swap3A_1139 : vector<1x16xf32> to vector<16xf32>
        %swap3A_1141 = vector.shape_cast %mul3A_1136 : vector<16xf32> to vector<1x16xf32>
        tpu.vector_store %arg13[%swap3A_1137, %swap3A_1138], %swap3A_1141 {strides = array<i32>} : memref<80x128xf32, #tpu.memory_space<vmem>>, vector<1x16xf32>,
        %get3A_1142 = arith.index_cast %add3A_1101 : i32 to index
        %get3A_1143 = arith.constant 64 : index
        %get3A_1144 = tpu.vector_load %arg13[%get3A_1142, %get3A_1143] {strides = array<i32>} : memref<80x128xf32, #tpu.memory_space<vmem>>, vector<1x16xf32>,
        %get3A_1145 = vector.shape_cast %get3A_1144 : vector<1x16xf32> to vector<16xf32>
        %mul3A_1146 = arith.mulf %get3A_1145, %gather3A_1097 : vector<16xf32>
        %swap3A_1147 = arith.index_cast %add3A_1101 : i32 to index
        %swap3A_1148 = arith.constant 64 : index
        %swap3A_1149 = tpu.vector_load %arg13[%swap3A_1147, %swap3A_1148] {strides = array<i32>} : memref<80x128xf32, #tpu.memory_space<vmem>>, vector<1x16xf32>,
        %swap3A_1150 = vector.shape_cast %swap3A_1149 : vector<1x16xf32> to vector<16xf32>
        %swap3A_1151 = vector.shape_cast %mul3A_1146 : vector<16xf32> to vector<1x16xf32>
        tpu.vector_store %arg13[%swap3A_1147, %swap3A_1148], %swap3A_1151 {strides = array<i32>} : memref<80x128xf32, #tpu.memory_space<vmem>>, vector<1x16xf32>,
        %get3A_1152 = arith.index_cast %add3A_1101 : i32 to index
        %get3A_1153 = arith.constant 80 : index
        %get3A_1154 = tpu.vector_load %arg13[%get3A_1152, %get3A_1153] {strides = array<i32>} : memref<80x128xf32, #tpu.memory_space<vmem>>, vector<1x16xf32>,
        %get3A_1155 = vector.shape_cast %get3A_1154 : vector<1x16xf32> to vector<16xf32>
        %mul3A_1156 = arith.mulf %get3A_1155, %gather3A_1097 : vector<16xf32>
        %swap3A_1157 = arith.index_cast %add3A_1101 : i32 to index
        %swap3A_1158 = arith.constant 80 : index
        %swap3A_1159 = tpu.vector_load %arg13[%swap3A_1157, %swap3A_1158] {strides = array<i32>} : memref<80x128xf32, #tpu.memory_space<vmem>>, vector<1x16xf32>,
        %swap3A_1160 = vector.shape_cast %swap3A_1159 : vector<1x16xf32> to vector<16xf32>
        %swap3A_1161 = vector.shape_cast %mul3A_1156 : vector<16xf32> to vector<1x16xf32>
        tpu.vector_store %arg13[%swap3A_1157, %swap3A_1158], %swap3A_1161 {strides = array<i32>} : memref<80x128xf32, #tpu.memory_space<vmem>>, vector<1x16xf32>,
        %get3A_1162 = arith.index_cast %add3A_1101 : i32 to index
        %get3A_1163 = arith.constant 96 : index
        %get3A_1164 = tpu.vector_load %arg13[%get3A_1162, %get3A_1163] {strides = array<i32>} : memref<80x128xf32, #tpu.memory_space<vmem>>, vector<1x16xf32>,
        %get3A_1165 = vector.shape_cast %get3A_1164 : vector<1x16xf32> to vector<16xf32>
        %mul3A_1166 = arith.mulf %get3A_1165, %gather3A_1097 : vector<16xf32>
        %swap3A_1167 = arith.index_cast %add3A_1101 : i32 to index
        %swap3A_1168 = arith.constant 96 : index
        %swap3A_1169 = tpu.vector_load %arg13[%swap3A_1167, %swap3A_1168] {strides = array<i32>} : memref<80x128xf32, #tpu.memory_space<vmem>>, vector<1x16xf32>,
        %swap3A_1170 = vector.shape_cast %swap3A_1169 : vector<1x16xf32> to vector<16xf32>
        %swap3A_1171 = vector.shape_cast %mul3A_1166 : vector<16xf32> to vector<1x16xf32>
        tpu.vector_store %arg13[%swap3A_1167, %swap3A_1168], %swap3A_1171 {strides = array<i32>} : memref<80x128xf32, #tpu.memory_space<vmem>>, vector<1x16xf32>,
        %get3A_1172 = arith.index_cast %add3A_1101 : i32 to index
        %get3A_1173 = arith.constant 112 : index
        %get3A_1174 = tpu.vector_load %arg13[%get3A_1172, %get3A_1173] {strides = array<i32>} : memref<80x128xf32, #tpu.memory_space<vmem>>, vector<1x16xf32>,
        %get3A_1175 = vector.shape_cast %get3A_1174 : vector<1x16xf32> to vector<16xf32>
        %mul3A_1176 = arith.mulf %get3A_1175, %gather3A_1097 : vector<16xf32>
        %swap3A_1177 = arith.index_cast %add3A_1101 : i32 to index
        %swap3A_1178 = arith.constant 112 : index
        %swap3A_1179 = tpu.vector_load %arg13[%swap3A_1177, %swap3A_1178] {strides = array<i32>} : memref<80x128xf32, #tpu.memory_space<vmem>>, vector<1x16xf32>,
        %swap3A_1180 = vector.shape_cast %swap3A_1179 : vector<1x16xf32> to vector<16xf32>
        %swap3A_1181 = vector.shape_cast %mul3A_1176 : vector<16xf32> to vector<1x16xf32>
        tpu.vector_store %arg13[%swap3A_1177, %swap3A_1178], %swap3A_1181 {strides = array<i32>} : memref<80x128xf32, #tpu.memory_space<vmem>>, vector<1x16xf32>,
        %broadcast_in_dim3A_1182 = arith.constant 11 : i32
        %broadcast_in_dim3A_1183 = vector.broadcast %broadcast_in_dim3A_1182 : i32 to vector<16xi32>
        %lt3A_1184 = arith.constant 0 : i32
        %lt3A_1185 = vector.broadcast %lt3A_1184 : i32 to vector<16xi32>
        %lt3A_1186 = arith.cmpi slt, %broadcast_in_dim3A_1183, %lt3A_1185 : vector<16xi32>
        %add3A_1187 = arith.constant 16 : i32
        %add3A_1188 = vector.broadcast %add3A_1187 : i32 to vector<16xi32>
        %add3A_1189 = arith.addi %broadcast_in_dim3A_1183, %add3A_1188 : vector<16xi32>
        %select_n3A_1190 = arith.select %lt3A_1186, %add3A_1189, %broadcast_in_dim3A_1183 : vector<16xi1>, vector<16xi32>
        %broadcast_in_dim3A_1191 = vector.shape_cast %select_n3A_1190 : vector<16xi32> to vector<16x1xi32>
        %gather3A_1192 = vector.shape_cast %broadcast_in_dim3A_1191 : vector<16x1xi32> to vector<16xi32>
        %gather3A_1193 = tpu.dynamic_gather %get3A_128[%gather3A_1192] in [0] : vector<16xf32>, vector<16xi32> -> vector<16xf32>
        %mul3A_1194 = arith.constant 16 : i32
        %mul3A_1195 = arith.muli %scan3A_123, %mul3A_1194 : i32
        %add3A_1196 = arith.constant 11 : i32
        %add3A_1197 = arith.addi %mul3A_1195, %add3A_1196 : i32
        %get3A_1198 = arith.index_cast %add3A_1197 : i32 to index
        %get3A_1199 = arith.constant 0 : index
        %get3A_1200 = tpu.vector_load %arg13[%get3A_1198, %get3A_1199] {strides = array<i32>} : memref<80x128xf32, #tpu.memory_space<vmem>>, vector<1x16xf32>,
        %get3A_1201 = vector.shape_cast %get3A_1200 : vector<1x16xf32> to vector<16xf32>
        %mul3A_1202 = arith.mulf %get3A_1201, %gather3A_1193 : vector<16xf32>
        %swap3A_1203 = arith.index_cast %add3A_1197 : i32 to index
        %swap3A_1204 = arith.constant 0 : index
        %swap3A_1205 = tpu.vector_load %arg13[%swap3A_1203, %swap3A_1204] {strides = array<i32>} : memref<80x128xf32, #tpu.memory_space<vmem>>, vector<1x16xf32>,
        %swap3A_1206 = vector.shape_cast %swap3A_1205 : vector<1x16xf32> to vector<16xf32>
        %swap3A_1207 = vector.shape_cast %mul3A_1202 : vector<16xf32> to vector<1x16xf32>
        tpu.vector_store %arg13[%swap3A_1203, %swap3A_1204], %swap3A_1207 {strides = array<i32>} : memref<80x128xf32, #tpu.memory_space<vmem>>, vector<1x16xf32>,
        %get3A_1208 = arith.index_cast %add3A_1197 : i32 to index
        %get3A_1209 = arith.constant 16 : index
        %get3A_1210 = tpu.vector_load %arg13[%get3A_1208, %get3A_1209] {strides = array<i32>} : memref<80x128xf32, #tpu.memory_space<vmem>>, vector<1x16xf32>,
        %get3A_1211 = vector.shape_cast %get3A_1210 : vector<1x16xf32> to vector<16xf32>
        %mul3A_1212 = arith.mulf %get3A_1211, %gather3A_1193 : vector<16xf32>
        %swap3A_1213 = arith.index_cast %add3A_1197 : i32 to index
        %swap3A_1214 = arith.constant 16 : index
        %swap3A_1215 = tpu.vector_load %arg13[%swap3A_1213, %swap3A_1214] {strides = array<i32>} : memref<80x128xf32, #tpu.memory_space<vmem>>, vector<1x16xf32>,
        %swap3A_1216 = vector.shape_cast %swap3A_1215 : vector<1x16xf32> to vector<16xf32>
        %swap3A_1217 = vector.shape_cast %mul3A_1212 : vector<16xf32> to vector<1x16xf32>
        tpu.vector_store %arg13[%swap3A_1213, %swap3A_1214], %swap3A_1217 {strides = array<i32>} : memref<80x128xf32, #tpu.memory_space<vmem>>, vector<1x16xf32>,
        %get3A_1218 = arith.index_cast %add3A_1197 : i32 to index
        %get3A_1219 = arith.constant 32 : index
        %get3A_1220 = tpu.vector_load %arg13[%get3A_1218, %get3A_1219] {strides = array<i32>} : memref<80x128xf32, #tpu.memory_space<vmem>>, vector<1x16xf32>,
        %get3A_1221 = vector.shape_cast %get3A_1220 : vector<1x16xf32> to vector<16xf32>
        %mul3A_1222 = arith.mulf %get3A_1221, %gather3A_1193 : vector<16xf32>
        %swap3A_1223 = arith.index_cast %add3A_1197 : i32 to index
        %swap3A_1224 = arith.constant 32 : index
        %swap3A_1225 = tpu.vector_load %arg13[%swap3A_1223, %swap3A_1224] {strides = array<i32>} : memref<80x128xf32, #tpu.memory_space<vmem>>, vector<1x16xf32>,
        %swap3A_1226 = vector.shape_cast %swap3A_1225 : vector<1x16xf32> to vector<16xf32>
        %swap3A_1227 = vector.shape_cast %mul3A_1222 : vector<16xf32> to vector<1x16xf32>
        tpu.vector_store %arg13[%swap3A_1223, %swap3A_1224], %swap3A_1227 {strides = array<i32>} : memref<80x128xf32, #tpu.memory_space<vmem>>, vector<1x16xf32>,
        %get3A_1228 = arith.index_cast %add3A_1197 : i32 to index
        %get3A_1229 = arith.constant 48 : index
        %get3A_1230 = tpu.vector_load %arg13[%get3A_1228, %get3A_1229] {strides = array<i32>} : memref<80x128xf32, #tpu.memory_space<vmem>>, vector<1x16xf32>,
        %get3A_1231 = vector.shape_cast %get3A_1230 : vector<1x16xf32> to vector<16xf32>
        %mul3A_1232 = arith.mulf %get3A_1231, %gather3A_1193 : vector<16xf32>
        %swap3A_1233 = arith.index_cast %add3A_1197 : i32 to index
        %swap3A_1234 = arith.constant 48 : index
        %swap3A_1235 = tpu.vector_load %arg13[%swap3A_1233, %swap3A_1234] {strides = array<i32>} : memref<80x128xf32, #tpu.memory_space<vmem>>, vector<1x16xf32>,
        %swap3A_1236 = vector.shape_cast %swap3A_1235 : vector<1x16xf32> to vector<16xf32>
        %swap3A_1237 = vector.shape_cast %mul3A_1232 : vector<16xf32> to vector<1x16xf32>
        tpu.vector_store %arg13[%swap3A_1233, %swap3A_1234], %swap3A_1237 {strides = array<i32>} : memref<80x128xf32, #tpu.memory_space<vmem>>, vector<1x16xf32>,
        %get3A_1238 = arith.index_cast %add3A_1197 : i32 to index
        %get3A_1239 = arith.constant 64 : index
        %get3A_1240 = tpu.vector_load %arg13[%get3A_1238, %get3A_1239] {strides = array<i32>} : memref<80x128xf32, #tpu.memory_space<vmem>>, vector<1x16xf32>,
        %get3A_1241 = vector.shape_cast %get3A_1240 : vector<1x16xf32> to vector<16xf32>
        %mul3A_1242 = arith.mulf %get3A_1241, %gather3A_1193 : vector<16xf32>
        %swap3A_1243 = arith.index_cast %add3A_1197 : i32 to index
        %swap3A_1244 = arith.constant 64 : index
        %swap3A_1245 = tpu.vector_load %arg13[%swap3A_1243, %swap3A_1244] {strides = array<i32>} : memref<80x128xf32, #tpu.memory_space<vmem>>, vector<1x16xf32>,
        %swap3A_1246 = vector.shape_cast %swap3A_1245 : vector<1x16xf32> to vector<16xf32>
        %swap3A_1247 = vector.shape_cast %mul3A_1242 : vector<16xf32> to vector<1x16xf32>
        tpu.vector_store %arg13[%swap3A_1243, %swap3A_1244], %swap3A_1247 {strides = array<i32>} : memref<80x128xf32, #tpu.memory_space<vmem>>, vector<1x16xf32>,
        %get3A_1248 = arith.index_cast %add3A_1197 : i32 to index
        %get3A_1249 = arith.constant 80 : index
        %get3A_1250 = tpu.vector_load %arg13[%get3A_1248, %get3A_1249] {strides = array<i32>} : memref<80x128xf32, #tpu.memory_space<vmem>>, vector<1x16xf32>,
        %get3A_1251 = vector.shape_cast %get3A_1250 : vector<1x16xf32> to vector<16xf32>
        %mul3A_1252 = arith.mulf %get3A_1251, %gather3A_1193 : vector<16xf32>
        %swap3A_1253 = arith.index_cast %add3A_1197 : i32 to index
        %swap3A_1254 = arith.constant 80 : index
        %swap3A_1255 = tpu.vector_load %arg13[%swap3A_1253, %swap3A_1254] {strides = array<i32>} : memref<80x128xf32, #tpu.memory_space<vmem>>, vector<1x16xf32>,
        %swap3A_1256 = vector.shape_cast %swap3A_1255 : vector<1x16xf32> to vector<16xf32>
        %swap3A_1257 = vector.shape_cast %mul3A_1252 : vector<16xf32> to vector<1x16xf32>
        tpu.vector_store %arg13[%swap3A_1253, %swap3A_1254], %swap3A_1257 {strides = array<i32>} : memref<80x128xf32, #tpu.memory_space<vmem>>, vector<1x16xf32>,
        %get3A_1258 = arith.index_cast %add3A_1197 : i32 to index
        %get3A_1259 = arith.constant 96 : index
        %get3A_1260 = tpu.vector_load %arg13[%get3A_1258, %get3A_1259] {strides = array<i32>} : memref<80x128xf32, #tpu.memory_space<vmem>>, vector<1x16xf32>,
        %get3A_1261 = vector.shape_cast %get3A_1260 : vector<1x16xf32> to vector<16xf32>
        %mul3A_1262 = arith.mulf %get3A_1261, %gather3A_1193 : vector<16xf32>
        %swap3A_1263 = arith.index_cast %add3A_1197 : i32 to index
        %swap3A_1264 = arith.constant 96 : index
        %swap3A_1265 = tpu.vector_load %arg13[%swap3A_1263, %swap3A_1264] {strides = array<i32>} : memref<80x128xf32, #tpu.memory_space<vmem>>, vector<1x16xf32>,
        %swap3A_1266 = vector.shape_cast %swap3A_1265 : vector<1x16xf32> to vector<16xf32>
        %swap3A_1267 = vector.shape_cast %mul3A_1262 : vector<16xf32> to vector<1x16xf32>
        tpu.vector_store %arg13[%swap3A_1263, %swap3A_1264], %swap3A_1267 {strides = array<i32>} : memref<80x128xf32, #tpu.memory_space<vmem>>, vector<1x16xf32>,
        %get3A_1268 = arith.index_cast %add3A_1197 : i32 to index
        %get3A_1269 = arith.constant 112 : index
        %get3A_1270 = tpu.vector_load %arg13[%get3A_1268, %get3A_1269] {strides = array<i32>} : memref<80x128xf32, #tpu.memory_space<vmem>>, vector<1x16xf32>,
        %get3A_1271 = vector.shape_cast %get3A_1270 : vector<1x16xf32> to vector<16xf32>
        %mul3A_1272 = arith.mulf %get3A_1271, %gather3A_1193 : vector<16xf32>
        %swap3A_1273 = arith.index_cast %add3A_1197 : i32 to index
        %swap3A_1274 = arith.constant 112 : index
        %swap3A_1275 = tpu.vector_load %arg13[%swap3A_1273, %swap3A_1274] {strides = array<i32>} : memref<80x128xf32, #tpu.memory_space<vmem>>, vector<1x16xf32>,
        %swap3A_1276 = vector.shape_cast %swap3A_1275 : vector<1x16xf32> to vector<16xf32>
        %swap3A_1277 = vector.shape_cast %mul3A_1272 : vector<16xf32> to vector<1x16xf32>
        tpu.vector_store %arg13[%swap3A_1273, %swap3A_1274], %swap3A_1277 {strides = array<i32>} : memref<80x128xf32, #tpu.memory_space<vmem>>, vector<1x16xf32>,
        %broadcast_in_dim3A_1278 = arith.constant 12 : i32
        %broadcast_in_dim3A_1279 = vector.broadcast %broadcast_in_dim3A_1278 : i32 to vector<16xi32>
        %lt3A_1280 = arith.constant 0 : i32
        %lt3A_1281 = vector.broadcast %lt3A_1280 : i32 to vector<16xi32>
        %lt3A_1282 = arith.cmpi slt, %broadcast_in_dim3A_1279, %lt3A_1281 : vector<16xi32>
        %add3A_1283 = arith.constant 16 : i32
        %add3A_1284 = vector.broadcast %add3A_1283 : i32 to vector<16xi32>
        %add3A_1285 = arith.addi %broadcast_in_dim3A_1279, %add3A_1284 : vector<16xi32>
        %select_n3A_1286 = arith.select %lt3A_1282, %add3A_1285, %broadcast_in_dim3A_1279 : vector<16xi1>, vector<16xi32>
        %broadcast_in_dim3A_1287 = vector.shape_cast %select_n3A_1286 : vector<16xi32> to vector<16x1xi32>
        %gather3A_1288 = vector.shape_cast %broadcast_in_dim3A_1287 : vector<16x1xi32> to vector<16xi32>
        %gather3A_1289 = tpu.dynamic_gather %get3A_128[%gather3A_1288] in [0] : vector<16xf32>, vector<16xi32> -> vector<16xf32>
        %mul3A_1290 = arith.constant 16 : i32
        %mul3A_1291 = arith.muli %scan3A_123, %mul3A_1290 : i32
        %add3A_1292 = arith.constant 12 : i32
        %add3A_1293 = arith.addi %mul3A_1291, %add3A_1292 : i32
        %get3A_1294 = arith.index_cast %add3A_1293 : i32 to index
        %get3A_1295 = arith.constant 0 : index
        %get3A_1296 = tpu.vector_load %arg13[%get3A_1294, %get3A_1295] {strides = array<i32>} : memref<80x128xf32, #tpu.memory_space<vmem>>, vector<1x16xf32>,
        %get3A_1297 = vector.shape_cast %get3A_1296 : vector<1x16xf32> to vector<16xf32>
        %mul3A_1298 = arith.mulf %get3A_1297, %gather3A_1289 : vector<16xf32>
        %swap3A_1299 = arith.index_cast %add3A_1293 : i32 to index
        %swap3A_1300 = arith.constant 0 : index
        %swap3A_1301 = tpu.vector_load %arg13[%swap3A_1299, %swap3A_1300] {strides = array<i32>} : memref<80x128xf32, #tpu.memory_space<vmem>>, vector<1x16xf32>,
        %swap3A_1302 = vector.shape_cast %swap3A_1301 : vector<1x16xf32> to vector<16xf32>
        %swap3A_1303 = vector.shape_cast %mul3A_1298 : vector<16xf32> to vector<1x16xf32>
        tpu.vector_store %arg13[%swap3A_1299, %swap3A_1300], %swap3A_1303 {strides = array<i32>} : memref<80x128xf32, #tpu.memory_space<vmem>>, vector<1x16xf32>,
        %get3A_1304 = arith.index_cast %add3A_1293 : i32 to index
        %get3A_1305 = arith.constant 16 : index
        %get3A_1306 = tpu.vector_load %arg13[%get3A_1304, %get3A_1305] {strides = array<i32>} : memref<80x128xf32, #tpu.memory_space<vmem>>, vector<1x16xf32>,
        %get3A_1307 = vector.shape_cast %get3A_1306 : vector<1x16xf32> to vector<16xf32>
        %mul3A_1308 = arith.mulf %get3A_1307, %gather3A_1289 : vector<16xf32>
        %swap3A_1309 = arith.index_cast %add3A_1293 : i32 to index
        %swap3A_1310 = arith.constant 16 : index
        %swap3A_1311 = tpu.vector_load %arg13[%swap3A_1309, %swap3A_1310] {strides = array<i32>} : memref<80x128xf32, #tpu.memory_space<vmem>>, vector<1x16xf32>,
        %swap3A_1312 = vector.shape_cast %swap3A_1311 : vector<1x16xf32> to vector<16xf32>
        %swap3A_1313 = vector.shape_cast %mul3A_1308 : vector<16xf32> to vector<1x16xf32>
        tpu.vector_store %arg13[%swap3A_1309, %swap3A_1310], %swap3A_1313 {strides = array<i32>} : memref<80x128xf32, #tpu.memory_space<vmem>>, vector<1x16xf32>,
        %get3A_1314 = arith.index_cast %add3A_1293 : i32 to index
        %get3A_1315 = arith.constant 32 : index
        %get3A_1316 = tpu.vector_load %arg13[%get3A_1314, %get3A_1315] {strides = array<i32>} : memref<80x128xf32, #tpu.memory_space<vmem>>, vector<1x16xf32>,
        %get3A_1317 = vector.shape_cast %get3A_1316 : vector<1x16xf32> to vector<16xf32>
        %mul3A_1318 = arith.mulf %get3A_1317, %gather3A_1289 : vector<16xf32>
        %swap3A_1319 = arith.index_cast %add3A_1293 : i32 to index
        %swap3A_1320 = arith.constant 32 : index
        %swap3A_1321 = tpu.vector_load %arg13[%swap3A_1319, %swap3A_1320] {strides = array<i32>} : memref<80x128xf32, #tpu.memory_space<vmem>>, vector<1x16xf32>,
        %swap3A_1322 = vector.shape_cast %swap3A_1321 : vector<1x16xf32> to vector<16xf32>
        %swap3A_1323 = vector.shape_cast %mul3A_1318 : vector<16xf32> to vector<1x16xf32>
        tpu.vector_store %arg13[%swap3A_1319, %swap3A_1320], %swap3A_1323 {strides = array<i32>} : memref<80x128xf32, #tpu.memory_space<vmem>>, vector<1x16xf32>,
        %get3A_1324 = arith.index_cast %add3A_1293 : i32 to index
        %get3A_1325 = arith.constant 48 : index
        %get3A_1326 = tpu.vector_load %arg13[%get3A_1324, %get3A_1325] {strides = array<i32>} : memref<80x128xf32, #tpu.memory_space<vmem>>, vector<1x16xf32>,
        %get3A_1327 = vector.shape_cast %get3A_1326 : vector<1x16xf32> to vector<16xf32>
        %mul3A_1328 = arith.mulf %get3A_1327, %gather3A_1289 : vector<16xf32>
        %swap3A_1329 = arith.index_cast %add3A_1293 : i32 to index
        %swap3A_1330 = arith.constant 48 : index
        %swap3A_1331 = tpu.vector_load %arg13[%swap3A_1329, %swap3A_1330] {strides = array<i32>} : memref<80x128xf32, #tpu.memory_space<vmem>>, vector<1x16xf32>,
        %swap3A_1332 = vector.shape_cast %swap3A_1331 : vector<1x16xf32> to vector<16xf32>
        %swap3A_1333 = vector.shape_cast %mul3A_1328 : vector<16xf32> to vector<1x16xf32>
        tpu.vector_store %arg13[%swap3A_1329, %swap3A_1330], %swap3A_1333 {strides = array<i32>} : memref<80x128xf32, #tpu.memory_space<vmem>>, vector<1x16xf32>,
        %get3A_1334 = arith.index_cast %add3A_1293 : i32 to index
        %get3A_1335 = arith.constant 64 : index
        %get3A_1336 = tpu.vector_load %arg13[%get3A_1334, %get3A_1335] {strides = array<i32>} : memref<80x128xf32, #tpu.memory_space<vmem>>, vector<1x16xf32>,
        %get3A_1337 = vector.shape_cast %get3A_1336 : vector<1x16xf32> to vector<16xf32>
        %mul3A_1338 = arith.mulf %get3A_1337, %gather3A_1289 : vector<16xf32>
        %swap3A_1339 = arith.index_cast %add3A_1293 : i32 to index
        %swap3A_1340 = arith.constant 64 : index
        %swap3A_1341 = tpu.vector_load %arg13[%swap3A_1339, %swap3A_1340] {strides = array<i32>} : memref<80x128xf32, #tpu.memory_space<vmem>>, vector<1x16xf32>,
        %swap3A_1342 = vector.shape_cast %swap3A_1341 : vector<1x16xf32> to vector<16xf32>
        %swap3A_1343 = vector.shape_cast %mul3A_1338 : vector<16xf32> to vector<1x16xf32>
        tpu.vector_store %arg13[%swap3A_1339, %swap3A_1340], %swap3A_1343 {strides = array<i32>} : memref<80x128xf32, #tpu.memory_space<vmem>>, vector<1x16xf32>,
        %get3A_1344 = arith.index_cast %add3A_1293 : i32 to index
        %get3A_1345 = arith.constant 80 : index
        %get3A_1346 = tpu.vector_load %arg13[%get3A_1344, %get3A_1345] {strides = array<i32>} : memref<80x128xf32, #tpu.memory_space<vmem>>, vector<1x16xf32>,
        %get3A_1347 = vector.shape_cast %get3A_1346 : vector<1x16xf32> to vector<16xf32>
        %mul3A_1348 = arith.mulf %get3A_1347, %gather3A_1289 : vector<16xf32>
        %swap3A_1349 = arith.index_cast %add3A_1293 : i32 to index
        %swap3A_1350 = arith.constant 80 : index
        %swap3A_1351 = tpu.vector_load %arg13[%swap3A_1349, %swap3A_1350] {strides = array<i32>} : memref<80x128xf32, #tpu.memory_space<vmem>>, vector<1x16xf32>,
        %swap3A_1352 = vector.shape_cast %swap3A_1351 : vector<1x16xf32> to vector<16xf32>
        %swap3A_1353 = vector.shape_cast %mul3A_1348 : vector<16xf32> to vector<1x16xf32>
        tpu.vector_store %arg13[%swap3A_1349, %swap3A_1350], %swap3A_1353 {strides = array<i32>} : memref<80x128xf32, #tpu.memory_space<vmem>>, vector<1x16xf32>,
        %get3A_1354 = arith.index_cast %add3A_1293 : i32 to index
        %get3A_1355 = arith.constant 96 : index
        %get3A_1356 = tpu.vector_load %arg13[%get3A_1354, %get3A_1355] {strides = array<i32>} : memref<80x128xf32, #tpu.memory_space<vmem>>, vector<1x16xf32>,
        %get3A_1357 = vector.shape_cast %get3A_1356 : vector<1x16xf32> to vector<16xf32>
        %mul3A_1358 = arith.mulf %get3A_1357, %gather3A_1289 : vector<16xf32>
        %swap3A_1359 = arith.index_cast %add3A_1293 : i32 to index
        %swap3A_1360 = arith.constant 96 : index
        %swap3A_1361 = tpu.vector_load %arg13[%swap3A_1359, %swap3A_1360] {strides = array<i32>} : memref<80x128xf32, #tpu.memory_space<vmem>>, vector<1x16xf32>,
        %swap3A_1362 = vector.shape_cast %swap3A_1361 : vector<1x16xf32> to vector<16xf32>
        %swap3A_1363 = vector.shape_cast %mul3A_1358 : vector<16xf32> to vector<1x16xf32>
        tpu.vector_store %arg13[%swap3A_1359, %swap3A_1360], %swap3A_1363 {strides = array<i32>} : memref<80x128xf32, #tpu.memory_space<vmem>>, vector<1x16xf32>,
        %get3A_1364 = arith.index_cast %add3A_1293 : i32 to index
        %get3A_1365 = arith.constant 112 : index
        %get3A_1366 = tpu.vector_load %arg13[%get3A_1364, %get3A_1365] {strides = array<i32>} : memref<80x128xf32, #tpu.memory_space<vmem>>, vector<1x16xf32>,
        %get3A_1367 = vector.shape_cast %get3A_1366 : vector<1x16xf32> to vector<16xf32>
        %mul3A_1368 = arith.mulf %get3A_1367, %gather3A_1289 : vector<16xf32>
        %swap3A_1369 = arith.index_cast %add3A_1293 : i32 to index
        %swap3A_1370 = arith.constant 112 : index
        %swap3A_1371 = tpu.vector_load %arg13[%swap3A_1369, %swap3A_1370] {strides = array<i32>} : memref<80x128xf32, #tpu.memory_space<vmem>>, vector<1x16xf32>,
        %swap3A_1372 = vector.shape_cast %swap3A_1371 : vector<1x16xf32> to vector<16xf32>
        %swap3A_1373 = vector.shape_cast %mul3A_1368 : vector<16xf32> to vector<1x16xf32>
        tpu.vector_store %arg13[%swap3A_1369, %swap3A_1370], %swap3A_1373 {strides = array<i32>} : memref<80x128xf32, #tpu.memory_space<vmem>>, vector<1x16xf32>,
        %broadcast_in_dim3A_1374 = arith.constant 13 : i32
        %broadcast_in_dim3A_1375 = vector.broadcast %broadcast_in_dim3A_1374 : i32 to vector<16xi32>
        %lt3A_1376 = arith.constant 0 : i32
        %lt3A_1377 = vector.broadcast %lt3A_1376 : i32 to vector<16xi32>
        %lt3A_1378 = arith.cmpi slt, %broadcast_in_dim3A_1375, %lt3A_1377 : vector<16xi32>
        %add3A_1379 = arith.constant 16 : i32
        %add3A_1380 = vector.broadcast %add3A_1379 : i32 to vector<16xi32>
        %add3A_1381 = arith.addi %broadcast_in_dim3A_1375, %add3A_1380 : vector<16xi32>
        %select_n3A_1382 = arith.select %lt3A_1378, %add3A_1381, %broadcast_in_dim3A_1375 : vector<16xi1>, vector<16xi32>
        %broadcast_in_dim3A_1383 = vector.shape_cast %select_n3A_1382 : vector<16xi32> to vector<16x1xi32>
        %gather3A_1384 = vector.shape_cast %broadcast_in_dim3A_1383 : vector<16x1xi32> to vector<16xi32>
        %gather3A_1385 = tpu.dynamic_gather %get3A_128[%gather3A_1384] in [0] : vector<16xf32>, vector<16xi32> -> vector<16xf32>
        %mul3A_1386 = arith.constant 16 : i32
        %mul3A_1387 = arith.muli %scan3A_123, %mul3A_1386 : i32
        %add3A_1388 = arith.constant 13 : i32
        %add3A_1389 = arith.addi %mul3A_1387, %add3A_1388 : i32
        %get3A_1390 = arith.index_cast %add3A_1389 : i32 to index
        %get3A_1391 = arith.constant 0 : index
        %get3A_1392 = tpu.vector_load %arg13[%get3A_1390, %get3A_1391] {strides = array<i32>} : memref<80x128xf32, #tpu.memory_space<vmem>>, vector<1x16xf32>,
        %get3A_1393 = vector.shape_cast %get3A_1392 : vector<1x16xf32> to vector<16xf32>
        %mul3A_1394 = arith.mulf %get3A_1393, %gather3A_1385 : vector<16xf32>
        %swap3A_1395 = arith.index_cast %add3A_1389 : i32 to index
        %swap3A_1396 = arith.constant 0 : index
        %swap3A_1397 = tpu.vector_load %arg13[%swap3A_1395, %swap3A_1396] {strides = array<i32>} : memref<80x128xf32, #tpu.memory_space<vmem>>, vector<1x16xf32>,
        %swap3A_1398 = vector.shape_cast %swap3A_1397 : vector<1x16xf32> to vector<16xf32>
        %swap3A_1399 = vector.shape_cast %mul3A_1394 : vector<16xf32> to vector<1x16xf32>
        tpu.vector_store %arg13[%swap3A_1395, %swap3A_1396], %swap3A_1399 {strides = array<i32>} : memref<80x128xf32, #tpu.memory_space<vmem>>, vector<1x16xf32>,
        %get3A_1400 = arith.index_cast %add3A_1389 : i32 to index
        %get3A_1401 = arith.constant 16 : index
        %get3A_1402 = tpu.vector_load %arg13[%get3A_1400, %get3A_1401] {strides = array<i32>} : memref<80x128xf32, #tpu.memory_space<vmem>>, vector<1x16xf32>,
        %get3A_1403 = vector.shape_cast %get3A_1402 : vector<1x16xf32> to vector<16xf32>
        %mul3A_1404 = arith.mulf %get3A_1403, %gather3A_1385 : vector<16xf32>
        %swap3A_1405 = arith.index_cast %add3A_1389 : i32 to index
        %swap3A_1406 = arith.constant 16 : index
        %swap3A_1407 = tpu.vector_load %arg13[%swap3A_1405, %swap3A_1406] {strides = array<i32>} : memref<80x128xf32, #tpu.memory_space<vmem>>, vector<1x16xf32>,
        %swap3A_1408 = vector.shape_cast %swap3A_1407 : vector<1x16xf32> to vector<16xf32>
        %swap3A_1409 = vector.shape_cast %mul3A_1404 : vector<16xf32> to vector<1x16xf32>
        tpu.vector_store %arg13[%swap3A_1405, %swap3A_1406], %swap3A_1409 {strides = array<i32>} : memref<80x128xf32, #tpu.memory_space<vmem>>, vector<1x16xf32>,
        %get3A_1410 = arith.index_cast %add3A_1389 : i32 to index
        %get3A_1411 = arith.constant 32 : index
        %get3A_1412 = tpu.vector_load %arg13[%get3A_1410, %get3A_1411] {strides = array<i32>} : memref<80x128xf32, #tpu.memory_space<vmem>>, vector<1x16xf32>,
        %get3A_1413 = vector.shape_cast %get3A_1412 : vector<1x16xf32> to vector<16xf32>
        %mul3A_1414 = arith.mulf %get3A_1413, %gather3A_1385 : vector<16xf32>
        %swap3A_1415 = arith.index_cast %add3A_1389 : i32 to index
        %swap3A_1416 = arith.constant 32 : index
        %swap3A_1417 = tpu.vector_load %arg13[%swap3A_1415, %swap3A_1416] {strides = array<i32>} : memref<80x128xf32, #tpu.memory_space<vmem>>, vector<1x16xf32>,
        %swap3A_1418 = vector.shape_cast %swap3A_1417 : vector<1x16xf32> to vector<16xf32>
        %swap3A_1419 = vector.shape_cast %mul3A_1414 : vector<16xf32> to vector<1x16xf32>
        tpu.vector_store %arg13[%swap3A_1415, %swap3A_1416], %swap3A_1419 {strides = array<i32>} : memref<80x128xf32, #tpu.memory_space<vmem>>, vector<1x16xf32>,
        %get3A_1420 = arith.index_cast %add3A_1389 : i32 to index
        %get3A_1421 = arith.constant 48 : index
        %get3A_1422 = tpu.vector_load %arg13[%get3A_1420, %get3A_1421] {strides = array<i32>} : memref<80x128xf32, #tpu.memory_space<vmem>>, vector<1x16xf32>,
        %get3A_1423 = vector.shape_cast %get3A_1422 : vector<1x16xf32> to vector<16xf32>
        %mul3A_1424 = arith.mulf %get3A_1423, %gather3A_1385 : vector<16xf32>
        %swap3A_1425 = arith.index_cast %add3A_1389 : i32 to index
        %swap3A_1426 = arith.constant 48 : index
        %swap3A_1427 = tpu.vector_load %arg13[%swap3A_1425, %swap3A_1426] {strides = array<i32>} : memref<80x128xf32, #tpu.memory_space<vmem>>, vector<1x16xf32>,
        %swap3A_1428 = vector.shape_cast %swap3A_1427 : vector<1x16xf32> to vector<16xf32>
        %swap3A_1429 = vector.shape_cast %mul3A_1424 : vector<16xf32> to vector<1x16xf32>
        tpu.vector_store %arg13[%swap3A_1425, %swap3A_1426], %swap3A_1429 {strides = array<i32>} : memref<80x128xf32, #tpu.memory_space<vmem>>, vector<1x16xf32>,
        %get3A_1430 = arith.index_cast %add3A_1389 : i32 to index
        %get3A_1431 = arith.constant 64 : index
        %get3A_1432 = tpu.vector_load %arg13[%get3A_1430, %get3A_1431] {strides = array<i32>} : memref<80x128xf32, #tpu.memory_space<vmem>>, vector<1x16xf32>,
        %get3A_1433 = vector.shape_cast %get3A_1432 : vector<1x16xf32> to vector<16xf32>
        %mul3A_1434 = arith.mulf %get3A_1433, %gather3A_1385 : vector<16xf32>
        %swap3A_1435 = arith.index_cast %add3A_1389 : i32 to index
        %swap3A_1436 = arith.constant 64 : index
        %swap3A_1437 = tpu.vector_load %arg13[%swap3A_1435, %swap3A_1436] {strides = array<i32>} : memref<80x128xf32, #tpu.memory_space<vmem>>, vector<1x16xf32>,
        %swap3A_1438 = vector.shape_cast %swap3A_1437 : vector<1x16xf32> to vector<16xf32>
        %swap3A_1439 = vector.shape_cast %mul3A_1434 : vector<16xf32> to vector<1x16xf32>
        tpu.vector_store %arg13[%swap3A_1435, %swap3A_1436], %swap3A_1439 {strides = array<i32>} : memref<80x128xf32, #tpu.memory_space<vmem>>, vector<1x16xf32>,
        %get3A_1440 = arith.index_cast %add3A_1389 : i32 to index
        %get3A_1441 = arith.constant 80 : index
        %get3A_1442 = tpu.vector_load %arg13[%get3A_1440, %get3A_1441] {strides = array<i32>} : memref<80x128xf32, #tpu.memory_space<vmem>>, vector<1x16xf32>,
        %get3A_1443 = vector.shape_cast %get3A_1442 : vector<1x16xf32> to vector<16xf32>
        %mul3A_1444 = arith.mulf %get3A_1443, %gather3A_1385 : vector<16xf32>
        %swap3A_1445 = arith.index_cast %add3A_1389 : i32 to index
        %swap3A_1446 = arith.constant 80 : index
        %swap3A_1447 = tpu.vector_load %arg13[%swap3A_1445, %swap3A_1446] {strides = array<i32>} : memref<80x128xf32, #tpu.memory_space<vmem>>, vector<1x16xf32>,
        %swap3A_1448 = vector.shape_cast %swap3A_1447 : vector<1x16xf32> to vector<16xf32>
        %swap3A_1449 = vector.shape_cast %mul3A_1444 : vector<16xf32> to vector<1x16xf32>
        tpu.vector_store %arg13[%swap3A_1445, %swap3A_1446], %swap3A_1449 {strides = array<i32>} : memref<80x128xf32, #tpu.memory_space<vmem>>, vector<1x16xf32>,
        %get3A_1450 = arith.index_cast %add3A_1389 : i32 to index
        %get3A_1451 = arith.constant 96 : index
        %get3A_1452 = tpu.vector_load %arg13[%get3A_1450, %get3A_1451] {strides = array<i32>} : memref<80x128xf32, #tpu.memory_space<vmem>>, vector<1x16xf32>,
        %get3A_1453 = vector.shape_cast %get3A_1452 : vector<1x16xf32> to vector<16xf32>
        %mul3A_1454 = arith.mulf %get3A_1453, %gather3A_1385 : vector<16xf32>
        %swap3A_1455 = arith.index_cast %add3A_1389 : i32 to index
        %swap3A_1456 = arith.constant 96 : index
        %swap3A_1457 = tpu.vector_load %arg13[%swap3A_1455, %swap3A_1456] {strides = array<i32>} : memref<80x128xf32, #tpu.memory_space<vmem>>, vector<1x16xf32>,
        %swap3A_1458 = vector.shape_cast %swap3A_1457 : vector<1x16xf32> to vector<16xf32>
        %swap3A_1459 = vector.shape_cast %mul3A_1454 : vector<16xf32> to vector<1x16xf32>
        tpu.vector_store %arg13[%swap3A_1455, %swap3A_1456], %swap3A_1459 {strides = array<i32>} : memref<80x128xf32, #tpu.memory_space<vmem>>, vector<1x16xf32>,
        %get3A_1460 = arith.index_cast %add3A_1389 : i32 to index
        %get3A_1461 = arith.constant 112 : index
        %get3A_1462 = tpu.vector_load %arg13[%get3A_1460, %get3A_1461] {strides = array<i32>} : memref<80x128xf32, #tpu.memory_space<vmem>>, vector<1x16xf32>,
        %get3A_1463 = vector.shape_cast %get3A_1462 : vector<1x16xf32> to vector<16xf32>
        %mul3A_1464 = arith.mulf %get3A_1463, %gather3A_1385 : vector<16xf32>
        %swap3A_1465 = arith.index_cast %add3A_1389 : i32 to index
        %swap3A_1466 = arith.constant 112 : index
        %swap3A_1467 = tpu.vector_load %arg13[%swap3A_1465, %swap3A_1466] {strides = array<i32>} : memref<80x128xf32, #tpu.memory_space<vmem>>, vector<1x16xf32>,
        %swap3A_1468 = vector.shape_cast %swap3A_1467 : vector<1x16xf32> to vector<16xf32>
        %swap3A_1469 = vector.shape_cast %mul3A_1464 : vector<16xf32> to vector<1x16xf32>
        tpu.vector_store %arg13[%swap3A_1465, %swap3A_1466], %swap3A_1469 {strides = array<i32>} : memref<80x128xf32, #tpu.memory_space<vmem>>, vector<1x16xf32>,
        %broadcast_in_dim3A_1470 = arith.constant 14 : i32
        %broadcast_in_dim3A_1471 = vector.broadcast %broadcast_in_dim3A_1470 : i32 to vector<16xi32>
        %lt3A_1472 = arith.constant 0 : i32
        %lt3A_1473 = vector.broadcast %lt3A_1472 : i32 to vector<16xi32>
        %lt3A_1474 = arith.cmpi slt, %broadcast_in_dim3A_1471, %lt3A_1473 : vector<16xi32>
        %add3A_1475 = arith.constant 16 : i32
        %add3A_1476 = vector.broadcast %add3A_1475 : i32 to vector<16xi32>
        %add3A_1477 = arith.addi %broadcast_in_dim3A_1471, %add3A_1476 : vector<16xi32>
        %select_n3A_1478 = arith.select %lt3A_1474, %add3A_1477, %broadcast_in_dim3A_1471 : vector<16xi1>, vector<16xi32>
        %broadcast_in_dim3A_1479 = vector.shape_cast %select_n3A_1478 : vector<16xi32> to vector<16x1xi32>
        %gather3A_1480 = vector.shape_cast %broadcast_in_dim3A_1479 : vector<16x1xi32> to vector<16xi32>
        %gather3A_1481 = tpu.dynamic_gather %get3A_128[%gather3A_1480] in [0] : vector<16xf32>, vector<16xi32> -> vector<16xf32>
        %mul3A_1482 = arith.constant 16 : i32
        %mul3A_1483 = arith.muli %scan3A_123, %mul3A_1482 : i32
        %add3A_1484 = arith.constant 14 : i32
        %add3A_1485 = arith.addi %mul3A_1483, %add3A_1484 : i32
        %get3A_1486 = arith.index_cast %add3A_1485 : i32 to index
        %get3A_1487 = arith.constant 0 : index
        %get3A_1488 = tpu.vector_load %arg13[%get3A_1486, %get3A_1487] {strides = array<i32>} : memref<80x128xf32, #tpu.memory_space<vmem>>, vector<1x16xf32>,
        %get3A_1489 = vector.shape_cast %get3A_1488 : vector<1x16xf32> to vector<16xf32>
        %mul3A_1490 = arith.mulf %get3A_1489, %gather3A_1481 : vector<16xf32>
        %swap3A_1491 = arith.index_cast %add3A_1485 : i32 to index
        %swap3A_1492 = arith.constant 0 : index
        %swap3A_1493 = tpu.vector_load %arg13[%swap3A_1491, %swap3A_1492] {strides = array<i32>} : memref<80x128xf32, #tpu.memory_space<vmem>>, vector<1x16xf32>,
        %swap3A_1494 = vector.shape_cast %swap3A_1493 : vector<1x16xf32> to vector<16xf32>
        %swap3A_1495 = vector.shape_cast %mul3A_1490 : vector<16xf32> to vector<1x16xf32>
        tpu.vector_store %arg13[%swap3A_1491, %swap3A_1492], %swap3A_1495 {strides = array<i32>} : memref<80x128xf32, #tpu.memory_space<vmem>>, vector<1x16xf32>,
        %get3A_1496 = arith.index_cast %add3A_1485 : i32 to index
        %get3A_1497 = arith.constant 16 : index
        %get3A_1498 = tpu.vector_load %arg13[%get3A_1496, %get3A_1497] {strides = array<i32>} : memref<80x128xf32, #tpu.memory_space<vmem>>, vector<1x16xf32>,
        %get3A_1499 = vector.shape_cast %get3A_1498 : vector<1x16xf32> to vector<16xf32>
        %mul3A_1500 = arith.mulf %get3A_1499, %gather3A_1481 : vector<16xf32>
        %swap3A_1501 = arith.index_cast %add3A_1485 : i32 to index
        %swap3A_1502 = arith.constant 16 : index
        %swap3A_1503 = tpu.vector_load %arg13[%swap3A_1501, %swap3A_1502] {strides = array<i32>} : memref<80x128xf32, #tpu.memory_space<vmem>>, vector<1x16xf32>,
        %swap3A_1504 = vector.shape_cast %swap3A_1503 : vector<1x16xf32> to vector<16xf32>
        %swap3A_1505 = vector.shape_cast %mul3A_1500 : vector<16xf32> to vector<1x16xf32>
        tpu.vector_store %arg13[%swap3A_1501, %swap3A_1502], %swap3A_1505 {strides = array<i32>} : memref<80x128xf32, #tpu.memory_space<vmem>>, vector<1x16xf32>,
        %get3A_1506 = arith.index_cast %add3A_1485 : i32 to index
        %get3A_1507 = arith.constant 32 : index
        %get3A_1508 = tpu.vector_load %arg13[%get3A_1506, %get3A_1507] {strides = array<i32>} : memref<80x128xf32, #tpu.memory_space<vmem>>, vector<1x16xf32>,
        %get3A_1509 = vector.shape_cast %get3A_1508 : vector<1x16xf32> to vector<16xf32>
        %mul3A_1510 = arith.mulf %get3A_1509, %gather3A_1481 : vector<16xf32>
        %swap3A_1511 = arith.index_cast %add3A_1485 : i32 to index
        %swap3A_1512 = arith.constant 32 : index
        %swap3A_1513 = tpu.vector_load %arg13[%swap3A_1511, %swap3A_1512] {strides = array<i32>} : memref<80x128xf32, #tpu.memory_space<vmem>>, vector<1x16xf32>,
        %swap3A_1514 = vector.shape_cast %swap3A_1513 : vector<1x16xf32> to vector<16xf32>
        %swap3A_1515 = vector.shape_cast %mul3A_1510 : vector<16xf32> to vector<1x16xf32>
        tpu.vector_store %arg13[%swap3A_1511, %swap3A_1512], %swap3A_1515 {strides = array<i32>} : memref<80x128xf32, #tpu.memory_space<vmem>>, vector<1x16xf32>,
        %get3A_1516 = arith.index_cast %add3A_1485 : i32 to index
        %get3A_1517 = arith.constant 48 : index
        %get3A_1518 = tpu.vector_load %arg13[%get3A_1516, %get3A_1517] {strides = array<i32>} : memref<80x128xf32, #tpu.memory_space<vmem>>, vector<1x16xf32>,
        %get3A_1519 = vector.shape_cast %get3A_1518 : vector<1x16xf32> to vector<16xf32>
        %mul3A_1520 = arith.mulf %get3A_1519, %gather3A_1481 : vector<16xf32>
        %swap3A_1521 = arith.index_cast %add3A_1485 : i32 to index
        %swap3A_1522 = arith.constant 48 : index
        %swap3A_1523 = tpu.vector_load %arg13[%swap3A_1521, %swap3A_1522] {strides = array<i32>} : memref<80x128xf32, #tpu.memory_space<vmem>>, vector<1x16xf32>,
        %swap3A_1524 = vector.shape_cast %swap3A_1523 : vector<1x16xf32> to vector<16xf32>
        %swap3A_1525 = vector.shape_cast %mul3A_1520 : vector<16xf32> to vector<1x16xf32>
        tpu.vector_store %arg13[%swap3A_1521, %swap3A_1522], %swap3A_1525 {strides = array<i32>} : memref<80x128xf32, #tpu.memory_space<vmem>>, vector<1x16xf32>,
        %get3A_1526 = arith.index_cast %add3A_1485 : i32 to index
        %get3A_1527 = arith.constant 64 : index
        %get3A_1528 = tpu.vector_load %arg13[%get3A_1526, %get3A_1527] {strides = array<i32>} : memref<80x128xf32, #tpu.memory_space<vmem>>, vector<1x16xf32>,
        %get3A_1529 = vector.shape_cast %get3A_1528 : vector<1x16xf32> to vector<16xf32>
        %mul3A_1530 = arith.mulf %get3A_1529, %gather3A_1481 : vector<16xf32>
        %swap3A_1531 = arith.index_cast %add3A_1485 : i32 to index
        %swap3A_1532 = arith.constant 64 : index
        %swap3A_1533 = tpu.vector_load %arg13[%swap3A_1531, %swap3A_1532] {strides = array<i32>} : memref<80x128xf32, #tpu.memory_space<vmem>>, vector<1x16xf32>,
        %swap3A_1534 = vector.shape_cast %swap3A_1533 : vector<1x16xf32> to vector<16xf32>
        %swap3A_1535 = vector.shape_cast %mul3A_1530 : vector<16xf32> to vector<1x16xf32>
        tpu.vector_store %arg13[%swap3A_1531, %swap3A_1532], %swap3A_1535 {strides = array<i32>} : memref<80x128xf32, #tpu.memory_space<vmem>>, vector<1x16xf32>,
        %get3A_1536 = arith.index_cast %add3A_1485 : i32 to index
        %get3A_1537 = arith.constant 80 : index
        %get3A_1538 = tpu.vector_load %arg13[%get3A_1536, %get3A_1537] {strides = array<i32>} : memref<80x128xf32, #tpu.memory_space<vmem>>, vector<1x16xf32>,
        %get3A_1539 = vector.shape_cast %get3A_1538 : vector<1x16xf32> to vector<16xf32>
        %mul3A_1540 = arith.mulf %get3A_1539, %gather3A_1481 : vector<16xf32>
        %swap3A_1541 = arith.index_cast %add3A_1485 : i32 to index
        %swap3A_1542 = arith.constant 80 : index
        %swap3A_1543 = tpu.vector_load %arg13[%swap3A_1541, %swap3A_1542] {strides = array<i32>} : memref<80x128xf32, #tpu.memory_space<vmem>>, vector<1x16xf32>,
        %swap3A_1544 = vector.shape_cast %swap3A_1543 : vector<1x16xf32> to vector<16xf32>
        %swap3A_1545 = vector.shape_cast %mul3A_1540 : vector<16xf32> to vector<1x16xf32>
        tpu.vector_store %arg13[%swap3A_1541, %swap3A_1542], %swap3A_1545 {strides = array<i32>} : memref<80x128xf32, #tpu.memory_space<vmem>>, vector<1x16xf32>,
        %get3A_1546 = arith.index_cast %add3A_1485 : i32 to index
        %get3A_1547 = arith.constant 96 : index
        %get3A_1548 = tpu.vector_load %arg13[%get3A_1546, %get3A_1547] {strides = array<i32>} : memref<80x128xf32, #tpu.memory_space<vmem>>, vector<1x16xf32>,
        %get3A_1549 = vector.shape_cast %get3A_1548 : vector<1x16xf32> to vector<16xf32>
        %mul3A_1550 = arith.mulf %get3A_1549, %gather3A_1481 : vector<16xf32>
        %swap3A_1551 = arith.index_cast %add3A_1485 : i32 to index
        %swap3A_1552 = arith.constant 96 : index
        %swap3A_1553 = tpu.vector_load %arg13[%swap3A_1551, %swap3A_1552] {strides = array<i32>} : memref<80x128xf32, #tpu.memory_space<vmem>>, vector<1x16xf32>,
        %swap3A_1554 = vector.shape_cast %swap3A_1553 : vector<1x16xf32> to vector<16xf32>
        %swap3A_1555 = vector.shape_cast %mul3A_1550 : vector<16xf32> to vector<1x16xf32>
        tpu.vector_store %arg13[%swap3A_1551, %swap3A_1552], %swap3A_1555 {strides = array<i32>} : memref<80x128xf32, #tpu.memory_space<vmem>>, vector<1x16xf32>,
        %get3A_1556 = arith.index_cast %add3A_1485 : i32 to index
        %get3A_1557 = arith.constant 112 : index
        %get3A_1558 = tpu.vector_load %arg13[%get3A_1556, %get3A_1557] {strides = array<i32>} : memref<80x128xf32, #tpu.memory_space<vmem>>, vector<1x16xf32>,
        %get3A_1559 = vector.shape_cast %get3A_1558 : vector<1x16xf32> to vector<16xf32>
        %mul3A_1560 = arith.mulf %get3A_1559, %gather3A_1481 : vector<16xf32>
        %swap3A_1561 = arith.index_cast %add3A_1485 : i32 to index
        %swap3A_1562 = arith.constant 112 : index
        %swap3A_1563 = tpu.vector_load %arg13[%swap3A_1561, %swap3A_1562] {strides = array<i32>} : memref<80x128xf32, #tpu.memory_space<vmem>>, vector<1x16xf32>,
        %swap3A_1564 = vector.shape_cast %swap3A_1563 : vector<1x16xf32> to vector<16xf32>
        %swap3A_1565 = vector.shape_cast %mul3A_1560 : vector<16xf32> to vector<1x16xf32>
        tpu.vector_store %arg13[%swap3A_1561, %swap3A_1562], %swap3A_1565 {strides = array<i32>} : memref<80x128xf32, #tpu.memory_space<vmem>>, vector<1x16xf32>,
        %broadcast_in_dim3A_1566 = arith.constant 15 : i32
        %broadcast_in_dim3A_1567 = vector.broadcast %broadcast_in_dim3A_1566 : i32 to vector<16xi32>
        %lt3A_1568 = arith.constant 0 : i32
        %lt3A_1569 = vector.broadcast %lt3A_1568 : i32 to vector<16xi32>
        %lt3A_1570 = arith.cmpi slt, %broadcast_in_dim3A_1567, %lt3A_1569 : vector<16xi32>
        %add3A_1571 = arith.constant 16 : i32
        %add3A_1572 = vector.broadcast %add3A_1571 : i32 to vector<16xi32>
        %add3A_1573 = arith.addi %broadcast_in_dim3A_1567, %add3A_1572 : vector<16xi32>
        %select_n3A_1574 = arith.select %lt3A_1570, %add3A_1573, %broadcast_in_dim3A_1567 : vector<16xi1>, vector<16xi32>
        %broadcast_in_dim3A_1575 = vector.shape_cast %select_n3A_1574 : vector<16xi32> to vector<16x1xi32>
        %gather3A_1576 = vector.shape_cast %broadcast_in_dim3A_1575 : vector<16x1xi32> to vector<16xi32>
        %gather3A_1577 = tpu.dynamic_gather %get3A_128[%gather3A_1576] in [0] : vector<16xf32>, vector<16xi32> -> vector<16xf32>
        %mul3A_1578 = arith.constant 16 : i32
        %mul3A_1579 = arith.muli %scan3A_123, %mul3A_1578 : i32
        %add3A_1580 = arith.constant 15 : i32
        %add3A_1581 = arith.addi %mul3A_1579, %add3A_1580 : i32
        %get3A_1582 = arith.index_cast %add3A_1581 : i32 to index
        %get3A_1583 = arith.constant 0 : index
        %get3A_1584 = tpu.vector_load %arg13[%get3A_1582, %get3A_1583] {strides = array<i32>} : memref<80x128xf32, #tpu.memory_space<vmem>>, vector<1x16xf32>,
        %get3A_1585 = vector.shape_cast %get3A_1584 : vector<1x16xf32> to vector<16xf32>
        %mul3A_1586 = arith.mulf %get3A_1585, %gather3A_1577 : vector<16xf32>
        %swap3A_1587 = arith.index_cast %add3A_1581 : i32 to index
        %swap3A_1588 = arith.constant 0 : index
        %swap3A_1589 = tpu.vector_load %arg13[%swap3A_1587, %swap3A_1588] {strides = array<i32>} : memref<80x128xf32, #tpu.memory_space<vmem>>, vector<1x16xf32>,
        %swap3A_1590 = vector.shape_cast %swap3A_1589 : vector<1x16xf32> to vector<16xf32>
        %swap3A_1591 = vector.shape_cast %mul3A_1586 : vector<16xf32> to vector<1x16xf32>
        tpu.vector_store %arg13[%swap3A_1587, %swap3A_1588], %swap3A_1591 {strides = array<i32>} : memref<80x128xf32, #tpu.memory_space<vmem>>, vector<1x16xf32>,
        %get3A_1592 = arith.index_cast %add3A_1581 : i32 to index
        %get3A_1593 = arith.constant 16 : index
        %get3A_1594 = tpu.vector_load %arg13[%get3A_1592, %get3A_1593] {strides = array<i32>} : memref<80x128xf32, #tpu.memory_space<vmem>>, vector<1x16xf32>,
        %get3A_1595 = vector.shape_cast %get3A_1594 : vector<1x16xf32> to vector<16xf32>
        %mul3A_1596 = arith.mulf %get3A_1595, %gather3A_1577 : vector<16xf32>
        %swap3A_1597 = arith.index_cast %add3A_1581 : i32 to index
        %swap3A_1598 = arith.constant 16 : index
        %swap3A_1599 = tpu.vector_load %arg13[%swap3A_1597, %swap3A_1598] {strides = array<i32>} : memref<80x128xf32, #tpu.memory_space<vmem>>, vector<1x16xf32>,
        %swap3A_1600 = vector.shape_cast %swap3A_1599 : vector<1x16xf32> to vector<16xf32>
        %swap3A_1601 = vector.shape_cast %mul3A_1596 : vector<16xf32> to vector<1x16xf32>
        tpu.vector_store %arg13[%swap3A_1597, %swap3A_1598], %swap3A_1601 {strides = array<i32>} : memref<80x128xf32, #tpu.memory_space<vmem>>, vector<1x16xf32>,
        %get3A_1602 = arith.index_cast %add3A_1581 : i32 to index
        %get3A_1603 = arith.constant 32 : index
        %get3A_1604 = tpu.vector_load %arg13[%get3A_1602, %get3A_1603] {strides = array<i32>} : memref<80x128xf32, #tpu.memory_space<vmem>>, vector<1x16xf32>,
        %get3A_1605 = vector.shape_cast %get3A_1604 : vector<1x16xf32> to vector<16xf32>
        %mul3A_1606 = arith.mulf %get3A_1605, %gather3A_1577 : vector<16xf32>
        %swap3A_1607 = arith.index_cast %add3A_1581 : i32 to index
        %swap3A_1608 = arith.constant 32 : index
        %swap3A_1609 = tpu.vector_load %arg13[%swap3A_1607, %swap3A_1608] {strides = array<i32>} : memref<80x128xf32, #tpu.memory_space<vmem>>, vector<1x16xf32>,
        %swap3A_1610 = vector.shape_cast %swap3A_1609 : vector<1x16xf32> to vector<16xf32>
        %swap3A_1611 = vector.shape_cast %mul3A_1606 : vector<16xf32> to vector<1x16xf32>
        tpu.vector_store %arg13[%swap3A_1607, %swap3A_1608], %swap3A_1611 {strides = array<i32>} : memref<80x128xf32, #tpu.memory_space<vmem>>, vector<1x16xf32>,
        %get3A_1612 = arith.index_cast %add3A_1581 : i32 to index
        %get3A_1613 = arith.constant 48 : index
        %get3A_1614 = tpu.vector_load %arg13[%get3A_1612, %get3A_1613] {strides = array<i32>} : memref<80x128xf32, #tpu.memory_space<vmem>>, vector<1x16xf32>,
        %get3A_1615 = vector.shape_cast %get3A_1614 : vector<1x16xf32> to vector<16xf32>
        %mul3A_1616 = arith.mulf %get3A_1615, %gather3A_1577 : vector<16xf32>
        %swap3A_1617 = arith.index_cast %add3A_1581 : i32 to index
        %swap3A_1618 = arith.constant 48 : index
        %swap3A_1619 = tpu.vector_load %arg13[%swap3A_1617, %swap3A_1618] {strides = array<i32>} : memref<80x128xf32, #tpu.memory_space<vmem>>, vector<1x16xf32>,
        %swap3A_1620 = vector.shape_cast %swap3A_1619 : vector<1x16xf32> to vector<16xf32>
        %swap3A_1621 = vector.shape_cast %mul3A_1616 : vector<16xf32> to vector<1x16xf32>
        tpu.vector_store %arg13[%swap3A_1617, %swap3A_1618], %swap3A_1621 {strides = array<i32>} : memref<80x128xf32, #tpu.memory_space<vmem>>, vector<1x16xf32>,
        %get3A_1622 = arith.index_cast %add3A_1581 : i32 to index
        %get3A_1623 = arith.constant 64 : index
        %get3A_1624 = tpu.vector_load %arg13[%get3A_1622, %get3A_1623] {strides = array<i32>} : memref<80x128xf32, #tpu.memory_space<vmem>>, vector<1x16xf32>,
        %get3A_1625 = vector.shape_cast %get3A_1624 : vector<1x16xf32> to vector<16xf32>
        %mul3A_1626 = arith.mulf %get3A_1625, %gather3A_1577 : vector<16xf32>
        %swap3A_1627 = arith.index_cast %add3A_1581 : i32 to index
        %swap3A_1628 = arith.constant 64 : index
        %swap3A_1629 = tpu.vector_load %arg13[%swap3A_1627, %swap3A_1628] {strides = array<i32>} : memref<80x128xf32, #tpu.memory_space<vmem>>, vector<1x16xf32>,
        %swap3A_1630 = vector.shape_cast %swap3A_1629 : vector<1x16xf32> to vector<16xf32>
        %swap3A_1631 = vector.shape_cast %mul3A_1626 : vector<16xf32> to vector<1x16xf32>
        tpu.vector_store %arg13[%swap3A_1627, %swap3A_1628], %swap3A_1631 {strides = array<i32>} : memref<80x128xf32, #tpu.memory_space<vmem>>, vector<1x16xf32>,
        %get3A_1632 = arith.index_cast %add3A_1581 : i32 to index
        %get3A_1633 = arith.constant 80 : index
        %get3A_1634 = tpu.vector_load %arg13[%get3A_1632, %get3A_1633] {strides = array<i32>} : memref<80x128xf32, #tpu.memory_space<vmem>>, vector<1x16xf32>,
        %get3A_1635 = vector.shape_cast %get3A_1634 : vector<1x16xf32> to vector<16xf32>
        %mul3A_1636 = arith.mulf %get3A_1635, %gather3A_1577 : vector<16xf32>
        %swap3A_1637 = arith.index_cast %add3A_1581 : i32 to index
        %swap3A_1638 = arith.constant 80 : index
        %swap3A_1639 = tpu.vector_load %arg13[%swap3A_1637, %swap3A_1638] {strides = array<i32>} : memref<80x128xf32, #tpu.memory_space<vmem>>, vector<1x16xf32>,
        %swap3A_1640 = vector.shape_cast %swap3A_1639 : vector<1x16xf32> to vector<16xf32>
        %swap3A_1641 = vector.shape_cast %mul3A_1636 : vector<16xf32> to vector<1x16xf32>
        tpu.vector_store %arg13[%swap3A_1637, %swap3A_1638], %swap3A_1641 {strides = array<i32>} : memref<80x128xf32, #tpu.memory_space<vmem>>, vector<1x16xf32>,
        %get3A_1642 = arith.index_cast %add3A_1581 : i32 to index
        %get3A_1643 = arith.constant 96 : index
        %get3A_1644 = tpu.vector_load %arg13[%get3A_1642, %get3A_1643] {strides = array<i32>} : memref<80x128xf32, #tpu.memory_space<vmem>>, vector<1x16xf32>,
        %get3A_1645 = vector.shape_cast %get3A_1644 : vector<1x16xf32> to vector<16xf32>
        %mul3A_1646 = arith.mulf %get3A_1645, %gather3A_1577 : vector<16xf32>
        %swap3A_1647 = arith.index_cast %add3A_1581 : i32 to index
        %swap3A_1648 = arith.constant 96 : index
        %swap3A_1649 = tpu.vector_load %arg13[%swap3A_1647, %swap3A_1648] {strides = array<i32>} : memref<80x128xf32, #tpu.memory_space<vmem>>, vector<1x16xf32>,
        %swap3A_1650 = vector.shape_cast %swap3A_1649 : vector<1x16xf32> to vector<16xf32>
        %swap3A_1651 = vector.shape_cast %mul3A_1646 : vector<16xf32> to vector<1x16xf32>
        tpu.vector_store %arg13[%swap3A_1647, %swap3A_1648], %swap3A_1651 {strides = array<i32>} : memref<80x128xf32, #tpu.memory_space<vmem>>, vector<1x16xf32>,
        %get3A_1652 = arith.index_cast %add3A_1581 : i32 to index
        %get3A_1653 = arith.constant 112 : index
        %get3A_1654 = tpu.vector_load %arg13[%get3A_1652, %get3A_1653] {strides = array<i32>} : memref<80x128xf32, #tpu.memory_space<vmem>>, vector<1x16xf32>,
        %get3A_1655 = vector.shape_cast %get3A_1654 : vector<1x16xf32> to vector<16xf32>
        %mul3A_1656 = arith.mulf %get3A_1655, %gather3A_1577 : vector<16xf32>
        %swap3A_1657 = arith.index_cast %add3A_1581 : i32 to index
        %swap3A_1658 = arith.constant 112 : index
        %swap3A_1659 = tpu.vector_load %arg13[%swap3A_1657, %swap3A_1658] {strides = array<i32>} : memref<80x128xf32, #tpu.memory_space<vmem>>, vector<1x16xf32>,
        %swap3A_1660 = vector.shape_cast %swap3A_1659 : vector<1x16xf32> to vector<16xf32>
        %swap3A_1661 = vector.shape_cast %mul3A_1656 : vector<16xf32> to vector<1x16xf32>
        tpu.vector_store %arg13[%swap3A_1657, %swap3A_1658], %swap3A_1661 {strides = array<i32>} : memref<80x128xf32, #tpu.memory_space<vmem>>, vector<1x16xf32>,
      }
      %scan3A_122 = arith.constant 5 : i32
      "tpu.region"() ({
        %run_scoped3A = tpu.sem_alloc : memref<!tpu.dma_semaphore, #tpu.memory_space<semaphore_mem>>
        %dma_start3A_123 = arith.constant 0 : i32
        %dma_start3A_124 = arith.constant 0 : i32
        %dma_start3A_125 = tpu.memref_slice %arg15[%dma_start3A_123, %dma_start3A_124] : memref<10240x128xf32, #tpu.memory_space<vmem_shared>> -> memref<10240x128xf32, #tpu.memory_space<vmem_shared>>
        tpu.enqueue_indirect_dma source(%arg13 : memref<80x128xf32, #tpu.memory_space<vmem>>) target(%dma_start3A_125 : memref<10240x128xf32, #tpu.memory_space<vmem_shared>>) offsets(%arg10 : memref<80xi32, #tpu.memory_space<vmem>>) semaphore(%run_scoped3A : memref<!tpu.dma_semaphore, #tpu.memory_space<semaphore_mem>>) {add = true}
        %dma_wait3A_126 = arith.constant 0 : i32
        %dma_wait3A_127 = arith.constant 0 : i32
        %dma_wait3A_128 = tpu.memref_slice %arg15[%dma_wait3A_126, %dma_wait3A_127] : memref<10240x128xf32, #tpu.memory_space<vmem_shared>> -> memref<10240x128xf32, #tpu.memory_space<vmem_shared>>
        tpu.wait_indirect_dma semaphore(%run_scoped3A : memref<!tpu.dma_semaphore, #tpu.memory_space<semaphore_mem>>) src(%arg13 : memref<80x128xf32, #tpu.memory_space<vmem>>) dst(%dma_wait3A_128 : memref<10240x128xf32, #tpu.memory_space<vmem_shared>>)
        tpu.yield
      }) : () -> ()
    }
    %scan3A_32 = arith.constant 125 : i32
    %barrier3A_33 = arith.constant 0 : index
    tpu.barrier barrier_id(%barrier3A_33)
    %mul3A_34 = arith.constant 640 : i32
    %mul3A_35 = arith.muli %arg1, %mul3A_34 : i32
    %mul3A_36 = arith.constant 10240 : i32
    %mul3A_37 = arith.muli %arg0, %mul3A_36 : i32
    %add3A_38 = arith.addi %mul3A_37, %mul3A_35 : i32
    "tpu.region"() ({
      %run_scoped3A = tpu.sem_alloc : memref<!tpu.dma_semaphore, #tpu.memory_space<semaphore_mem>>
      %dma_start3A = arith.constant 0 : i32
      %dma_start3A_39 = tpu.memref_slice %arg7[%add3A_38, %dma_start3A] : memref<20480x128xf32, #tpu.memory_space<hbm>> -> memref<640x128xf32, #tpu.memory_space<hbm>>
      %dma_start3A_40 = arith.constant 0 : i32
      %dma_start3A_41 = tpu.memref_slice %arg15[%mul3A_35, %dma_start3A_40] : memref<10240x128xf32, #tpu.memory_space<vmem_shared>> -> memref<640x128xf32, #tpu.memory_space<vmem_shared>>
      tpu.enqueue_dma source(%dma_start3A_41 : memref<640x128xf32, #tpu.memory_space<vmem_shared>>) target(%dma_start3A_39 : memref<640x128xf32, #tpu.memory_space<hbm>>) target_semaphore(%run_scoped3A : memref<!tpu.dma_semaphore, #tpu.memory_space<semaphore_mem>>)
      %dma_wait3A = arith.constant 0 : i32
      %dma_wait3A_42 = tpu.memref_slice %arg7[%add3A_38, %dma_wait3A] : memref<20480x128xf32, #tpu.memory_space<hbm>> -> memref<640x128xf32, #tpu.memory_space<hbm>>
      %dma_wait3A_43 = arith.constant 0 : i32
      %dma_wait3A_44 = tpu.memref_slice %arg15[%mul3A_35, %dma_wait3A_43] : memref<10240x128xf32, #tpu.memory_space<vmem_shared>> -> memref<640x128xf32, #tpu.memory_space<vmem_shared>>
      tpu.wait_dma2 semaphore(%run_scoped3A : memref<!tpu.dma_semaphore, #tpu.memory_space<semaphore_mem>>) src(%dma_wait3A_44 : memref<640x128xf32, #tpu.memory_space<vmem_shared>>) dst(%dma_wait3A_42 : memref<640x128xf32, #tpu.memory_space<hbm>>)
      tpu.yield
    }) : () -> ()
    return
  }
}

module attributes {stable_mosaic.version = 14 : i64} {
  func.func @_m1_body(%arg0: i32, %arg1: i32, %arg2: memref<1000x128xf32, #tpu.memory_space<vmem>>, %arg3: memref<1x128x128xf32, #tpu.memory_space<vmem>>, %arg4: memref<1x1000x128xf32, #tpu.memory_space<vmem>>) attributes {dimension_semantics = [#tpu.dimension_semantics<arbitrary>, #tpu.dimension_semantics<arbitrary>], iteration_bounds = array<i64: 8, 10>, scalar_prefetch = 0 : i64, scratch_operands = 0 : i64, tpu.core_type = #tpu.core_type<tc>, window_params = [{transform_indices = @transform_0, window_bounds = array<i64: 1000, 128>}, {transform_indices = @transform_1, window_bounds = array<i64: 1, 128, 128>}, {transform_indices = @transform_2, window_bounds = array<i64: 1, 1000, 128>}]} {
    %get3A = arith.constant 0 : index
    %get3A_0 = arith.constant 0 : index
    %get3A_1 = vector.load %arg2[%get3A, %get3A_0] : memref<1000x128xf32, #tpu.memory_space<vmem>>, vector<1000x128xf32>
    %get3A_2 = arith.constant 0 : index
    %get3A_3 = arith.constant 0 : index
    %get3A_4 = arith.constant 0 : index
    %get3A_5 = vector.load %arg3[%get3A_2, %get3A_3, %get3A_4] : memref<1x128x128xf32, #tpu.memory_space<vmem>>, vector<1x128x128xf32>
    %get3A_6 = vector.shape_cast %get3A_5 : vector<1x128x128xf32> to vector<128x128xf32>
    %dot_general3A = arith.constant dense<0.000000e+00> : vector<1000x128xf32>
    %dot_general3A_7 = tpu.matmul %get3A_1, %get3A_6, %dot_general3A {dimension_numbers = #tpu.dot_dimension_numbers<[1], [0], [0], [1], [0, 0, 1, 1], [], []>, transpose_lhs_hint = false} : vector<1000x128xf32>, vector<128x128xf32>, vector<1000x128xf32> -> vector<1000x128xf32>
    %swap3A = arith.constant 0 : index
    %swap3A_8 = arith.constant 0 : index
    %swap3A_9 = arith.constant 0 : index
    %swap3A_10 = vector.load %arg4[%swap3A, %swap3A_8, %swap3A_9] : memref<1x1000x128xf32, #tpu.memory_space<vmem>>, vector<1x1000x128xf32>
    %swap3A_11 = vector.shape_cast %swap3A_10 : vector<1x1000x128xf32> to vector<1000x128xf32>
    %swap3A_12 = vector.shape_cast %dot_general3A_7 : vector<1000x128xf32> to vector<1x1000x128xf32>
    tpu.vector_store %arg4[%swap3A, %swap3A_8, %swap3A_9], %swap3A_12 {strides = array<i32>} : memref<1x1000x128xf32, #tpu.memory_space<vmem>>, vector<1x1000x128xf32>,
    return
  }
  func.func @transform_0(%arg0: i32, %arg1: i32) -> (i32, i32) {
    %c0_i32 = arith.constant 0 : i32
    %c0_i32_0 = arith.constant 0 : i32
    return %arg1, %c0_i32 : i32, i32
  }
  func.func @transform_1(%arg0: i32, %arg1: i32) -> (i32, i32, i32) {
    %c0_i32 = arith.constant 0 : i32
    %c0_i32_0 = arith.constant 0 : i32
    %c0_i32_1 = arith.constant 0 : i32
    return %arg0, %c0_i32, %c0_i32_0 : i32, i32, i32
  }
  func.func @transform_2(%arg0: i32, %arg1: i32) -> (i32, i32, i32) {
    %c0_i32 = arith.constant 0 : i32
    %c0_i32_0 = arith.constant 0 : i32
    return %arg0, %arg1, %c0_i32 : i32, i32, i32
  }
}

module attributes {stable_mosaic.version = 14 : i64} {
  func.func @_m2_body(%arg0: i32, %arg1: i32, %arg2: memref<2x1000x128xf32, #tpu.memory_space<vmem>>, %arg3: memref<1x128x128xf32, #tpu.memory_space<vmem>>, %arg4: memref<1x1000x128xf32, #tpu.memory_space<vmem>>) attributes {dimension_semantics = [#tpu.dimension_semantics<arbitrary>, #tpu.dimension_semantics<arbitrary>], iteration_bounds = array<i64: 8, 10>, scalar_prefetch = 0 : i64, scratch_operands = 0 : i64, tpu.core_type = #tpu.core_type<tc>, window_params = [{transform_indices = @transform_0, window_bounds = array<i64: 2, 1000, 128>}, {transform_indices = @transform_1, window_bounds = array<i64: 1, 128, 128>}, {transform_indices = @transform_2, window_bounds = array<i64: 1, 1000, 128>}]} {
    %get3A = arith.constant 0 : index
    %get3A_0 = arith.constant 0 : index
    %get3A_1 = arith.constant 0 : index
    %get3A_2 = vector.load %arg2[%get3A, %get3A_0, %get3A_1] : memref<2x1000x128xf32, #tpu.memory_space<vmem>>, vector<1x1000x128xf32>
    %get3A_3 = vector.shape_cast %get3A_2 : vector<1x1000x128xf32> to vector<1000x128xf32>
    %get3A_4 = arith.constant 1 : index
    %get3A_5 = arith.constant 0 : index
    %get3A_6 = arith.constant 0 : index
    %get3A_7 = vector.load %arg2[%get3A_4, %get3A_5, %get3A_6] : memref<2x1000x128xf32, #tpu.memory_space<vmem>>, vector<1x1000x128xf32>
    %get3A_8 = vector.shape_cast %get3A_7 : vector<1x1000x128xf32> to vector<1000x128xf32>
    %add3A = arith.addf %get3A_3, %get3A_8 : vector<1000x128xf32>
    %tanh3A = math.tanh %add3A : vector<1000x128xf32>
    %get3A_9 = arith.constant 0 : index
    %get3A_10 = arith.constant 0 : index
    %get3A_11 = arith.constant 0 : index
    %get3A_12 = vector.load %arg3[%get3A_9, %get3A_10, %get3A_11] : memref<1x128x128xf32, #tpu.memory_space<vmem>>, vector<1x128x128xf32>
    %get3A_13 = vector.shape_cast %get3A_12 : vector<1x128x128xf32> to vector<128x128xf32>
    %dot_general3A = arith.constant dense<0.000000e+00> : vector<1000x128xf32>
    %dot_general3A_14 = tpu.matmul %tanh3A, %get3A_13, %dot_general3A {dimension_numbers = #tpu.dot_dimension_numbers<[1], [0], [0], [1], [0, 0, 1, 1], [], []>, transpose_lhs_hint = false} : vector<1000x128xf32>, vector<128x128xf32>, vector<1000x128xf32> -> vector<1000x128xf32>
    %swap3A = arith.constant 0 : index
    %swap3A_15 = arith.constant 0 : index
    %swap3A_16 = arith.constant 0 : index
    %swap3A_17 = vector.load %arg4[%swap3A, %swap3A_15, %swap3A_16] : memref<1x1000x128xf32, #tpu.memory_space<vmem>>, vector<1x1000x128xf32>
    %swap3A_18 = vector.shape_cast %swap3A_17 : vector<1x1000x128xf32> to vector<1000x128xf32>
    %swap3A_19 = vector.shape_cast %dot_general3A_14 : vector<1000x128xf32> to vector<1x1000x128xf32>
    tpu.vector_store %arg4[%swap3A, %swap3A_15, %swap3A_16], %swap3A_19 {strides = array<i32>} : memref<1x1000x128xf32, #tpu.memory_space<vmem>>, vector<1x1000x128xf32>,
    return
  }
  func.func @transform_0(%arg0: i32, %arg1: i32) -> (i32, i32, i32) {
    %c0_i32 = arith.constant 0 : i32
    %c0_i32_0 = arith.constant 0 : i32
    %c0_i32_1 = arith.constant 0 : i32
    return %c0_i32, %arg1, %c0_i32_0 : i32, i32, i32
  }
  func.func @transform_1(%arg0: i32, %arg1: i32) -> (i32, i32, i32) {
    %c0_i32 = arith.constant 0 : i32
    %c0_i32_0 = arith.constant 0 : i32
    %c0_i32_1 = arith.constant 0 : i32
    return %arg0, %c0_i32, %c0_i32_0 : i32, i32, i32
  }
  func.func @transform_2(%arg0: i32, %arg1: i32) -> (i32, i32, i32) {
    %c0_i32 = arith.constant 0 : i32
    %c0_i32_0 = arith.constant 0 : i32
    return %arg0, %arg1, %c0_i32 : i32, i32, i32
  }
}

module attributes {stable_mosaic.version = 14 : i64} {
  func.func @_fin_body(%arg0: i32, %arg1: memref<2x1000x128xf32, #tpu.memory_space<vmem>>, %arg2: memref<1000x128xf32, #tpu.memory_space<vmem>>, %arg3: memref<1000x128xf32, #tpu.memory_space<vmem>>) attributes {dimension_semantics = [#tpu.dimension_semantics<arbitrary>], iteration_bounds = array<i64: 10>, scalar_prefetch = 0 : i64, scratch_operands = 0 : i64, tpu.core_type = #tpu.core_type<tc>, window_params = [{transform_indices = @transform_0, window_bounds = array<i64: 2, 1000, 128>}, {transform_indices = @transform_1, window_bounds = array<i64: 1000, 128>}, {transform_indices = @transform_2, window_bounds = array<i64: 1000, 128>}]} {
    %get3A = arith.constant 0 : index
    %get3A_0 = arith.constant 0 : index
    %get3A_1 = arith.constant 0 : index
    %get3A_2 = vector.load %arg1[%get3A, %get3A_0, %get3A_1] : memref<2x1000x128xf32, #tpu.memory_space<vmem>>, vector<1x1000x128xf32>
    %get3A_3 = vector.shape_cast %get3A_2 : vector<1x1000x128xf32> to vector<1000x128xf32>
    %get3A_4 = arith.constant 1 : index
    %get3A_5 = arith.constant 0 : index
    %get3A_6 = arith.constant 0 : index
    %get3A_7 = vector.load %arg1[%get3A_4, %get3A_5, %get3A_6] : memref<2x1000x128xf32, #tpu.memory_space<vmem>>, vector<1x1000x128xf32>
    %get3A_8 = vector.shape_cast %get3A_7 : vector<1x1000x128xf32> to vector<1000x128xf32>
    %add3A = arith.addf %get3A_3, %get3A_8 : vector<1000x128xf32>
    %iota3A = tpu.iota {dimensions = array<i32: 1>} : vector<1000x128xi32>
    %lt3A = arith.constant 40 : i32
    %lt3A_9 = vector.broadcast %lt3A : i32 to vector<1000x128xi32>
    %lt3A_10 = arith.cmpi slt, %iota3A, %lt3A_9 : vector<1000x128xi32>
    %jit3A = arith.constant -1.000000e+30 : f32
    %broadcast_in_dim3A = vector.broadcast %jit3A : f32 to vector<1000x128xf32>
    %select_n3A = arith.select %lt3A_10, %add3A, %broadcast_in_dim3A : vector<1000x128xi1>, vector<1000x128xf32>
    %reduce_max3A = arith.constant dense<0xFF800000> : vector<1000xf32>
    %reduce_max3A_11 = vector.multi_reduction <maximumf>, %select_n3A, %reduce_max3A [1] : vector<1000x128xf32> to vector<1000xf32>
    %broadcast_in_dim3A_12 = vector.shape_cast %reduce_max3A_11 : vector<1000xf32> to vector<1000x1xf32>
    %sub3A = vector.broadcast %broadcast_in_dim3A_12 : vector<1000x1xf32> to vector<1000x128xf32>
    %sub3A_13 = arith.subf %select_n3A, %sub3A : vector<1000x128xf32>
    %exp3A = math.exp %sub3A_13 : vector<1000x128xf32>
    %reduce_sum3A = arith.constant dense<0.000000e+00> : vector<1000xf32>
    %reduce_sum3A_14 = vector.multi_reduction <add>, %exp3A, %reduce_sum3A [1] : vector<1000x128xf32> to vector<1000xf32>
    %broadcast_in_dim3A_15 = vector.shape_cast %reduce_sum3A_14 : vector<1000xf32> to vector<1000x1xf32>
    %div3A = vector.broadcast %broadcast_in_dim3A_15 : vector<1000x1xf32> to vector<1000x128xf32>
    %div3A_16 = arith.divf %exp3A, %div3A : vector<1000x128xf32>
    %swap3A = arith.constant 0 : index
    %swap3A_17 = arith.constant 0 : index
    %swap3A_18 = vector.load %arg2[%swap3A, %swap3A_17] : memref<1000x128xf32, #tpu.memory_space<vmem>>, vector<1000x128xf32>
    tpu.vector_store %arg2[%swap3A, %swap3A_17], %div3A_16 {strides = array<i32>} : memref<1000x128xf32, #tpu.memory_space<vmem>>, vector<1000x128xf32>,
    %swap3A_19 = arith.constant 0 : index
    %swap3A_20 = arith.constant 0 : index
    %swap3A_21 = vector.load %arg3[%swap3A_19, %swap3A_20] : memref<1000x128xf32, #tpu.memory_space<vmem>>, vector<1000x128xf32>
    tpu.vector_store %arg3[%swap3A_19, %swap3A_20], %add3A {strides = array<i32>} : memref<1000x128xf32, #tpu.memory_space<vmem>>, vector<1000x128xf32>,
    return
  }
  func.func @transform_0(%arg0: i32) -> (i32, i32, i32) {
    %c0_i32 = arith.constant 0 : i32
    %c0_i32_0 = arith.constant 0 : i32
    %c0_i32_1 = arith.constant 0 : i32
    return %c0_i32, %arg0, %c0_i32_0 : i32, i32, i32
  }
  func.func @transform_1(%arg0: i32) -> (i32, i32) {
    %c0_i32 = arith.constant 0 : i32
    %c0_i32_0 = arith.constant 0 : i32
    return %arg0, %c0_i32 : i32, i32
  }
  func.func @transform_2(%arg0: i32) -> (i32, i32) {
    %c0_i32 = arith.constant 0 : i32
    %c0_i32_0 = arith.constant 0 : i32
    return %arg0, %c0_i32 : i32, i32
  }
}

</mosaic_0001>

<sc_bundles>
// kernel: kernel.11.cloned.1.call-start
scs
__scs_entry_jumppad:
0x0: {  	(pc) =	sbr.rel $0x88, $3  }
0x1: {  	(tag) =	ssettag $0x0;
	lr =	simm.s32 $0x1  }
0x2: {  	[smem:$0x3F9C] =	sst lr;
	_ =	strace $0xD0000000  }
0x3: {  	_ = 	snop  }
0x4: {  	_ = 	snop  }
0x5: {  	_ = 	snop  }
0x6: {  	_ = 	snop  }
0x7: {  	_ = 	snop  }
__scs_overlays_trampoline_lowered:
0x8: {  	[smem:$0x3FAB] =	sst s0  }
0x9: {  	[smem:$0x3FAC] =	sst s1  }
0xa: {  	[smem:$0x3FAD] =	sst s2  }
0xb: {  	[smem:$0x3FAE] =	sst s3  }
0xc: {  	[smem:$0x3FAF] =	sst s4  }
0xd: {  	[smem:$0x3FB0] =	sst s5  }
0xe: {  	[smem:$0x3FB1] =	sst s6  }
0xf: {  	[smem:$0x3FB2] =	sst s7  }
0x10: {  	[smem:$0x3FB3] =	sst s8  }
0x11: {  	[smem:$0x3FB4] =	sst s9;
	s0 =	simm.s32 @!p0 $0x0  }
0x12: {  	s1 =	sld [smem:$0x3F9A];
	s0 =	simm.s32 @p0 $0x1  }
0x13: {  	[smem:$0x3FB5] =	sst s0;
	s0 =	simm.s32 @!p1 $0x0  }
0x14: {  	s2 =	sld [smem:$0x3F99];
	s0 =	simm.s32 @p1 $0x1  }
0x15: {  	[smem:$0x3FB6] =	sst s0;
	s0 =	simm.s32 @!p2 $0x0  }
0x16: {  	s3 =	sld [smem:$0x3FDB];
	s0 =	simm.s32 @p2 $0x1  }
0x17: {  	s4 =	simm.s32 $0x1BF5;
	[smem:$0x3FB8] =	sst s0  }
0x18: {  	s0 =	sld [smem:$0x3F9B];
	_ =	swait.ge [sflag:s4], $0x0  }
0x19: {  	s7 =	sld [smem:$0x3F9C]  }
0x1a: {  	s8 =	sadd.s32 $0xFFFFE003, lr  }
0x1b: {  	s9 =	sadd.s32 $0xFFFFFEF7, lr;
	s5 =	simm.s32 $0xFFFFFFFF;
	p2 =	slt.u32 s8, $0xFFFFF086  }
0x1c: {  	p1 =	slt.u32 s9, $0xF7A;
	s5 =	simm.s32 @!p2 $0x0  }
0x1d: {  	s5 =	simm.s32 @p1 $0x1;
	p0 =	seq.s32 s7, s2  }
0x1e: {  	s7 =	smul.u32 @!p0 $0xF7A, s2;
	p2 =	seq.s32 @!p0 s5, $0x0  }
0x1f: {  	s9 =	smul.u32 $0xF7A, s1;
	s8 =	simm.s32 @!p0 $0x1BF5;
	p2 =	por !p2, p0  }
0x20: {  	[sflag:s8] =	ssyncset.s32 @!p0 $0xFFFFF086;
	s6 =	sadd.s32 @!p0 s3, s7;
	s7 =	simm.s32 @!p0 $0x108  }
0x21: {  	s3 =	sadd.s32 s3, s9;
	s6 =	sadd.s32 @!p0 $0x88, s6;
	s7 =	simm.s32 @p2 $0x1082  }
0x22: {  	[simem:s7], [sflag:s8] =	dma.local @!p0 [hbm:s6], $0xF7A  }
0x23: {  	s9 =	sor.u32 $0xD0000000, s2;
	s6 =	simm.s32 $0x108;
	_ =	swait.ge @!p0 [sflag:s8], $0x0  }
0x24: {  	s3 =	sadd.s32 $0x88, s3;
	s6 =	simm.s32 @!p1 $0x1082;
	[sflag:s4] =	ssyncset.s32 $0xFFFFF086  }
0x25: {  	[simem:s6], [sflag:s4] =	dma.local [hbm:s3], $0xF7A  }
0x26: {  	[smem:$0x3F9C] =	sst s1;
	(tag) =	ssettag s2;
	_ =	strace s9  }
0x27: {  	s1 =	sld [smem:$0x3FAC]  }
0x28: {  	s2 =	sld [smem:$0x3FAD]  }
0x29: {  	s4 =	sld [smem:$0x3FAF]  }
0x2a: {  	p0 =	seq.s32 s5, $0x0;
	s5 =	sld [smem:$0x3FB0]  }
0x2b: {  	s6 =	sld [smem:$0x3FB1]  }
0x2c: {  	s7 =	sld [smem:$0x3FB2]  }
0x2d: {  	s3 =	simm.s32 $0x108;
	s8 =	sld [smem:$0x3FB3]  }
0x2e: {  	s3 =	simm.s32 @!p0 $0x1082;
	s9 =	sld [smem:$0x3FB4]  }
0x2f: {  	lr =	sadd.s32 s0, s3;
	s0 =	sld [smem:$0x3FAB]  }
0x30: {  	s3 =	sld [smem:$0x3FAE]  }
0x31: {  	[smem:$0x3FB7] =	sst s10  }
0x32: {  	s10 =	sld [smem:$0x3FB5];
	_ =	sdelay $0x3  }
0x33: {  	p0 =	seq.s32 s10, $0x1;
	s10 =	sld [smem:$0x3FB7];
	_ =	sdelay $0x3  }
0x34: {  	[smem:$0x3FB7] =	sst s10  }
0x35: {  	s10 =	sld [smem:$0x3FB6];
	_ =	sdelay $0x3  }
0x36: {  	p1 =	seq.s32 s10, $0x1;
	s10 =	sld [smem:$0x3FB7];
	_ =	sdelay $0x3  }
0x37: {  	[smem:$0x3FB7] =	sst s10  }
0x38: {  	s10 =	sld [smem:$0x3FB8]  }
0x39: {  	_ = 	snop;
	(pc) =	sbr.ind lr, $3  }
0x3a: {  	_ = 	snop  }
0x3b: {  	_ = 	snop  }
0x3c: {  	p2 =	seq.s32 s10, $0x1;
	s10 =	sld [smem:$0x3FB7]  }
0x3d: {  	_ =	shalt  }
0x3e: {  	_ =	shalt  }
0x3f: {  	_ =	shalt  }
0x40: {  	_ =	shalt  }
0x41: {  	_ =	shalt  }
0x42: {  	_ =	shalt  }
0x43: {  	_ =	shalt  }
0x44: {  	_ =	shalt  }
0x45: {  	_ =	shalt  }
0x46: {  	_ =	shalt  }
0x47: {  	_ =	shalt  }
0x48: {  	_ =	shalt  }
0x49: {  	_ =	shalt  }
0x4a: {  	_ =	shalt  }
0x4b: {  	_ =	shalt  }
0x4c: {  	_ =	shalt  }
0x4d: {  	_ =	shalt  }
0x4e: {  	_ =	shalt  }
0x4f: {  	_ =	shalt  }
0x50: {  	_ =	shalt  }
0x51: {  	_ =	shalt  }
0x52: {  	_ =	shalt  }
0x53: {  	_ =	shalt  }
0x54: {  	_ =	shalt  }
0x55: {  	_ =	shalt  }
0x56: {  	_ =	shalt  }
0x57: {  	_ =	shalt  }
0x58: {  	_ =	shalt  }
0x59: {  	_ =	shalt  }
0x5a: {  	_ =	shalt  }
0x5b: {  	_ =	shalt  }
0x5c: {  	_ =	shalt  }
0x5d: {  	_ =	shalt  }
0x5e: {  	_ =	shalt  }
0x5f: {  	_ =	shalt  }
0x60: {  	_ =	shalt  }
0x61: {  	_ =	shalt  }
0x62: {  	_ =	shalt  }
0x63: {  	_ =	shalt  }
0x64: {  	_ =	shalt  }
0x65: {  	_ =	shalt  }
0x66: {  	_ =	shalt  }
0x67: {  	_ =	shalt  }
0x68: {  	_ =	shalt  }
0x69: {  	_ =	shalt  }
0x6a: {  	_ =	shalt  }
0x6b: {  	_ =	shalt  }
0x6c: {  	_ =	shalt  }
0x6d: {  	_ =	shalt  }
0x6e: {  	_ =	shalt  }
0x6f: {  	_ =	shalt  }
0x70: {  	_ =	shalt  }
0x71: {  	_ =	shalt  }
0x72: {  	_ =	shalt  }
0x73: {  	_ =	shalt  }
0x74: {  	_ =	shalt  }
0x75: {  	_ =	shalt  }
0x76: {  	_ =	shalt  }
0x77: {  	_ =	shalt  }
0x78: {  	_ =	shalt  }
0x79: {  	_ =	shalt  }
0x7a: {  	_ =	shalt  }
0x7b: {  	_ =	shalt  }
0x7c: {  	_ =	shalt  }
0x7d: {  	_ =	shalt  }
0x7e: {  	_ =	shalt  }
0x7f: {  	_ =	shalt  }
0x80: {  	_ =	shalt  }
0x81: {  	_ =	shalt  }
0x82: {  	_ =	shalt  }
0x83: {  	_ =	shalt  }
0x84: {  	_ =	shalt  }
0x85: {  	_ =	shalt  }
0x86: {  	_ =	shalt  }
0x87: {  	_ =	shalt  }
.Lfunc_end0:
.L_simem_size_0:
called_computation.1_lowered:
.L_overlay_start_0:
0x88: {  	s2 =	sld [smem:$0x3FD9]  }
0x89: {  	s3 =	sld [smem:$0x3FFE];
	_ =	sdelay $0x1  }
0x8a: {  	s1 =	srdreg.scid  }
0x8b: {  	s0 =	sand.u32 $0x1, s1  }
0x8c: {  	s14 =	sshll.u32 s0, $0xA;
	s2 =	sadd.s32 s3, s2  }
0x8d: {  	s2 =	sadd.s32 s2, s14  }
0x8e: {  	[smem:$0x3FC3] =	sst s2  }
0x8f: {  	_ = 	snop  }
0x90: {  	s2 =	sld [smem:$0x3FD0];
	_ =	sdelay $0x2  }
0x91: {  	s4 =	simm.s32 $0xA;
	s5 =	simm.s32 $0x10;
	s15 =	sld [smem:$0x3FC7]  }
0x92: {  	[smem:s5], [sflag:s4] =	dma.local [hbm:s2], $0x1  }
0x93: {  	_ =	swait.eq [sflag:s4], $0x1  }
0x94: {  	[sflag:s4] =	ssyncset.done $0x0  }
0x95: {  	s16 =	sld [smem:$0x10];
	[sflag:s4] =	ssyncadd.s32 $0xFFFFFFFF  }
0x96: {  	s17 =	sld [smem:$0x11];
	(tm) =	ssettm $0x1  }
0x97: {  	s18 =	sld [smem:$0x3FFB];
	_ =	sdelay $0x3  }
0x98: {  	_ =	strace s18  }
0x99: {  	s5 =	sld [smem:$0x3FFC];
	_ =	sdelay $0x3  }
0x9a: {  	_ =	strace s5  }
0x9b: {  	s5 =	sld [smem:$0x3FFD];
	_ =	sdelay $0x3  }
0x9c: {  	_ =	strace s5  }
0x9d: {  	_ =	strace $0x8FFFFFFF  }
0x9e: {  	s19 =	sld [smem:$0x3FDB];
	_ =	sdelay $0x1  }
0x9f: {  	s6 =	simm.s32 $_scs_section_size  }
0xa0: {  	s7 =	simm.s32 $_size__tile_overlayer_lowered;
	s8 =	simm.s32 $_tile_overlayer_lowered  }
0xa1: {  	s22 =	simm.s32 $0x1BFF;
	s21 =	sshll.u32 s8, $0x1;
	s5 =	sadd.s32 s6, s19  }
0xa2: {  	s9 =	simm.s32 $0x0;
	s20 =	sshll.u32 s7, $0x1;
	s7 =	sadd.s32 s21, s5  }
0xa3: {  	[timem:s9], [sflag:s22] =	dma.local [hbm:s7], s20  }
0xa4: {  	_ =	swait.ge [sflag:s22], s20  }
0xa5: {  	s6 =	ssub.s32 $0x0, s20;
	[sflag:s22] =	ssyncset.done $0x0  }
0xa6: {  	[sflag:s22] =	ssyncadd.s32 s6;
	_ =	sdelay $0x1  }
0xa7: {  	s23 =	simm.s32 $0x1B8B  }
0xa8: {  	_ =	swait.ge [sflag:s23], $0x1  }
0xa9: {  	[sflag:s23] =	ssyncset.done $0x0  }
0xaa: {  	s25 =	simm.s32 $0x1B8E;
	s24 =	sld [smem:$0x3FFE];
	[sflag:s23] =	ssyncadd.s32 $0xFFFFFFFF  }
0xab: {  	s26 =	simm.s32 $execute0_lowered;
	[smem:$0x3FD2] =	sst s25  }
0xac: {  	s7 =	sshll.u32 s26, $0x1;
	_ =	strace $0x80000049;
	[dreg:$0x1] =	wrdreg $0xFFFFFFFF  }
0xad: {  	s28 =	simm.s32 $_size_execute0_lowered;
	s5 =	sadd.s32 s5, s7;
	[dreg:$0x0] =	wrdreg $0x0  }
0xae: {  	s7 =	sshll.u32 s28, $0x1;
	[dreg:$0x2] =	wrdreg s5  }
0xaf: {  	[dreg:$0x3] =	wrdreg s7  }
0xb0: {  	[dreg:$0x4] =	wrdreg $0xC0  }
0xb1: {  	_ =	task [dreg:s9], $0x5FFFF  }
0xb2: {  	[dreg:$0x1] =	wrdreg $0xFFFFFFFF  }
0xb3: {  	[dreg:$0x0] =	wrdreg $0x60  }
0xb4: {  	[dreg:$0x2] =	wrdreg s24  }
0xb5: {  	[dreg:$0x3] =	wrdreg s16  }
0xb6: {  	[dreg:$0x4] =	wrdreg s15  }
0xb7: {  	[dreg:$0x5] =	wrdreg s17  }
0xb8: {  	[dreg:$0x6] =	wrdreg $0x6A800  }
0xb9: {  	[dreg:$0x7] =	wrdreg $0x9  }
0xba: {  	_ =	task.clear_ibuf [dreg:s9], $0x8FFFF;
	_ =	strace $0x90000049  }
0xbb: {  	s29 =	simm.s32 $0x9;
	_ =	strace $0x8000004B  }
0xbc: {  	_ =	swait.ge [sflag:s29], $0x1  }
0xbd: {  	[sflag:s29] =	ssyncadd.s32 $0xFFFFFFFF  }
0xbe: {  	_ =	strace $0x9000004B  }
0xbf: {  	_ =	sfence  }
0xc0: {  	s30 =	sld [smem:$0x0];
	_ =	sdelay $0x2  }
0xc1: {  	s31 =	sshll.u32 s1, $0xD;
	s1 =	sshrl.u32 s1, $0x2  }
0xc2: {  	s3 =	sand.u32 $0x4000, s31;
	s1 =	sadd.s32 s1, s30  }
0xc3: {  	s0 =	sor.u32 s3, s0;
	s1 =	sshll.u32 s1, $0x11  }
0xc4: {  	s0 =	sor.u32 s1, s0  }
0xc5: {  	s0 =	sadd.s32 $0x8F2B, s0  }
0xc6: {  	[sflag:s0] =	ssyncadd.remote.s32 $0x1  }
0xc7: {  	_ =	sfence.sel $0xFFFF  }
0xc8: {  	[dreg:$0x0] =	wrdreg $0xFFFFFFFF;
	(pc) =	sbr.abs _section_cstart, $3  }
0xc9: {  	[dreg:$0x1] =	wrdreg $0xFFFFFFFF  }
0xca: {  	_ =	task.clear_ibuf [dreg:s9], $0x2FFFF;
	_ =	strace $0x9FFFFFFF  }
0xcb: {  	(tm) =	ssettm $0x7FFFFFFF  }
tec
execute0_lowered:
.L_overlay_start_1:
0x0: {  	(tag) =	ssettag $0x1  }
0x1: {  	s9 =	rddreg [dreg:$0x0]  }
0x2: {  	s1 =	rddreg [dreg:$0x1]  }
0x3: {  	s2 =	rddreg [dreg:$0x2]  }
0x4: {  	s4 =	rddreg [dreg:$0x3]  }
0x5: {  	s5 =	rddreg [dreg:$0x4]  }
0x6: {  	s0 =	rddreg [dreg:$0x5]  }
0x7: {  	s7 =	srdreg.scid;
	s3 =	stileid.u32;
	s6 =	simm.s32 $0x0  }
0x8: {  	s17 =	simm.s32 $0x2A80;
	s18 =	simm.s32 $0x2;
	s19 =	simm.s32 $0x80  }
0x9: {  	s20 =	simm.s32 $0x100;
	s21 =	simm.s32 $0x180;
	s22 =	simm.s32 $0x50  }
0xa: {  	s23 =	simm.s32 $0x200;
	s24 =	simm.s32 $0x280;
	s25 =	simm.s32 $0x1  }
0xb: {  	s10 =	sand.u32 $0x1, s7;
	s11 =	smul.u32 $0x2800, s3;
	[smem:$0x7FF] =	sst s6  }
0xc: {  	s13 =	smul.u32 $0x50000, s3;
	s7 =	sadd.s32 $0xB000, s9;
	s8 =	sadd.s32 $0x1200, s9  }
0xd: {  	v0 =	vimm.f32 $0.0e+00;
	v1 =	vimm.s32 $0x0;
	s31 =	sshll.u32 s3, $0x1;
	s12 =	smul.u32 $0x28000, s10;
	_ =	strace $0x8000004A  }
0xe: {  	v2 =	vimm.s32 $0x1;
	v3 =	vimm.s32 $0x2;
	v4 =	vimm.s32 $0x3;
	s28 =	ssub.s32 $0x2, s10;
	s14 =	sor.u32 s10, s31;
	s29 =	sshrl.u32 s13, $0x2  }
0xf: {  	v5 =	vimm.s32 $0x4;
	v6 =	vimm.s32 $0x5;
	v7 =	vimm.s32 $0x6;
	s30 =	sshrl.u32 s28, $0x1;
	s14 =	smul.u32 $0x2710, s14;
	s11 =	sadd.s32 s11, s12  }
0x10: {  	v8 =	vimm.s32 $0x7;
	v10 =	vimm.s32 $0x9;
	v11 =	vimm.s32 $0xA;
	s16 =	ssub.s32 s28, s30;
	s15 =	sadd.s32 s11, s9;
	s9 =	sadd.s32 s29, s5  }
0x11: {  	v12 =	vimm.s32 $0xB;
	v13 =	vimm.s32 $0xC;
	v14 =	vimm.s32 $0xD;
	s16 =	smax.u32 s16, $0x1;
	s10 =	sadd.s32 $0x4000, s9;
	s11 =	sadd.s32 $0x8000, s9  }
0x12: {  	v9 =	vimm.s32 $0x8;
	v15 =	vimm.s32 $0xE;
	v16 =	vimm.s32 $0xF;
	s12 =	sadd.s32 $0xC000, s9;
	s13 =	sadd.s32 $0x10000, s9;
	s15 =	sadd.s32 $0x143800, s15  }
.LBB2_1:
0x13: {  	s26 =	simm.s32 $0x0;
	s28 =	simm.s32 $0x200  }
.LBB2_2:
0x14: {  	p0 =	sne.s32 s28, $0xFE00;
	[tilespmem:s26+$0x2AF0] =	vst v0  }
0x15: {  	[tilespmem:s26+$0x2A80] =	vst v0  }
0x16: {  	[tilespmem:s26+$0x2A90] =	vst v0  }
.Ltmp0:
0x17: {  	[tilespmem:s26+$0x2AA0] =	vst v0;
	(pc) =	sbr.rel @p0 .LBB2_2-.Ltmp0, $4  }
0x18: {  	[tilespmem:s26+$0x2AB0] =	vst v0  }
0x19: {  	[tilespmem:s26+$0x2AC0] =	vst v0  }
0x1a: {  	[tilespmem:s26+$0x2AD0] =	vst v0  }
0x1b: {  	[tilespmem:s26+$0x2AE0] =	vst v0;
	s26 =	sshra.s32 s28, $0x2;
	s28 =	sadd.s32 $0x200, s28  }
0x1c: {  	[tilespmem:s26+$0x2AF0] =	vst v0  }
0x1d: {  	[tilespmem:s26+$0x2A80] =	vst v0  }
0x1e: {  	[tilespmem:s26+$0x2A90] =	vst v0  }
0x1f: {  	[tilespmem:s26+$0x2AA0] =	vst v0  }
0x20: {  	[tilespmem:s26+$0x2AB0] =	vst v0  }
0x21: {  	[tilespmem:s26+$0x2AC0] =	vst v0  }
0x22: {  	[tilespmem:s26+$0x2AD0] =	vst v0  }
0x23: {  	[tilespmem:s26+$0x2AE0] =	vst v0  }
0x24: {  	[spmem:s9] =	stream.linear.scatter [tilespmem:s17], [sflag:$0x2], $0x4000, $0x38;
	[tilespmem:$0x1AA80] =	vst v63  }
0x25: {  	_ =	swait.ge [sflag:s18], $0x4000  }
0x26: {  	[sflag:s18] =	ssyncset.done $0x0  }
0x27: {  	[sflag:s18] =	ssyncadd.s32 $0xFFFFC000  }
0x28: {  	[spmem:s10] =	stream.linear.scatter [tilespmem:s17], [sflag:$0x2], $0x4000, $0x38;
	[tilespmem:$0x1AA80] =	vst v63  }
0x29: {  	_ =	swait.ge [sflag:s18], $0x4000  }
0x2a: {  	[sflag:s18] =	ssyncset.done $0x0  }
0x2b: {  	[sflag:s18] =	ssyncadd.s32 $0xFFFFC000  }
0x2c: {  	[spmem:s11] =	stream.linear.scatter [tilespmem:s17], [sflag:$0x2], $0x4000, $0x38;
	[tilespmem:$0x1AA80] =	vst v63  }
0x2d: {  	_ =	swait.ge [sflag:s18], $0x4000  }
0x2e: {  	[sflag:s18] =	ssyncset.done $0x0  }
0x2f: {  	[sflag:s18] =	ssyncadd.s32 $0xFFFFC000  }
0x30: {  	[spmem:s12] =	stream.linear.scatter [tilespmem:s17], [sflag:$0x2], $0x4000, $0x38;
	[tilespmem:$0x1AA80] =	vst v63  }
0x31: {  	_ =	swait.ge [sflag:s18], $0x4000  }
0x32: {  	[sflag:s18] =	ssyncset.done $0x0  }
0x33: {  	[sflag:s18] =	ssyncadd.s32 $0xFFFFC000  }
0x34: {  	[spmem:s13] =	stream.linear.scatter [tilespmem:s17], [sflag:$0x2], $0x4000, $0x38;
	[tilespmem:$0x1AA80] =	vst v63  }
0x35: {  	_ =	swait.ge [sflag:s18], $0x4000  }
0x36: {  	[sflag:s18] =	ssyncset.done $0x0  }
0x37: {  	[sflag:s18] =	ssyncadd.s32 $0xFFFFC000  }
0x38: {  	s26 =	simm.s32 $0x0;
	s28 =	simm.s32 $0x0;
	[bflag:$0x0] =	sbarrier.arrive $0xFFFF  }
.LBB2_4:
0x39: {  	s29 =	smul.u32 $0x50, s28;
	_ =	sdelay $0x1  }
0x3a: {  	s29 =	sadd.s32 s14, s29  }
0x3b: {  	s29 =	sshrl.u32 s29, $0x3  }
0x3c: {  	s30 =	sadd.s32 s1, s29  }
0x3d: {  	[tilespmem:s26], [sflag:$0x2] =	stream.linear.gather [hbm4b:s30+s26], $0x50, $0x38;
	[tilespmem:$0x1AA80] =	vst v63  }
0x3e: {  	_ =	swait.ge [sflag:s18], $0x50  }
0x3f: {  	[sflag:s18] =	ssyncset.done $0x0  }
0x40: {  	s31 =	sadd.s32 s2, s29;
	[sflag:s18] =	ssyncadd.s32 $0xFFFFFFB0  }
0x41: {  	[tilespmem:s19], [sflag:$0x2] =	stream.linear.gather [hbm4b:s31+s26], $0x50, $0x38;
	[tilespmem:$0x1AA80] =	vst v63  }
0x42: {  	_ =	swait.ge [sflag:s18], $0x50  }
0x43: {  	[sflag:s18] =	ssyncset.done $0x0  }
0x44: {  	s31 =	sadd.s32 s4, s29;
	[sflag:s18] =	ssyncadd.s32 $0xFFFFFFB0  }
0x45: {  	[tilespmem:s20], [sflag:$0x2] =	stream.linear.gather [hbm4b:s31+s26], $0x50, $0x38;
	[tilespmem:$0x1AA80] =	vst v63  }
0x46: {  	_ =	swait.ge [sflag:s18], $0x50  }
0x47: {  	[sflag:s18] =	ssyncset.done $0x0  }
0x48: {  	s29 =	sadd.s32 s8, s29;
	[sflag:s18] =	ssyncadd.s32 $0xFFFFFFB0  }
0x49: {  	[tilespmem:s21], [sflag:$0x2] =	stream.linear.gather [hbm4b:s29+s26], $0x50, $0x38;
	[tilespmem:$0x1AA80] =	vst v63  }
0x4a: {  	_ =	swait.ge [sflag:s18], $0x50  }
0x4b: {  	[sflag:s18] =	ssyncset.done $0x0  }
0x4c: {  	[sflag:s18] =	ssyncadd.s32 $0xFFFFFFB0  }
0x4d: {  	v17 =	vld [tilespmem:$0x80]  }
0x4e: {  	v18 =	vld [tilespmem:$0x0]  }
0x4f: {  	v19 =	vld [tilespmem:$0x90]  }
0x50: {  	v20 =	vld [tilespmem:$0x10]  }
0x51: {  	v21 =	vld [tilespmem:$0xA0]  }
0x52: {  	v22 =	vld [tilespmem:$0x20]  }
0x53: {  	v23 =	vld [tilespmem:$0xB0]  }
0x54: {  	v24 =	vld [tilespmem:$0xC0]  }
0x55: {  	v25 =	vld [tilespmem:$0x30];
	v17 =	vmul.u32 $0x2710, v17  }
0x56: {  	v26 =	vld [tilespmem:$0x40];
	v19 =	vmul.u32 $0x2710, v19  }
0x57: {  	v17 =	vadd.s32 v18, v17;
	v18 =	vmul.u32 $0x2710, v21  }
0x58: {  	[tilespmem:$0x200] =	vst v17;
	v17 =	vadd.s32 v20, v19;
	v19 =	vmul.u32 $0x2710, v23  }
0x59: {  	[tilespmem:$0x210] =	vst v17;
	v17 =	vadd.s32 v22, v18;
	v18 =	vmul.u32 $0x2710, v24  }
0x5a: {  	[tilespmem:$0x220] =	vst v17;
	v17 =	vadd.s32 v25, v19  }
0x5b: {  	[tilespmem:$0x230] =	vst v17;
	v17 =	vadd.s32 v26, v18  }
0x5c: {  	[tilespmem:$0x240] =	vst v17  }
0x5d: {  	[tilespmem:s24], [sflag:$0x1] =	stream.indirect.gather [hbm4b:s7+s22], $0x80, s23, s22, $0xb8;
	[tilespmem:$0x1AA80] =	vst v63  }
0x5e: {  	_ =	swait.ge [sflag:s25], $0x2800  }
0x5f: {  	[sflag:s25] =	ssyncset.done $0x0  }
0x60: {  	s29 =	simm.s32 $0x0;
	[sflag:s25] =	ssyncadd.s32 $0xFFFFD800  }
.LBB2_5:
0x61: {  	s30 =	sshll.u32 s29, $0x4  }
0x62: {  	s30 =	sand.u32 $0x3FFFFFF0, s30  }
0x63: {  	s31 =	sshll.u32 s29, $0xB;
	v17 =	vld [tilespmem:s30+$0x180]  }
0x64: {  	s30 =	sand.u32 $0x3FFFF800, s31  }
0x65: {  	v18 =	vld [tilespmem:s30+$0x280]  }
0x66: {  	v19 =	vld [tilespmem:s30+$0x290]  }
0x67: {  	v20 =	vld [tilespmem:s30+$0x2A0]  }
0x68: {  	v22 =	vld [tilespmem:s30+$0x2B0];
	v21 =	vperm.xlane v17, v1  }
0x69: {  	v23 =	vld [tilespmem:s30+$0x2C0]  }
0x6a: {  	v24 =	vld [tilespmem:s30+$0x2D0];
	v18 =	vmul.f32 v18, v21  }
0x6b: {  	v25 =	vld [tilespmem:s30+$0x2E0];
	v19 =	vmul.f32 v19, v21  }
0x6c: {  	v38 =	vld [tilespmem:s30+$0x2F0];
	[tilespmem:s30+$0x280] =	vst v18;
	v18 =	vmul.f32 v20, v21  }
0x6d: {  	v39 =	vld [tilespmem:s30+$0x300];
	[tilespmem:s30+$0x290] =	vst v19;
	v19 =	vmul.f32 v22, v21  }
0x6e: {  	v40 =	vld [tilespmem:s30+$0x310];
	[tilespmem:s30+$0x2A0] =	vst v18;
	v18 =	vmul.f32 v23, v21  }
0x6f: {  	v41 =	vld [tilespmem:s30+$0x320];
	[tilespmem:s30+$0x2B0] =	vst v19;
	v19 =	vmul.f32 v24, v21  }
0x70: {  	v26 =	vld [tilespmem:s30+$0x330];
	v42 =	vperm.xlane v17, v2;
	[tilespmem:s30+$0x2C0] =	vst v18;
	v18 =	vmul.f32 v25, v21  }
0x71: {  	v43 =	vld [tilespmem:s30+$0x340];
	[tilespmem:s30+$0x2D0] =	vst v19;
	v19 =	vmul.f32 v38, v21  }
0x72: {  	v44 =	vld [tilespmem:s30+$0x350];
	[tilespmem:s30+$0x2E0] =	vst v18;
	v18 =	vmul.f32 v39, v42  }
0x73: {  	v45 =	vld [tilespmem:s30+$0x360];
	[tilespmem:s30+$0x2F0] =	vst v19;
	v19 =	vmul.f32 v40, v42  }
0x74: {  	v46 =	vld [tilespmem:s30+$0x370];
	[tilespmem:s30+$0x300] =	vst v18;
	v18 =	vmul.f32 v41, v42  }
0x75: {  	v47 =	vld [tilespmem:s30+$0x380];
	[tilespmem:s30+$0x310] =	vst v19;
	v19 =	vmul.f32 v26, v42  }
0x76: {  	v48 =	vld [tilespmem:s30+$0x390];
	[tilespmem:s30+$0x320] =	vst v18;
	v18 =	vmul.f32 v43, v42  }
0x77: {  	v49 =	vld [tilespmem:s30+$0x3A0];
	[tilespmem:s30+$0x330] =	vst v19;
	v19 =	vmul.f32 v44, v42  }
0x78: {  	v51 =	vld [tilespmem:s30+$0x3B0];
	v50 =	vperm.xlane v17, v3;
	[tilespmem:s30+$0x340] =	vst v18;
	v18 =	vmul.f32 v45, v42  }
0x79: {  	v52 =	vld [tilespmem:s30+$0x3C0];
	[tilespmem:s30+$0x350] =	vst v19;
	v19 =	vmul.f32 v46, v42  }
0x7a: {  	v53 =	vld [tilespmem:s30+$0x3D0];
	[tilespmem:s30+$0x360] =	vst v18;
	v18 =	vmul.f32 v47, v50  }
0x7b: {  	v54 =	vld [tilespmem:s30+$0x3E0];
	[tilespmem:s30+$0x370] =	vst v19;
	v19 =	vmul.f32 v48, v50  }
0x7c: {  	v55 =	vld [tilespmem:s30+$0x3F0];
	[tilespmem:s30+$0x380] =	vst v18;
	v18 =	vmul.f32 v49, v50  }
0x7d: {  	v56 =	vld [tilespmem:s30+$0x400];
	[tilespmem:s30+$0x390] =	vst v19;
	v19 =	vmul.f32 v51, v50  }
0x7e: {  	v57 =	vld [tilespmem:s30+$0x410];
	[tilespmem:s30+$0x3A0] =	vst v18;
	v18 =	vmul.f32 v52, v50  }
0x7f: {  	v58 =	vld [tilespmem:s30+$0x420];
	[tilespmem:s30+$0x3B0] =	vst v19;
	v19 =	vmul.f32 v53, v50  }
0x80: {  	v60 =	vld [tilespmem:s30+$0x430];
	v59 =	vperm.xlane v17, v4;
	[tilespmem:s30+$0x3C0] =	vst v18;
	v18 =	vmul.f32 v54, v50  }
0x81: {  	v61 =	vld [tilespmem:s30+$0x440];
	[tilespmem:s30+$0x3D0] =	vst v19;
	v19 =	vmul.f32 v55, v50  }
0x82: {  	v62 =	vld [tilespmem:s30+$0x450];
	[tilespmem:s30+$0x3E0] =	vst v18;
	v18 =	vmul.f32 v56, v59  }
0x83: {  	v63 =	vld [tilespmem:s30+$0x460];
	[tilespmem:s30+$0x3F0] =	vst v19;
	v19 =	vmul.f32 v57, v59  }
0x84: {  	v28 =	vld [tilespmem:s30+$0x470];
	[tilespmem:s30+$0x400] =	vst v18;
	v18 =	vmul.f32 v58, v59  }
0x85: {  	v29 =	vld [tilespmem:s30+$0x480];
	[tilespmem:s30+$0x410] =	vst v19;
	v19 =	vmul.f32 v60, v59  }
0x86: {  	v30 =	vld [tilespmem:s30+$0x490];
	[tilespmem:s30+$0x420] =	vst v18;
	v18 =	vmul.f32 v61, v59  }
0x87: {  	v31 =	vld [tilespmem:s30+$0x4A0];
	[tilespmem:s30+$0x430] =	vst v19;
	v19 =	vmul.f32 v62, v59  }
0x88: {  	v33 =	vld [tilespmem:s30+$0x4B0];
	v32 =	vperm.xlane v17, v5;
	[tilespmem:s30+$0x440] =	vst v18;
	v18 =	vmul.f32 v63, v59  }
0x89: {  	v34 =	vld [tilespmem:s30+$0x4C0];
	[tilespmem:s30+$0x450] =	vst v19;
	v19 =	vmul.f32 v28, v59  }
0x8a: {  	v35 =	vld [tilespmem:s30+$0x4D0];
	[tilespmem:s30+$0x460] =	vst v18;
	v18 =	vmul.f32 v29, v32  }
0x8b: {  	v36 =	vld [tilespmem:s30+$0x4E0];
	[tilespmem:s30+$0x470] =	vst v19;
	v19 =	vmul.f32 v30, v32  }
0x8c: {  	v37 =	vld [tilespmem:s30+$0x4F0];
	[tilespmem:s30+$0x480] =	vst v18;
	v18 =	vmul.f32 v31, v32  }
0x8d: {  	v38 =	vld [tilespmem:s30+$0x500];
	[tilespmem:s30+$0x490] =	vst v19;
	v19 =	vmul.f32 v33, v32  }
0x8e: {  	v39 =	vld [tilespmem:s30+$0x510];
	[tilespmem:s30+$0x4A0] =	vst v18;
	v18 =	vmul.f32 v34, v32  }
0x8f: {  	v40 =	vld [tilespmem:s30+$0x520];
	[tilespmem:s30+$0x4B0] =	vst v19;
	v19 =	vmul.f32 v35, v32  }
0x90: {  	v41 =	vperm.xlane v17, v6;
	v42 =	vld [tilespmem:s30+$0x530];
	[tilespmem:s30+$0x4C0] =	vst v18;
	v18 =	vmul.f32 v36, v32  }
0x91: {  	v43 =	vld [tilespmem:s30+$0x540];
	[tilespmem:s30+$0x4D0] =	vst v19;
	v19 =	vmul.f32 v37, v32  }
0x92: {  	v44 =	vld [tilespmem:s30+$0x550];
	[tilespmem:s30+$0x4E0] =	vst v18;
	v18 =	vmul.f32 v38, v41  }
0x93: {  	v45 =	vld [tilespmem:s30+$0x560];
	[tilespmem:s30+$0x4F0] =	vst v19;
	v19 =	vmul.f32 v39, v41  }
0x94: {  	v46 =	vld [tilespmem:s30+$0x570];
	[tilespmem:s30+$0x500] =	vst v18;
	v18 =	vmul.f32 v40, v41  }
0x95: {  	v47 =	vld [tilespmem:s30+$0x580];
	[tilespmem:s30+$0x510] =	vst v19;
	v19 =	vmul.f32 v42, v41  }
0x96: {  	v48 =	vld [tilespmem:s30+$0x590];
	[tilespmem:s30+$0x520] =	vst v18;
	v18 =	vmul.f32 v43, v41  }
0x97: {  	v49 =	vld [tilespmem:s30+$0x5A0];
	[tilespmem:s30+$0x530] =	vst v19;
	v19 =	vmul.f32 v44, v41  }
0x98: {  	v51 =	vld [tilespmem:s30+$0x5B0];
	v50 =	vperm.xlane v17, v7;
	[tilespmem:s30+$0x540] =	vst v18;
	v18 =	vmul.f32 v45, v41  }
0x99: {  	v52 =	vld [tilespmem:s30+$0x5C0];
	[tilespmem:s30+$0x550] =	vst v19;
	v19 =	vmul.f32 v46, v41  }
0x9a: {  	v53 =	vld [tilespmem:s30+$0x5D0];
	[tilespmem:s30+$0x560] =	vst v18;
	v18 =	vmul.f32 v47, v50  }
0x9b: {  	v54 =	vld [tilespmem:s30+$0x5E0];
	[tilespmem:s30+$0x570] =	vst v19;
	v19 =	vmul.f32 v48, v50  }
0x9c: {  	v55 =	vld [tilespmem:s30+$0x5F0];
	[tilespmem:s30+$0x580] =	vst v18;
	v18 =	vmul.f32 v49, v50  }
0x9d: {  	v56 =	vld [tilespmem:s30+$0x600];
	[tilespmem:s30+$0x590] =	vst v19;
	v19 =	vmul.f32 v51, v50  }
0x9e: {  	v57 =	vld [tilespmem:s30+$0x610];
	[tilespmem:s30+$0x5A0] =	vst v18;
	v18 =	vmul.f32 v52, v50  }
0x9f: {  	v58 =	vld [tilespmem:s30+$0x620];
	[tilespmem:s30+$0x5B0] =	vst v19;
	v19 =	vmul.f32 v53, v50  }
0xa0: {  	v60 =	vld [tilespmem:s30+$0x630];
	v59 =	vperm.xlane v17, v8;
	[tilespmem:s30+$0x5C0] =	vst v18;
	v18 =	vmul.f32 v54, v50  }
0xa1: {  	v61 =	vld [tilespmem:s30+$0x640];
	[tilespmem:s30+$0x5D0] =	vst v19;
	v19 =	vmul.f32 v55, v50  }
0xa2: {  	v62 =	vld [tilespmem:s30+$0x650];
	[tilespmem:s30+$0x5E0] =	vst v18;
	v18 =	vmul.f32 v56, v59  }
0xa3: {  	v63 =	vld [tilespmem:s30+$0x660];
	[tilespmem:s30+$0x5F0] =	vst v19;
	v19 =	vmul.f32 v57, v59  }
0xa4: {  	v28 =	vld [tilespmem:s30+$0x670];
	[tilespmem:s30+$0x600] =	vst v18;
	v18 =	vmul.f32 v58, v59  }
0xa5: {  	v29 =	vld [tilespmem:s30+$0x680];
	[tilespmem:s30+$0x610] =	vst v19;
	v19 =	vmul.f32 v60, v59  }
0xa6: {  	v30 =	vld [tilespmem:s30+$0x690];
	[tilespmem:s30+$0x620] =	vst v18;
	v18 =	vmul.f32 v61, v59  }
0xa7: {  	v31 =	vld [tilespmem:s30+$0x6A0];
	[tilespmem:s30+$0x630] =	vst v19;
	v19 =	vmul.f32 v62, v59  }
0xa8: {  	v33 =	vld [tilespmem:s30+$0x6B0];
	v32 =	vperm.xlane v17, v9;
	[tilespmem:s30+$0x640] =	vst v18;
	v18 =	vmul.f32 v63, v59  }
0xa9: {  	v34 =	vld [tilespmem:s30+$0x6C0];
	[tilespmem:s30+$0x650] =	vst v19;
	v19 =	vmul.f32 v28, v59  }
0xaa: {  	v35 =	vld [tilespmem:s30+$0x6D0];
	[tilespmem:s30+$0x660] =	vst v18;
	v18 =	vmul.f32 v29, v32  }
0xab: {  	v36 =	vld [tilespmem:s30+$0x6E0];
	[tilespmem:s30+$0x670] =	vst v19;
	v19 =	vmul.f32 v30, v32  }
0xac: {  	v37 =	vld [tilespmem:s30+$0x6F0];
	[tilespmem:s30+$0x680] =	vst v18;
	v18 =	vmul.f32 v31, v32  }
0xad: {  	v38 =	vld [tilespmem:s30+$0x700];
	[tilespmem:s30+$0x690] =	vst v19;
	v19 =	vmul.f32 v33, v32  }
0xae: {  	v39 =	vld [tilespmem:s30+$0x710];
	[tilespmem:s30+$0x6A0] =	vst v18;
	v18 =	vmul.f32 v34, v32  }
0xaf: {  	v40 =	vld [tilespmem:s30+$0x720];
	[tilespmem:s30+$0x6B0] =	vst v19;
	v19 =	vmul.f32 v35, v32  }
0xb0: {  	v42 =	vld [tilespmem:s30+$0x730];
	v41 =	vperm.xlane v17, v10;
	[tilespmem:s30+$0x6C0] =	vst v18;
	v18 =	vmul.f32 v36, v32  }
0xb1: {  	v43 =	vld [tilespmem:s30+$0x740];
	[tilespmem:s30+$0x6D0] =	vst v19;
	v19 =	vmul.f32 v37, v32  }
0xb2: {  	v44 =	vld [tilespmem:s30+$0x750];
	[tilespmem:s30+$0x6E0] =	vst v18;
	v18 =	vmul.f32 v38, v41  }
0xb3: {  	v45 =	vld [tilespmem:s30+$0x760];
	[tilespmem:s30+$0x6F0] =	vst v19;
	v19 =	vmul.f32 v39, v41  }
0xb4: {  	v46 =	vld [tilespmem:s30+$0x770];
	[tilespmem:s30+$0x700] =	vst v18;
	v18 =	vmul.f32 v40, v41  }
0xb5: {  	v47 =	vld [tilespmem:s30+$0x780];
	[tilespmem:s30+$0x710] =	vst v19;
	v19 =	vmul.f32 v42, v41  }
0xb6: {  	v48 =	vld [tilespmem:s30+$0x790];
	[tilespmem:s30+$0x720] =	vst v18;
	v18 =	vmul.f32 v43, v41  }
0xb7: {  	v49 =	vld [tilespmem:s30+$0x7A0];
	[tilespmem:s30+$0x730] =	vst v19;
	v19 =	vmul.f32 v44, v41  }
0xb8: {  	v51 =	vld [tilespmem:s30+$0x7B0];
	v50 =	vperm.xlane v17, v11;
	[tilespmem:s30+$0x740] =	vst v18;
	v18 =	vmul.f32 v45, v41  }
0xb9: {  	v52 =	vld [tilespmem:s30+$0x7C0];
	[tilespmem:s30+$0x750] =	vst v19;
	v19 =	vmul.f32 v46, v41  }
0xba: {  	v53 =	vld [tilespmem:s30+$0x7D0];
	[tilespmem:s30+$0x760] =	vst v18;
	v18 =	vmul.f32 v47, v50  }
0xbb: {  	v54 =	vld [tilespmem:s30+$0x7E0];
	[tilespmem:s30+$0x770] =	vst v19;
	v19 =	vmul.f32 v48, v50  }
0xbc: {  	v55 =	vld [tilespmem:s30+$0x7F0];
	[tilespmem:s30+$0x780] =	vst v18;
	v18 =	vmul.f32 v49, v50  }
0xbd: {  	v56 =	vld [tilespmem:s30+$0x800];
	[tilespmem:s30+$0x790] =	vst v19;
	v19 =	vmul.f32 v51, v50  }
0xbe: {  	v57 =	vld [tilespmem:s30+$0x810];
	[tilespmem:s30+$0x7A0] =	vst v18;
	v18 =	vmul.f32 v52, v50  }
0xbf: {  	v58 =	vld [tilespmem:s30+$0x820];
	[tilespmem:s30+$0x7B0] =	vst v19;
	v19 =	vmul.f32 v53, v50  }
0xc0: {  	v60 =	vld [tilespmem:s30+$0x830];
	v59 =	vperm.xlane v17, v12;
	[tilespmem:s30+$0x7C0] =	vst v18;
	v18 =	vmul.f32 v54, v50  }
0xc1: {  	v61 =	vld [tilespmem:s30+$0x840];
	[tilespmem:s30+$0x7D0] =	vst v19;
	v19 =	vmul.f32 v55, v50  }
0xc2: {  	v62 =	vld [tilespmem:s30+$0x850];
	[tilespmem:s30+$0x7E0] =	vst v18;
	v18 =	vmul.f32 v56, v59  }
0xc3: {  	v63 =	vld [tilespmem:s30+$0x860];
	[tilespmem:s30+$0x7F0] =	vst v19;
	v19 =	vmul.f32 v57, v59  }
0xc4: {  	v28 =	vld [tilespmem:s30+$0x870];
	[tilespmem:s30+$0x800] =	vst v18;
	v18 =	vmul.f32 v58, v59  }
0xc5: {  	v29 =	vld [tilespmem:s30+$0x880];
	[tilespmem:s30+$0x810] =	vst v19;
	v19 =	vmul.f32 v60, v59  }
0xc6: {  	v30 =	vld [tilespmem:s30+$0x890];
	[tilespmem:s30+$0x820] =	vst v18;
	v18 =	vmul.f32 v61, v59  }
0xc7: {  	v31 =	vld [tilespmem:s30+$0x8A0];
	[tilespmem:s30+$0x830] =	vst v19;
	v19 =	vmul.f32 v62, v59  }
0xc8: {  	v33 =	vld [tilespmem:s30+$0x8B0];
	v32 =	vperm.xlane v17, v13;
	[tilespmem:s30+$0x840] =	vst v18;
	v18 =	vmul.f32 v63, v59  }
0xc9: {  	v34 =	vld [tilespmem:s30+$0x8C0];
	[tilespmem:s30+$0x850] =	vst v19;
	v19 =	vmul.f32 v28, v59  }
0xca: {  	v35 =	vld [tilespmem:s30+$0x8D0];
	[tilespmem:s30+$0x860] =	vst v18;
	v18 =	vmul.f32 v29, v32  }
0xcb: {  	v36 =	vld [tilespmem:s30+$0x8E0];
	[tilespmem:s30+$0x870] =	vst v19;
	v19 =	vmul.f32 v30, v32  }
0xcc: {  	v37 =	vld [tilespmem:s30+$0x8F0];
	[tilespmem:s30+$0x880] =	vst v18;
	v18 =	vmul.f32 v31, v32  }
0xcd: {  	v38 =	vld [tilespmem:s30+$0x900];
	[tilespmem:s30+$0x890] =	vst v19;
	v19 =	vmul.f32 v33, v32  }
0xce: {  	v39 =	vld [tilespmem:s30+$0x910];
	[tilespmem:s30+$0x8A0] =	vst v18;
	v18 =	vmul.f32 v34, v32  }
0xcf: {  	v40 =	vld [tilespmem:s30+$0x920];
	[tilespmem:s30+$0x8B0] =	vst v19;
	v19 =	vmul.f32 v35, v32  }
0xd0: {  	v42 =	vld [tilespmem:s30+$0x930];
	v41 =	vperm.xlane v17, v14;
	[tilespmem:s30+$0x8C0] =	vst v18;
	v18 =	vmul.f32 v36, v32  }
0xd1: {  	v43 =	vld [tilespmem:s30+$0x940];
	[tilespmem:s30+$0x8D0] =	vst v19;
	v19 =	vmul.f32 v37, v32  }
0xd2: {  	v44 =	vld [tilespmem:s30+$0x950];
	[tilespmem:s30+$0x8E0] =	vst v18;
	v18 =	vmul.f32 v38, v41  }
0xd3: {  	v45 =	vld [tilespmem:s30+$0x960];
	[tilespmem:s30+$0x8F0] =	vst v19;
	v19 =	vmul.f32 v39, v41  }
0xd4: {  	v46 =	vld [tilespmem:s30+$0x970];
	[tilespmem:s30+$0x900] =	vst v18;
	v18 =	vmul.f32 v40, v41  }
0xd5: {  	v47 =	vld [tilespmem:s30+$0x980];
	[tilespmem:s30+$0x910] =	vst v19;
	v19 =	vmul.f32 v42, v41  }
0xd6: {  	v48 =	vld [tilespmem:s30+$0x990];
	[tilespmem:s30+$0x920] =	vst v18;
	v18 =	vmul.f32 v43, v41  }
0xd7: {  	v49 =	vld [tilespmem:s30+$0x9A0];
	[tilespmem:s30+$0x930] =	vst v19;
	v19 =	vmul.f32 v44, v41  }
0xd8: {  	v51 =	vld [tilespmem:s30+$0x9B0];
	v50 =	vperm.xlane v17, v15;
	[tilespmem:s30+$0x940] =	vst v18;
	v18 =	vmul.f32 v45, v41  }
0xd9: {  	v52 =	vld [tilespmem:s30+$0x9C0];
	[tilespmem:s30+$0x950] =	vst v19;
	v19 =	vmul.f32 v46, v41  }
0xda: {  	v53 =	vld [tilespmem:s30+$0x9D0];
	[tilespmem:s30+$0x960] =	vst v18;
	v18 =	vmul.f32 v47, v50  }
0xdb: {  	v54 =	vld [tilespmem:s30+$0x9E0];
	[tilespmem:s30+$0x970] =	vst v19;
	v19 =	vmul.f32 v48, v50  }
0xdc: {  	v55 =	vld [tilespmem:s30+$0x9F0];
	[tilespmem:s30+$0x980] =	vst v18;
	v18 =	vmul.f32 v49, v50  }
0xdd: {  	v56 =	vld [tilespmem:s30+$0xA00];
	[tilespmem:s30+$0x990] =	vst v19;
	v19 =	vmul.f32 v51, v50  }
0xde: {  	v57 =	vld [tilespmem:s30+$0xA10];
	[tilespmem:s30+$0x9A0] =	vst v18;
	v18 =	vmul.f32 v52, v50  }
0xdf: {  	v58 =	vld [tilespmem:s30+$0xA20];
	[tilespmem:s30+$0x9B0] =	vst v19;
	v19 =	vmul.f32 v53, v50  }
0xe0: {  	v17 =	vperm.xlane v17, v16;
	v59 =	vld [tilespmem:s30+$0xA30];
	[tilespmem:s30+$0x9C0] =	vst v18;
	v18 =	vmul.f32 v54, v50  }
0xe1: {  	v60 =	vld [tilespmem:s30+$0xA40];
	[tilespmem:s30+$0x9D0] =	vst v19;
	v19 =	vmul.f32 v55, v50  }
0xe2: {  	v61 =	vld [tilespmem:s30+$0xA50];
	[tilespmem:s30+$0x9E0] =	vst v18;
	v18 =	vmul.f32 v56, v17  }
0xe3: {  	v62 =	vld [tilespmem:s30+$0xA60];
	[tilespmem:s30+$0x9F0] =	vst v19;
	v19 =	vmul.f32 v57, v17  }
0xe4: {  	v63 =	vld [tilespmem:s30+$0xA70];
	[tilespmem:s30+$0xA00] =	vst v18;
	v18 =	vmul.f32 v58, v17  }
0xe5: {  	[tilespmem:s30+$0xA10] =	vst v19;
	v19 =	vmul.f32 v59, v17  }
0xe6: {  	p0 =	sne.s32 s29, $0x4;
	[tilespmem:s30+$0xA20] =	vst v18;
	v18 =	vmul.f32 v60, v17  }
.Ltmp1:
0xe7: {  	[tilespmem:s30+$0xA30] =	vst v19;
	v19 =	vmul.f32 v61, v17;
	(pc) =	sbr.rel @p0 .LBB2_5-.Ltmp1, $4  }
0xe8: {  	[tilespmem:s30+$0xA40] =	vst v18;
	v18 =	vmul.f32 v62, v17  }
0xe9: {  	[tilespmem:s30+$0xA50] =	vst v19;
	v17 =	vmul.f32 v63, v17  }
0xea: {  	[tilespmem:s30+$0xA60] =	vst v18  }
0xeb: {  	s29 =	sadd.s32 $0x1, s29;
	[tilespmem:s30+$0xA70] =	vst v17  }
0xec: {  	s28 =	sadd.s32 $0x1, s28  }
0xed: {  	p0 =	sne.s32 s28, $0x7D  }
.Ltmp2:
0xee: {  	_ = 	snop;
	(pc) =	sbr.rel @p0 .LBB2_4-.Ltmp2, $4  }
0xef: {  	[spmem:s5] =	stream.indirect.scatter.add.f32 [tilespmem:s24], [sflag:$0x2], $0x80, s20, s22, $0xb8;
	[tilespmem:$0x1AA80] =	vst v63  }
0xf0: {  	_ =	swait.ge [sflag:s18], $0x2800  }
0xf1: {  	[sflag:s18] =	ssyncset.done $0x0  }
0xf2: {  	[sflag:s18] =	ssyncadd.s32 $0xFFFFD800  }
0xf3: {  	s6 =	sadd.s32 $0x1, s6  }
0xf4: {  	s26 =	sshll.u32 s3, $0x6;
	[bflag:$0x0] =	sbarrier.arrive $0xFFFF;
	p0 =	sne.s32 s6, s16  }
.Ltmp3:
0xf5: {  	s28 =	sshrl.u32 s9, $0x3;
	s26 =	sor.u32 $0x1C02, s26;
	(pc) =	sbr.rel @p0 .LBB2_1-.Ltmp3, $4  }
0xf6: {  	[hbm:s15], [sflag:s26] =	dma.local [spmem:s28], $0x2800  }
0xf7: {  	_ =	swait.ge [sflag:s18], $0x2800  }
0xf8: {  	[sflag:s18] =	ssyncset.done $0x0  }
0xf9: {  	[sflag:s18] =	ssyncadd.s32 $0xFFFFD800  }
0xfa: {  	_ =	sfence.sel $0x180000  }
0xfb: {  	[bflag:$0x0] =	sbarrier.arrive $0xFFFF  }
0xfc: {  	p0 =	sne.s32 s3, $0x0;
	_ =	strace $0x9000004A  }
0xfd: {  	s0 =	sadd.s32 @!p0 $0x100000, s0;
	[bflag:$0x2] =	sbarrier.arrive $0xFFFF  }
0xfe: {  	[sflag:s0] =	ssyncadd.tile.s32 @!p0 $0x1;
	_ =	shalt  }
.Lfunc_end2:
_tile_overlayer_lowered:
.L_overlay_start_2:
0xff: {  	(tag) =	ssettag $0x2  }
0x100: {  	s0 =	rddreg [dreg:$0x0];
	s2 =	stileid.u32  }
0x101: {  	s1 =	rddreg [dreg:$0x1];
	p0 =	sne.s32 s2, $0x0  }
0x102: {  	s3 =	rddreg [dreg:$0x2];
	[bflag:$0x3] =	sbarrier.arrive $0xFFFF;
	s2 =	simm.s32 @!p0 $0x1C02  }
0x103: {  	[timem:s3], [sflag:s2] =	dma.local @!p0 [hbm:s0], s1  }
0x104: {  	s0 =	simm.s32 @!p0 $0x2  }
0x105: {  	_ =	swait.ge @!p0 [sflag:s0], s1  }
0x106: {  	s1 =	ssub.s32 @!p0 $0x0, s1;
	[sflag:s0] =	ssyncset.done @!p0 $0x0  }
0x107: {  	[sflag:s0] =	ssyncadd.s32 @!p0 s1  }
0x108: {  	[bflag:$0x3] =	sbarrier.arrive $0xFFFF  }
0x109: {  	_ =	shalt  }

// kernel: kernel.14.cloned.1.call-start
scs
__scs_entry_jumppad:
0x0: {  	(pc) =	sbr.rel $0x88, $3  }
0x1: {  	(tag) =	ssettag $0x0;
	lr =	simm.s32 $0x1  }
0x2: {  	[smem:$0x3F9C] =	sst lr;
	_ =	strace $0xD0000000  }
0x3: {  	_ = 	snop  }
0x4: {  	_ = 	snop  }
0x5: {  	_ = 	snop  }
0x6: {  	_ = 	snop  }
0x7: {  	_ = 	snop  }
__scs_overlays_trampoline_lowered:
0x8: {  	[smem:$0x3FAB] =	sst s0  }
0x9: {  	[smem:$0x3FAC] =	sst s1  }
0xa: {  	[smem:$0x3FAD] =	sst s2  }
0xb: {  	[smem:$0x3FAE] =	sst s3  }
0xc: {  	[smem:$0x3FAF] =	sst s4  }
0xd: {  	[smem:$0x3FB0] =	sst s5  }
0xe: {  	[smem:$0x3FB1] =	sst s6  }
0xf: {  	[smem:$0x3FB2] =	sst s7  }
0x10: {  	[smem:$0x3FB3] =	sst s8  }
0x11: {  	[smem:$0x3FB4] =	sst s9;
	s0 =	simm.s32 @!p0 $0x0  }
0x12: {  	s1 =	sld [smem:$0x3F9A];
	s0 =	simm.s32 @p0 $0x1  }
0x13: {  	[smem:$0x3FB5] =	sst s0;
	s0 =	simm.s32 @!p1 $0x0  }
0x14: {  	s2 =	sld [smem:$0x3F99];
	s0 =	simm.s32 @p1 $0x1  }
0x15: {  	[smem:$0x3FB6] =	sst s0;
	s0 =	simm.s32 @!p2 $0x0  }
0x16: {  	s3 =	sld [smem:$0x3FDB];
	s0 =	simm.s32 @p2 $0x1  }
0x17: {  	s4 =	simm.s32 $0x1BF5;
	[smem:$0x3FB8] =	sst s0  }
0x18: {  	s0 =	sld [smem:$0x3F9B];
	_ =	swait.ge [sflag:s4], $0x0  }
0x19: {  	s7 =	sld [smem:$0x3F9C]  }
0x1a: {  	s8 =	sadd.s32 $0xFFFFE003, lr  }
0x1b: {  	s9 =	sadd.s32 $0xFFFFFEF7, lr;
	s5 =	simm.s32 $0xFFFFFFFF;
	p2 =	slt.u32 s8, $0xFFFFF086  }
0x1c: {  	p1 =	slt.u32 s9, $0xF7A;
	s5 =	simm.s32 @!p2 $0x0  }
0x1d: {  	s5 =	simm.s32 @p1 $0x1;
	p0 =	seq.s32 s7, s2  }
0x1e: {  	s7 =	smul.u32 @!p0 $0xF7A, s2;
	p2 =	seq.s32 @!p0 s5, $0x0  }
0x1f: {  	s9 =	smul.u32 $0xF7A, s1;
	s8 =	simm.s32 @!p0 $0x1BF5;
	p2 =	por !p2, p0  }
0x20: {  	[sflag:s8] =	ssyncset.s32 @!p0 $0xFFFFF086;
	s6 =	sadd.s32 @!p0 s3, s7;
	s7 =	simm.s32 @!p0 $0x108  }
0x21: {  	s3 =	sadd.s32 s3, s9;
	s6 =	sadd.s32 @!p0 $0x88, s6;
	s7 =	simm.s32 @p2 $0x1082  }
0x22: {  	[simem:s7], [sflag:s8] =	dma.local @!p0 [hbm:s6], $0xF7A  }
0x23: {  	s9 =	sor.u32 $0xD0000000, s2;
	s6 =	simm.s32 $0x108;
	_ =	swait.ge @!p0 [sflag:s8], $0x0  }
0x24: {  	s3 =	sadd.s32 $0x88, s3;
	s6 =	simm.s32 @!p1 $0x1082;
	[sflag:s4] =	ssyncset.s32 $0xFFFFF086  }
0x25: {  	[simem:s6], [sflag:s4] =	dma.local [hbm:s3], $0xF7A  }
0x26: {  	[smem:$0x3F9C] =	sst s1;
	(tag) =	ssettag s2;
	_ =	strace s9  }
0x27: {  	s1 =	sld [smem:$0x3FAC]  }
0x28: {  	s2 =	sld [smem:$0x3FAD]  }
0x29: {  	s4 =	sld [smem:$0x3FAF]  }
0x2a: {  	p0 =	seq.s32 s5, $0x0;
	s5 =	sld [smem:$0x3FB0]  }
0x2b: {  	s6 =	sld [smem:$0x3FB1]  }
0x2c: {  	s7 =	sld [smem:$0x3FB2]  }
0x2d: {  	s3 =	simm.s32 $0x108;
	s8 =	sld [smem:$0x3FB3]  }
0x2e: {  	s3 =	simm.s32 @!p0 $0x1082;
	s9 =	sld [smem:$0x3FB4]  }
0x2f: {  	lr =	sadd.s32 s0, s3;
	s0 =	sld [smem:$0x3FAB]  }
0x30: {  	s3 =	sld [smem:$0x3FAE]  }
0x31: {  	[smem:$0x3FB7] =	sst s10  }
0x32: {  	s10 =	sld [smem:$0x3FB5];
	_ =	sdelay $0x3  }
0x33: {  	p0 =	seq.s32 s10, $0x1;
	s10 =	sld [smem:$0x3FB7];
	_ =	sdelay $0x3  }
0x34: {  	[smem:$0x3FB7] =	sst s10  }
0x35: {  	s10 =	sld [smem:$0x3FB6];
	_ =	sdelay $0x3  }
0x36: {  	p1 =	seq.s32 s10, $0x1;
	s10 =	sld [smem:$0x3FB7];
	_ =	sdelay $0x3  }
0x37: {  	[smem:$0x3FB7] =	sst s10  }
0x38: {  	s10 =	sld [smem:$0x3FB8]  }
0x39: {  	_ = 	snop;
	(pc) =	sbr.ind lr, $3  }
0x3a: {  	_ = 	snop  }
0x3b: {  	_ = 	snop  }
0x3c: {  	p2 =	seq.s32 s10, $0x1;
	s10 =	sld [smem:$0x3FB7]  }
0x3d: {  	_ =	shalt  }
0x3e: {  	_ =	shalt  }
0x3f: {  	_ =	shalt  }
0x40: {  	_ =	shalt  }
0x41: {  	_ =	shalt  }
0x42: {  	_ =	shalt  }
0x43: {  	_ =	shalt  }
0x44: {  	_ =	shalt  }
0x45: {  	_ =	shalt  }
0x46: {  	_ =	shalt  }
0x47: {  	_ =	shalt  }
0x48: {  	_ =	shalt  }
0x49: {  	_ =	shalt  }
0x4a: {  	_ =	shalt  }
0x4b: {  	_ =	shalt  }
0x4c: {  	_ =	shalt  }
0x4d: {  	_ =	shalt  }
0x4e: {  	_ =	shalt  }
0x4f: {  	_ =	shalt  }
0x50: {  	_ =	shalt  }
0x51: {  	_ =	shalt  }
0x52: {  	_ =	shalt  }
0x53: {  	_ =	shalt  }
0x54: {  	_ =	shalt  }
0x55: {  	_ =	shalt  }
0x56: {  	_ =	shalt  }
0x57: {  	_ =	shalt  }
0x58: {  	_ =	shalt  }
0x59: {  	_ =	shalt  }
0x5a: {  	_ =	shalt  }
0x5b: {  	_ =	shalt  }
0x5c: {  	_ =	shalt  }
0x5d: {  	_ =	shalt  }
0x5e: {  	_ =	shalt  }
0x5f: {  	_ =	shalt  }
0x60: {  	_ =	shalt  }
0x61: {  	_ =	shalt  }
0x62: {  	_ =	shalt  }
0x63: {  	_ =	shalt  }
0x64: {  	_ =	shalt  }
0x65: {  	_ =	shalt  }
0x66: {  	_ =	shalt  }
0x67: {  	_ =	shalt  }
0x68: {  	_ =	shalt  }
0x69: {  	_ =	shalt  }
0x6a: {  	_ =	shalt  }
0x6b: {  	_ =	shalt  }
0x6c: {  	_ =	shalt  }
0x6d: {  	_ =	shalt  }
0x6e: {  	_ =	shalt  }
0x6f: {  	_ =	shalt  }
0x70: {  	_ =	shalt  }
0x71: {  	_ =	shalt  }
0x72: {  	_ =	shalt  }
0x73: {  	_ =	shalt  }
0x74: {  	_ =	shalt  }
0x75: {  	_ =	shalt  }
0x76: {  	_ =	shalt  }
0x77: {  	_ =	shalt  }
0x78: {  	_ =	shalt  }
0x79: {  	_ =	shalt  }
0x7a: {  	_ =	shalt  }
0x7b: {  	_ =	shalt  }
0x7c: {  	_ =	shalt  }
0x7d: {  	_ =	shalt  }
0x7e: {  	_ =	shalt  }
0x7f: {  	_ =	shalt  }
0x80: {  	_ =	shalt  }
0x81: {  	_ =	shalt  }
0x82: {  	_ =	shalt  }
0x83: {  	_ =	shalt  }
0x84: {  	_ =	shalt  }
0x85: {  	_ =	shalt  }
0x86: {  	_ =	shalt  }
0x87: {  	_ =	shalt  }
.Lfunc_end0:
.L_simem_size_0:
called_computation.2_lowered:
.L_overlay_start_0:
0x88: {  	s2 =	sld [smem:$0x3FD9]  }
0x89: {  	s3 =	sld [smem:$0x3FFE];
	_ =	sdelay $0x1  }
0x8a: {  	s1 =	srdreg.scid  }
0x8b: {  	s0 =	sand.u32 $0x1, s1  }
0x8c: {  	s14 =	sshll.u32 s0, $0xA;
	s2 =	sadd.s32 s3, s2  }
0x8d: {  	s2 =	sadd.s32 s2, s14  }
0x8e: {  	[smem:$0x3FC3] =	sst s2  }
0x8f: {  	_ = 	snop  }
0x90: {  	s2 =	sld [smem:$0x3FD0];
	_ =	sdelay $0x2  }
0x91: {  	s4 =	simm.s32 $0xA;
	s5 =	simm.s32 $0x10;
	s15 =	sld [smem:$0x3FC7]  }
0x92: {  	[smem:s5], [sflag:s4] =	dma.local [hbm:s2], $0x1  }
0x93: {  	_ =	swait.eq [sflag:s4], $0x1  }
0x94: {  	[sflag:s4] =	ssyncset.done $0x0  }
0x95: {  	s16 =	sld [smem:$0x10];
	[sflag:s4] =	ssyncadd.s32 $0xFFFFFFFF  }
0x96: {  	s17 =	sld [smem:$0x11];
	(tm) =	ssettm $0x1  }
0x97: {  	s18 =	sld [smem:$0x3FFB];
	_ =	sdelay $0x3  }
0x98: {  	_ =	strace s18  }
0x99: {  	s5 =	sld [smem:$0x3FFC];
	_ =	sdelay $0x3  }
0x9a: {  	_ =	strace s5  }
0x9b: {  	s5 =	sld [smem:$0x3FFD];
	_ =	sdelay $0x3  }
0x9c: {  	_ =	strace s5  }
0x9d: {  	_ =	strace $0x8FFFFFFF  }
0x9e: {  	s19 =	sld [smem:$0x3FDB];
	_ =	sdelay $0x1  }
0x9f: {  	s6 =	simm.s32 $_scs_section_size  }
0xa0: {  	s7 =	simm.s32 $_size__tile_overlayer_lowered;
	s8 =	simm.s32 $_tile_overlayer_lowered  }
0xa1: {  	s22 =	simm.s32 $0x1BFF;
	s21 =	sshll.u32 s8, $0x1;
	s5 =	sadd.s32 s6, s19  }
0xa2: {  	s9 =	simm.s32 $0x0;
	s20 =	sshll.u32 s7, $0x1;
	s7 =	sadd.s32 s21, s5  }
0xa3: {  	[timem:s9], [sflag:s22] =	dma.local [hbm:s7], s20  }
0xa4: {  	_ =	swait.ge [sflag:s22], s20  }
0xa5: {  	s6 =	ssub.s32 $0x0, s20;
	[sflag:s22] =	ssyncset.done $0x0  }
0xa6: {  	[sflag:s22] =	ssyncadd.s32 s6;
	_ =	sdelay $0x1  }
0xa7: {  	s23 =	simm.s32 $0x1B8B  }
0xa8: {  	_ =	swait.ge [sflag:s23], $0x1  }
0xa9: {  	[sflag:s23] =	ssyncset.done $0x0  }
0xaa: {  	s25 =	simm.s32 $0x1B8E;
	s24 =	sld [smem:$0x3FFE];
	[sflag:s23] =	ssyncadd.s32 $0xFFFFFFFF  }
0xab: {  	s26 =	simm.s32 $execute0_lowered;
	[smem:$0x3FD2] =	sst s25  }
0xac: {  	s7 =	sshll.u32 s26, $0x1;
	_ =	strace $0x8000004C;
	[dreg:$0x1] =	wrdreg $0xFFFFFFFF  }
0xad: {  	s28 =	simm.s32 $_size_execute0_lowered;
	s5 =	sadd.s32 s5, s7;
	[dreg:$0x0] =	wrdreg $0x0  }
0xae: {  	s7 =	sshll.u32 s28, $0x1;
	[dreg:$0x2] =	wrdreg s5  }
0xaf: {  	[dreg:$0x3] =	wrdreg s7  }
0xb0: {  	[dreg:$0x4] =	wrdreg $0xC0  }
0xb1: {  	_ =	task [dreg:s9], $0x5FFFF  }
0xb2: {  	[dreg:$0x1] =	wrdreg $0xFFFFFFFF  }
0xb3: {  	[dreg:$0x0] =	wrdreg $0x60  }
0xb4: {  	[dreg:$0x2] =	wrdreg s24  }
0xb5: {  	[dreg:$0x3] =	wrdreg s16  }
0xb6: {  	[dreg:$0x4] =	wrdreg s15  }
0xb7: {  	[dreg:$0x5] =	wrdreg s17  }
0xb8: {  	[dreg:$0x6] =	wrdreg $0x6A800  }
0xb9: {  	[dreg:$0x7] =	wrdreg $0x9  }
0xba: {  	_ =	task.clear_ibuf [dreg:s9], $0x8FFFF;
	_ =	strace $0x9000004C  }
0xbb: {  	s29 =	simm.s32 $0x9;
	_ =	strace $0x8000004E  }
0xbc: {  	_ =	swait.ge [sflag:s29], $0x1  }
0xbd: {  	[sflag:s29] =	ssyncadd.s32 $0xFFFFFFFF  }
0xbe: {  	_ =	strace $0x9000004E  }
0xbf: {  	_ =	sfence  }
0xc0: {  	s30 =	sld [smem:$0x0];
	_ =	sdelay $0x2  }
0xc1: {  	s31 =	sshll.u32 s1, $0xD;
	s1 =	sshrl.u32 s1, $0x2  }
0xc2: {  	s3 =	sand.u32 $0x4000, s31;
	s1 =	sadd.s32 s1, s30  }
0xc3: {  	s0 =	sor.u32 s3, s0;
	s1 =	sshll.u32 s1, $0x11  }
0xc4: {  	s0 =	sor.u32 s1, s0  }
0xc5: {  	s0 =	sadd.s32 $0x8F2B, s0  }
0xc6: {  	[sflag:s0] =	ssyncadd.remote.s32 $0x1  }
0xc7: {  	_ =	sfence.sel $0xFFFF  }
0xc8: {  	[dreg:$0x0] =	wrdreg $0xFFFFFFFF;
	(pc) =	sbr.abs _section_cstart, $3  }
0xc9: {  	[dreg:$0x1] =	wrdreg $0xFFFFFFFF  }
0xca: {  	_ =	task.clear_ibuf [dreg:s9], $0x2FFFF;
	_ =	strace $0x9FFFFFFF  }
0xcb: {  	(tm) =	ssettm $0x7FFFFFFF  }
tec
execute0_lowered:
.L_overlay_start_1:
0x0: {  	(tag) =	ssettag $0x1  }
0x1: {  	s9 =	rddreg [dreg:$0x0]  }
0x2: {  	s1 =	rddreg [dreg:$0x1]  }
0x3: {  	s2 =	rddreg [dreg:$0x2]  }
0x4: {  	s4 =	rddreg [dreg:$0x3]  }
0x5: {  	s5 =	rddreg [dreg:$0x4]  }
0x6: {  	s0 =	rddreg [dreg:$0x5]  }
0x7: {  	s7 =	srdreg.scid;
	s3 =	stileid.u32;
	s6 =	simm.s32 $0x0  }
0x8: {  	s17 =	simm.s32 $0x2A80;
	s18 =	simm.s32 $0x2;
	s19 =	simm.s32 $0x80  }
0x9: {  	s20 =	simm.s32 $0x100;
	s21 =	simm.s32 $0x180;
	s22 =	simm.s32 $0x50  }
0xa: {  	s23 =	simm.s32 $0x200;
	s24 =	simm.s32 $0x280;
	s25 =	simm.s32 $0x1  }
0xb: {  	s10 =	sand.u32 $0x1, s7;
	s11 =	smul.u32 $0x2800, s3;
	[smem:$0x7FF] =	sst s6  }
0xc: {  	s13 =	smul.u32 $0x50000, s3;
	s7 =	sadd.s32 $0xB000, s9;
	s8 =	sadd.s32 $0x1200, s9  }
0xd: {  	v0 =	vimm.f32 $0.0e+00;
	v1 =	vimm.s32 $0x0;
	s31 =	sshll.u32 s3, $0x1;
	s12 =	smul.u32 $0x28000, s10;
	_ =	strace $0x8000004D  }
0xe: {  	v2 =	vimm.s32 $0x1;
	v3 =	vimm.s32 $0x2;
	v4 =	vimm.s32 $0x3;
	s28 =	ssub.s32 $0x2, s10;
	s14 =	sor.u32 s10, s31;
	s29 =	sshrl.u32 s13, $0x2  }
0xf: {  	v5 =	vimm.s32 $0x4;
	v6 =	vimm.s32 $0x5;
	v7 =	vimm.s32 $0x6;
	s30 =	sshrl.u32 s28, $0x1;
	s14 =	smul.u32 $0x2710, s14;
	s11 =	sadd.s32 s11, s12  }
0x10: {  	v8 =	vimm.s32 $0x7;
	v10 =	vimm.s32 $0x9;
	v11 =	vimm.s32 $0xA;
	s16 =	ssub.s32 s28, s30;
	s15 =	sadd.s32 s11, s9;
	s9 =	sadd.s32 s29, s5  }
0x11: {  	v12 =	vimm.s32 $0xB;
	v13 =	vimm.s32 $0xC;
	v14 =	vimm.s32 $0xD;
	s16 =	smax.u32 s16, $0x1;
	s10 =	sadd.s32 $0x4000, s9;
	s11 =	sadd.s32 $0x8000, s9  }
0x12: {  	v9 =	vimm.s32 $0x8;
	v15 =	vimm.s32 $0xE;
	v16 =	vimm.s32 $0xF;
	s12 =	sadd.s32 $0xC000, s9;
	s13 =	sadd.s32 $0x10000, s9;
	s15 =	sadd.s32 $0x143800, s15  }
.LBB2_1:
0x13: {  	s26 =	simm.s32 $0x0;
	s28 =	simm.s32 $0x200  }
.LBB2_2:
0x14: {  	p0 =	sne.s32 s28, $0xFE00;
	[tilespmem:s26+$0x2AF0] =	vst v0  }
0x15: {  	[tilespmem:s26+$0x2A80] =	vst v0  }
0x16: {  	[tilespmem:s26+$0x2A90] =	vst v0  }
.Ltmp0:
0x17: {  	[tilespmem:s26+$0x2AA0] =	vst v0;
	(pc) =	sbr.rel @p0 .LBB2_2-.Ltmp0, $4  }
0x18: {  	[tilespmem:s26+$0x2AB0] =	vst v0  }
0x19: {  	[tilespmem:s26+$0x2AC0] =	vst v0  }
0x1a: {  	[tilespmem:s26+$0x2AD0] =	vst v0  }
0x1b: {  	[tilespmem:s26+$0x2AE0] =	vst v0;
	s26 =	sshra.s32 s28, $0x2;
	s28 =	sadd.s32 $0x200, s28  }
0x1c: {  	[tilespmem:s26+$0x2AF0] =	vst v0  }
0x1d: {  	[tilespmem:s26+$0x2A80] =	vst v0  }
0x1e: {  	[tilespmem:s26+$0x2A90] =	vst v0  }
0x1f: {  	[tilespmem:s26+$0x2AA0] =	vst v0  }
0x20: {  	[tilespmem:s26+$0x2AB0] =	vst v0  }
0x21: {  	[tilespmem:s26+$0x2AC0] =	vst v0  }
0x22: {  	[tilespmem:s26+$0x2AD0] =	vst v0  }
0x23: {  	[tilespmem:s26+$0x2AE0] =	vst v0  }
0x24: {  	[spmem:s9] =	stream.linear.scatter [tilespmem:s17], [sflag:$0x2], $0x4000, $0x38;
	[tilespmem:$0x1AA80] =	vst v63  }
0x25: {  	_ =	swait.ge [sflag:s18], $0x4000  }
0x26: {  	[sflag:s18] =	ssyncset.done $0x0  }
0x27: {  	[sflag:s18] =	ssyncadd.s32 $0xFFFFC000  }
0x28: {  	[spmem:s10] =	stream.linear.scatter [tilespmem:s17], [sflag:$0x2], $0x4000, $0x38;
	[tilespmem:$0x1AA80] =	vst v63  }
0x29: {  	_ =	swait.ge [sflag:s18], $0x4000  }
0x2a: {  	[sflag:s18] =	ssyncset.done $0x0  }
0x2b: {  	[sflag:s18] =	ssyncadd.s32 $0xFFFFC000  }
0x2c: {  	[spmem:s11] =	stream.linear.scatter [tilespmem:s17], [sflag:$0x2], $0x4000, $0x38;
	[tilespmem:$0x1AA80] =	vst v63  }
0x2d: {  	_ =	swait.ge [sflag:s18], $0x4000  }
0x2e: {  	[sflag:s18] =	ssyncset.done $0x0  }
0x2f: {  	[sflag:s18] =	ssyncadd.s32 $0xFFFFC000  }
0x30: {  	[spmem:s12] =	stream.linear.scatter [tilespmem:s17], [sflag:$0x2], $0x4000, $0x38;
	[tilespmem:$0x1AA80] =	vst v63  }
0x31: {  	_ =	swait.ge [sflag:s18], $0x4000  }
0x32: {  	[sflag:s18] =	ssyncset.done $0x0  }
0x33: {  	[sflag:s18] =	ssyncadd.s32 $0xFFFFC000  }
0x34: {  	[spmem:s13] =	stream.linear.scatter [tilespmem:s17], [sflag:$0x2], $0x4000, $0x38;
	[tilespmem:$0x1AA80] =	vst v63  }
0x35: {  	_ =	swait.ge [sflag:s18], $0x4000  }
0x36: {  	[sflag:s18] =	ssyncset.done $0x0  }
0x37: {  	[sflag:s18] =	ssyncadd.s32 $0xFFFFC000  }
0x38: {  	s26 =	simm.s32 $0x0;
	s28 =	simm.s32 $0x0;
	[bflag:$0x0] =	sbarrier.arrive $0xFFFF  }
.LBB2_4:
0x39: {  	s29 =	smul.u32 $0x50, s28;
	_ =	sdelay $0x1  }
0x3a: {  	s29 =	sadd.s32 s14, s29  }
0x3b: {  	s29 =	sshrl.u32 s29, $0x3  }
0x3c: {  	s30 =	sadd.s32 s1, s29  }
0x3d: {  	[tilespmem:s26], [sflag:$0x2] =	stream.linear.gather [hbm4b:s30+s26], $0x50, $0x38;
	[tilespmem:$0x1AA80] =	vst v63  }
0x3e: {  	_ =	swait.ge [sflag:s18], $0x50  }
0x3f: {  	[sflag:s18] =	ssyncset.done $0x0  }
0x40: {  	s31 =	sadd.s32 s2, s29;
	[sflag:s18] =	ssyncadd.s32 $0xFFFFFFB0  }
0x41: {  	[tilespmem:s19], [sflag:$0x2] =	stream.linear.gather [hbm4b:s31+s26], $0x50, $0x38;
	[tilespmem:$0x1AA80] =	vst v63  }
0x42: {  	_ =	swait.ge [sflag:s18], $0x50  }
0x43: {  	[sflag:s18] =	ssyncset.done $0x0  }
0x44: {  	s31 =	sadd.s32 s4, s29;
	[sflag:s18] =	ssyncadd.s32 $0xFFFFFFB0  }
0x45: {  	[tilespmem:s20], [sflag:$0x2] =	stream.linear.gather [hbm4b:s31+s26], $0x50, $0x38;
	[tilespmem:$0x1AA80] =	vst v63  }
0x46: {  	_ =	swait.ge [sflag:s18], $0x50  }
0x47: {  	[sflag:s18] =	ssyncset.done $0x0  }
0x48: {  	s29 =	sadd.s32 s8, s29;
	[sflag:s18] =	ssyncadd.s32 $0xFFFFFFB0  }
0x49: {  	[tilespmem:s21], [sflag:$0x2] =	stream.linear.gather [hbm4b:s29+s26], $0x50, $0x38;
	[tilespmem:$0x1AA80] =	vst v63  }
0x4a: {  	_ =	swait.ge [sflag:s18], $0x50  }
0x4b: {  	[sflag:s18] =	ssyncset.done $0x0  }
0x4c: {  	[sflag:s18] =	ssyncadd.s32 $0xFFFFFFB0  }
0x4d: {  	v17 =	vld [tilespmem:$0x80]  }
0x4e: {  	v18 =	vld [tilespmem:$0x0]  }
0x4f: {  	v19 =	vld [tilespmem:$0x90]  }
0x50: {  	v20 =	vld [tilespmem:$0x10]  }
0x51: {  	v21 =	vld [tilespmem:$0xA0]  }
0x52: {  	v22 =	vld [tilespmem:$0x20]  }
0x53: {  	v23 =	vld [tilespmem:$0xB0]  }
0x54: {  	v24 =	vld [tilespmem:$0xC0]  }
0x55: {  	v25 =	vld [tilespmem:$0x30];
	v17 =	vmul.u32 $0x2710, v17  }
0x56: {  	v26 =	vld [tilespmem:$0x40];
	v19 =	vmul.u32 $0x2710, v19  }
0x57: {  	v17 =	vadd.s32 v18, v17;
	v18 =	vmul.u32 $0x2710, v21  }
0x58: {  	[tilespmem:$0x200] =	vst v17;
	v17 =	vadd.s32 v20, v19;
	v19 =	vmul.u32 $0x2710, v23  }
0x59: {  	[tilespmem:$0x210] =	vst v17;
	v17 =	vadd.s32 v22, v18;
	v18 =	vmul.u32 $0x2710, v24  }
0x5a: {  	[tilespmem:$0x220] =	vst v17;
	v17 =	vadd.s32 v25, v19  }
0x5b: {  	[tilespmem:$0x230] =	vst v17;
	v17 =	vadd.s32 v26, v18  }
0x5c: {  	[tilespmem:$0x240] =	vst v17  }
0x5d: {  	[tilespmem:s24], [sflag:$0x1] =	stream.indirect.gather [hbm4b:s7+s22], $0x80, s23, s22, $0xb8;
	[tilespmem:$0x1AA80] =	vst v63  }
0x5e: {  	_ =	swait.ge [sflag:s25], $0x2800  }
0x5f: {  	[sflag:s25] =	ssyncset.done $0x0  }
0x60: {  	s29 =	simm.s32 $0x0;
	[sflag:s25] =	ssyncadd.s32 $0xFFFFD800  }
.LBB2_5:
0x61: {  	s30 =	sshll.u32 s29, $0x4  }
0x62: {  	s30 =	sand.u32 $0x3FFFFFF0, s30  }
0x63: {  	s31 =	sshll.u32 s29, $0xB;
	v17 =	vld [tilespmem:s30+$0x180]  }
0x64: {  	s30 =	sand.u32 $0x3FFFF800, s31  }
0x65: {  	v18 =	vld [tilespmem:s30+$0x280]  }
0x66: {  	v19 =	vld [tilespmem:s30+$0x290]  }
0x67: {  	v20 =	vld [tilespmem:s30+$0x2A0]  }
0x68: {  	v22 =	vld [tilespmem:s30+$0x2B0];
	v21 =	vperm.xlane v17, v1  }
0x69: {  	v23 =	vld [tilespmem:s30+$0x2C0]  }
0x6a: {  	v24 =	vld [tilespmem:s30+$0x2D0];
	v18 =	vmul.f32 v18, v21  }
0x6b: {  	v25 =	vld [tilespmem:s30+$0x2E0];
	v19 =	vmul.f32 v19, v21  }
0x6c: {  	v38 =	vld [tilespmem:s30+$0x2F0];
	[tilespmem:s30+$0x280] =	vst v18;
	v18 =	vmul.f32 v20, v21  }
0x6d: {  	v39 =	vld [tilespmem:s30+$0x300];
	[tilespmem:s30+$0x290] =	vst v19;
	v19 =	vmul.f32 v22, v21  }
0x6e: {  	v40 =	vld [tilespmem:s30+$0x310];
	[tilespmem:s30+$0x2A0] =	vst v18;
	v18 =	vmul.f32 v23, v21  }
0x6f: {  	v41 =	vld [tilespmem:s30+$0x320];
	[tilespmem:s30+$0x2B0] =	vst v19;
	v19 =	vmul.f32 v24, v21  }
0x70: {  	v26 =	vld [tilespmem:s30+$0x330];
	v42 =	vperm.xlane v17, v2;
	[tilespmem:s30+$0x2C0] =	vst v18;
	v18 =	vmul.f32 v25, v21  }
0x71: {  	v43 =	vld [tilespmem:s30+$0x340];
	[tilespmem:s30+$0x2D0] =	vst v19;
	v19 =	vmul.f32 v38, v21  }
0x72: {  	v44 =	vld [tilespmem:s30+$0x350];
	[tilespmem:s30+$0x2E0] =	vst v18;
	v18 =	vmul.f32 v39, v42  }
0x73: {  	v45 =	vld [tilespmem:s30+$0x360];
	[tilespmem:s30+$0x2F0] =	vst v19;
	v19 =	vmul.f32 v40, v42  }
0x74: {  	v46 =	vld [tilespmem:s30+$0x370];
	[tilespmem:s30+$0x300] =	vst v18;
	v18 =	vmul.f32 v41, v42  }
0x75: {  	v47 =	vld [tilespmem:s30+$0x380];
	[tilespmem:s30+$0x310] =	vst v19;
	v19 =	vmul.f32 v26, v42  }
0x76: {  	v48 =	vld [tilespmem:s30+$0x390];
	[tilespmem:s30+$0x320] =	vst v18;
	v18 =	vmul.f32 v43, v42  }
0x77: {  	v49 =	vld [tilespmem:s30+$0x3A0];
	[tilespmem:s30+$0x330] =	vst v19;
	v19 =	vmul.f32 v44, v42  }
0x78: {  	v51 =	vld [tilespmem:s30+$0x3B0];
	v50 =	vperm.xlane v17, v3;
	[tilespmem:s30+$0x340] =	vst v18;
	v18 =	vmul.f32 v45, v42  }
0x79: {  	v52 =	vld [tilespmem:s30+$0x3C0];
	[tilespmem:s30+$0x350] =	vst v19;
	v19 =	vmul.f32 v46, v42  }
0x7a: {  	v53 =	vld [tilespmem:s30+$0x3D0];
	[tilespmem:s30+$0x360] =	vst v18;
	v18 =	vmul.f32 v47, v50  }
0x7b: {  	v54 =	vld [tilespmem:s30+$0x3E0];
	[tilespmem:s30+$0x370] =	vst v19;
	v19 =	vmul.f32 v48, v50  }
0x7c: {  	v55 =	vld [tilespmem:s30+$0x3F0];
	[tilespmem:s30+$0x380] =	vst v18;
	v18 =	vmul.f32 v49, v50  }
0x7d: {  	v56 =	vld [tilespmem:s30+$0x400];
	[tilespmem:s30+$0x390] =	vst v19;
	v19 =	vmul.f32 v51, v50  }
0x7e: {  	v57 =	vld [tilespmem:s30+$0x410];
	[tilespmem:s30+$0x3A0] =	vst v18;
	v18 =	vmul.f32 v52, v50  }
0x7f: {  	v58 =	vld [tilespmem:s30+$0x420];
	[tilespmem:s30+$0x3B0] =	vst v19;
	v19 =	vmul.f32 v53, v50  }
0x80: {  	v60 =	vld [tilespmem:s30+$0x430];
	v59 =	vperm.xlane v17, v4;
	[tilespmem:s30+$0x3C0] =	vst v18;
	v18 =	vmul.f32 v54, v50  }
0x81: {  	v61 =	vld [tilespmem:s30+$0x440];
	[tilespmem:s30+$0x3D0] =	vst v19;
	v19 =	vmul.f32 v55, v50  }
0x82: {  	v62 =	vld [tilespmem:s30+$0x450];
	[tilespmem:s30+$0x3E0] =	vst v18;
	v18 =	vmul.f32 v56, v59  }
0x83: {  	v63 =	vld [tilespmem:s30+$0x460];
	[tilespmem:s30+$0x3F0] =	vst v19;
	v19 =	vmul.f32 v57, v59  }
0x84: {  	v28 =	vld [tilespmem:s30+$0x470];
	[tilespmem:s30+$0x400] =	vst v18;
	v18 =	vmul.f32 v58, v59  }
0x85: {  	v29 =	vld [tilespmem:s30+$0x480];
	[tilespmem:s30+$0x410] =	vst v19;
	v19 =	vmul.f32 v60, v59  }
0x86: {  	v30 =	vld [tilespmem:s30+$0x490];
	[tilespmem:s30+$0x420] =	vst v18;
	v18 =	vmul.f32 v61, v59  }
0x87: {  	v31 =	vld [tilespmem:s30+$0x4A0];
	[tilespmem:s30+$0x430] =	vst v19;
	v19 =	vmul.f32 v62, v59  }
0x88: {  	v33 =	vld [tilespmem:s30+$0x4B0];
	v32 =	vperm.xlane v17, v5;
	[tilespmem:s30+$0x440] =	vst v18;
	v18 =	vmul.f32 v63, v59  }
0x89: {  	v34 =	vld [tilespmem:s30+$0x4C0];
	[tilespmem:s30+$0x450] =	vst v19;
	v19 =	vmul.f32 v28, v59  }
0x8a: {  	v35 =	vld [tilespmem:s30+$0x4D0];
	[tilespmem:s30+$0x460] =	vst v18;
	v18 =	vmul.f32 v29, v32  }
0x8b: {  	v36 =	vld [tilespmem:s30+$0x4E0];
	[tilespmem:s30+$0x470] =	vst v19;
	v19 =	vmul.f32 v30, v32  }
0x8c: {  	v37 =	vld [tilespmem:s30+$0x4F0];
	[tilespmem:s30+$0x480] =	vst v18;
	v18 =	vmul.f32 v31, v32  }
0x8d: {  	v38 =	vld [tilespmem:s30+$0x500];
	[tilespmem:s30+$0x490] =	vst v19;
	v19 =	vmul.f32 v33, v32  }
0x8e: {  	v39 =	vld [tilespmem:s30+$0x510];
	[tilespmem:s30+$0x4A0] =	vst v18;
	v18 =	vmul.f32 v34, v32  }
0x8f: {  	v40 =	vld [tilespmem:s30+$0x520];
	[tilespmem:s30+$0x4B0] =	vst v19;
	v19 =	vmul.f32 v35, v32  }
0x90: {  	v41 =	vperm.xlane v17, v6;
	v42 =	vld [tilespmem:s30+$0x530];
	[tilespmem:s30+$0x4C0] =	vst v18;
	v18 =	vmul.f32 v36, v32  }
0x91: {  	v43 =	vld [tilespmem:s30+$0x540];
	[tilespmem:s30+$0x4D0] =	vst v19;
	v19 =	vmul.f32 v37, v32  }
0x92: {  	v44 =	vld [tilespmem:s30+$0x550];
	[tilespmem:s30+$0x4E0] =	vst v18;
	v18 =	vmul.f32 v38, v41  }
0x93: {  	v45 =	vld [tilespmem:s30+$0x560];
	[tilespmem:s30+$0x4F0] =	vst v19;
	v19 =	vmul.f32 v39, v41  }
0x94: {  	v46 =	vld [tilespmem:s30+$0x570];
	[tilespmem:s30+$0x500] =	vst v18;
	v18 =	vmul.f32 v40, v41  }
0x95: {  	v47 =	vld [tilespmem:s30+$0x580];
	[tilespmem:s30+$0x510] =	vst v19;
	v19 =	vmul.f32 v42, v41  }
0x96: {  	v48 =	vld [tilespmem:s30+$0x590];
	[tilespmem:s30+$0x520] =	vst v18;
	v18 =	vmul.f32 v43, v41  }
0x97: {  	v49 =	vld [tilespmem:s30+$0x5A0];
	[tilespmem:s30+$0x530] =	vst v19;
	v19 =	vmul.f32 v44, v41  }
0x98: {  	v51 =	vld [tilespmem:s30+$0x5B0];
	v50 =	vperm.xlane v17, v7;
	[tilespmem:s30+$0x540] =	vst v18;
	v18 =	vmul.f32 v45, v41  }
0x99: {  	v52 =	vld [tilespmem:s30+$0x5C0];
	[tilespmem:s30+$0x550] =	vst v19;
	v19 =	vmul.f32 v46, v41  }
0x9a: {  	v53 =	vld [tilespmem:s30+$0x5D0];
	[tilespmem:s30+$0x560] =	vst v18;
	v18 =	vmul.f32 v47, v50  }
0x9b: {  	v54 =	vld [tilespmem:s30+$0x5E0];
	[tilespmem:s30+$0x570] =	vst v19;
	v19 =	vmul.f32 v48, v50  }
0x9c: {  	v55 =	vld [tilespmem:s30+$0x5F0];
	[tilespmem:s30+$0x580] =	vst v18;
	v18 =	vmul.f32 v49, v50  }
0x9d: {  	v56 =	vld [tilespmem:s30+$0x600];
	[tilespmem:s30+$0x590] =	vst v19;
	v19 =	vmul.f32 v51, v50  }
0x9e: {  	v57 =	vld [tilespmem:s30+$0x610];
	[tilespmem:s30+$0x5A0] =	vst v18;
	v18 =	vmul.f32 v52, v50  }
0x9f: {  	v58 =	vld [tilespmem:s30+$0x620];
	[tilespmem:s30+$0x5B0] =	vst v19;
	v19 =	vmul.f32 v53, v50  }
0xa0: {  	v60 =	vld [tilespmem:s30+$0x630];
	v59 =	vperm.xlane v17, v8;
	[tilespmem:s30+$0x5C0] =	vst v18;
	v18 =	vmul.f32 v54, v50  }
0xa1: {  	v61 =	vld [tilespmem:s30+$0x640];
	[tilespmem:s30+$0x5D0] =	vst v19;
	v19 =	vmul.f32 v55, v50  }
0xa2: {  	v62 =	vld [tilespmem:s30+$0x650];
	[tilespmem:s30+$0x5E0] =	vst v18;
	v18 =	vmul.f32 v56, v59  }
0xa3: {  	v63 =	vld [tilespmem:s30+$0x660];
	[tilespmem:s30+$0x5F0] =	vst v19;
	v19 =	vmul.f32 v57, v59  }
0xa4: {  	v28 =	vld [tilespmem:s30+$0x670];
	[tilespmem:s30+$0x600] =	vst v18;
	v18 =	vmul.f32 v58, v59  }
0xa5: {  	v29 =	vld [tilespmem:s30+$0x680];
	[tilespmem:s30+$0x610] =	vst v19;
	v19 =	vmul.f32 v60, v59  }
0xa6: {  	v30 =	vld [tilespmem:s30+$0x690];
	[tilespmem:s30+$0x620] =	vst v18;
	v18 =	vmul.f32 v61, v59  }
0xa7: {  	v31 =	vld [tilespmem:s30+$0x6A0];
	[tilespmem:s30+$0x630] =	vst v19;
	v19 =	vmul.f32 v62, v59  }
0xa8: {  	v33 =	vld [tilespmem:s30+$0x6B0];
	v32 =	vperm.xlane v17, v9;
	[tilespmem:s30+$0x640] =	vst v18;
	v18 =	vmul.f32 v63, v59  }
0xa9: {  	v34 =	vld [tilespmem:s30+$0x6C0];
	[tilespmem:s30+$0x650] =	vst v19;
	v19 =	vmul.f32 v28, v59  }
0xaa: {  	v35 =	vld [tilespmem:s30+$0x6D0];
	[tilespmem:s30+$0x660] =	vst v18;
	v18 =	vmul.f32 v29, v32  }
0xab: {  	v36 =	vld [tilespmem:s30+$0x6E0];
	[tilespmem:s30+$0x670] =	vst v19;
	v19 =	vmul.f32 v30, v32  }
0xac: {  	v37 =	vld [tilespmem:s30+$0x6F0];
	[tilespmem:s30+$0x680] =	vst v18;
	v18 =	vmul.f32 v31, v32  }
0xad: {  	v38 =	vld [tilespmem:s30+$0x700];
	[tilespmem:s30+$0x690] =	vst v19;
	v19 =	vmul.f32 v33, v32  }
0xae: {  	v39 =	vld [tilespmem:s30+$0x710];
	[tilespmem:s30+$0x6A0] =	vst v18;
	v18 =	vmul.f32 v34, v32  }
0xaf: {  	v40 =	vld [tilespmem:s30+$0x720];
	[tilespmem:s30+$0x6B0] =	vst v19;
	v19 =	vmul.f32 v35, v32  }
0xb0: {  	v42 =	vld [tilespmem:s30+$0x730];
	v41 =	vperm.xlane v17, v10;
	[tilespmem:s30+$0x6C0] =	vst v18;
	v18 =	vmul.f32 v36, v32  }
0xb1: {  	v43 =	vld [tilespmem:s30+$0x740];
	[tilespmem:s30+$0x6D0] =	vst v19;
	v19 =	vmul.f32 v37, v32  }
0xb2: {  	v44 =	vld [tilespmem:s30+$0x750];
	[tilespmem:s30+$0x6E0] =	vst v18;
	v18 =	vmul.f32 v38, v41  }
0xb3: {  	v45 =	vld [tilespmem:s30+$0x760];
	[tilespmem:s30+$0x6F0] =	vst v19;
	v19 =	vmul.f32 v39, v41  }
0xb4: {  	v46 =	vld [tilespmem:s30+$0x770];
	[tilespmem:s30+$0x700] =	vst v18;
	v18 =	vmul.f32 v40, v41  }
0xb5: {  	v47 =	vld [tilespmem:s30+$0x780];
	[tilespmem:s30+$0x710] =	vst v19;
	v19 =	vmul.f32 v42, v41  }
0xb6: {  	v48 =	vld [tilespmem:s30+$0x790];
	[tilespmem:s30+$0x720] =	vst v18;
	v18 =	vmul.f32 v43, v41  }
0xb7: {  	v49 =	vld [tilespmem:s30+$0x7A0];
	[tilespmem:s30+$0x730] =	vst v19;
	v19 =	vmul.f32 v44, v41  }
0xb8: {  	v51 =	vld [tilespmem:s30+$0x7B0];
	v50 =	vperm.xlane v17, v11;
	[tilespmem:s30+$0x740] =	vst v18;
	v18 =	vmul.f32 v45, v41  }
0xb9: {  	v52 =	vld [tilespmem:s30+$0x7C0];
	[tilespmem:s30+$0x750] =	vst v19;
	v19 =	vmul.f32 v46, v41  }
0xba: {  	v53 =	vld [tilespmem:s30+$0x7D0];
	[tilespmem:s30+$0x760] =	vst v18;
	v18 =	vmul.f32 v47, v50  }
0xbb: {  	v54 =	vld [tilespmem:s30+$0x7E0];
	[tilespmem:s30+$0x770] =	vst v19;
	v19 =	vmul.f32 v48, v50  }
0xbc: {  	v55 =	vld [tilespmem:s30+$0x7F0];
	[tilespmem:s30+$0x780] =	vst v18;
	v18 =	vmul.f32 v49, v50  }
0xbd: {  	v56 =	vld [tilespmem:s30+$0x800];
	[tilespmem:s30+$0x790] =	vst v19;
	v19 =	vmul.f32 v51, v50  }
0xbe: {  	v57 =	vld [tilespmem:s30+$0x810];
	[tilespmem:s30+$0x7A0] =	vst v18;
	v18 =	vmul.f32 v52, v50  }
0xbf: {  	v58 =	vld [tilespmem:s30+$0x820];
	[tilespmem:s30+$0x7B0] =	vst v19;
	v19 =	vmul.f32 v53, v50  }
0xc0: {  	v60 =	vld [tilespmem:s30+$0x830];
	v59 =	vperm.xlane v17, v12;
	[tilespmem:s30+$0x7C0] =	vst v18;
	v18 =	vmul.f32 v54, v50  }
0xc1: {  	v61 =	vld [tilespmem:s30+$0x840];
	[tilespmem:s30+$0x7D0] =	vst v19;
	v19 =	vmul.f32 v55, v50  }
0xc2: {  	v62 =	vld [tilespmem:s30+$0x850];
	[tilespmem:s30+$0x7E0] =	vst v18;
	v18 =	vmul.f32 v56, v59  }
0xc3: {  	v63 =	vld [tilespmem:s30+$0x860];
	[tilespmem:s30+$0x7F0] =	vst v19;
	v19 =	vmul.f32 v57, v59  }
0xc4: {  	v28 =	vld [tilespmem:s30+$0x870];
	[tilespmem:s30+$0x800] =	vst v18;
	v18 =	vmul.f32 v58, v59  }
0xc5: {  	v29 =	vld [tilespmem:s30+$0x880];
	[tilespmem:s30+$0x810] =	vst v19;
	v19 =	vmul.f32 v60, v59  }
0xc6: {  	v30 =	vld [tilespmem:s30+$0x890];
	[tilespmem:s30+$0x820] =	vst v18;
	v18 =	vmul.f32 v61, v59  }
0xc7: {  	v31 =	vld [tilespmem:s30+$0x8A0];
	[tilespmem:s30+$0x830] =	vst v19;
	v19 =	vmul.f32 v62, v59  }
0xc8: {  	v33 =	vld [tilespmem:s30+$0x8B0];
	v32 =	vperm.xlane v17, v13;
	[tilespmem:s30+$0x840] =	vst v18;
	v18 =	vmul.f32 v63, v59  }
0xc9: {  	v34 =	vld [tilespmem:s30+$0x8C0];
	[tilespmem:s30+$0x850] =	vst v19;
	v19 =	vmul.f32 v28, v59  }
0xca: {  	v35 =	vld [tilespmem:s30+$0x8D0];
	[tilespmem:s30+$0x860] =	vst v18;
	v18 =	vmul.f32 v29, v32  }
0xcb: {  	v36 =	vld [tilespmem:s30+$0x8E0];
	[tilespmem:s30+$0x870] =	vst v19;
	v19 =	vmul.f32 v30, v32  }
0xcc: {  	v37 =	vld [tilespmem:s30+$0x8F0];
	[tilespmem:s30+$0x880] =	vst v18;
	v18 =	vmul.f32 v31, v32  }
0xcd: {  	v38 =	vld [tilespmem:s30+$0x900];
	[tilespmem:s30+$0x890] =	vst v19;
	v19 =	vmul.f32 v33, v32  }
0xce: {  	v39 =	vld [tilespmem:s30+$0x910];
	[tilespmem:s30+$0x8A0] =	vst v18;
	v18 =	vmul.f32 v34, v32  }
0xcf: {  	v40 =	vld [tilespmem:s30+$0x920];
	[tilespmem:s30+$0x8B0] =	vst v19;
	v19 =	vmul.f32 v35, v32  }
0xd0: {  	v42 =	vld [tilespmem:s30+$0x930];
	v41 =	vperm.xlane v17, v14;
	[tilespmem:s30+$0x8C0] =	vst v18;
	v18 =	vmul.f32 v36, v32  }
0xd1: {  	v43 =	vld [tilespmem:s30+$0x940];
	[tilespmem:s30+$0x8D0] =	vst v19;
	v19 =	vmul.f32 v37, v32  }
0xd2: {  	v44 =	vld [tilespmem:s30+$0x950];
	[tilespmem:s30+$0x8E0] =	vst v18;
	v18 =	vmul.f32 v38, v41  }
0xd3: {  	v45 =	vld [tilespmem:s30+$0x960];
	[tilespmem:s30+$0x8F0] =	vst v19;
	v19 =	vmul.f32 v39, v41  }
0xd4: {  	v46 =	vld [tilespmem:s30+$0x970];
	[tilespmem:s30+$0x900] =	vst v18;
	v18 =	vmul.f32 v40, v41  }
0xd5: {  	v47 =	vld [tilespmem:s30+$0x980];
	[tilespmem:s30+$0x910] =	vst v19;
	v19 =	vmul.f32 v42, v41  }
0xd6: {  	v48 =	vld [tilespmem:s30+$0x990];
	[tilespmem:s30+$0x920] =	vst v18;
	v18 =	vmul.f32 v43, v41  }
0xd7: {  	v49 =	vld [tilespmem:s30+$0x9A0];
	[tilespmem:s30+$0x930] =	vst v19;
	v19 =	vmul.f32 v44, v41  }
0xd8: {  	v51 =	vld [tilespmem:s30+$0x9B0];
	v50 =	vperm.xlane v17, v15;
	[tilespmem:s30+$0x940] =	vst v18;
	v18 =	vmul.f32 v45, v41  }
0xd9: {  	v52 =	vld [tilespmem:s30+$0x9C0];
	[tilespmem:s30+$0x950] =	vst v19;
	v19 =	vmul.f32 v46, v41  }
0xda: {  	v53 =	vld [tilespmem:s30+$0x9D0];
	[tilespmem:s30+$0x960] =	vst v18;
	v18 =	vmul.f32 v47, v50  }
0xdb: {  	v54 =	vld [tilespmem:s30+$0x9E0];
	[tilespmem:s30+$0x970] =	vst v19;
	v19 =	vmul.f32 v48, v50  }
0xdc: {  	v55 =	vld [tilespmem:s30+$0x9F0];
	[tilespmem:s30+$0x980] =	vst v18;
	v18 =	vmul.f32 v49, v50  }
0xdd: {  	v56 =	vld [tilespmem:s30+$0xA00];
	[tilespmem:s30+$0x990] =	vst v19;
	v19 =	vmul.f32 v51, v50  }
0xde: {  	v57 =	vld [tilespmem:s30+$0xA10];
	[tilespmem:s30+$0x9A0] =	vst v18;
	v18 =	vmul.f32 v52, v50  }
0xdf: {  	v58 =	vld [tilespmem:s30+$0xA20];
	[tilespmem:s30+$0x9B0] =	vst v19;
	v19 =	vmul.f32 v53, v50  }
0xe0: {  	v17 =	vperm.xlane v17, v16;
	v59 =	vld [tilespmem:s30+$0xA30];
	[tilespmem:s30+$0x9C0] =	vst v18;
	v18 =	vmul.f32 v54, v50  }
0xe1: {  	v60 =	vld [tilespmem:s30+$0xA40];
	[tilespmem:s30+$0x9D0] =	vst v19;
	v19 =	vmul.f32 v55, v50  }
0xe2: {  	v61 =	vld [tilespmem:s30+$0xA50];
	[tilespmem:s30+$0x9E0] =	vst v18;
	v18 =	vmul.f32 v56, v17  }
0xe3: {  	v62 =	vld [tilespmem:s30+$0xA60];
	[tilespmem:s30+$0x9F0] =	vst v19;
	v19 =	vmul.f32 v57, v17  }
0xe4: {  	v63 =	vld [tilespmem:s30+$0xA70];
	[tilespmem:s30+$0xA00] =	vst v18;
	v18 =	vmul.f32 v58, v17  }
0xe5: {  	[tilespmem:s30+$0xA10] =	vst v19;
	v19 =	vmul.f32 v59, v17  }
0xe6: {  	p0 =	sne.s32 s29, $0x4;
	[tilespmem:s30+$0xA20] =	vst v18;
	v18 =	vmul.f32 v60, v17  }
.Ltmp1:
0xe7: {  	[tilespmem:s30+$0xA30] =	vst v19;
	v19 =	vmul.f32 v61, v17;
	(pc) =	sbr.rel @p0 .LBB2_5-.Ltmp1, $4  }
0xe8: {  	[tilespmem:s30+$0xA40] =	vst v18;
	v18 =	vmul.f32 v62, v17  }
0xe9: {  	[tilespmem:s30+$0xA50] =	vst v19;
	v17 =	vmul.f32 v63, v17  }
0xea: {  	[tilespmem:s30+$0xA60] =	vst v18  }
0xeb: {  	s29 =	sadd.s32 $0x1, s29;
	[tilespmem:s30+$0xA70] =	vst v17  }
0xec: {  	s28 =	sadd.s32 $0x1, s28  }
0xed: {  	p0 =	sne.s32 s28, $0x7D  }
.Ltmp2:
0xee: {  	_ = 	snop;
	(pc) =	sbr.rel @p0 .LBB2_4-.Ltmp2, $4  }
0xef: {  	[spmem:s5] =	stream.indirect.scatter.add.f32 [tilespmem:s24], [sflag:$0x2], $0x80, s20, s22, $0xb8;
	[tilespmem:$0x1AA80] =	vst v63  }
0xf0: {  	_ =	swait.ge [sflag:s18], $0x2800  }
0xf1: {  	[sflag:s18] =	ssyncset.done $0x0  }
0xf2: {  	[sflag:s18] =	ssyncadd.s32 $0xFFFFD800  }
0xf3: {  	s6 =	sadd.s32 $0x1, s6  }
0xf4: {  	s26 =	sshll.u32 s3, $0x6;
	[bflag:$0x0] =	sbarrier.arrive $0xFFFF;
	p0 =	sne.s32 s6, s16  }
.Ltmp3:
0xf5: {  	s28 =	sshrl.u32 s9, $0x3;
	s26 =	sor.u32 $0x1C02, s26;
	(pc) =	sbr.rel @p0 .LBB2_1-.Ltmp3, $4  }
0xf6: {  	[hbm:s15], [sflag:s26] =	dma.local [spmem:s28], $0x2800  }
0xf7: {  	_ =	swait.ge [sflag:s18], $0x2800  }
0xf8: {  	[sflag:s18] =	ssyncset.done $0x0  }
0xf9: {  	[sflag:s18] =	ssyncadd.s32 $0xFFFFD800  }
0xfa: {  	_ =	sfence.sel $0x180000  }
0xfb: {  	[bflag:$0x0] =	sbarrier.arrive $0xFFFF  }
0xfc: {  	p0 =	sne.s32 s3, $0x0;
	_ =	strace $0x9000004D  }
0xfd: {  	s0 =	sadd.s32 @!p0 $0x100000, s0;
	[bflag:$0x2] =	sbarrier.arrive $0xFFFF  }
0xfe: {  	[sflag:s0] =	ssyncadd.tile.s32 @!p0 $0x1;
	_ =	shalt  }
.Lfunc_end2:
_tile_overlayer_lowered:
.L_overlay_start_2:
0xff: {  	(tag) =	ssettag $0x2  }
0x100: {  	s0 =	rddreg [dreg:$0x0];
	s2 =	stileid.u32  }
0x101: {  	s1 =	rddreg [dreg:$0x1];
	p0 =	sne.s32 s2, $0x0  }
0x102: {  	s3 =	rddreg [dreg:$0x2];
	[bflag:$0x3] =	sbarrier.arrive $0xFFFF;
	s2 =	simm.s32 @!p0 $0x1C02  }
0x103: {  	[timem:s3], [sflag:s2] =	dma.local @!p0 [hbm:s0], s1  }
0x104: {  	s0 =	simm.s32 @!p0 $0x2  }
0x105: {  	_ =	swait.ge @!p0 [sflag:s0], s1  }
0x106: {  	s1 =	ssub.s32 @!p0 $0x0, s1;
	[sflag:s0] =	ssyncset.done @!p0 $0x0  }
0x107: {  	[sflag:s0] =	ssyncadd.s32 @!p0 s1  }
0x108: {  	[bflag:$0x3] =	sbarrier.arrive $0xFFFF  }
0x109: {  	_ =	shalt  }

// kernel: kernel.8.cloned.1.call-start
scs
__scs_entry_jumppad:
0x0: {  	(pc) =	sbr.rel $0x88, $3  }
0x1: {  	(tag) =	ssettag $0x0;
	lr =	simm.s32 $0x1  }
0x2: {  	[smem:$0x3F9C] =	sst lr;
	_ =	strace $0xD0000000  }
0x3: {  	_ = 	snop  }
0x4: {  	_ = 	snop  }
0x5: {  	_ = 	snop  }
0x6: {  	_ = 	snop  }
0x7: {  	_ = 	snop  }
__scs_overlays_trampoline_lowered:
0x8: {  	[smem:$0x3FAB] =	sst s0  }
0x9: {  	[smem:$0x3FAC] =	sst s1  }
0xa: {  	[smem:$0x3FAD] =	sst s2  }
0xb: {  	[smem:$0x3FAE] =	sst s3  }
0xc: {  	[smem:$0x3FAF] =	sst s4  }
0xd: {  	[smem:$0x3FB0] =	sst s5  }
0xe: {  	[smem:$0x3FB1] =	sst s6  }
0xf: {  	[smem:$0x3FB2] =	sst s7  }
0x10: {  	[smem:$0x3FB3] =	sst s8  }
0x11: {  	[smem:$0x3FB4] =	sst s9;
	s0 =	simm.s32 @!p0 $0x0  }
0x12: {  	s1 =	sld [smem:$0x3F9A];
	s0 =	simm.s32 @p0 $0x1  }
0x13: {  	[smem:$0x3FB5] =	sst s0;
	s0 =	simm.s32 @!p1 $0x0  }
0x14: {  	s2 =	sld [smem:$0x3F99];
	s0 =	simm.s32 @p1 $0x1  }
0x15: {  	[smem:$0x3FB6] =	sst s0;
	s0 =	simm.s32 @!p2 $0x0  }
0x16: {  	s3 =	sld [smem:$0x3FDB];
	s0 =	simm.s32 @p2 $0x1  }
0x17: {  	s4 =	simm.s32 $0x1BF5;
	[smem:$0x3FB8] =	sst s0  }
0x18: {  	s0 =	sld [smem:$0x3F9B];
	_ =	swait.ge [sflag:s4], $0x0  }
0x19: {  	s7 =	sld [smem:$0x3F9C]  }
0x1a: {  	s8 =	sadd.s32 $0xFFFFE003, lr  }
0x1b: {  	s9 =	sadd.s32 $0xFFFFFEF7, lr;
	s5 =	simm.s32 $0xFFFFFFFF;
	p2 =	slt.u32 s8, $0xFFFFF086  }
0x1c: {  	p1 =	slt.u32 s9, $0xF7A;
	s5 =	simm.s32 @!p2 $0x0  }
0x1d: {  	s5 =	simm.s32 @p1 $0x1;
	p0 =	seq.s32 s7, s2  }
0x1e: {  	s7 =	smul.u32 @!p0 $0xF7A, s2;
	p2 =	seq.s32 @!p0 s5, $0x0  }
0x1f: {  	s9 =	smul.u32 $0xF7A, s1;
	s8 =	simm.s32 @!p0 $0x1BF5;
	p2 =	por !p2, p0  }
0x20: {  	[sflag:s8] =	ssyncset.s32 @!p0 $0xFFFFF086;
	s6 =	sadd.s32 @!p0 s3, s7;
	s7 =	simm.s32 @!p0 $0x108  }
0x21: {  	s3 =	sadd.s32 s3, s9;
	s6 =	sadd.s32 @!p0 $0x88, s6;
	s7 =	simm.s32 @p2 $0x1082  }
0x22: {  	[simem:s7], [sflag:s8] =	dma.local @!p0 [hbm:s6], $0xF7A  }
0x23: {  	s9 =	sor.u32 $0xD0000000, s2;
	s6 =	simm.s32 $0x108;
	_ =	swait.ge @!p0 [sflag:s8], $0x0  }
0x24: {  	s3 =	sadd.s32 $0x88, s3;
	s6 =	simm.s32 @!p1 $0x1082;
	[sflag:s4] =	ssyncset.s32 $0xFFFFF086  }
0x25: {  	[simem:s6], [sflag:s4] =	dma.local [hbm:s3], $0xF7A  }
0x26: {  	[smem:$0x3F9C] =	sst s1;
	(tag) =	ssettag s2;
	_ =	strace s9  }
0x27: {  	s1 =	sld [smem:$0x3FAC]  }
0x28: {  	s2 =	sld [smem:$0x3FAD]  }
0x29: {  	s4 =	sld [smem:$0x3FAF]  }
0x2a: {  	p0 =	seq.s32 s5, $0x0;
	s5 =	sld [smem:$0x3FB0]  }
0x2b: {  	s6 =	sld [smem:$0x3FB1]  }
0x2c: {  	s7 =	sld [smem:$0x3FB2]  }
0x2d: {  	s3 =	simm.s32 $0x108;
	s8 =	sld [smem:$0x3FB3]  }
0x2e: {  	s3 =	simm.s32 @!p0 $0x1082;
	s9 =	sld [smem:$0x3FB4]  }
0x2f: {  	lr =	sadd.s32 s0, s3;
	s0 =	sld [smem:$0x3FAB]  }
0x30: {  	s3 =	sld [smem:$0x3FAE]  }
0x31: {  	[smem:$0x3FB7] =	sst s10  }
0x32: {  	s10 =	sld [smem:$0x3FB5];
	_ =	sdelay $0x3  }
0x33: {  	p0 =	seq.s32 s10, $0x1;
	s10 =	sld [smem:$0x3FB7];
	_ =	sdelay $0x3  }
0x34: {  	[smem:$0x3FB7] =	sst s10  }
0x35: {  	s10 =	sld [smem:$0x3FB6];
	_ =	sdelay $0x3  }
0x36: {  	p1 =	seq.s32 s10, $0x1;
	s10 =	sld [smem:$0x3FB7];
	_ =	sdelay $0x3  }
0x37: {  	[smem:$0x3FB7] =	sst s10  }
0x38: {  	s10 =	sld [smem:$0x3FB8]  }
0x39: {  	_ = 	snop;
	(pc) =	sbr.ind lr, $3  }
0x3a: {  	_ = 	snop  }
0x3b: {  	_ = 	snop  }
0x3c: {  	p2 =	seq.s32 s10, $0x1;
	s10 =	sld [smem:$0x3FB7]  }
0x3d: {  	_ =	shalt  }
0x3e: {  	_ =	shalt  }
0x3f: {  	_ =	shalt  }
0x40: {  	_ =	shalt  }
0x41: {  	_ =	shalt  }
0x42: {  	_ =	shalt  }
0x43: {  	_ =	shalt  }
0x44: {  	_ =	shalt  }
0x45: {  	_ =	shalt  }
0x46: {  	_ =	shalt  }
0x47: {  	_ =	shalt  }
0x48: {  	_ =	shalt  }
0x49: {  	_ =	shalt  }
0x4a: {  	_ =	shalt  }
0x4b: {  	_ =	shalt  }
0x4c: {  	_ =	shalt  }
0x4d: {  	_ =	shalt  }
0x4e: {  	_ =	shalt  }
0x4f: {  	_ =	shalt  }
0x50: {  	_ =	shalt  }
0x51: {  	_ =	shalt  }
0x52: {  	_ =	shalt  }
0x53: {  	_ =	shalt  }
0x54: {  	_ =	shalt  }
0x55: {  	_ =	shalt  }
0x56: {  	_ =	shalt  }
0x57: {  	_ =	shalt  }
0x58: {  	_ =	shalt  }
0x59: {  	_ =	shalt  }
0x5a: {  	_ =	shalt  }
0x5b: {  	_ =	shalt  }
0x5c: {  	_ =	shalt  }
0x5d: {  	_ =	shalt  }
0x5e: {  	_ =	shalt  }
0x5f: {  	_ =	shalt  }
0x60: {  	_ =	shalt  }
0x61: {  	_ =	shalt  }
0x62: {  	_ =	shalt  }
0x63: {  	_ =	shalt  }
0x64: {  	_ =	shalt  }
0x65: {  	_ =	shalt  }
0x66: {  	_ =	shalt  }
0x67: {  	_ =	shalt  }
0x68: {  	_ =	shalt  }
0x69: {  	_ =	shalt  }
0x6a: {  	_ =	shalt  }
0x6b: {  	_ =	shalt  }
0x6c: {  	_ =	shalt  }
0x6d: {  	_ =	shalt  }
0x6e: {  	_ =	shalt  }
0x6f: {  	_ =	shalt  }
0x70: {  	_ =	shalt  }
0x71: {  	_ =	shalt  }
0x72: {  	_ =	shalt  }
0x73: {  	_ =	shalt  }
0x74: {  	_ =	shalt  }
0x75: {  	_ =	shalt  }
0x76: {  	_ =	shalt  }
0x77: {  	_ =	shalt  }
0x78: {  	_ =	shalt  }
0x79: {  	_ =	shalt  }
0x7a: {  	_ =	shalt  }
0x7b: {  	_ =	shalt  }
0x7c: {  	_ =	shalt  }
0x7d: {  	_ =	shalt  }
0x7e: {  	_ =	shalt  }
0x7f: {  	_ =	shalt  }
0x80: {  	_ =	shalt  }
0x81: {  	_ =	shalt  }
0x82: {  	_ =	shalt  }
0x83: {  	_ =	shalt  }
0x84: {  	_ =	shalt  }
0x85: {  	_ =	shalt  }
0x86: {  	_ =	shalt  }
0x87: {  	_ =	shalt  }
.Lfunc_end0:
.L_simem_size_0:
called_computation_lowered:
.L_overlay_start_0:
0x88: {  	s2 =	sld [smem:$0x3FD9]  }
0x89: {  	s3 =	sld [smem:$0x3FFE];
	_ =	sdelay $0x1  }
0x8a: {  	s1 =	srdreg.scid  }
0x8b: {  	s0 =	sand.u32 $0x1, s1  }
0x8c: {  	s14 =	sshll.u32 s0, $0xA;
	s2 =	sadd.s32 s3, s2  }
0x8d: {  	s2 =	sadd.s32 s2, s14  }
0x8e: {  	[smem:$0x3FC3] =	sst s2  }
0x8f: {  	_ = 	snop  }
0x90: {  	s2 =	sld [smem:$0x3FD0];
	_ =	sdelay $0x2  }
0x91: {  	s4 =	simm.s32 $0xA;
	s5 =	simm.s32 $0x10;
	s15 =	sld [smem:$0x3FC7]  }
0x92: {  	[smem:s5], [sflag:s4] =	dma.local [hbm:s2], $0x1  }
0x93: {  	_ =	swait.eq [sflag:s4], $0x1  }
0x94: {  	[sflag:s4] =	ssyncset.done $0x0  }
0x95: {  	[sflag:s4] =	ssyncadd.s32 $0xFFFFFFFF  }
0x96: {  	s16 =	sld [smem:$0x11];
	(tm) =	ssettm $0x1  }
0x97: {  	s17 =	sld [smem:$0x3FFB];
	_ =	sdelay $0x3  }
0x98: {  	_ =	strace s17  }
0x99: {  	s4 =	sld [smem:$0x3FFC];
	_ =	sdelay $0x3  }
0x9a: {  	_ =	strace s4  }
0x9b: {  	s4 =	sld [smem:$0x3FFD];
	_ =	sdelay $0x3  }
0x9c: {  	_ =	strace s4  }
0x9d: {  	_ =	strace $0x8FFFFFFF  }
0x9e: {  	s18 =	sld [smem:$0x3FDB];
	_ =	sdelay $0x1  }
0x9f: {  	s19 =	simm.s32 $_scs_section_size  }
0xa0: {  	s6 =	simm.s32 $_size__tile_overlayer_lowered;
	s7 =	simm.s32 $_tile_overlayer_lowered  }
0xa1: {  	s22 =	simm.s32 $0x1BFF;
	s21 =	sshll.u32 s7, $0x1;
	s4 =	sadd.s32 s19, s18  }
0xa2: {  	s8 =	simm.s32 $0x0;
	s20 =	sshll.u32 s6, $0x1;
	s6 =	sadd.s32 s21, s4  }
0xa3: {  	[timem:s8], [sflag:s22] =	dma.local [hbm:s6], s20  }
0xa4: {  	_ =	swait.ge [sflag:s22], s20  }
0xa5: {  	s5 =	ssub.s32 $0x0, s20;
	[sflag:s22] =	ssyncset.done $0x0  }
0xa6: {  	[sflag:s22] =	ssyncadd.s32 s5;
	_ =	sdelay $0x1  }
0xa7: {  	s23 =	simm.s32 $0x1B8B  }
0xa8: {  	_ =	swait.ge [sflag:s23], $0x1  }
0xa9: {  	[sflag:s23] =	ssyncset.done $0x0  }
0xaa: {  	s25 =	simm.s32 $0x1B8E;
	s24 =	sld [smem:$0x3FFE];
	[sflag:s23] =	ssyncadd.s32 $0xFFFFFFFF  }
0xab: {  	s26 =	simm.s32 $execute0_lowered;
	[smem:$0x3FD2] =	sst s25  }
0xac: {  	s6 =	sshll.u32 s26, $0x1;
	_ =	strace $0x80000046;
	[dreg:$0x1] =	wrdreg $0xFFFFFFFF  }
0xad: {  	s28 =	simm.s32 $_size_execute0_lowered;
	s4 =	sadd.s32 s4, s6;
	[dreg:$0x0] =	wrdreg $0x0  }
0xae: {  	s6 =	sshll.u32 s28, $0x1;
	[dreg:$0x2] =	wrdreg s4  }
0xaf: {  	[dreg:$0x3] =	wrdreg s6  }
0xb0: {  	[dreg:$0x4] =	wrdreg $0xC0  }
0xb1: {  	_ =	task [dreg:s8], $0x5FFFF  }
0xb2: {  	[dreg:$0x1] =	wrdreg $0xFFFFFFFF  }
0xb3: {  	[dreg:$0x0] =	wrdreg $0x60  }
0xb4: {  	[dreg:$0x2] =	wrdreg s16  }
0xb5: {  	[dreg:$0x3] =	wrdreg s15  }
0xb6: {  	[dreg:$0x4] =	wrdreg s24  }
0xb7: {  	[dreg:$0x5] =	wrdreg $0x16800  }
0xb8: {  	[dreg:$0x6] =	wrdreg $0x9  }
0xb9: {  	_ =	task.clear_ibuf [dreg:s8], $0x7FFFF;
	_ =	strace $0x90000046  }
0xba: {  	s29 =	simm.s32 $0x9;
	_ =	strace $0x80000048  }
0xbb: {  	_ =	swait.ge [sflag:s29], $0x1  }
0xbc: {  	[sflag:s29] =	ssyncadd.s32 $0xFFFFFFFF  }
0xbd: {  	_ =	strace $0x90000048  }
0xbe: {  	_ =	sfence  }
0xbf: {  	s30 =	sld [smem:$0x0];
	_ =	sdelay $0x2  }
0xc0: {  	s31 =	sshll.u32 s1, $0xD;
	s1 =	sshrl.u32 s1, $0x2  }
0xc1: {  	s3 =	sand.u32 $0x4000, s31;
	s1 =	sadd.s32 s1, s30  }
0xc2: {  	s0 =	sor.u32 s3, s0;
	s1 =	sshll.u32 s1, $0x11  }
0xc3: {  	s0 =	sor.u32 s1, s0  }
0xc4: {  	s0 =	sadd.s32 $0x8F2B, s0  }
0xc5: {  	[sflag:s0] =	ssyncadd.remote.s32 $0x1  }
0xc6: {  	_ =	sfence.sel $0xFFFF  }
0xc7: {  	[dreg:$0x0] =	wrdreg $0xFFFFFFFF;
	(pc) =	sbr.abs _section_cstart, $3  }
0xc8: {  	[dreg:$0x1] =	wrdreg $0xFFFFFFFF  }
0xc9: {  	_ =	task.clear_ibuf [dreg:s8], $0x2FFFF;
	_ =	strace $0x9FFFFFFF  }
0xca: {  	(tm) =	ssettm $0x7FFFFFFF  }
0xcb: {  	_ =	shalt  }
tec
execute0_lowered:
.L_overlay_start_1:
0x0: {  	(tag) =	ssettag $0x1  }
0x1: {  	s10 =	rddreg [dreg:$0x0]  }
0x2: {  	s9 =	rddreg [dreg:$0x1]  }
0x3: {  	s4 =	rddreg [dreg:$0x2]  }
0x4: {  	s2 =	rddreg [dreg:$0x3]  }
0x5: {  	s0 =	rddreg [dreg:$0x4]  }
0x6: {  	s5 =	srdreg.scid;
	s1 =	stileid.u32  }
0x7: {  	s3 =	simm.s32 $0x0;
	s13 =	simm.s32 $0x80;
	s14 =	simm.s32 $0x50  }
0x8: {  	s15 =	simm.s32 $0x100;
	s16 =	simm.s32 $0x180;
	s6 =	smul.u32 $0x4E20, s1  }
0x9: {  	s17 =	simm.s32 $0x200;
	s5 =	sand.u32 $0x1, s5;
	s29 =	smul.u32 $0x5000, s1  }
0xa: {  	s18 =	simm.s32 $0x0;
	[smem:$0x7FF] =	sst s3;
	s7 =	smul.u32 $0x2710, s5  }
0xb: {  	s8 =	smul.u32 $0x9C4, s1;
	_ =	strace $0x80000047;
	s5 =	ssub.s32 $0x2, s5  }
0xc: {  	s30 =	sshrl.u32 s5, $0x1;
	s31 =	sshrl.u32 s29, $0x2;
	s6 =	sadd.s32 s7, s6  }
0xd: {  	s5 =	ssub.s32 s5, s30;
	s7 =	sadd.s32 s8, s10;
	s11 =	sshrl.u32 s6, $0x3  }
0xe: {  	s5 =	smax.u32 s5, $0x1;
	s6 =	sadd.s32 s8, s9;
	s12 =	sadd.s32 s11, s4  }
0xf: {  	s4 =	sadd.s32 s31, s2;
	s9 =	sadd.s32 s11, s9;
	s10 =	sadd.s32 s11, s10  }
0x10: {  	v0 =	vimm.f32 $0.0e+00;
	v1 =	vimm.f32 $1.000000000e+00;
	s11 =	simm.s32 $0x280;
	s8 =	sadd.s32 $0x1200, s12;
	s12 =	simm.s32 $0x1  }
.LBB2_1:
0x11: {  	s19 =	simm.s32 $0x40;
	s20 =	simm.s32 $0x0  }
.LBB2_2:
0x12: {  	p0 =	sne.s32 s19, $0x4FC0;
	[tilespmem:s20+$0x280] =	vst v0;
	s20 =	smov.u32 s19;
	s19 =	sadd.s32 $0x40, s19  }
.Ltmp0:
0x13: {  	(pc) =	sbr.rel @p0 .LBB2_2-.Ltmp0, $2  }
0x14: {  	_ =	sdelay $0x2  }
0x15: {  	s20 =	sshra.s32 s20, $0x2  }
0x16: {  	[tilespmem:s20+$0x280] =	vst v0  }
0x17: {  	[tilespmem:$0x180] =	vst v1  }
0x18: {  	[tilespmem:$0x190] =	vst v1  }
0x19: {  	[tilespmem:$0x1A0] =	vst v1  }
0x1a: {  	[tilespmem:$0x1B0] =	vst v1  }
0x1b: {  	[tilespmem:$0x1C0] =	vst v1  }
0x1c: {  	[spmem:s4] =	stream.linear.scatter [tilespmem:s11], [sflag:$0x1], $0x1400, $0x38;
	[tilespmem:$0x2A80] =	vst v63  }
0x1d: {  	_ =	swait.ge [sflag:s12], $0x1400  }
0x1e: {  	[sflag:s12] =	ssyncset.done $0x0  }
0x1f: {  	[sflag:s12] =	ssyncadd.s32 $0xFFFFEC00  }
0x20: {  	s19 =	sadd.s32 $0x0, s7;
	[bflag:$0x0] =	sbarrier.arrive $0xFFFF  }
0x21: {  	[tilespmem:s3], [sflag:$0x1] =	stream.linear.gather [hbm4b:s19+s3], $0x50, $0x38;
	[tilespmem:$0x2A80] =	vst v63  }
0x22: {  	_ =	swait.ge [sflag:s12], $0x50  }
0x23: {  	[sflag:s12] =	ssyncset.done $0x0  }
0x24: {  	s31 =	sadd.s32 $0x0, s6;
	[sflag:s12] =	ssyncadd.s32 $0xFFFFFFB0  }
0x25: {  	[tilespmem:s13], [sflag:$0x1] =	stream.linear.gather [hbm4b:s31+s3], $0x50, $0x38;
	[tilespmem:$0x2A80] =	vst v63  }
0x26: {  	_ =	swait.ge [sflag:s12], $0x50  }
0x27: {  	[sflag:s12] =	ssyncset.done $0x0  }
0x28: {  	[sflag:s12] =	ssyncadd.s32 $0xFFFFFFB0  }
0x29: {  	v2 =	vld [tilespmem:$0xA0]  }
0x2a: {  	v3 =	vld [tilespmem:$0xB0]  }
0x2b: {  	v4 =	vld [tilespmem:$0x90]  }
0x2c: {  	v6 =	vld [tilespmem:$0x10]  }
0x2d: {  	v7 =	vld [tilespmem:$0x30]  }
0x2e: {  	s19 =	simm.s32 $0xA;
	v5 =	vld [tilespmem:$0x0]  }
.LBB2_4:
0x2f: {  	p0 =	sne.s32 s19, $0x9BA;
	v8 =	vld [tilespmem:$0x20];
	s20 =	smov.u32 s19;
	s19 =	sadd.s32 $0xA, s19  }
0x30: {  	v9 =	vld [tilespmem:$0x80]  }
0x31: {  	v10 =	vld [tilespmem:$0x40]  }
0x32: {  	v6 =	vshll.u32 v6, $0x3;
	v7 =	vshll.u32 v7, $0x3;
	v11 =	vld [tilespmem:$0xC0]  }
0x33: {  	v4 =	vadd.s32 v4, v6;
	v3 =	vadd.s32 v3, v7  }
0x34: {  	v5 =	vshll.u32 v5, $0x3;
	[tilespmem:$0x110] =	vst v4;
	v4 =	vshll.u32 v8, $0x3  }
0x35: {  	v5 =	vadd.s32 v9, v5;
	v2 =	vadd.s32 v2, v4;
	[tilespmem:$0x130] =	vst v3  }
0x36: {  	[tilespmem:$0x100] =	vst v5;
	v3 =	vshll.u32 v10, $0x3  }
0x37: {  	[tilespmem:$0x120] =	vst v2;
	v2 =	vadd.s32 v11, v3  }
0x38: {  	[tilespmem:$0x140] =	vst v2  }
0x39: {  	[spmem:s2] =	stream.indirect.scatter.add.f32 [tilespmem:s16], [sflag:$0x1], $0x1, s15, s14, $0xb8;
	[tilespmem:$0x2A80] =	vst v63  }
0x3a: {  	_ =	swait.ge [sflag:s12], $0x50  }
0x3b: {  	[sflag:s12] =	ssyncset.done $0x0  }
0x3c: {  	s21 =	sadd.s32 s20, s7;
	[sflag:s12] =	ssyncadd.s32 $0xFFFFFFB0  }
0x3d: {  	[tilespmem:s3], [sflag:$0x1] =	stream.linear.gather [hbm4b:s21+s3], $0x50, $0x38;
	[tilespmem:$0x2A80] =	vst v63  }
0x3e: {  	_ =	swait.ge [sflag:s12], $0x50  }
0x3f: {  	[sflag:s12] =	ssyncset.done $0x0  }
0x40: {  	s20 =	sadd.s32 s20, s6;
	[sflag:s12] =	ssyncadd.s32 $0xFFFFFFB0  }
0x41: {  	[tilespmem:s13], [sflag:$0x1] =	stream.linear.gather [hbm4b:s20+s3], $0x50, $0x38;
	[tilespmem:$0x2A80] =	vst v63  }
0x42: {  	_ =	swait.ge [sflag:s12], $0x50  }
0x43: {  	[sflag:s12] =	ssyncset.done $0x0  }
0x44: {  	[sflag:s12] =	ssyncadd.s32 $0xFFFFFFB0  }
0x45: {  	v2 =	vld [tilespmem:$0xA0]  }
.Ltmp1:
0x46: {  	v3 =	vld [tilespmem:$0xB0];
	(pc) =	sbr.rel @p0 .LBB2_4-.Ltmp1, $4  }
0x47: {  	v4 =	vld [tilespmem:$0x90]  }
0x48: {  	v6 =	vld [tilespmem:$0x10]  }
0x49: {  	v7 =	vld [tilespmem:$0x30]  }
0x4a: {  	v5 =	vld [tilespmem:$0x0]  }
0x4b: {  	v8 =	vld [tilespmem:$0x20]  }
0x4c: {  	v9 =	vld [tilespmem:$0x80]  }
0x4d: {  	v10 =	vld [tilespmem:$0x40]  }
0x4e: {  	v11 =	vld [tilespmem:$0xC0];
	v6 =	vshll.u32 v6, $0x3  }
0x4f: {  	v7 =	vshll.u32 v7, $0x3;
	v4 =	vadd.s32 v4, v6  }
0x50: {  	v3 =	vadd.s32 v3, v7;
	v5 =	vshll.u32 v5, $0x3;
	[tilespmem:$0x110] =	vst v4  }
0x51: {  	v63 =	vshll.u32 v8, $0x3;
	v5 =	vadd.s32 v9, v5;
	[tilespmem:$0x130] =	vst v3  }
0x52: {  	v3 =	vshll.u32 v10, $0x3;
	v2 =	vadd.s32 v2, v63;
	[tilespmem:$0x100] =	vst v5  }
0x53: {  	[tilespmem:$0x120] =	vst v2;
	v2 =	vadd.s32 v11, v3  }
0x54: {  	[tilespmem:$0x140] =	vst v2  }
0x55: {  	[spmem:s2] =	stream.indirect.scatter.add.f32 [tilespmem:s16], [sflag:$0x1], $0x1, s15, s14, $0xb8;
	[tilespmem:$0x2A80] =	vst v63  }
0x56: {  	_ =	swait.ge [sflag:s12], $0x50  }
0x57: {  	[sflag:s12] =	ssyncset.done $0x0  }
0x58: {  	[sflag:s12] =	ssyncadd.s32 $0xFFFFFFB0  }
0x59: {  	[bflag:$0x0] =	sbarrier.arrive $0xFFFF  }
0x5a: {  	[tilespmem:s11], [sflag:$0x1] =	stream.linear.gather [spmem:s4], $0x1400, $0x38;
	[tilespmem:$0x2A80] =	vst v63  }
0x5b: {  	_ =	swait.ge [sflag:s12], $0x1400  }
0x5c: {  	[sflag:s12] =	ssyncset.done $0x0  }
0x5d: {  	s19 =	simm.s32 $0x0;
	s20 =	simm.s32 $0x40;
	[sflag:s12] =	ssyncadd.s32 $0xFFFFEC00  }
.LBB2_6:
0x5e: {  	p0 =	sne.s32 s20, $0x4FC0;
	v2 =	vld [tilespmem:s19+$0x280];
	_ =	sdelay $0x4  }
0x5f: {  	v2 =	vmax.f32 v2, $1.000000000e+00  }
0x60: {  	(erf) = vrcp.f32 v2;
	_ =	sdelay $0x5  }
.Ltmp2:
0x61: {  	(pc) =	sbr.rel @p0 .LBB2_6-.Ltmp2, $3  }
0x62: {  	_ =	sdelay $0x1  }
0x63: {  	v2 =	vpop (erf)  }
0x64: {  	[tilespmem:s19+$0x280] =	vst v2;
	s19 =	sshra.s32 s20, $0x2;
	s20 =	sadd.s32 $0x40, s20  }
0x65: {  	v2 =	vld [tilespmem:s19+$0x280];
	_ =	sdelay $0x4  }
0x66: {  	v2 =	vmax.f32 v2, $1.000000000e+00  }
0x67: {  	(erf) = vrcp.f32 v2;
	_ =	sdelay $0x8  }
0x68: {  	v2 =	vpop (erf)  }
0x69: {  	[tilespmem:s19+$0x280] =	vst v2  }
0x6a: {  	[spmem:s4] =	stream.linear.scatter [tilespmem:s11], [sflag:$0x1], $0x1400, $0x38;
	[tilespmem:$0x2A80] =	vst v63  }
0x6b: {  	_ =	swait.ge [sflag:s12], $0x1400  }
0x6c: {  	[sflag:s12] =	ssyncset.done $0x0  }
0x6d: {  	[sflag:s12] =	ssyncadd.s32 $0xFFFFEC00  }
0x6e: {  	s30 =	sadd.s32 $0x0, s10;
	[bflag:$0x0] =	sbarrier.arrive $0xFFFF  }
0x6f: {  	[tilespmem:s3], [sflag:$0x1] =	stream.linear.gather [hbm4b:s30+s3], $0x50, $0x38;
	[tilespmem:$0x2A80] =	vst v63  }
0x70: {  	_ =	swait.ge [sflag:s12], $0x50  }
0x71: {  	[sflag:s12] =	ssyncset.done $0x0  }
0x72: {  	s31 =	sadd.s32 $0x0, s9;
	[sflag:s12] =	ssyncadd.s32 $0xFFFFFFB0  }
0x73: {  	[tilespmem:s13], [sflag:$0x1] =	stream.linear.gather [hbm4b:s31+s3], $0x50, $0x38;
	[tilespmem:$0x2A80] =	vst v63  }
0x74: {  	_ =	swait.ge [sflag:s12], $0x50  }
0x75: {  	[sflag:s12] =	ssyncset.done $0x0  }
0x76: {  	[sflag:s12] =	ssyncadd.s32 $0xFFFFFFB0  }
0x77: {  	v2 =	vld [tilespmem:$0xA0]  }
0x78: {  	v3 =	vld [tilespmem:$0x90]  }
0x79: {  	v4 =	vld [tilespmem:$0xB0]  }
0x7a: {  	v5 =	vld [tilespmem:$0xC0]  }
0x7b: {  	v6 =	vld [tilespmem:$0x40]  }
0x7c: {  	v7 =	vld [tilespmem:$0x10]  }
0x7d: {  	v8 =	vld [tilespmem:$0x30]  }
0x7e: {  	v9 =	vld [tilespmem:$0x20]  }
0x7f: {  	v10 =	vld [tilespmem:$0x0]  }
0x80: {  	v11 =	vld [tilespmem:$0x80];
	v6 =	vshll.u32 v6, $0x3  }
0x81: {  	v7 =	vshll.u32 v7, $0x3;
	v5 =	vadd.s32 v5, v6  }
0x82: {  	v62 =	vshll.u32 v8, $0x3;
	v3 =	vadd.s32 v3, v7;
	[tilespmem:$0x140] =	vst v5  }
0x83: {  	v4 =	vadd.s32 v4, v62;
	[tilespmem:$0x110] =	vst v3;
	v3 =	vshll.u32 v9, $0x3  }
0x84: {  	v63 =	vshll.u32 v10, $0x3;
	[tilespmem:$0x130] =	vst v4;
	v3 =	vadd.s32 v2, v3  }
0x85: {  	s20 =	simm.s32 $0xA;
	s19 =	simm.s32 $0x0;
	v2 =	vadd.s32 v11, v63;
	[tilespmem:$0x120] =	vst v3  }
.LBB2_8:
0x86: {  	p0 =	sne.s32 s20, $0x4D8;
	[tilespmem:$0x100] =	vst v2;
	s21 =	smov.u32 s20;
	s20 =	sadd.s32 $0xA, s20  }
0x87: {  	[tilespmem:s17], [sflag:$0x1] =	stream.indirect.gather [spmem:s2], $0x1, s15, s14, $0xb8;
	[tilespmem:$0x2A80] =	vst v63  }
0x88: {  	_ =	swait.ge [sflag:s12], $0x50  }
0x89: {  	[sflag:s12] =	ssyncset.done $0x0  }
0x8a: {  	s22 =	sadd.s32 s19, s8;
	s19 =	smov.u32 s21;
	[sflag:s12] =	ssyncadd.s32 $0xFFFFFFB0  }
0x8b: {  	[hbm4b:s22+s3] =	stream.linear.scatter [tilespmem:s17], [sflag:$0x1], $0x50, $0x38;
	[tilespmem:$0x2A80] =	vst v63  }
0x8c: {  	_ =	swait.ge [sflag:s12], $0x50  }
0x8d: {  	[sflag:s12] =	ssyncset.done $0x0  }
0x8e: {  	s21 =	sadd.s32 s19, s10;
	[sflag:s12] =	ssyncadd.s32 $0xFFFFFFB0  }
0x8f: {  	[tilespmem:s3], [sflag:$0x1] =	stream.linear.gather [hbm4b:s21+s3], $0x50, $0x38;
	[tilespmem:$0x2A80] =	vst v63  }
0x90: {  	_ =	swait.ge [sflag:s12], $0x50  }
0x91: {  	[sflag:s12] =	ssyncset.done $0x0  }
0x92: {  	s21 =	sadd.s32 s19, s9;
	[sflag:s12] =	ssyncadd.s32 $0xFFFFFFB0  }
0x93: {  	[tilespmem:s13], [sflag:$0x1] =	stream.linear.gather [hbm4b:s21+s3], $0x50, $0x38;
	[tilespmem:$0x2A80] =	vst v63  }
0x94: {  	_ =	swait.ge [sflag:s12], $0x50  }
0x95: {  	[sflag:s12] =	ssyncset.done $0x0  }
0x96: {  	[sflag:s12] =	ssyncadd.s32 $0xFFFFFFB0  }
0x97: {  	v2 =	vld [tilespmem:$0xA0]  }
0x98: {  	v3 =	vld [tilespmem:$0x90]  }
0x99: {  	v4 =	vld [tilespmem:$0xB0]  }
0x9a: {  	v5 =	vld [tilespmem:$0xC0]  }
0x9b: {  	v6 =	vld [tilespmem:$0x40]  }
0x9c: {  	v7 =	vld [tilespmem:$0x10]  }
0x9d: {  	v8 =	vld [tilespmem:$0x30]  }
0x9e: {  	v9 =	vld [tilespmem:$0x20]  }
0x9f: {  	v10 =	vld [tilespmem:$0x0]  }
0xa0: {  	v11 =	vld [tilespmem:$0x80];
	v6 =	vshll.u32 v6, $0x3  }
.Ltmp3:
0xa1: {  	v7 =	vshll.u32 v7, $0x3;
	v5 =	vadd.s32 v5, v6;
	(pc) =	sbr.rel @p0 .LBB2_8-.Ltmp3, $4  }
0xa2: {  	v3 =	vadd.s32 v3, v7;
	v6 =	vshll.u32 v8, $0x3;
	[tilespmem:$0x140] =	vst v5  }
0xa3: {  	[tilespmem:$0x110] =	vst v3;
	v3 =	vshll.u32 v9, $0x3;
	v4 =	vadd.s32 v4, v6  }
0xa4: {  	v5 =	vshll.u32 v10, $0x3;
	v3 =	vadd.s32 v2, v3;
	[tilespmem:$0x130] =	vst v4  }
0xa5: {  	v2 =	vadd.s32 v11, v5;
	[tilespmem:$0x120] =	vst v3  }
0xa6: {  	[tilespmem:$0x100] =	vst v2  }
0xa7: {  	[tilespmem:s17], [sflag:$0x1] =	stream.indirect.gather [spmem:s2], $0x1, s15, s14, $0xb8;
	[tilespmem:$0x2A80] =	vst v63  }
0xa8: {  	s18 =	sadd.s32 $0x1, s18;
	_ =	swait.ge [sflag:s12], $0x50  }
0xa9: {  	p0 =	sne.s32 s18, s5;
	[sflag:s12] =	ssyncset.done $0x0  }
.Ltmp4:
0xaa: {  	s19 =	sadd.s32 s19, s8;
	[sflag:s12] =	ssyncadd.s32 $0xFFFFFFB0;
	(pc) =	sbr.rel @p0 .LBB2_1-.Ltmp4, $4  }
0xab: {  	[hbm4b:s19+s3] =	stream.linear.scatter [tilespmem:s17], [sflag:$0x1], $0x50, $0x38;
	[tilespmem:$0x2A80] =	vst v63  }
0xac: {  	_ =	swait.ge [sflag:s12], $0x50  }
0xad: {  	[sflag:s12] =	ssyncset.done $0x0  }
0xae: {  	[sflag:s12] =	ssyncadd.s32 $0xFFFFFFB0  }
0xaf: {  	_ =	sfence.sel $0x180000  }
0xb0: {  	[bflag:$0x0] =	sbarrier.arrive $0xFFFF  }
0xb1: {  	p0 =	sne.s32 s1, $0x0;
	_ =	strace $0x90000047  }
0xb2: {  	s0 =	sadd.s32 @!p0 $0x100000, s0;
	[bflag:$0x2] =	sbarrier.arrive $0xFFFF  }
0xb3: {  	[sflag:s0] =	ssyncadd.tile.s32 @!p0 $0x1;
	_ =	shalt  }
.Lfunc_end2:
_tile_overlayer_lowered:
.L_overlay_start_2:
0xb4: {  	(tag) =	ssettag $0x2  }
0xb5: {  	s0 =	rddreg [dreg:$0x0];
	s2 =	stileid.u32  }
0xb6: {  	s1 =	rddreg [dreg:$0x1];
	p0 =	sne.s32 s2, $0x0  }
0xb7: {  	s3 =	rddreg [dreg:$0x2];
	[bflag:$0x3] =	sbarrier.arrive $0xFFFF;
	s2 =	simm.s32 @!p0 $0x1C01  }
0xb8: {  	[timem:s3], [sflag:s2] =	dma.local @!p0 [hbm:s0], s1  }
0xb9: {  	s0 =	simm.s32 @!p0 $0x1  }
0xba: {  	_ =	swait.ge @!p0 [sflag:s0], s1  }
0xbb: {  	s1 =	ssub.s32 @!p0 $0x0, s1;
	[sflag:s0] =	ssyncset.done @!p0 $0x0  }
0xbc: {  	[sflag:s0] =	ssyncadd.s32 @!p0 s1  }
0xbd: {  	[bflag:$0x3] =	sbarrier.arrive $0xFFFF  }
0xbe: {  	_ =	shalt  }

</sc_bundles>
